<compile_context>
chip_gen: v7x
topology: tpu7x:2x2x1
jax: 0.10.2.dev20260603
libtpu: 0.0.44.dev20260713+nightly
codegen_flags: <defaults>
</compile_context>

<pallas_src>
import functools

import jax
import jax.numpy as jnp
import numpy as np
from jax import lax
from jax.experimental import pallas as pl
from jax.experimental.pallas import tpu as pltpu
from jax.experimental.pallas import tpu_sc as plsc

SPATIAL = [(80, 80), (40, 40), (20, 20)]
B = 8
LQ = 300
DM = 256
NH = 8
NL = 3
NP = 4
HD = 32
NLP = NL * NP
NT = sum(h * w for h, w in SPATIAL)
ITEMS = B * NH * LQ
CH = 16
NW = 32
CHUNKS_PER_W = 39
NCHUNK = ITEMS // CH
ROWS_PER_CHUNK = CH * 48
TBL_ROWS = B * NT * NH



def _matmul_kern(x_ref, w_ref, b_ref, o_ref):
    o_ref[...] = (
        jnp.dot(x_ref[...], w_ref[...], preferred_element_type=jnp.float32)
        + b_ref[0]
    )


def _matmul_pack_kern(x_ref, w_ref, b_ref, o_ref):
    y = (jnp.dot(x_ref[...], w_ref[...], preferred_element_type=jnp.float32)
         + b_ref[0])
    lo = lax.bitcast_convert_type(y[:, 0:128], jnp.int32)
    hi = lax.bitcast_convert_type(y[:, 128:256], jnp.int32)
    lo = lo + 0x7FFF + ((lo >> 16) & 1)
    hi = hi + 0x7FFF + ((hi >> 16) & 1)
    o_ref[...] = ((lo >> 16) & 0xFFFF) | (hi & jnp.int32(-65536))


def _value_proj(x_flat, W_val, b_val):
    M = x_flat.shape[0]
    TM = 2400
    grid = (M // TM,)
    return pl.pallas_call(
        _matmul_pack_kern,
        grid=grid,
        in_specs=[
            pl.BlockSpec((TM, DM), lambda i: (i, 0)),
            pl.BlockSpec((DM, DM), lambda i: (0, 0)),
            pl.BlockSpec((1, DM), lambda i: (0, 0)),
        ],
        out_specs=pl.BlockSpec((TM, DM // 2), lambda i: (i, 0)),
        out_shape=jax.ShapeDtypeStruct((M, DM // 2), jnp.int32),
    )(x_flat, W_val, b_val.reshape(1, DM))


def _out_proj(x_flat, W_out, b_out):
    M = x_flat.shape[0]
    TM = 1200
    return pl.pallas_call(
        _matmul_kern,
        grid=(M // TM,),
        in_specs=[
            pl.BlockSpec((TM, DM), lambda i: (i, 0)),
            pl.BlockSpec((DM, DM), lambda i: (0, 0)),
            pl.BlockSpec((1, DM), lambda i: (0, 0)),
        ],
        out_specs=pl.BlockSpec((TM, DM), lambda i: (i, 0)),
        out_shape=jax.ShapeDtypeStruct((M, DM), jnp.float32),
    )(x_flat, W_out, b_out.reshape(1, DM))



def _samp_kern(q_ref, rx_ref, ry_ref, wx_ref, wy_ref, wa_ref,
               bx_ref, by_ref, ba_ref, g_ref,
               cw_ref, chh_ref, cbase_ref,
               idx_ref, wgt_ref):
    b = pl.program_id(0)
    q = q_ref[0]
    rx = rx_ref[0]
    ry = ry_ref[0]
    ox = jnp.dot(q, wx_ref[...], preferred_element_type=jnp.float32) + bx_ref[0]
    oy = jnp.dot(q, wy_ref[...], preferred_element_type=jnp.float32) + by_ref[0]
    al = jnp.dot(q, wa_ref[...], preferred_element_type=jnp.float32) + ba_ref[0]
    al = al - jnp.max(al, axis=-1, keepdims=True)
    e = jnp.exp(al)
    denom = jnp.dot(e, g_ref[...], preferred_element_type=jnp.float32)
    attn = e / denom

    Wl = cw_ref[0]
    Hl = chh_ref[0]
    basr = cbase_ref[0]

    ix = jnp.clip(rx * Wl + ox - 0.5, -1e6, 1e6)
    iy = jnp.clip(ry * Hl + oy - 0.5, -1e6, 1e6)
    x0 = jnp.floor(ix)
    y0 = jnp.floor(iy)
    fx = ix - x0
    fy = iy - y0
    vx0 = ((x0 >= 0.0) & (x0 < Wl)).astype(jnp.float32)
    vx1 = ((x0 + 1.0 >= 0.0) & (x0 + 1.0 < Wl)).astype(jnp.float32)
    vy0 = ((y0 >= 0.0) & (y0 < Hl)).astype(jnp.float32)
    vy1 = ((y0 + 1.0 >= 0.0) & (y0 + 1.0 < Hl)).astype(jnp.float32)
    x0c = jnp.clip(x0, 0.0, Wl - 1.0)
    x1c = jnp.clip(x0 + 1.0, 0.0, Wl - 1.0)
    y0c = jnp.clip(y0, 0.0, Hl - 1.0)
    y1c = jnp.clip(y0 + 1.0, 0.0, Hl - 1.0)
    wx0 = (1.0 - fx) * vx0
    wx1 = fx * vx1
    wy0 = (1.0 - fy) * vy0
    wy1 = fy * vy1

    browf = b.astype(jnp.float32) * float(NT * NH)
    base = browf + basr
    r00 = base + (y0c * Wl + x0c) * float(NH)
    r01 = base + (y0c * Wl + x1c) * float(NH)
    r10 = base + (y1c * Wl + x0c) * float(NH)
    r11 = base + (y1c * Wl + x1c) * float(NH)
    rs = (r00, r01, r10, r11)
    ws = (attn * wy0 * wx0, attn * wy0 * wx1,
          attn * wy1 * wx0, attn * wy1 * wx1)
    for c in range(4):
        idx_ref[0, :, c * 96:(c + 1) * 96] = rs[c].astype(jnp.int32)
    for c in range(4):
        for h in range(NH):
            wgt_ref[0, :, h * 48 + c * 12:h * 48 + c * 12 + 12] = (
                ws[c][:, h * 12:h * 12 + 12])


def _samp_call(query, refx, refy, Wx, Wy, Wa, bx, by, ba, G, cw, chh, cbase):
    spec_q = pl.BlockSpec((1, LQ, DM), lambda b: (b, 0, 0))
    spec_r = pl.BlockSpec((1, LQ, 96), lambda b: (b, 0, 0))
    spec_w = pl.BlockSpec((DM, 96), lambda b: (0, 0))
    spec_v = pl.BlockSpec((1, 96), lambda b: (0, 0))
    spec_g = pl.BlockSpec((96, 96), lambda b: (0, 0))
    spec_o = pl.BlockSpec((1, LQ, 384), lambda b: (b, 0, 0))
    return pl.pallas_call(
        _samp_kern,
        grid=(B,),
        in_specs=[spec_q, spec_r, spec_r, spec_w, spec_w, spec_w,
                  spec_v, spec_v, spec_v, spec_g, spec_v, spec_v, spec_v],
        out_specs=[spec_o, spec_o],
        out_shape=[jax.ShapeDtypeStruct((B, LQ, 384), jnp.int32),
                   jax.ShapeDtypeStruct((B, LQ, 384), jnp.float32)],
    )(query, refx, refy, Wx, Wy, Wa, bx, by, ba, G, cw, chh, cbase)



_SPLAT_DNUMS = lax.GatherDimensionNumbers(
    offset_dims=(), collapsed_slice_dims=(0,), start_index_map=(0,))


def _splat(v, i):
    idx = jnp.full((16, 1), i, jnp.int32)
    return lax.gather(v, idx, _SPLAT_DNUMS, (1,),
                      mode=lax.GatherScatterMode.PROMISE_IN_BOUNDS)


def _sc_body(table_hbm, idx_hbm, wgt_hbm, out_hbm,
             idx0_v, idx1_v, idx2_v, wgt0_v, wgt1_v, wgt2_v,
             rows0_v, rows1_v, rows2_v, out0_v, out1_v, out2_v,
             msem0, msem1, msem2, gsem0, gsem1, gsem2,
             osem0, osem1, osem2):
    nc = 2
    wid = lax.axis_index("s") * nc + lax.axis_index("c")
    base = wid * CHUNKS_PER_W
    last = NCHUNK - 1
    idx_b = [idx0_v, idx1_v, idx2_v]
    wgt_b = [wgt0_v, wgt1_v, wgt2_v]
    rows_b = [rows0_v, rows1_v, rows2_v]
    out_b = [out0_v, out1_v, out2_v]
    msem = [msem0, msem1, msem2]
    gsem = [gsem0, gsem1, gsem2]
    osem = [osem0, osem1, osem2]
    N = CHUNKS_PER_W

    def start_meta(k, par):
        c = jnp.minimum(base + k, last)
        pltpu.async_copy(idx_hbm.at[c], idx_b[par], msem[par])
        pltpu.async_copy(wgt_hbm.at[c], wgt_b[par], msem[par])

    def wait_meta(par):
        pltpu.make_async_copy(idx_hbm.at[0], idx_b[par], msem[par]).wait()
        pltpu.make_async_copy(wgt_hbm.at[0], wgt_b[par], msem[par]).wait()

    def start_gather(par):
        for qp in range(2):
            for j in range(3):
                pltpu.async_copy(
                    table_hbm.at[idx_b[par].at[qp, pl.ds(j * 128, 128)]],
                    rows_b[par].at[pl.ds(qp * 384 + j * 128, 128), :],
                    gsem[par])

    def wait_gather(par):
        for qp in range(2):
            for j in range(3):
                pltpu.make_async_copy(
                    table_hbm.at[idx_b[par].at[qp, pl.ds(j * 128, 128)]],
                    rows_b[par].at[pl.ds(qp * 384 + j * 128, 128), :],
                    gsem[par]).wait()

    def compute(par):
        rows_v = rows_b[par]
        wgt_v = wgt_b[par]
        out_v = out_b[par]

        def i_body(i, c2):
            qp = i // 8
            h = i - qp * 8
            wb = h * 48
            wv = [wgt_v[qp, pl.ds(wb, 16)],
                  wgt_v[qp, pl.ds(wb + 16, 16)],
                  wgt_v[qp, pl.ds(wb + 32, 16)]]
            rbase = qp * 384 + h * 12
            acc0 = jnp.zeros((16,), jnp.float32)
            acc1 = jnp.zeros((16,), jnp.float32)
            for c in range(4):
                for lp in range(12):
                    s = c * 12 + lp
                    ws = _splat(wv[s // 16], s % 16)
                    r = rbase + c * 96 + lp
                    u = rows_v[r]
                    v0 = lax.bitcast_convert_type(u << 16, jnp.float32)
                    v1 = lax.bitcast_convert_type(u & jnp.int32(-65536),
                                                  jnp.float32)
                    acc0 = acc0 + ws * v0
                    acc1 = acc1 + ws * v1
            out_v[i, pl.ds(0, 16)] = acc0
            out_v[i, pl.ds(16, 16)] = acc1
            return c2

        lax.fori_loop(0, 16, i_body, 0, unroll=False)

    def wait_out(par):
        pltpu.make_async_copy(out_b[par], out_hbm.at[0], osem[par]).wait()

    start_meta(0, 0)
    wait_meta(0)
    start_gather(0)
    start_meta(1, 1)
    start_meta(2, 2)

    def triple(p, carry):
        for sub in range(3):
            k = p * 3 + sub
            par = sub
            nxt = (sub + 1) % 3

            @pl.when(k + 1 < N)
            def _():
                wait_meta(nxt)
                start_gather(nxt)

            wait_gather(par)

            @pl.when(k >= 3)
            def _():
                wait_out(par)

            compute(par)
            pltpu.async_copy(out_b[par], out_hbm.at[jnp.minimum(base + k, last)],
                             osem[par])

            @pl.when(k + 3 < N)
            def _():
                start_meta(k + 3, par)
        return carry

    lax.fori_loop(0, N // 3, triple, 0, unroll=False)
    for par in range(3):
        wait_out(par)


def _sc_gather_combine(table, idx3, wgt3):
    mesh = plsc.VectorSubcoreMesh(core_axis_name="c", subcore_axis_name="s")
    kern = functools.partial(
        pl.kernel,
        mesh=mesh,
        compiler_params=pltpu.CompilerParams(use_tc_tiling_on_sc=False),
        out_type=jax.ShapeDtypeStruct((NCHUNK, 16, 32), jnp.float32),
        scratch_types=(
            [pltpu.VMEM((2, 384), jnp.int32)] * 3
            + [pltpu.VMEM((2, 384), jnp.float32)] * 3
            + [pltpu.VMEM((768, 16), jnp.int32)] * 3
            + [pltpu.VMEM((16, 32), jnp.float32)] * 3
            + [pltpu.SemaphoreType.DMA] * 9
        ),
    )(_sc_body)
    return kern(table, idx3, wgt3)



def _lane_consts():
    wl = np.zeros(96, np.float32)
    hl = np.zeros(96, np.float32)
    basr = np.zeros(96, np.float32)
    bases = [0, 6400, 8000]
    for lane in range(96):
        h = lane // NLP
        lp = lane % NLP
        l = lp // NP
        wl[lane] = SPATIAL[l][1]
        hl[lane] = SPATIAL[l][0]
        basr[lane] = bases[l] * NH + h
    g = np.zeros((96, 96), np.float32)
    for i in range(96):
        for j in range(96):
            if i // NLP == j // NLP:
                g[i, j] = 1.0
    selx = np.zeros((6, 96), np.float32)
    sely = np.zeros((6, 96), np.float32)
    for lane in range(96):
        l = (lane % NLP) // NP
        selx[2 * l, lane] = 1.0
        sely[2 * l + 1, lane] = 1.0
    return (wl.reshape(1, 96), hl.reshape(1, 96), basr.reshape(1, 96), g,
            selx, sely)


_WL, _HL, _BASR, _G, _SELX, _SELY = _lane_consts()

_PERM = np.zeros(DM, np.int32)
for _c in range(128):
    _PERM[_c] = (_c // 16) * HD + _c % 16
    _PERM[128 + _c] = (_c // 16) * HD + 16 + _c % 16


def kernel(query, reference_points, input_flatten, W_samp, b_samp, W_attn,
           b_attn, W_val, b_val, W_out, b_out):
    perm = jnp.asarray(_PERM)
    val = _value_proj(input_flatten.reshape(B * NT, DM), W_val[:, perm],
                      b_val[perm])
    table = val.reshape(TBL_ROWS, 16)

    Ws = W_samp.reshape(DM, NH, NLP, 2)
    Wx = Ws[..., 0].reshape(DM, 96)
    Wy = Ws[..., 1].reshape(DM, 96)
    bs = b_samp.reshape(NH, NLP, 2)
    bx = bs[..., 0].reshape(1, 96)
    by = bs[..., 1].reshape(1, 96)
    ba = b_attn.reshape(1, 96)

    rp = reference_points
    refx = jnp.broadcast_to(rp[:, :, None, :, None, 0],
                            (B, LQ, NH, NL, NP)).reshape(B, LQ, 96)
    refy = jnp.broadcast_to(rp[:, :, None, :, None, 1],
                            (B, LQ, NH, NL, NP)).reshape(B, LQ, 96)

    idx_all, wgt_all = _samp_call(
        query, refx, refy, Wx, Wy, W_attn, bx, by, ba,
        jnp.asarray(_G), jnp.asarray(_WL), jnp.asarray(_HL),
        jnp.asarray(_BASR))

    idx3 = idx_all.reshape(NCHUNK, 2, 384)
    wgt3 = wgt_all.reshape(NCHUNK, 2, 384)

    out_sc = _sc_gather_combine(table, idx3, wgt3)

    attn_out = out_sc.reshape(B * LQ, DM)

    out = _out_proj(attn_out, W_out, b_out)
    return out.reshape(B, LQ, DM)

# --- scband reference (transcript-rebuilt; emitter-appended) ---
"""Pipeline reference for scband-rtdetrv2-multi-scale-deformable-attention-43748536877147 (READ-ONLY COPY).

The authoritative reference and input builder live on the scoring server;
editing this copy changes nothing except your own understanding.
"""

import jax, jax.numpy as jnp
import numpy as np

SPATIAL_SHAPES = [(80, 80), (40, 40), (20, 20)]
D_MODEL = 256
N_LEVELS = 3
N_HEADS = 8
N_POINTS = 4
HEAD_DIM = D_MODEL // N_HEADS
B = 8
LEN_Q = 300
N_TOTAL = sum(h * w for h, w in SPATIAL_SHAPES)


def _ms_deform_attn_core(value, value_spatial_shapes, sampling_locations, attention_weights):
    Bv, n_heads, head_dim, _ = value.shape
    Len_q = sampling_locations.shape[1]
    L = len(value_spatial_shapes)
    P = sampling_locations.shape[4]
    sampling_grids = 2.0 * sampling_locations - 1.0
    sizes = [h * w for h, w in value_spatial_shapes]
    split_indices = np.cumsum(sizes)[:-1].tolist()
    value_list = jnp.split(value, split_indices, axis=3)
    BN = Bv * n_heads
    sampling_value_list = []
    for lid, (H, W) in enumerate(value_spatial_shapes):
        value_l = value_list[lid].reshape(BN, head_dim, H, W)
        value_l = jnp.transpose(value_l, (0, 2, 3, 1))
        val_flat = value_l.reshape(BN, H * W, head_dim)
        grid_l = sampling_grids[:, :, :, lid, :, :]
        grid_l = jnp.transpose(grid_l, (0, 2, 1, 3, 4)).reshape(BN, Len_q, P, 2)
        grid_x = grid_l[..., 0]
        grid_y = grid_l[..., 1]
        ix = ((grid_x + 1.0) * W - 1.0) / 2.0
        iy = ((grid_y + 1.0) * H - 1.0) / 2.0
        ix0 = jnp.floor(ix).astype(jnp.int32)
        iy0 = jnp.floor(iy).astype(jnp.int32)
        ix1 = ix0 + 1
        iy1 = iy0 + 1
        fx = ix - ix0.astype(ix.dtype)
        fy = iy - iy0.astype(iy.dtype)
        valid_00 = ((ix0 >= 0) & (ix0 < W) & (iy0 >= 0) & (iy0 < H)).astype(ix.dtype)
        valid_01 = ((ix1 >= 0) & (ix1 < W) & (iy0 >= 0) & (iy0 < H)).astype(ix.dtype)
        valid_10 = ((ix0 >= 0) & (ix0 < W) & (iy1 >= 0) & (iy1 < H)).astype(ix.dtype)
        valid_11 = ((ix1 >= 0) & (ix1 < W) & (iy1 >= 0) & (iy1 < H)).astype(ix.dtype)
        ix0c = jnp.clip(ix0, 0, W - 1)
        ix1c = jnp.clip(ix1, 0, W - 1)
        iy0c = jnp.clip(iy0, 0, H - 1)
        iy1c = jnp.clip(iy1, 0, H - 1)

        def _gather(iy_, ix_):
            idx = iy_ * W + ix_
            idx_flat = idx.reshape(BN, Len_q * P)
            g = jnp.take_along_axis(val_flat, idx_flat[:, :, None], axis=1)
            return g.reshape(BN, Len_q, P, head_dim)

        v00 = _gather(iy0c, ix0c) * valid_00[..., None]
        v01 = _gather(iy0c, ix1c) * valid_01[..., None]
        v10 = _gather(iy1c, ix0c) * valid_10[..., None]
        v11 = _gather(iy1c, ix1c) * valid_11[..., None]
        fxe = fx[..., None]
        fye = fy[..., None]
        w00 = (1.0 - fxe) * (1.0 - fye)
        w01 = fxe * (1.0 - fye)
        w10 = (1.0 - fxe) * fye
        w11 = fxe * fye
        sampled = w00 * v00 + w01 * v01 + w10 * v10 + w11 * v11
        sampled = jnp.transpose(sampled, (0, 3, 1, 2))
        sampling_value_list.append(sampled)
    sampling_values = jnp.stack(sampling_value_list, axis=-2)
    sampling_values = sampling_values.reshape(BN, head_dim, Len_q, L * P)
    attn = jnp.transpose(attention_weights, (0, 2, 1, 3)).reshape(BN, 1, Len_q, L * P)
    output = jnp.sum(sampling_values * attn, axis=-1)
    output = output.reshape(Bv, n_heads * head_dim, Len_q)
    return jnp.transpose(output, (0, 2, 1))


def setup_inputs(seed: int = 0):
    key = jax.random.key(seed)
    ks = jax.random.split(key, 12)
    n_lp = N_LEVELS * N_POINTS
    return {
        "query": jax.random.normal(ks[0], (B, LEN_Q, D_MODEL), dtype=jnp.float32),
        "reference_points": jax.random.uniform(ks[1], (B, LEN_Q, N_LEVELS, 2), dtype=jnp.float32),
        "input_flatten": jax.random.normal(ks[2], (B, N_TOTAL, D_MODEL), dtype=jnp.float32),
        "W_samp": jax.random.normal(ks[3], (D_MODEL, N_HEADS * n_lp * 2), dtype=jnp.float32) * 0.02,
        "b_samp": jax.random.normal(ks[4], (N_HEADS * n_lp * 2,), dtype=jnp.float32) * 0.02,
        "W_attn": jax.random.normal(ks[5], (D_MODEL, N_HEADS * n_lp), dtype=jnp.float32) * 0.02,
        "b_attn": jnp.zeros((N_HEADS * n_lp,), dtype=jnp.float32),
        "W_val": jax.random.normal(ks[6], (D_MODEL, D_MODEL), dtype=jnp.float32) * 0.02,
        "b_val": jnp.zeros((D_MODEL,), dtype=jnp.float32),
        "W_out": jax.random.normal(ks[7], (D_MODEL, D_MODEL), dtype=jnp.float32) * 0.02,
        "b_out": jnp.zeros((D_MODEL,), dtype=jnp.float32),
    }


def reference(query, reference_points, input_flatten, W_samp, b_samp, W_attn, b_attn, W_val, b_val, W_out, b_out):
    Bq, Len_q, _ = query.shape
    n_lp = N_LEVELS * N_POINTS
    value = input_flatten @ W_val + b_val
    value = value.reshape(Bq, -1, N_HEADS, HEAD_DIM)
    value = jnp.transpose(value, (0, 2, 3, 1))
    sampling_offsets = (query @ W_samp + b_samp).reshape(Bq, Len_q, N_HEADS, n_lp, 2)
    attention_weights = jax.nn.softmax((query @ W_attn + b_attn).reshape(Bq, Len_q, N_HEADS, n_lp), axis=-1)
    offset_normalizer = jnp.array([[w, h] for h, w in SPATIAL_SHAPES], dtype=jnp.float32)
    sampling_locations = reference_points[:, :, None, :, None, :] + sampling_offsets.reshape(Bq, Len_q, N_HEADS, N_LEVELS, N_POINTS, 2) / offset_normalizer[None, None, None, :, None, :]
    output = _ms_deform_attn_core(value, SPATIAL_SHAPES, sampling_locations, attention_weights)
    return output @ W_out + b_out

if __name__ == "__main__":
    import jax
    _d = setup_inputs()
    print(jax.jit(kernel)(*tuple(_d.values())))

</pallas_src>

<mosaic_0001>
#map = affine_map<(d0, d1) -> (0, 0)>
#map1 = affine_map<(d0, d1) -> (0, 0, 0)>
module attributes {stable_mosaic.version = 14 : i64} {
  func.func @_sc_body(%arg0: i32, %arg1: i32, %arg2: memref<537600x16xi32, #tpu.memory_space<hbm>>, %arg3: memref<1200x2x384xi32, #tpu.memory_space<hbm>>, %arg4: memref<1200x2x384xf32, #tpu.memory_space<hbm>>, %arg5: memref<1200x16x32xf32, #tpu.memory_space<hbm>>, %arg6: memref<2x384xi32, #tpu.memory_space<vmem>>, %arg7: memref<2x384xi32, #tpu.memory_space<vmem>>, %arg8: memref<2x384xi32, #tpu.memory_space<vmem>>, %arg9: memref<2x384xf32, #tpu.memory_space<vmem>>, %arg10: memref<2x384xf32, #tpu.memory_space<vmem>>, %arg11: memref<2x384xf32, #tpu.memory_space<vmem>>, %arg12: memref<768x16xi32, #tpu.memory_space<vmem>>, %arg13: memref<768x16xi32, #tpu.memory_space<vmem>>, %arg14: memref<768x16xi32, #tpu.memory_space<vmem>>, %arg15: memref<16x32xf32, #tpu.memory_space<vmem>>, %arg16: memref<16x32xf32, #tpu.memory_space<vmem>>, %arg17: memref<16x32xf32, #tpu.memory_space<vmem>>, %arg18: memref<!tpu.dma_semaphore, #tpu.memory_space<semaphore_mem>>, %arg19: memref<!tpu.dma_semaphore, #tpu.memory_space<semaphore_mem>>, %arg20: memref<!tpu.dma_semaphore, #tpu.memory_space<semaphore_mem>>, %arg21: memref<!tpu.dma_semaphore, #tpu.memory_space<semaphore_mem>>, %arg22: memref<!tpu.dma_semaphore, #tpu.memory_space<semaphore_mem>>, %arg23: memref<!tpu.dma_semaphore, #tpu.memory_space<semaphore_mem>>, %arg24: memref<!tpu.dma_semaphore, #tpu.memory_space<semaphore_mem>>, %arg25: memref<!tpu.dma_semaphore, #tpu.memory_space<semaphore_mem>>, %arg26: memref<!tpu.dma_semaphore, #tpu.memory_space<semaphore_mem>>) attributes {dimension_semantics = [#tpu.dimension_semantics<core_parallel>, #tpu.dimension_semantics<subcore_parallel>], iteration_bounds = array<i64: 2, 16>, scalar_prefetch = 0 : i64, scratch_operands = 21 : i64, tpu.core_type = #tpu.core_type<sc_vector_subcore>, window_params = [{transform_indices = #map}, {transform_indices = #map1}, {transform_indices = #map1}, {transform_indices = #map1}]} {
    %mul3A = arith.constant 2 : i32
    %mul3A_0 = arith.muli %arg1, %mul3A : i32
    %add3A = arith.addi %mul3A_0, %arg0 : i32
    %mul3A_1 = arith.constant 39 : i32
    %mul3A_2 = arith.muli %add3A, %mul3A_1 : i32
    %add3A_3 = arith.constant 0 : i32
    %add3A_4 = arith.addi %mul3A_2, %add3A_3 : i32
    %min3A = arith.constant 1199 : i32
    %min3A_5 = arith.minsi %add3A_4, %min3A : i32
    %dma_start3A = arith.constant 0 : i32
    %dma_start3A_6 = arith.constant 0 : i32
    %dma_start3A_7 = tpu.memref_slice %arg3[%min3A_5, %dma_start3A, %dma_start3A_6] : memref<1200x2x384xi32, #tpu.memory_space<hbm>> -> memref<1x2x384xi32, #tpu.memory_space<hbm>>
    %dma_start3A_8 = tpu.memref_squeeze %dma_start3A_7 : memref<1x2x384xi32, #tpu.memory_space<hbm>> -> memref<2x384xi32, #tpu.memory_space<hbm>>
    %dma_start3A_9 = arith.constant 0 : i32
    %dma_start3A_10 = arith.constant 0 : i32
    %dma_start3A_11 = tpu.memref_slice %arg3[%min3A_5, %dma_start3A_9, %dma_start3A_10] : memref<1200x2x384xi32, #tpu.memory_space<hbm>> -> memref<1x2x384xi32, #tpu.memory_space<hbm>>
    %dma_start3A_12 = tpu.memref_squeeze %dma_start3A_11 : memref<1x2x384xi32, #tpu.memory_space<hbm>> -> memref<2x384xi32, #tpu.memory_space<hbm>>
    tpu.enqueue_dma source(%dma_start3A_12 : memref<2x384xi32, #tpu.memory_space<hbm>>) target(%arg6 : memref<2x384xi32, #tpu.memory_space<vmem>>) target_semaphore(%arg18 : memref<!tpu.dma_semaphore, #tpu.memory_space<semaphore_mem>>)
    %dma_start3A_13 = arith.constant 0 : i32
    %dma_start3A_14 = arith.constant 0 : i32
    %dma_start3A_15 = tpu.memref_slice %arg4[%min3A_5, %dma_start3A_13, %dma_start3A_14] : memref<1200x2x384xf32, #tpu.memory_space<hbm>> -> memref<1x2x384xf32, #tpu.memory_space<hbm>>
    %dma_start3A_16 = tpu.memref_squeeze %dma_start3A_15 : memref<1x2x384xf32, #tpu.memory_space<hbm>> -> memref<2x384xf32, #tpu.memory_space<hbm>>
    %dma_start3A_17 = arith.constant 0 : i32
    %dma_start3A_18 = arith.constant 0 : i32
    %dma_start3A_19 = tpu.memref_slice %arg4[%min3A_5, %dma_start3A_17, %dma_start3A_18] : memref<1200x2x384xf32, #tpu.memory_space<hbm>> -> memref<1x2x384xf32, #tpu.memory_space<hbm>>
    %dma_start3A_20 = tpu.memref_squeeze %dma_start3A_19 : memref<1x2x384xf32, #tpu.memory_space<hbm>> -> memref<2x384xf32, #tpu.memory_space<hbm>>
    tpu.enqueue_dma source(%dma_start3A_20 : memref<2x384xf32, #tpu.memory_space<hbm>>) target(%arg9 : memref<2x384xf32, #tpu.memory_space<vmem>>) target_semaphore(%arg18 : memref<!tpu.dma_semaphore, #tpu.memory_space<semaphore_mem>>)
    %dma_wait3A = arith.constant 0 : i32
    %dma_wait3A_21 = arith.constant 0 : i32
    %dma_wait3A_22 = arith.constant 0 : i32
    %dma_wait3A_23 = tpu.memref_slice %arg3[%dma_wait3A, %dma_wait3A_21, %dma_wait3A_22] : memref<1200x2x384xi32, #tpu.memory_space<hbm>> -> memref<1x2x384xi32, #tpu.memory_space<hbm>>
    %dma_wait3A_24 = tpu.memref_squeeze %dma_wait3A_23 : memref<1x2x384xi32, #tpu.memory_space<hbm>> -> memref<2x384xi32, #tpu.memory_space<hbm>>
    %dma_wait3A_25 = arith.constant 0 : i32
    %dma_wait3A_26 = arith.constant 0 : i32
    %dma_wait3A_27 = tpu.memref_slice %arg3[%dma_wait3A, %dma_wait3A_25, %dma_wait3A_26] : memref<1200x2x384xi32, #tpu.memory_space<hbm>> -> memref<1x2x384xi32, #tpu.memory_space<hbm>>
    %dma_wait3A_28 = tpu.memref_squeeze %dma_wait3A_27 : memref<1x2x384xi32, #tpu.memory_space<hbm>> -> memref<2x384xi32, #tpu.memory_space<hbm>>
    tpu.wait_dma2 semaphore(%arg18 : memref<!tpu.dma_semaphore, #tpu.memory_space<semaphore_mem>>) src(%dma_wait3A_28 : memref<2x384xi32, #tpu.memory_space<hbm>>) dst(%arg6 : memref<2x384xi32, #tpu.memory_space<vmem>>)
    %dma_wait3A_29 = arith.constant 0 : i32
    %dma_wait3A_30 = arith.constant 0 : i32
    %dma_wait3A_31 = arith.constant 0 : i32
    %dma_wait3A_32 = tpu.memref_slice %arg4[%dma_wait3A_29, %dma_wait3A_30, %dma_wait3A_31] : memref<1200x2x384xf32, #tpu.memory_space<hbm>> -> memref<1x2x384xf32, #tpu.memory_space<hbm>>
    %dma_wait3A_33 = tpu.memref_squeeze %dma_wait3A_32 : memref<1x2x384xf32, #tpu.memory_space<hbm>> -> memref<2x384xf32, #tpu.memory_space<hbm>>
    %dma_wait3A_34 = arith.constant 0 : i32
    %dma_wait3A_35 = arith.constant 0 : i32
    %dma_wait3A_36 = tpu.memref_slice %arg4[%dma_wait3A_29, %dma_wait3A_34, %dma_wait3A_35] : memref<1200x2x384xf32, #tpu.memory_space<hbm>> -> memref<1x2x384xf32, #tpu.memory_space<hbm>>
    %dma_wait3A_37 = tpu.memref_squeeze %dma_wait3A_36 : memref<1x2x384xf32, #tpu.memory_space<hbm>> -> memref<2x384xf32, #tpu.memory_space<hbm>>
    tpu.wait_dma2 semaphore(%arg18 : memref<!tpu.dma_semaphore, #tpu.memory_space<semaphore_mem>>) src(%dma_wait3A_37 : memref<2x384xf32, #tpu.memory_space<hbm>>) dst(%arg9 : memref<2x384xf32, #tpu.memory_space<vmem>>)
    %dma_start3A_38 = arith.constant 0 : i32
    %dma_start3A_39 = arith.constant 0 : i32
    %dma_start3A_40 = arith.constant 0 : i32
    %dma_start3A_41 = tpu.memref_slice %arg12[%dma_start3A_39, %dma_start3A_40] : memref<768x16xi32, #tpu.memory_space<vmem>> -> memref<128x16xi32, #tpu.memory_space<vmem>>
    %dma_start3A_42 = arith.constant 0 : i32
    %dma_start3A_43 = tpu.memref_slice %arg6[%dma_start3A_38, %dma_start3A_42] : memref<2x384xi32, #tpu.memory_space<vmem>> -> memref<1x128xi32, #tpu.memory_space<vmem>>
    %dma_start3A_44 = tpu.memref_squeeze %dma_start3A_43 : memref<1x128xi32, #tpu.memory_space<vmem>> -> memref<128xi32, #tpu.memory_space<vmem>>
    %dma_start3A_45 = arith.constant 0 : i32
    %dma_start3A_46 = arith.constant 0 : i32
    %dma_start3A_47 = tpu.memref_slice %arg2[%dma_start3A_45, %dma_start3A_46] : memref<537600x16xi32, #tpu.memory_space<hbm>> -> memref<537600x16xi32, #tpu.memory_space<hbm>>
    tpu.enqueue_indirect_dma source(%dma_start3A_47 : memref<537600x16xi32, #tpu.memory_space<hbm>>) target(%dma_start3A_41 : memref<128x16xi32, #tpu.memory_space<vmem>>) offsets(%dma_start3A_44 : memref<128xi32, #tpu.memory_space<vmem>>) semaphore(%arg21 : memref<!tpu.dma_semaphore, #tpu.memory_space<semaphore_mem>>)
    %dma_start3A_48 = arith.constant 0 : i32
    %dma_start3A_49 = arith.constant 128 : i32
    %dma_start3A_50 = arith.constant 0 : i32
    %dma_start3A_51 = tpu.memref_slice %arg12[%dma_start3A_49, %dma_start3A_50] : memref<768x16xi32, #tpu.memory_space<vmem>> -> memref<128x16xi32, #tpu.memory_space<vmem>>
    %dma_start3A_52 = arith.constant 128 : i32
    %dma_start3A_53 = tpu.memref_slice %arg6[%dma_start3A_48, %dma_start3A_52] : memref<2x384xi32, #tpu.memory_space<vmem>> -> memref<1x128xi32, #tpu.memory_space<vmem>>
    %dma_start3A_54 = tpu.memref_squeeze %dma_start3A_53 : memref<1x128xi32, #tpu.memory_space<vmem>> -> memref<128xi32, #tpu.memory_space<vmem>>
    %dma_start3A_55 = arith.constant 0 : i32
    %dma_start3A_56 = arith.constant 0 : i32
    %dma_start3A_57 = tpu.memref_slice %arg2[%dma_start3A_55, %dma_start3A_56] : memref<537600x16xi32, #tpu.memory_space<hbm>> -> memref<537600x16xi32, #tpu.memory_space<hbm>>
    tpu.enqueue_indirect_dma source(%dma_start3A_57 : memref<537600x16xi32, #tpu.memory_space<hbm>>) target(%dma_start3A_51 : memref<128x16xi32, #tpu.memory_space<vmem>>) offsets(%dma_start3A_54 : memref<128xi32, #tpu.memory_space<vmem>>) semaphore(%arg21 : memref<!tpu.dma_semaphore, #tpu.memory_space<semaphore_mem>>)
    %dma_start3A_58 = arith.constant 0 : i32
    %dma_start3A_59 = arith.constant 256 : i32
    %dma_start3A_60 = arith.constant 0 : i32
    %dma_start3A_61 = tpu.memref_slice %arg12[%dma_start3A_59, %dma_start3A_60] : memref<768x16xi32, #tpu.memory_space<vmem>> -> memref<128x16xi32, #tpu.memory_space<vmem>>
    %dma_start3A_62 = arith.constant 256 : i32
    %dma_start3A_63 = tpu.memref_slice %arg6[%dma_start3A_58, %dma_start3A_62] : memref<2x384xi32, #tpu.memory_space<vmem>> -> memref<1x128xi32, #tpu.memory_space<vmem>>
    %dma_start3A_64 = tpu.memref_squeeze %dma_start3A_63 : memref<1x128xi32, #tpu.memory_space<vmem>> -> memref<128xi32, #tpu.memory_space<vmem>>
    %dma_start3A_65 = arith.constant 0 : i32
    %dma_start3A_66 = arith.constant 0 : i32
    %dma_start3A_67 = tpu.memref_slice %arg2[%dma_start3A_65, %dma_start3A_66] : memref<537600x16xi32, #tpu.memory_space<hbm>> -> memref<537600x16xi32, #tpu.memory_space<hbm>>
    tpu.enqueue_indirect_dma source(%dma_start3A_67 : memref<537600x16xi32, #tpu.memory_space<hbm>>) target(%dma_start3A_61 : memref<128x16xi32, #tpu.memory_space<vmem>>) offsets(%dma_start3A_64 : memref<128xi32, #tpu.memory_space<vmem>>) semaphore(%arg21 : memref<!tpu.dma_semaphore, #tpu.memory_space<semaphore_mem>>)
    %dma_start3A_68 = arith.constant 1 : i32
    %dma_start3A_69 = arith.constant 384 : i32
    %dma_start3A_70 = arith.constant 0 : i32
    %dma_start3A_71 = tpu.memref_slice %arg12[%dma_start3A_69, %dma_start3A_70] : memref<768x16xi32, #tpu.memory_space<vmem>> -> memref<128x16xi32, #tpu.memory_space<vmem>>
    %dma_start3A_72 = arith.constant 0 : i32
    %dma_start3A_73 = tpu.memref_slice %arg6[%dma_start3A_68, %dma_start3A_72] : memref<2x384xi32, #tpu.memory_space<vmem>> -> memref<1x128xi32, #tpu.memory_space<vmem>>
    %dma_start3A_74 = tpu.memref_squeeze %dma_start3A_73 : memref<1x128xi32, #tpu.memory_space<vmem>> -> memref<128xi32, #tpu.memory_space<vmem>>
    %dma_start3A_75 = arith.constant 0 : i32
    %dma_start3A_76 = arith.constant 0 : i32
    %dma_start3A_77 = tpu.memref_slice %arg2[%dma_start3A_75, %dma_start3A_76] : memref<537600x16xi32, #tpu.memory_space<hbm>> -> memref<537600x16xi32, #tpu.memory_space<hbm>>
    tpu.enqueue_indirect_dma source(%dma_start3A_77 : memref<537600x16xi32, #tpu.memory_space<hbm>>) target(%dma_start3A_71 : memref<128x16xi32, #tpu.memory_space<vmem>>) offsets(%dma_start3A_74 : memref<128xi32, #tpu.memory_space<vmem>>) semaphore(%arg21 : memref<!tpu.dma_semaphore, #tpu.memory_space<semaphore_mem>>)
    %dma_start3A_78 = arith.constant 1 : i32
    %dma_start3A_79 = arith.constant 512 : i32
    %dma_start3A_80 = arith.constant 0 : i32
    %dma_start3A_81 = tpu.memref_slice %arg12[%dma_start3A_79, %dma_start3A_80] : memref<768x16xi32, #tpu.memory_space<vmem>> -> memref<128x16xi32, #tpu.memory_space<vmem>>
    %dma_start3A_82 = arith.constant 128 : i32
    %dma_start3A_83 = tpu.memref_slice %arg6[%dma_start3A_78, %dma_start3A_82] : memref<2x384xi32, #tpu.memory_space<vmem>> -> memref<1x128xi32, #tpu.memory_space<vmem>>
    %dma_start3A_84 = tpu.memref_squeeze %dma_start3A_83 : memref<1x128xi32, #tpu.memory_space<vmem>> -> memref<128xi32, #tpu.memory_space<vmem>>
    %dma_start3A_85 = arith.constant 0 : i32
    %dma_start3A_86 = arith.constant 0 : i32
    %dma_start3A_87 = tpu.memref_slice %arg2[%dma_start3A_85, %dma_start3A_86] : memref<537600x16xi32, #tpu.memory_space<hbm>> -> memref<537600x16xi32, #tpu.memory_space<hbm>>
    tpu.enqueue_indirect_dma source(%dma_start3A_87 : memref<537600x16xi32, #tpu.memory_space<hbm>>) target(%dma_start3A_81 : memref<128x16xi32, #tpu.memory_space<vmem>>) offsets(%dma_start3A_84 : memref<128xi32, #tpu.memory_space<vmem>>) semaphore(%arg21 : memref<!tpu.dma_semaphore, #tpu.memory_space<semaphore_mem>>)
    %dma_start3A_88 = arith.constant 1 : i32
    %dma_start3A_89 = arith.constant 640 : i32
    %dma_start3A_90 = arith.constant 0 : i32
    %dma_start3A_91 = tpu.memref_slice %arg12[%dma_start3A_89, %dma_start3A_90] : memref<768x16xi32, #tpu.memory_space<vmem>> -> memref<128x16xi32, #tpu.memory_space<vmem>>
    %dma_start3A_92 = arith.constant 256 : i32
    %dma_start3A_93 = tpu.memref_slice %arg6[%dma_start3A_88, %dma_start3A_92] : memref<2x384xi32, #tpu.memory_space<vmem>> -> memref<1x128xi32, #tpu.memory_space<vmem>>
    %dma_start3A_94 = tpu.memref_squeeze %dma_start3A_93 : memref<1x128xi32, #tpu.memory_space<vmem>> -> memref<128xi32, #tpu.memory_space<vmem>>
    %dma_start3A_95 = arith.constant 0 : i32
    %dma_start3A_96 = arith.constant 0 : i32
    %dma_start3A_97 = tpu.memref_slice %arg2[%dma_start3A_95, %dma_start3A_96] : memref<537600x16xi32, #tpu.memory_space<hbm>> -> memref<537600x16xi32, #tpu.memory_space<hbm>>
    tpu.enqueue_indirect_dma source(%dma_start3A_97 : memref<537600x16xi32, #tpu.memory_space<hbm>>) target(%dma_start3A_91 : memref<128x16xi32, #tpu.memory_space<vmem>>) offsets(%dma_start3A_94 : memref<128xi32, #tpu.memory_space<vmem>>) semaphore(%arg21 : memref<!tpu.dma_semaphore, #tpu.memory_space<semaphore_mem>>)
    %add3A_98 = arith.constant 1 : i32
    %add3A_99 = arith.addi %mul3A_2, %add3A_98 : i32
    %min3A_100 = arith.constant 1199 : i32
    %min3A_101 = arith.minsi %add3A_99, %min3A_100 : i32
    %dma_start3A_102 = arith.constant 0 : i32
    %dma_start3A_103 = arith.constant 0 : i32
    %dma_start3A_104 = tpu.memref_slice %arg3[%min3A_101, %dma_start3A_102, %dma_start3A_103] : memref<1200x2x384xi32, #tpu.memory_space<hbm>> -> memref<1x2x384xi32, #tpu.memory_space<hbm>>
    %dma_start3A_105 = tpu.memref_squeeze %dma_start3A_104 : memref<1x2x384xi32, #tpu.memory_space<hbm>> -> memref<2x384xi32, #tpu.memory_space<hbm>>
    %dma_start3A_106 = arith.constant 0 : i32
    %dma_start3A_107 = arith.constant 0 : i32
    %dma_start3A_108 = tpu.memref_slice %arg3[%min3A_101, %dma_start3A_106, %dma_start3A_107] : memref<1200x2x384xi32, #tpu.memory_space<hbm>> -> memref<1x2x384xi32, #tpu.memory_space<hbm>>
    %dma_start3A_109 = tpu.memref_squeeze %dma_start3A_108 : memref<1x2x384xi32, #tpu.memory_space<hbm>> -> memref<2x384xi32, #tpu.memory_space<hbm>>
    tpu.enqueue_dma source(%dma_start3A_109 : memref<2x384xi32, #tpu.memory_space<hbm>>) target(%arg7 : memref<2x384xi32, #tpu.memory_space<vmem>>) target_semaphore(%arg19 : memref<!tpu.dma_semaphore, #tpu.memory_space<semaphore_mem>>)
    %dma_start3A_110 = arith.constant 0 : i32
    %dma_start3A_111 = arith.constant 0 : i32
    %dma_start3A_112 = tpu.memref_slice %arg4[%min3A_101, %dma_start3A_110, %dma_start3A_111] : memref<1200x2x384xf32, #tpu.memory_space<hbm>> -> memref<1x2x384xf32, #tpu.memory_space<hbm>>
    %dma_start3A_113 = tpu.memref_squeeze %dma_start3A_112 : memref<1x2x384xf32, #tpu.memory_space<hbm>> -> memref<2x384xf32, #tpu.memory_space<hbm>>
    %dma_start3A_114 = arith.constant 0 : i32
    %dma_start3A_115 = arith.constant 0 : i32
    %dma_start3A_116 = tpu.memref_slice %arg4[%min3A_101, %dma_start3A_114, %dma_start3A_115] : memref<1200x2x384xf32, #tpu.memory_space<hbm>> -> memref<1x2x384xf32, #tpu.memory_space<hbm>>
    %dma_start3A_117 = tpu.memref_squeeze %dma_start3A_116 : memref<1x2x384xf32, #tpu.memory_space<hbm>> -> memref<2x384xf32, #tpu.memory_space<hbm>>
    tpu.enqueue_dma source(%dma_start3A_117 : memref<2x384xf32, #tpu.memory_space<hbm>>) target(%arg10 : memref<2x384xf32, #tpu.memory_space<vmem>>) target_semaphore(%arg19 : memref<!tpu.dma_semaphore, #tpu.memory_space<semaphore_mem>>)
    %add3A_118 = arith.constant 2 : i32
    %add3A_119 = arith.addi %mul3A_2, %add3A_118 : i32
    %min3A_120 = arith.constant 1199 : i32
    %min3A_121 = arith.minsi %add3A_119, %min3A_120 : i32
    %dma_start3A_122 = arith.constant 0 : i32
    %dma_start3A_123 = arith.constant 0 : i32
    %dma_start3A_124 = tpu.memref_slice %arg3[%min3A_121, %dma_start3A_122, %dma_start3A_123] : memref<1200x2x384xi32, #tpu.memory_space<hbm>> -> memref<1x2x384xi32, #tpu.memory_space<hbm>>
    %dma_start3A_125 = tpu.memref_squeeze %dma_start3A_124 : memref<1x2x384xi32, #tpu.memory_space<hbm>> -> memref<2x384xi32, #tpu.memory_space<hbm>>
    %dma_start3A_126 = arith.constant 0 : i32
    %dma_start3A_127 = arith.constant 0 : i32
    %dma_start3A_128 = tpu.memref_slice %arg3[%min3A_121, %dma_start3A_126, %dma_start3A_127] : memref<1200x2x384xi32, #tpu.memory_space<hbm>> -> memref<1x2x384xi32, #tpu.memory_space<hbm>>
    %dma_start3A_129 = tpu.memref_squeeze %dma_start3A_128 : memref<1x2x384xi32, #tpu.memory_space<hbm>> -> memref<2x384xi32, #tpu.memory_space<hbm>>
    tpu.enqueue_dma source(%dma_start3A_129 : memref<2x384xi32, #tpu.memory_space<hbm>>) target(%arg8 : memref<2x384xi32, #tpu.memory_space<vmem>>) target_semaphore(%arg20 : memref<!tpu.dma_semaphore, #tpu.memory_space<semaphore_mem>>)
    %dma_start3A_130 = arith.constant 0 : i32
    %dma_start3A_131 = arith.constant 0 : i32
    %dma_start3A_132 = tpu.memref_slice %arg4[%min3A_121, %dma_start3A_130, %dma_start3A_131] : memref<1200x2x384xf32, #tpu.memory_space<hbm>> -> memref<1x2x384xf32, #tpu.memory_space<hbm>>
    %dma_start3A_133 = tpu.memref_squeeze %dma_start3A_132 : memref<1x2x384xf32, #tpu.memory_space<hbm>> -> memref<2x384xf32, #tpu.memory_space<hbm>>
    %dma_start3A_134 = arith.constant 0 : i32
    %dma_start3A_135 = arith.constant 0 : i32
    %dma_start3A_136 = tpu.memref_slice %arg4[%min3A_121, %dma_start3A_134, %dma_start3A_135] : memref<1200x2x384xf32, #tpu.memory_space<hbm>> -> memref<1x2x384xf32, #tpu.memory_space<hbm>>
    %dma_start3A_137 = tpu.memref_squeeze %dma_start3A_136 : memref<1x2x384xf32, #tpu.memory_space<hbm>> -> memref<2x384xf32, #tpu.memory_space<hbm>>
    tpu.enqueue_dma source(%dma_start3A_137 : memref<2x384xf32, #tpu.memory_space<hbm>>) target(%arg11 : memref<2x384xf32, #tpu.memory_space<vmem>>) target_semaphore(%arg20 : memref<!tpu.dma_semaphore, #tpu.memory_space<semaphore_mem>>)
    %scan3A = arith.constant 0 : i32
    %scan3A_138 = arith.constant 0 : i32
    %scan3A_139 = arith.constant 13 : i32
    %scan3A_140 = arith.addi %scan3A_138, %scan3A_139 : i32
    %scan3A_141 = arith.constant 1 : i32
    scf.for %scan3A_170 = %scan3A_138 to %scan3A_140 step %scan3A_141  : i32 {
      %mul3A_171 = arith.constant 3 : i32
      %mul3A_172 = arith.muli %scan3A_170, %mul3A_171 : i32
      %add3A_173 = arith.constant 0 : i32
      %add3A_174 = arith.addi %mul3A_172, %add3A_173 : i32
      %add3A_175 = arith.constant 1 : i32
      %add3A_176 = arith.addi %add3A_174, %add3A_175 : i32
      %lt3A = arith.constant 39 : i32
      %lt3A_177 = arith.cmpi slt, %add3A_176, %lt3A : i32
      %convert_element_type3A = arith.extui %lt3A_177 : i1 to i32
      %cond3A = arith.constant 0 : i32
      %cond3A_178 = arith.cmpi ne, %convert_element_type3A, %cond3A : i32
      scf.if %cond3A_178 {
        %dma_wait3A_467 = arith.constant 0 : i32
        %dma_wait3A_468 = arith.constant 0 : i32
        %dma_wait3A_469 = arith.constant 0 : i32
        %dma_wait3A_470 = tpu.memref_slice %arg3[%dma_wait3A_467, %dma_wait3A_468, %dma_wait3A_469] : memref<1200x2x384xi32, #tpu.memory_space<hbm>> -> memref<1x2x384xi32, #tpu.memory_space<hbm>>
        %dma_wait3A_471 = tpu.memref_squeeze %dma_wait3A_470 : memref<1x2x384xi32, #tpu.memory_space<hbm>> -> memref<2x384xi32, #tpu.memory_space<hbm>>
        %dma_wait3A_472 = arith.constant 0 : i32
        %dma_wait3A_473 = arith.constant 0 : i32
        %dma_wait3A_474 = tpu.memref_slice %arg3[%dma_wait3A_467, %dma_wait3A_472, %dma_wait3A_473] : memref<1200x2x384xi32, #tpu.memory_space<hbm>> -> memref<1x2x384xi32, #tpu.memory_space<hbm>>
        %dma_wait3A_475 = tpu.memref_squeeze %dma_wait3A_474 : memref<1x2x384xi32, #tpu.memory_space<hbm>> -> memref<2x384xi32, #tpu.memory_space<hbm>>
        tpu.wait_dma2 semaphore(%arg19 : memref<!tpu.dma_semaphore, #tpu.memory_space<semaphore_mem>>) src(%dma_wait3A_475 : memref<2x384xi32, #tpu.memory_space<hbm>>) dst(%arg7 : memref<2x384xi32, #tpu.memory_space<vmem>>)
        %dma_wait3A_476 = arith.constant 0 : i32
        %dma_wait3A_477 = arith.constant 0 : i32
        %dma_wait3A_478 = arith.constant 0 : i32
        %dma_wait3A_479 = tpu.memref_slice %arg4[%dma_wait3A_476, %dma_wait3A_477, %dma_wait3A_478] : memref<1200x2x384xf32, #tpu.memory_space<hbm>> -> memref<1x2x384xf32, #tpu.memory_space<hbm>>
        %dma_wait3A_480 = tpu.memref_squeeze %dma_wait3A_479 : memref<1x2x384xf32, #tpu.memory_space<hbm>> -> memref<2x384xf32, #tpu.memory_space<hbm>>
        %dma_wait3A_481 = arith.constant 0 : i32
        %dma_wait3A_482 = arith.constant 0 : i32
        %dma_wait3A_483 = tpu.memref_slice %arg4[%dma_wait3A_476, %dma_wait3A_481, %dma_wait3A_482] : memref<1200x2x384xf32, #tpu.memory_space<hbm>> -> memref<1x2x384xf32, #tpu.memory_space<hbm>>
        %dma_wait3A_484 = tpu.memref_squeeze %dma_wait3A_483 : memref<1x2x384xf32, #tpu.memory_space<hbm>> -> memref<2x384xf32, #tpu.memory_space<hbm>>
        tpu.wait_dma2 semaphore(%arg19 : memref<!tpu.dma_semaphore, #tpu.memory_space<semaphore_mem>>) src(%dma_wait3A_484 : memref<2x384xf32, #tpu.memory_space<hbm>>) dst(%arg10 : memref<2x384xf32, #tpu.memory_space<vmem>>)
        %dma_start3A_485 = arith.constant 0 : i32
        %dma_start3A_486 = arith.constant 0 : i32
        %dma_start3A_487 = arith.constant 0 : i32
        %dma_start3A_488 = tpu.memref_slice %arg13[%dma_start3A_486, %dma_start3A_487] : memref<768x16xi32, #tpu.memory_space<vmem>> -> memref<128x16xi32, #tpu.memory_space<vmem>>
        %dma_start3A_489 = arith.constant 0 : i32
        %dma_start3A_490 = tpu.memref_slice %arg7[%dma_start3A_485, %dma_start3A_489] : memref<2x384xi32, #tpu.memory_space<vmem>> -> memref<1x128xi32, #tpu.memory_space<vmem>>
        %dma_start3A_491 = tpu.memref_squeeze %dma_start3A_490 : memref<1x128xi32, #tpu.memory_space<vmem>> -> memref<128xi32, #tpu.memory_space<vmem>>
        %dma_start3A_492 = arith.constant 0 : i32
        %dma_start3A_493 = arith.constant 0 : i32
        %dma_start3A_494 = tpu.memref_slice %arg2[%dma_start3A_492, %dma_start3A_493] : memref<537600x16xi32, #tpu.memory_space<hbm>> -> memref<537600x16xi32, #tpu.memory_space<hbm>>
        tpu.enqueue_indirect_dma source(%dma_start3A_494 : memref<537600x16xi32, #tpu.memory_space<hbm>>) target(%dma_start3A_488 : memref<128x16xi32, #tpu.memory_space<vmem>>) offsets(%dma_start3A_491 : memref<128xi32, #tpu.memory_space<vmem>>) semaphore(%arg22 : memref<!tpu.dma_semaphore, #tpu.memory_space<semaphore_mem>>)
        %dma_start3A_495 = arith.constant 0 : i32
        %dma_start3A_496 = arith.constant 128 : i32
        %dma_start3A_497 = arith.constant 0 : i32
        %dma_start3A_498 = tpu.memref_slice %arg13[%dma_start3A_496, %dma_start3A_497] : memref<768x16xi32, #tpu.memory_space<vmem>> -> memref<128x16xi32, #tpu.memory_space<vmem>>
        %dma_start3A_499 = arith.constant 128 : i32
        %dma_start3A_500 = tpu.memref_slice %arg7[%dma_start3A_495, %dma_start3A_499] : memref<2x384xi32, #tpu.memory_space<vmem>> -> memref<1x128xi32, #tpu.memory_space<vmem>>
        %dma_start3A_501 = tpu.memref_squeeze %dma_start3A_500 : memref<1x128xi32, #tpu.memory_space<vmem>> -> memref<128xi32, #tpu.memory_space<vmem>>
        %dma_start3A_502 = arith.constant 0 : i32
        %dma_start3A_503 = arith.constant 0 : i32
        %dma_start3A_504 = tpu.memref_slice %arg2[%dma_start3A_502, %dma_start3A_503] : memref<537600x16xi32, #tpu.memory_space<hbm>> -> memref<537600x16xi32, #tpu.memory_space<hbm>>
        tpu.enqueue_indirect_dma source(%dma_start3A_504 : memref<537600x16xi32, #tpu.memory_space<hbm>>) target(%dma_start3A_498 : memref<128x16xi32, #tpu.memory_space<vmem>>) offsets(%dma_start3A_501 : memref<128xi32, #tpu.memory_space<vmem>>) semaphore(%arg22 : memref<!tpu.dma_semaphore, #tpu.memory_space<semaphore_mem>>)
        %dma_start3A_505 = arith.constant 0 : i32
        %dma_start3A_506 = arith.constant 256 : i32
        %dma_start3A_507 = arith.constant 0 : i32
        %dma_start3A_508 = tpu.memref_slice %arg13[%dma_start3A_506, %dma_start3A_507] : memref<768x16xi32, #tpu.memory_space<vmem>> -> memref<128x16xi32, #tpu.memory_space<vmem>>
        %dma_start3A_509 = arith.constant 256 : i32
        %dma_start3A_510 = tpu.memref_slice %arg7[%dma_start3A_505, %dma_start3A_509] : memref<2x384xi32, #tpu.memory_space<vmem>> -> memref<1x128xi32, #tpu.memory_space<vmem>>
        %dma_start3A_511 = tpu.memref_squeeze %dma_start3A_510 : memref<1x128xi32, #tpu.memory_space<vmem>> -> memref<128xi32, #tpu.memory_space<vmem>>
        %dma_start3A_512 = arith.constant 0 : i32
        %dma_start3A_513 = arith.constant 0 : i32
        %dma_start3A_514 = tpu.memref_slice %arg2[%dma_start3A_512, %dma_start3A_513] : memref<537600x16xi32, #tpu.memory_space<hbm>> -> memref<537600x16xi32, #tpu.memory_space<hbm>>
        tpu.enqueue_indirect_dma source(%dma_start3A_514 : memref<537600x16xi32, #tpu.memory_space<hbm>>) target(%dma_start3A_508 : memref<128x16xi32, #tpu.memory_space<vmem>>) offsets(%dma_start3A_511 : memref<128xi32, #tpu.memory_space<vmem>>) semaphore(%arg22 : memref<!tpu.dma_semaphore, #tpu.memory_space<semaphore_mem>>)
        %dma_start3A_515 = arith.constant 1 : i32
        %dma_start3A_516 = arith.constant 384 : i32
        %dma_start3A_517 = arith.constant 0 : i32
        %dma_start3A_518 = tpu.memref_slice %arg13[%dma_start3A_516, %dma_start3A_517] : memref<768x16xi32, #tpu.memory_space<vmem>> -> memref<128x16xi32, #tpu.memory_space<vmem>>
        %dma_start3A_519 = arith.constant 0 : i32
        %dma_start3A_520 = tpu.memref_slice %arg7[%dma_start3A_515, %dma_start3A_519] : memref<2x384xi32, #tpu.memory_space<vmem>> -> memref<1x128xi32, #tpu.memory_space<vmem>>
        %dma_start3A_521 = tpu.memref_squeeze %dma_start3A_520 : memref<1x128xi32, #tpu.memory_space<vmem>> -> memref<128xi32, #tpu.memory_space<vmem>>
        %dma_start3A_522 = arith.constant 0 : i32
        %dma_start3A_523 = arith.constant 0 : i32
        %dma_start3A_524 = tpu.memref_slice %arg2[%dma_start3A_522, %dma_start3A_523] : memref<537600x16xi32, #tpu.memory_space<hbm>> -> memref<537600x16xi32, #tpu.memory_space<hbm>>
        tpu.enqueue_indirect_dma source(%dma_start3A_524 : memref<537600x16xi32, #tpu.memory_space<hbm>>) target(%dma_start3A_518 : memref<128x16xi32, #tpu.memory_space<vmem>>) offsets(%dma_start3A_521 : memref<128xi32, #tpu.memory_space<vmem>>) semaphore(%arg22 : memref<!tpu.dma_semaphore, #tpu.memory_space<semaphore_mem>>)
        %dma_start3A_525 = arith.constant 1 : i32
        %dma_start3A_526 = arith.constant 512 : i32
        %dma_start3A_527 = arith.constant 0 : i32
        %dma_start3A_528 = tpu.memref_slice %arg13[%dma_start3A_526, %dma_start3A_527] : memref<768x16xi32, #tpu.memory_space<vmem>> -> memref<128x16xi32, #tpu.memory_space<vmem>>
        %dma_start3A_529 = arith.constant 128 : i32
        %dma_start3A_530 = tpu.memref_slice %arg7[%dma_start3A_525, %dma_start3A_529] : memref<2x384xi32, #tpu.memory_space<vmem>> -> memref<1x128xi32, #tpu.memory_space<vmem>>
        %dma_start3A_531 = tpu.memref_squeeze %dma_start3A_530 : memref<1x128xi32, #tpu.memory_space<vmem>> -> memref<128xi32, #tpu.memory_space<vmem>>
        %dma_start3A_532 = arith.constant 0 : i32
        %dma_start3A_533 = arith.constant 0 : i32
        %dma_start3A_534 = tpu.memref_slice %arg2[%dma_start3A_532, %dma_start3A_533] : memref<537600x16xi32, #tpu.memory_space<hbm>> -> memref<537600x16xi32, #tpu.memory_space<hbm>>
        tpu.enqueue_indirect_dma source(%dma_start3A_534 : memref<537600x16xi32, #tpu.memory_space<hbm>>) target(%dma_start3A_528 : memref<128x16xi32, #tpu.memory_space<vmem>>) offsets(%dma_start3A_531 : memref<128xi32, #tpu.memory_space<vmem>>) semaphore(%arg22 : memref<!tpu.dma_semaphore, #tpu.memory_space<semaphore_mem>>)
        %dma_start3A_535 = arith.constant 1 : i32
        %dma_start3A_536 = arith.constant 640 : i32
        %dma_start3A_537 = arith.constant 0 : i32
        %dma_start3A_538 = tpu.memref_slice %arg13[%dma_start3A_536, %dma_start3A_537] : memref<768x16xi32, #tpu.memory_space<vmem>> -> memref<128x16xi32, #tpu.memory_space<vmem>>
        %dma_start3A_539 = arith.constant 256 : i32
        %dma_start3A_540 = tpu.memref_slice %arg7[%dma_start3A_535, %dma_start3A_539] : memref<2x384xi32, #tpu.memory_space<vmem>> -> memref<1x128xi32, #tpu.memory_space<vmem>>
        %dma_start3A_541 = tpu.memref_squeeze %dma_start3A_540 : memref<1x128xi32, #tpu.memory_space<vmem>> -> memref<128xi32, #tpu.memory_space<vmem>>
        %dma_start3A_542 = arith.constant 0 : i32
        %dma_start3A_543 = arith.constant 0 : i32
        %dma_start3A_544 = tpu.memref_slice %arg2[%dma_start3A_542, %dma_start3A_543] : memref<537600x16xi32, #tpu.memory_space<hbm>> -> memref<537600x16xi32, #tpu.memory_space<hbm>>
        tpu.enqueue_indirect_dma source(%dma_start3A_544 : memref<537600x16xi32, #tpu.memory_space<hbm>>) target(%dma_start3A_538 : memref<128x16xi32, #tpu.memory_space<vmem>>) offsets(%dma_start3A_541 : memref<128xi32, #tpu.memory_space<vmem>>) semaphore(%arg22 : memref<!tpu.dma_semaphore, #tpu.memory_space<semaphore_mem>>)
      } else {
      }
      %dma_wait3A_179 = arith.constant 0 : i32
      %dma_wait3A_180 = arith.constant 0 : i32
      %dma_wait3A_181 = arith.constant 0 : i32
      %dma_wait3A_182 = tpu.memref_slice %arg12[%dma_wait3A_180, %dma_wait3A_181] : memref<768x16xi32, #tpu.memory_space<vmem>> -> memref<128x16xi32, #tpu.memory_space<vmem>>
      %dma_wait3A_183 = arith.constant 0 : i32
      %dma_wait3A_184 = tpu.memref_slice %arg6[%dma_wait3A_179, %dma_wait3A_183] : memref<2x384xi32, #tpu.memory_space<vmem>> -> memref<1x128xi32, #tpu.memory_space<vmem>>
      %dma_wait3A_185 = tpu.memref_squeeze %dma_wait3A_184 : memref<1x128xi32, #tpu.memory_space<vmem>> -> memref<128xi32, #tpu.memory_space<vmem>>
      %dma_wait3A_186 = arith.constant 0 : i32
      %dma_wait3A_187 = arith.constant 0 : i32
      %dma_wait3A_188 = tpu.memref_slice %arg2[%dma_wait3A_186, %dma_wait3A_187] : memref<537600x16xi32, #tpu.memory_space<hbm>> -> memref<537600x16xi32, #tpu.memory_space<hbm>>
      tpu.wait_indirect_dma semaphore(%arg21 : memref<!tpu.dma_semaphore, #tpu.memory_space<semaphore_mem>>) src(%dma_wait3A_188 : memref<537600x16xi32, #tpu.memory_space<hbm>>) dst(%dma_wait3A_182 : memref<128x16xi32, #tpu.memory_space<vmem>>)
      %dma_wait3A_189 = arith.constant 0 : i32
      %dma_wait3A_190 = arith.constant 128 : i32
      %dma_wait3A_191 = arith.constant 0 : i32
      %dma_wait3A_192 = tpu.memref_slice %arg12[%dma_wait3A_190, %dma_wait3A_191] : memref<768x16xi32, #tpu.memory_space<vmem>> -> memref<128x16xi32, #tpu.memory_space<vmem>>
      %dma_wait3A_193 = arith.constant 128 : i32
      %dma_wait3A_194 = tpu.memref_slice %arg6[%dma_wait3A_189, %dma_wait3A_193] : memref<2x384xi32, #tpu.memory_space<vmem>> -> memref<1x128xi32, #tpu.memory_space<vmem>>
      %dma_wait3A_195 = tpu.memref_squeeze %dma_wait3A_194 : memref<1x128xi32, #tpu.memory_space<vmem>> -> memref<128xi32, #tpu.memory_space<vmem>>
      %dma_wait3A_196 = arith.constant 0 : i32
      %dma_wait3A_197 = arith.constant 0 : i32
      %dma_wait3A_198 = tpu.memref_slice %arg2[%dma_wait3A_196, %dma_wait3A_197] : memref<537600x16xi32, #tpu.memory_space<hbm>> -> memref<537600x16xi32, #tpu.memory_space<hbm>>
      tpu.wait_indirect_dma semaphore(%arg21 : memref<!tpu.dma_semaphore, #tpu.memory_space<semaphore_mem>>) src(%dma_wait3A_198 : memref<537600x16xi32, #tpu.memory_space<hbm>>) dst(%dma_wait3A_192 : memref<128x16xi32, #tpu.memory_space<vmem>>)
      %dma_wait3A_199 = arith.constant 0 : i32
      %dma_wait3A_200 = arith.constant 256 : i32
      %dma_wait3A_201 = arith.constant 0 : i32
      %dma_wait3A_202 = tpu.memref_slice %arg12[%dma_wait3A_200, %dma_wait3A_201] : memref<768x16xi32, #tpu.memory_space<vmem>> -> memref<128x16xi32, #tpu.memory_space<vmem>>
      %dma_wait3A_203 = arith.constant 256 : i32
      %dma_wait3A_204 = tpu.memref_slice %arg6[%dma_wait3A_199, %dma_wait3A_203] : memref<2x384xi32, #tpu.memory_space<vmem>> -> memref<1x128xi32, #tpu.memory_space<vmem>>
      %dma_wait3A_205 = tpu.memref_squeeze %dma_wait3A_204 : memref<1x128xi32, #tpu.memory_space<vmem>> -> memref<128xi32, #tpu.memory_space<vmem>>
      %dma_wait3A_206 = arith.constant 0 : i32
      %dma_wait3A_207 = arith.constant 0 : i32
      %dma_wait3A_208 = tpu.memref_slice %arg2[%dma_wait3A_206, %dma_wait3A_207] : memref<537600x16xi32, #tpu.memory_space<hbm>> -> memref<537600x16xi32, #tpu.memory_space<hbm>>
      tpu.wait_indirect_dma semaphore(%arg21 : memref<!tpu.dma_semaphore, #tpu.memory_space<semaphore_mem>>) src(%dma_wait3A_208 : memref<537600x16xi32, #tpu.memory_space<hbm>>) dst(%dma_wait3A_202 : memref<128x16xi32, #tpu.memory_space<vmem>>)
      %dma_wait3A_209 = arith.constant 1 : i32
      %dma_wait3A_210 = arith.constant 384 : i32
      %dma_wait3A_211 = arith.constant 0 : i32
      %dma_wait3A_212 = tpu.memref_slice %arg12[%dma_wait3A_210, %dma_wait3A_211] : memref<768x16xi32, #tpu.memory_space<vmem>> -> memref<128x16xi32, #tpu.memory_space<vmem>>
      %dma_wait3A_213 = arith.constant 0 : i32
      %dma_wait3A_214 = tpu.memref_slice %arg6[%dma_wait3A_209, %dma_wait3A_213] : memref<2x384xi32, #tpu.memory_space<vmem>> -> memref<1x128xi32, #tpu.memory_space<vmem>>
      %dma_wait3A_215 = tpu.memref_squeeze %dma_wait3A_214 : memref<1x128xi32, #tpu.memory_space<vmem>> -> memref<128xi32, #tpu.memory_space<vmem>>
      %dma_wait3A_216 = arith.constant 0 : i32
      %dma_wait3A_217 = arith.constant 0 : i32
      %dma_wait3A_218 = tpu.memref_slice %arg2[%dma_wait3A_216, %dma_wait3A_217] : memref<537600x16xi32, #tpu.memory_space<hbm>> -> memref<537600x16xi32, #tpu.memory_space<hbm>>
      tpu.wait_indirect_dma semaphore(%arg21 : memref<!tpu.dma_semaphore, #tpu.memory_space<semaphore_mem>>) src(%dma_wait3A_218 : memref<537600x16xi32, #tpu.memory_space<hbm>>) dst(%dma_wait3A_212 : memref<128x16xi32, #tpu.memory_space<vmem>>)
      %dma_wait3A_219 = arith.constant 1 : i32
      %dma_wait3A_220 = arith.constant 512 : i32
      %dma_wait3A_221 = arith.constant 0 : i32
      %dma_wait3A_222 = tpu.memref_slice %arg12[%dma_wait3A_220, %dma_wait3A_221] : memref<768x16xi32, #tpu.memory_space<vmem>> -> memref<128x16xi32, #tpu.memory_space<vmem>>
      %dma_wait3A_223 = arith.constant 128 : i32
      %dma_wait3A_224 = tpu.memref_slice %arg6[%dma_wait3A_219, %dma_wait3A_223] : memref<2x384xi32, #tpu.memory_space<vmem>> -> memref<1x128xi32, #tpu.memory_space<vmem>>
      %dma_wait3A_225 = tpu.memref_squeeze %dma_wait3A_224 : memref<1x128xi32, #tpu.memory_space<vmem>> -> memref<128xi32, #tpu.memory_space<vmem>>
      %dma_wait3A_226 = arith.constant 0 : i32
      %dma_wait3A_227 = arith.constant 0 : i32
      %dma_wait3A_228 = tpu.memref_slice %arg2[%dma_wait3A_226, %dma_wait3A_227] : memref<537600x16xi32, #tpu.memory_space<hbm>> -> memref<537600x16xi32, #tpu.memory_space<hbm>>
      tpu.wait_indirect_dma semaphore(%arg21 : memref<!tpu.dma_semaphore, #tpu.memory_space<semaphore_mem>>) src(%dma_wait3A_228 : memref<537600x16xi32, #tpu.memory_space<hbm>>) dst(%dma_wait3A_222 : memref<128x16xi32, #tpu.memory_space<vmem>>)
      %dma_wait3A_229 = arith.constant 1 : i32
      %dma_wait3A_230 = arith.constant 640 : i32
      %dma_wait3A_231 = arith.constant 0 : i32
      %dma_wait3A_232 = tpu.memref_slice %arg12[%dma_wait3A_230, %dma_wait3A_231] : memref<768x16xi32, #tpu.memory_space<vmem>> -> memref<128x16xi32, #tpu.memory_space<vmem>>
      %dma_wait3A_233 = arith.constant 256 : i32
      %dma_wait3A_234 = tpu.memref_slice %arg6[%dma_wait3A_229, %dma_wait3A_233] : memref<2x384xi32, #tpu.memory_space<vmem>> -> memref<1x128xi32, #tpu.memory_space<vmem>>
      %dma_wait3A_235 = tpu.memref_squeeze %dma_wait3A_234 : memref<1x128xi32, #tpu.memory_space<vmem>> -> memref<128xi32, #tpu.memory_space<vmem>>
      %dma_wait3A_236 = arith.constant 0 : i32
      %dma_wait3A_237 = arith.constant 0 : i32
      %dma_wait3A_238 = tpu.memref_slice %arg2[%dma_wait3A_236, %dma_wait3A_237] : memref<537600x16xi32, #tpu.memory_space<hbm>> -> memref<537600x16xi32, #tpu.memory_space<hbm>>
      tpu.wait_indirect_dma semaphore(%arg21 : memref<!tpu.dma_semaphore, #tpu.memory_space<semaphore_mem>>) src(%dma_wait3A_238 : memref<537600x16xi32, #tpu.memory_space<hbm>>) dst(%dma_wait3A_232 : memref<128x16xi32, #tpu.memory_space<vmem>>)
      %ge3A = arith.constant 3 : i32
      %ge3A_239 = arith.cmpi sge, %add3A_174, %ge3A : i32
      %convert_element_type3A_240 = arith.extui %ge3A_239 : i1 to i32
      %cond3A_241 = arith.constant 0 : i32
      %cond3A_242 = arith.cmpi ne, %convert_element_type3A_240, %cond3A_241 : i32
      scf.if %cond3A_242 {
        %dma_wait3A_467 = arith.constant 0 : i32
        %dma_wait3A_468 = arith.constant 0 : i32
        %dma_wait3A_469 = arith.constant 0 : i32
        %dma_wait3A_470 = tpu.memref_slice %arg5[%dma_wait3A_467, %dma_wait3A_468, %dma_wait3A_469] : memref<1200x16x32xf32, #tpu.memory_space<hbm>> -> memref<1x16x32xf32, #tpu.memory_space<hbm>>
        %dma_wait3A_471 = tpu.memref_squeeze %dma_wait3A_470 : memref<1x16x32xf32, #tpu.memory_space<hbm>> -> memref<16x32xf32, #tpu.memory_space<hbm>>
        %dma_wait3A_472 = arith.constant 0 : i32
        %dma_wait3A_473 = arith.constant 0 : i32
        %dma_wait3A_474 = tpu.memref_slice %arg5[%dma_wait3A_467, %dma_wait3A_472, %dma_wait3A_473] : memref<1200x16x32xf32, #tpu.memory_space<hbm>> -> memref<1x16x32xf32, #tpu.memory_space<hbm>>
        %dma_wait3A_475 = tpu.memref_squeeze %dma_wait3A_474 : memref<1x16x32xf32, #tpu.memory_space<hbm>> -> memref<16x32xf32, #tpu.memory_space<hbm>>
        tpu.wait_dma2 semaphore(%arg24 : memref<!tpu.dma_semaphore, #tpu.memory_space<semaphore_mem>>) src(%arg15 : memref<16x32xf32, #tpu.memory_space<vmem>>) dst(%dma_wait3A_475 : memref<16x32xf32, #tpu.memory_space<hbm>>)
      } else {
      }
      %scan3A_243 = arith.constant 0 : i32
      %scan3A_244 = arith.constant 0 : i32
      %scan3A_245 = arith.constant 16 : i32
      %scan3A_246 = arith.addi %scan3A_244, %scan3A_245 : i32
      %scan3A_247 = arith.constant 1 : i32
      scf.for %scan3A_467 = %scan3A_244 to %scan3A_246 step %scan3A_247  : i32 {
        %jit3A = arith.constant 8 : i32
        %div3A = arith.divsi %scan3A_467, %jit3A : i32
        %sign3A = arith.constant 0 : i32
        %sign3A_468 = arith.cmpi sgt, %scan3A_467, %sign3A : i32
        %sign3A_469 = arith.extui %sign3A_468 : i1 to i32
        %sign3A_470 = arith.constant 0 : i32
        %sign3A_471 = arith.cmpi slt, %scan3A_467, %sign3A_470 : i32
        %sign3A_472 = arith.extui %sign3A_471 : i1 to i32
        %sign3A_473 = arith.subi %sign3A_469, %sign3A_472 : i32
        %sign3A_474 = arith.constant 0 : i32
        %sign3A_475 = arith.cmpi sgt, %jit3A, %sign3A_474 : i32
        %sign3A_476 = arith.extui %sign3A_475 : i1 to i32
        %sign3A_477 = arith.constant 0 : i32
        %sign3A_478 = arith.cmpi slt, %jit3A, %sign3A_477 : i32
        %sign3A_479 = arith.extui %sign3A_478 : i1 to i32
        %sign3A_480 = arith.subi %sign3A_476, %sign3A_479 : i32
        %ne3A = arith.cmpi ne, %sign3A_473, %sign3A_480 : i32
        %rem3A = arith.remsi %scan3A_467, %jit3A : i32
        %ne3A_481 = arith.constant 0 : i32
        %ne3A_482 = arith.cmpi ne, %rem3A, %ne3A_481 : i32
        %and3A = arith.andi %ne3A, %ne3A_482 : i1
        %sub3A = arith.constant 1 : i32
        %sub3A_483 = arith.subi %div3A, %sub3A : i32
        %select_n3A = arith.select %and3A, %sub3A_483, %div3A : i32
        %mul3A_484 = arith.constant 8 : i32
        %mul3A_485 = arith.muli %select_n3A, %mul3A_484 : i32
        %sub3A_486 = arith.subi %scan3A_467, %mul3A_485 : i32
        %mul3A_487 = arith.constant 48 : i32
        %mul3A_488 = arith.muli %sub3A_486, %mul3A_487 : i32
        %get3A = arith.index_cast %select_n3A : i32 to index
        %get3A_489 = arith.index_cast %mul3A_488 : i32 to index
        %get3A_490 = tpu.vector_load %arg9[%get3A, %get3A_489] {strides = array<i32>} : memref<2x384xf32, #tpu.memory_space<vmem>>, vector<1x16xf32>,
        %get3A_491 = vector.shape_cast %get3A_490 : vector<1x16xf32> to vector<16xf32>
        %add3A_492 = arith.constant 16 : i32
        %add3A_493 = arith.addi %mul3A_488, %add3A_492 : i32
        %get3A_494 = arith.index_cast %select_n3A : i32 to index
        %get3A_495 = arith.index_cast %add3A_493 : i32 to index
        %get3A_496 = tpu.vector_load %arg9[%get3A_494, %get3A_495] {strides = array<i32>} : memref<2x384xf32, #tpu.memory_space<vmem>>, vector<1x16xf32>,
        %get3A_497 = vector.shape_cast %get3A_496 : vector<1x16xf32> to vector<16xf32>
        %add3A_498 = arith.constant 32 : i32
        %add3A_499 = arith.addi %mul3A_488, %add3A_498 : i32
        %get3A_500 = arith.index_cast %select_n3A : i32 to index
        %get3A_501 = arith.index_cast %add3A_499 : i32 to index
        %get3A_502 = tpu.vector_load %arg9[%get3A_500, %get3A_501] {strides = array<i32>} : memref<2x384xf32, #tpu.memory_space<vmem>>, vector<1x16xf32>,
        %get3A_503 = vector.shape_cast %get3A_502 : vector<1x16xf32> to vector<16xf32>
        %mul3A_504 = arith.constant 384 : i32
        %mul3A_505 = arith.muli %select_n3A, %mul3A_504 : i32
        %mul3A_506 = arith.constant 12 : i32
        %mul3A_507 = arith.muli %sub3A_486, %mul3A_506 : i32
        %add3A_508 = arith.addi %mul3A_505, %mul3A_507 : i32
        %broadcast_in_dim3A = arith.constant 0.000000e+00 : f32
        %broadcast_in_dim3A_509 = vector.broadcast %broadcast_in_dim3A : f32 to vector<16xf32>
        %broadcast_in_dim3A_510 = arith.constant 0.000000e+00 : f32
        %broadcast_in_dim3A_511 = vector.broadcast %broadcast_in_dim3A_510 : f32 to vector<16xf32>
        %broadcast_in_dim3A_512 = arith.constant 0 : i32
        %broadcast_in_dim3A_513 = vector.broadcast %broadcast_in_dim3A_512 : i32 to vector<16x1xi32>
        %gather3A = vector.shape_cast %broadcast_in_dim3A_513 : vector<16x1xi32> to vector<16xi32>
        %gather3A_514 = tpu.dynamic_gather %get3A_491[%gather3A] in [0] : vector<16xf32>, vector<16xi32> -> vector<16xf32>
        %add3A_515 = arith.constant 0 : i32
        %add3A_516 = arith.addi %add3A_508, %add3A_515 : i32
        %add3A_517 = arith.constant 0 : i32
        %add3A_518 = arith.addi %add3A_516, %add3A_517 : i32
        %get3A_519 = arith.index_cast %add3A_518 : i32 to index
        %get3A_520 = arith.constant 0 : index
        %get3A_521 = tpu.vector_load %arg12[%get3A_519, %get3A_520] {strides = array<i32>} : memref<768x16xi32, #tpu.memory_space<vmem>>, vector<1x16xi32>,
        %get3A_522 = vector.shape_cast %get3A_521 : vector<1x16xi32> to vector<16xi32>
        %shift_left3A = arith.constant 16 : i32
        %shift_left3A_523 = vector.broadcast %shift_left3A : i32 to vector<16xi32>
        %shift_left3A_524 = arith.shli %get3A_522, %shift_left3A_523 : vector<16xi32>
        %bitcast_convert_type3A = tpu.bitcast %shift_left3A_524 : vector<16xi32> -> vector<16xf32>
        %and3A_525 = arith.constant -65536 : i32
        %and3A_526 = vector.broadcast %and3A_525 : i32 to vector<16xi32>
        %and3A_527 = arith.andi %get3A_522, %and3A_526 : vector<16xi32>
        %bitcast_convert_type3A_528 = tpu.bitcast %and3A_527 : vector<16xi32> -> vector<16xf32>
        %mul3A_529 = arith.mulf %gather3A_514, %bitcast_convert_type3A : vector<16xf32>
        %add3A_530 = arith.addf %broadcast_in_dim3A_509, %mul3A_529 : vector<16xf32>
        %mul3A_531 = arith.mulf %gather3A_514, %bitcast_convert_type3A_528 : vector<16xf32>
        %add3A_532 = arith.addf %broadcast_in_dim3A_511, %mul3A_531 : vector<16xf32>
        %broadcast_in_dim3A_533 = arith.constant 1 : i32
        %broadcast_in_dim3A_534 = vector.broadcast %broadcast_in_dim3A_533 : i32 to vector<16x1xi32>
        %gather3A_535 = vector.shape_cast %broadcast_in_dim3A_534 : vector<16x1xi32> to vector<16xi32>
        %gather3A_536 = tpu.dynamic_gather %get3A_491[%gather3A_535] in [0] : vector<16xf32>, vector<16xi32> -> vector<16xf32>
        %add3A_537 = arith.constant 0 : i32
        %add3A_538 = arith.addi %add3A_508, %add3A_537 : i32
        %add3A_539 = arith.constant 1 : i32
        %add3A_540 = arith.addi %add3A_538, %add3A_539 : i32
        %get3A_541 = arith.index_cast %add3A_540 : i32 to index
        %get3A_542 = arith.constant 0 : index
        %get3A_543 = tpu.vector_load %arg12[%get3A_541, %get3A_542] {strides = array<i32>} : memref<768x16xi32, #tpu.memory_space<vmem>>, vector<1x16xi32>,
        %get3A_544 = vector.shape_cast %get3A_543 : vector<1x16xi32> to vector<16xi32>
        %shift_left3A_545 = arith.constant 16 : i32
        %shift_left3A_546 = vector.broadcast %shift_left3A_545 : i32 to vector<16xi32>
        %shift_left3A_547 = arith.shli %get3A_544, %shift_left3A_546 : vector<16xi32>
        %bitcast_convert_type3A_548 = tpu.bitcast %shift_left3A_547 : vector<16xi32> -> vector<16xf32>
        %and3A_549 = arith.constant -65536 : i32
        %and3A_550 = vector.broadcast %and3A_549 : i32 to vector<16xi32>
        %and3A_551 = arith.andi %get3A_544, %and3A_550 : vector<16xi32>
        %bitcast_convert_type3A_552 = tpu.bitcast %and3A_551 : vector<16xi32> -> vector<16xf32>
        %mul3A_553 = arith.mulf %gather3A_536, %bitcast_convert_type3A_548 : vector<16xf32>
        %add3A_554 = arith.addf %add3A_530, %mul3A_553 : vector<16xf32>
        %mul3A_555 = arith.mulf %gather3A_536, %bitcast_convert_type3A_552 : vector<16xf32>
        %add3A_556 = arith.addf %add3A_532, %mul3A_555 : vector<16xf32>
        %broadcast_in_dim3A_557 = arith.constant 2 : i32
        %broadcast_in_dim3A_558 = vector.broadcast %broadcast_in_dim3A_557 : i32 to vector<16x1xi32>
        %gather3A_559 = vector.shape_cast %broadcast_in_dim3A_558 : vector<16x1xi32> to vector<16xi32>
        %gather3A_560 = tpu.dynamic_gather %get3A_491[%gather3A_559] in [0] : vector<16xf32>, vector<16xi32> -> vector<16xf32>
        %add3A_561 = arith.constant 0 : i32
        %add3A_562 = arith.addi %add3A_508, %add3A_561 : i32
        %add3A_563 = arith.constant 2 : i32
        %add3A_564 = arith.addi %add3A_562, %add3A_563 : i32
        %get3A_565 = arith.index_cast %add3A_564 : i32 to index
        %get3A_566 = arith.constant 0 : index
        %get3A_567 = tpu.vector_load %arg12[%get3A_565, %get3A_566] {strides = array<i32>} : memref<768x16xi32, #tpu.memory_space<vmem>>, vector<1x16xi32>,
        %get3A_568 = vector.shape_cast %get3A_567 : vector<1x16xi32> to vector<16xi32>
        %shift_left3A_569 = arith.constant 16 : i32
        %shift_left3A_570 = vector.broadcast %shift_left3A_569 : i32 to vector<16xi32>
        %shift_left3A_571 = arith.shli %get3A_568, %shift_left3A_570 : vector<16xi32>
        %bitcast_convert_type3A_572 = tpu.bitcast %shift_left3A_571 : vector<16xi32> -> vector<16xf32>
        %and3A_573 = arith.constant -65536 : i32
        %and3A_574 = vector.broadcast %and3A_573 : i32 to vector<16xi32>
        %and3A_575 = arith.andi %get3A_568, %and3A_574 : vector<16xi32>
        %bitcast_convert_type3A_576 = tpu.bitcast %and3A_575 : vector<16xi32> -> vector<16xf32>
        %mul3A_577 = arith.mulf %gather3A_560, %bitcast_convert_type3A_572 : vector<16xf32>
        %add3A_578 = arith.addf %add3A_554, %mul3A_577 : vector<16xf32>
        %mul3A_579 = arith.mulf %gather3A_560, %bitcast_convert_type3A_576 : vector<16xf32>
        %add3A_580 = arith.addf %add3A_556, %mul3A_579 : vector<16xf32>
        %broadcast_in_dim3A_581 = arith.constant 3 : i32
        %broadcast_in_dim3A_582 = vector.broadcast %broadcast_in_dim3A_581 : i32 to vector<16x1xi32>
        %gather3A_583 = vector.shape_cast %broadcast_in_dim3A_582 : vector<16x1xi32> to vector<16xi32>
        %gather3A_584 = tpu.dynamic_gather %get3A_491[%gather3A_583] in [0] : vector<16xf32>, vector<16xi32> -> vector<16xf32>
        %add3A_585 = arith.constant 0 : i32
        %add3A_586 = arith.addi %add3A_508, %add3A_585 : i32
        %add3A_587 = arith.constant 3 : i32
        %add3A_588 = arith.addi %add3A_586, %add3A_587 : i32
        %get3A_589 = arith.index_cast %add3A_588 : i32 to index
        %get3A_590 = arith.constant 0 : index
        %get3A_591 = tpu.vector_load %arg12[%get3A_589, %get3A_590] {strides = array<i32>} : memref<768x16xi32, #tpu.memory_space<vmem>>, vector<1x16xi32>,
        %get3A_592 = vector.shape_cast %get3A_591 : vector<1x16xi32> to vector<16xi32>
        %shift_left3A_593 = arith.constant 16 : i32
        %shift_left3A_594 = vector.broadcast %shift_left3A_593 : i32 to vector<16xi32>
        %shift_left3A_595 = arith.shli %get3A_592, %shift_left3A_594 : vector<16xi32>
        %bitcast_convert_type3A_596 = tpu.bitcast %shift_left3A_595 : vector<16xi32> -> vector<16xf32>
        %and3A_597 = arith.constant -65536 : i32
        %and3A_598 = vector.broadcast %and3A_597 : i32 to vector<16xi32>
        %and3A_599 = arith.andi %get3A_592, %and3A_598 : vector<16xi32>
        %bitcast_convert_type3A_600 = tpu.bitcast %and3A_599 : vector<16xi32> -> vector<16xf32>
        %mul3A_601 = arith.mulf %gather3A_584, %bitcast_convert_type3A_596 : vector<16xf32>
        %add3A_602 = arith.addf %add3A_578, %mul3A_601 : vector<16xf32>
        %mul3A_603 = arith.mulf %gather3A_584, %bitcast_convert_type3A_600 : vector<16xf32>
        %add3A_604 = arith.addf %add3A_580, %mul3A_603 : vector<16xf32>
        %broadcast_in_dim3A_605 = arith.constant 4 : i32
        %broadcast_in_dim3A_606 = vector.broadcast %broadcast_in_dim3A_605 : i32 to vector<16x1xi32>
        %gather3A_607 = vector.shape_cast %broadcast_in_dim3A_606 : vector<16x1xi32> to vector<16xi32>
        %gather3A_608 = tpu.dynamic_gather %get3A_491[%gather3A_607] in [0] : vector<16xf32>, vector<16xi32> -> vector<16xf32>
        %add3A_609 = arith.constant 0 : i32
        %add3A_610 = arith.addi %add3A_508, %add3A_609 : i32
        %add3A_611 = arith.constant 4 : i32
        %add3A_612 = arith.addi %add3A_610, %add3A_611 : i32
        %get3A_613 = arith.index_cast %add3A_612 : i32 to index
        %get3A_614 = arith.constant 0 : index
        %get3A_615 = tpu.vector_load %arg12[%get3A_613, %get3A_614] {strides = array<i32>} : memref<768x16xi32, #tpu.memory_space<vmem>>, vector<1x16xi32>,
        %get3A_616 = vector.shape_cast %get3A_615 : vector<1x16xi32> to vector<16xi32>
        %shift_left3A_617 = arith.constant 16 : i32
        %shift_left3A_618 = vector.broadcast %shift_left3A_617 : i32 to vector<16xi32>
        %shift_left3A_619 = arith.shli %get3A_616, %shift_left3A_618 : vector<16xi32>
        %bitcast_convert_type3A_620 = tpu.bitcast %shift_left3A_619 : vector<16xi32> -> vector<16xf32>
        %and3A_621 = arith.constant -65536 : i32
        %and3A_622 = vector.broadcast %and3A_621 : i32 to vector<16xi32>
        %and3A_623 = arith.andi %get3A_616, %and3A_622 : vector<16xi32>
        %bitcast_convert_type3A_624 = tpu.bitcast %and3A_623 : vector<16xi32> -> vector<16xf32>
        %mul3A_625 = arith.mulf %gather3A_608, %bitcast_convert_type3A_620 : vector<16xf32>
        %add3A_626 = arith.addf %add3A_602, %mul3A_625 : vector<16xf32>
        %mul3A_627 = arith.mulf %gather3A_608, %bitcast_convert_type3A_624 : vector<16xf32>
        %add3A_628 = arith.addf %add3A_604, %mul3A_627 : vector<16xf32>
        %broadcast_in_dim3A_629 = arith.constant 5 : i32
        %broadcast_in_dim3A_630 = vector.broadcast %broadcast_in_dim3A_629 : i32 to vector<16x1xi32>
        %gather3A_631 = vector.shape_cast %broadcast_in_dim3A_630 : vector<16x1xi32> to vector<16xi32>
        %gather3A_632 = tpu.dynamic_gather %get3A_491[%gather3A_631] in [0] : vector<16xf32>, vector<16xi32> -> vector<16xf32>
        %add3A_633 = arith.constant 0 : i32
        %add3A_634 = arith.addi %add3A_508, %add3A_633 : i32
        %add3A_635 = arith.constant 5 : i32
        %add3A_636 = arith.addi %add3A_634, %add3A_635 : i32
        %get3A_637 = arith.index_cast %add3A_636 : i32 to index
        %get3A_638 = arith.constant 0 : index
        %get3A_639 = tpu.vector_load %arg12[%get3A_637, %get3A_638] {strides = array<i32>} : memref<768x16xi32, #tpu.memory_space<vmem>>, vector<1x16xi32>,
        %get3A_640 = vector.shape_cast %get3A_639 : vector<1x16xi32> to vector<16xi32>
        %shift_left3A_641 = arith.constant 16 : i32
        %shift_left3A_642 = vector.broadcast %shift_left3A_641 : i32 to vector<16xi32>
        %shift_left3A_643 = arith.shli %get3A_640, %shift_left3A_642 : vector<16xi32>
        %bitcast_convert_type3A_644 = tpu.bitcast %shift_left3A_643 : vector<16xi32> -> vector<16xf32>
        %and3A_645 = arith.constant -65536 : i32
        %and3A_646 = vector.broadcast %and3A_645 : i32 to vector<16xi32>
        %and3A_647 = arith.andi %get3A_640, %and3A_646 : vector<16xi32>
        %bitcast_convert_type3A_648 = tpu.bitcast %and3A_647 : vector<16xi32> -> vector<16xf32>
        %mul3A_649 = arith.mulf %gather3A_632, %bitcast_convert_type3A_644 : vector<16xf32>
        %add3A_650 = arith.addf %add3A_626, %mul3A_649 : vector<16xf32>
        %mul3A_651 = arith.mulf %gather3A_632, %bitcast_convert_type3A_648 : vector<16xf32>
        %add3A_652 = arith.addf %add3A_628, %mul3A_651 : vector<16xf32>
        %broadcast_in_dim3A_653 = arith.constant 6 : i32
        %broadcast_in_dim3A_654 = vector.broadcast %broadcast_in_dim3A_653 : i32 to vector<16x1xi32>
        %gather3A_655 = vector.shape_cast %broadcast_in_dim3A_654 : vector<16x1xi32> to vector<16xi32>
        %gather3A_656 = tpu.dynamic_gather %get3A_491[%gather3A_655] in [0] : vector<16xf32>, vector<16xi32> -> vector<16xf32>
        %add3A_657 = arith.constant 0 : i32
        %add3A_658 = arith.addi %add3A_508, %add3A_657 : i32
        %add3A_659 = arith.constant 6 : i32
        %add3A_660 = arith.addi %add3A_658, %add3A_659 : i32
        %get3A_661 = arith.index_cast %add3A_660 : i32 to index
        %get3A_662 = arith.constant 0 : index
        %get3A_663 = tpu.vector_load %arg12[%get3A_661, %get3A_662] {strides = array<i32>} : memref<768x16xi32, #tpu.memory_space<vmem>>, vector<1x16xi32>,
        %get3A_664 = vector.shape_cast %get3A_663 : vector<1x16xi32> to vector<16xi32>
        %shift_left3A_665 = arith.constant 16 : i32
        %shift_left3A_666 = vector.broadcast %shift_left3A_665 : i32 to vector<16xi32>
        %shift_left3A_667 = arith.shli %get3A_664, %shift_left3A_666 : vector<16xi32>
        %bitcast_convert_type3A_668 = tpu.bitcast %shift_left3A_667 : vector<16xi32> -> vector<16xf32>
        %and3A_669 = arith.constant -65536 : i32
        %and3A_670 = vector.broadcast %and3A_669 : i32 to vector<16xi32>
        %and3A_671 = arith.andi %get3A_664, %and3A_670 : vector<16xi32>
        %bitcast_convert_type3A_672 = tpu.bitcast %and3A_671 : vector<16xi32> -> vector<16xf32>
        %mul3A_673 = arith.mulf %gather3A_656, %bitcast_convert_type3A_668 : vector<16xf32>
        %add3A_674 = arith.addf %add3A_650, %mul3A_673 : vector<16xf32>
        %mul3A_675 = arith.mulf %gather3A_656, %bitcast_convert_type3A_672 : vector<16xf32>
        %add3A_676 = arith.addf %add3A_652, %mul3A_675 : vector<16xf32>
        %broadcast_in_dim3A_677 = arith.constant 7 : i32
        %broadcast_in_dim3A_678 = vector.broadcast %broadcast_in_dim3A_677 : i32 to vector<16x1xi32>
        %gather3A_679 = vector.shape_cast %broadcast_in_dim3A_678 : vector<16x1xi32> to vector<16xi32>
        %gather3A_680 = tpu.dynamic_gather %get3A_491[%gather3A_679] in [0] : vector<16xf32>, vector<16xi32> -> vector<16xf32>
        %add3A_681 = arith.constant 0 : i32
        %add3A_682 = arith.addi %add3A_508, %add3A_681 : i32
        %add3A_683 = arith.constant 7 : i32
        %add3A_684 = arith.addi %add3A_682, %add3A_683 : i32
        %get3A_685 = arith.index_cast %add3A_684 : i32 to index
        %get3A_686 = arith.constant 0 : index
        %get3A_687 = tpu.vector_load %arg12[%get3A_685, %get3A_686] {strides = array<i32>} : memref<768x16xi32, #tpu.memory_space<vmem>>, vector<1x16xi32>,
        %get3A_688 = vector.shape_cast %get3A_687 : vector<1x16xi32> to vector<16xi32>
        %shift_left3A_689 = arith.constant 16 : i32
        %shift_left3A_690 = vector.broadcast %shift_left3A_689 : i32 to vector<16xi32>
        %shift_left3A_691 = arith.shli %get3A_688, %shift_left3A_690 : vector<16xi32>
        %bitcast_convert_type3A_692 = tpu.bitcast %shift_left3A_691 : vector<16xi32> -> vector<16xf32>
        %and3A_693 = arith.constant -65536 : i32
        %and3A_694 = vector.broadcast %and3A_693 : i32 to vector<16xi32>
        %and3A_695 = arith.andi %get3A_688, %and3A_694 : vector<16xi32>
        %bitcast_convert_type3A_696 = tpu.bitcast %and3A_695 : vector<16xi32> -> vector<16xf32>
        %mul3A_697 = arith.mulf %gather3A_680, %bitcast_convert_type3A_692 : vector<16xf32>
        %add3A_698 = arith.addf %add3A_674, %mul3A_697 : vector<16xf32>
        %mul3A_699 = arith.mulf %gather3A_680, %bitcast_convert_type3A_696 : vector<16xf32>
        %add3A_700 = arith.addf %add3A_676, %mul3A_699 : vector<16xf32>
        %broadcast_in_dim3A_701 = arith.constant 8 : i32
        %broadcast_in_dim3A_702 = vector.broadcast %broadcast_in_dim3A_701 : i32 to vector<16x1xi32>
        %gather3A_703 = vector.shape_cast %broadcast_in_dim3A_702 : vector<16x1xi32> to vector<16xi32>
        %gather3A_704 = tpu.dynamic_gather %get3A_491[%gather3A_703] in [0] : vector<16xf32>, vector<16xi32> -> vector<16xf32>
        %add3A_705 = arith.constant 0 : i32
        %add3A_706 = arith.addi %add3A_508, %add3A_705 : i32
        %add3A_707 = arith.constant 8 : i32
        %add3A_708 = arith.addi %add3A_706, %add3A_707 : i32
        %get3A_709 = arith.index_cast %add3A_708 : i32 to index
        %get3A_710 = arith.constant 0 : index
        %get3A_711 = tpu.vector_load %arg12[%get3A_709, %get3A_710] {strides = array<i32>} : memref<768x16xi32, #tpu.memory_space<vmem>>, vector<1x16xi32>,
        %get3A_712 = vector.shape_cast %get3A_711 : vector<1x16xi32> to vector<16xi32>
        %shift_left3A_713 = arith.constant 16 : i32
        %shift_left3A_714 = vector.broadcast %shift_left3A_713 : i32 to vector<16xi32>
        %shift_left3A_715 = arith.shli %get3A_712, %shift_left3A_714 : vector<16xi32>
        %bitcast_convert_type3A_716 = tpu.bitcast %shift_left3A_715 : vector<16xi32> -> vector<16xf32>
        %and3A_717 = arith.constant -65536 : i32
        %and3A_718 = vector.broadcast %and3A_717 : i32 to vector<16xi32>
        %and3A_719 = arith.andi %get3A_712, %and3A_718 : vector<16xi32>
        %bitcast_convert_type3A_720 = tpu.bitcast %and3A_719 : vector<16xi32> -> vector<16xf32>
        %mul3A_721 = arith.mulf %gather3A_704, %bitcast_convert_type3A_716 : vector<16xf32>
        %add3A_722 = arith.addf %add3A_698, %mul3A_721 : vector<16xf32>
        %mul3A_723 = arith.mulf %gather3A_704, %bitcast_convert_type3A_720 : vector<16xf32>
        %add3A_724 = arith.addf %add3A_700, %mul3A_723 : vector<16xf32>
        %broadcast_in_dim3A_725 = arith.constant 9 : i32
        %broadcast_in_dim3A_726 = vector.broadcast %broadcast_in_dim3A_725 : i32 to vector<16x1xi32>
        %gather3A_727 = vector.shape_cast %broadcast_in_dim3A_726 : vector<16x1xi32> to vector<16xi32>
        %gather3A_728 = tpu.dynamic_gather %get3A_491[%gather3A_727] in [0] : vector<16xf32>, vector<16xi32> -> vector<16xf32>
        %add3A_729 = arith.constant 0 : i32
        %add3A_730 = arith.addi %add3A_508, %add3A_729 : i32
        %add3A_731 = arith.constant 9 : i32
        %add3A_732 = arith.addi %add3A_730, %add3A_731 : i32
        %get3A_733 = arith.index_cast %add3A_732 : i32 to index
        %get3A_734 = arith.constant 0 : index
        %get3A_735 = tpu.vector_load %arg12[%get3A_733, %get3A_734] {strides = array<i32>} : memref<768x16xi32, #tpu.memory_space<vmem>>, vector<1x16xi32>,
        %get3A_736 = vector.shape_cast %get3A_735 : vector<1x16xi32> to vector<16xi32>
        %shift_left3A_737 = arith.constant 16 : i32
        %shift_left3A_738 = vector.broadcast %shift_left3A_737 : i32 to vector<16xi32>
        %shift_left3A_739 = arith.shli %get3A_736, %shift_left3A_738 : vector<16xi32>
        %bitcast_convert_type3A_740 = tpu.bitcast %shift_left3A_739 : vector<16xi32> -> vector<16xf32>
        %and3A_741 = arith.constant -65536 : i32
        %and3A_742 = vector.broadcast %and3A_741 : i32 to vector<16xi32>
        %and3A_743 = arith.andi %get3A_736, %and3A_742 : vector<16xi32>
        %bitcast_convert_type3A_744 = tpu.bitcast %and3A_743 : vector<16xi32> -> vector<16xf32>
        %mul3A_745 = arith.mulf %gather3A_728, %bitcast_convert_type3A_740 : vector<16xf32>
        %add3A_746 = arith.addf %add3A_722, %mul3A_745 : vector<16xf32>
        %mul3A_747 = arith.mulf %gather3A_728, %bitcast_convert_type3A_744 : vector<16xf32>
        %add3A_748 = arith.addf %add3A_724, %mul3A_747 : vector<16xf32>
        %broadcast_in_dim3A_749 = arith.constant 10 : i32
        %broadcast_in_dim3A_750 = vector.broadcast %broadcast_in_dim3A_749 : i32 to vector<16x1xi32>
        %gather3A_751 = vector.shape_cast %broadcast_in_dim3A_750 : vector<16x1xi32> to vector<16xi32>
        %gather3A_752 = tpu.dynamic_gather %get3A_491[%gather3A_751] in [0] : vector<16xf32>, vector<16xi32> -> vector<16xf32>
        %add3A_753 = arith.constant 0 : i32
        %add3A_754 = arith.addi %add3A_508, %add3A_753 : i32
        %add3A_755 = arith.constant 10 : i32
        %add3A_756 = arith.addi %add3A_754, %add3A_755 : i32
        %get3A_757 = arith.index_cast %add3A_756 : i32 to index
        %get3A_758 = arith.constant 0 : index
        %get3A_759 = tpu.vector_load %arg12[%get3A_757, %get3A_758] {strides = array<i32>} : memref<768x16xi32, #tpu.memory_space<vmem>>, vector<1x16xi32>,
        %get3A_760 = vector.shape_cast %get3A_759 : vector<1x16xi32> to vector<16xi32>
        %shift_left3A_761 = arith.constant 16 : i32
        %shift_left3A_762 = vector.broadcast %shift_left3A_761 : i32 to vector<16xi32>
        %shift_left3A_763 = arith.shli %get3A_760, %shift_left3A_762 : vector<16xi32>
        %bitcast_convert_type3A_764 = tpu.bitcast %shift_left3A_763 : vector<16xi32> -> vector<16xf32>
        %and3A_765 = arith.constant -65536 : i32
        %and3A_766 = vector.broadcast %and3A_765 : i32 to vector<16xi32>
        %and3A_767 = arith.andi %get3A_760, %and3A_766 : vector<16xi32>
        %bitcast_convert_type3A_768 = tpu.bitcast %and3A_767 : vector<16xi32> -> vector<16xf32>
        %mul3A_769 = arith.mulf %gather3A_752, %bitcast_convert_type3A_764 : vector<16xf32>
        %add3A_770 = arith.addf %add3A_746, %mul3A_769 : vector<16xf32>
        %mul3A_771 = arith.mulf %gather3A_752, %bitcast_convert_type3A_768 : vector<16xf32>
        %add3A_772 = arith.addf %add3A_748, %mul3A_771 : vector<16xf32>
        %broadcast_in_dim3A_773 = arith.constant 11 : i32
        %broadcast_in_dim3A_774 = vector.broadcast %broadcast_in_dim3A_773 : i32 to vector<16x1xi32>
        %gather3A_775 = vector.shape_cast %broadcast_in_dim3A_774 : vector<16x1xi32> to vector<16xi32>
        %gather3A_776 = tpu.dynamic_gather %get3A_491[%gather3A_775] in [0] : vector<16xf32>, vector<16xi32> -> vector<16xf32>
        %add3A_777 = arith.constant 0 : i32
        %add3A_778 = arith.addi %add3A_508, %add3A_777 : i32
        %add3A_779 = arith.constant 11 : i32
        %add3A_780 = arith.addi %add3A_778, %add3A_779 : i32
        %get3A_781 = arith.index_cast %add3A_780 : i32 to index
        %get3A_782 = arith.constant 0 : index
        %get3A_783 = tpu.vector_load %arg12[%get3A_781, %get3A_782] {strides = array<i32>} : memref<768x16xi32, #tpu.memory_space<vmem>>, vector<1x16xi32>,
        %get3A_784 = vector.shape_cast %get3A_783 : vector<1x16xi32> to vector<16xi32>
        %shift_left3A_785 = arith.constant 16 : i32
        %shift_left3A_786 = vector.broadcast %shift_left3A_785 : i32 to vector<16xi32>
        %shift_left3A_787 = arith.shli %get3A_784, %shift_left3A_786 : vector<16xi32>
        %bitcast_convert_type3A_788 = tpu.bitcast %shift_left3A_787 : vector<16xi32> -> vector<16xf32>
        %and3A_789 = arith.constant -65536 : i32
        %and3A_790 = vector.broadcast %and3A_789 : i32 to vector<16xi32>
        %and3A_791 = arith.andi %get3A_784, %and3A_790 : vector<16xi32>
        %bitcast_convert_type3A_792 = tpu.bitcast %and3A_791 : vector<16xi32> -> vector<16xf32>
        %mul3A_793 = arith.mulf %gather3A_776, %bitcast_convert_type3A_788 : vector<16xf32>
        %add3A_794 = arith.addf %add3A_770, %mul3A_793 : vector<16xf32>
        %mul3A_795 = arith.mulf %gather3A_776, %bitcast_convert_type3A_792 : vector<16xf32>
        %add3A_796 = arith.addf %add3A_772, %mul3A_795 : vector<16xf32>
        %broadcast_in_dim3A_797 = arith.constant 12 : i32
        %broadcast_in_dim3A_798 = vector.broadcast %broadcast_in_dim3A_797 : i32 to vector<16x1xi32>
        %gather3A_799 = vector.shape_cast %broadcast_in_dim3A_798 : vector<16x1xi32> to vector<16xi32>
        %gather3A_800 = tpu.dynamic_gather %get3A_491[%gather3A_799] in [0] : vector<16xf32>, vector<16xi32> -> vector<16xf32>
        %add3A_801 = arith.constant 96 : i32
        %add3A_802 = arith.addi %add3A_508, %add3A_801 : i32
        %add3A_803 = arith.constant 0 : i32
        %add3A_804 = arith.addi %add3A_802, %add3A_803 : i32
        %get3A_805 = arith.index_cast %add3A_804 : i32 to index
        %get3A_806 = arith.constant 0 : index
        %get3A_807 = tpu.vector_load %arg12[%get3A_805, %get3A_806] {strides = array<i32>} : memref<768x16xi32, #tpu.memory_space<vmem>>, vector<1x16xi32>,
        %get3A_808 = vector.shape_cast %get3A_807 : vector<1x16xi32> to vector<16xi32>
        %shift_left3A_809 = arith.constant 16 : i32
        %shift_left3A_810 = vector.broadcast %shift_left3A_809 : i32 to vector<16xi32>
        %shift_left3A_811 = arith.shli %get3A_808, %shift_left3A_810 : vector<16xi32>
        %bitcast_convert_type3A_812 = tpu.bitcast %shift_left3A_811 : vector<16xi32> -> vector<16xf32>
        %and3A_813 = arith.constant -65536 : i32
        %and3A_814 = vector.broadcast %and3A_813 : i32 to vector<16xi32>
        %and3A_815 = arith.andi %get3A_808, %and3A_814 : vector<16xi32>
        %bitcast_convert_type3A_816 = tpu.bitcast %and3A_815 : vector<16xi32> -> vector<16xf32>
        %mul3A_817 = arith.mulf %gather3A_800, %bitcast_convert_type3A_812 : vector<16xf32>
        %add3A_818 = arith.addf %add3A_794, %mul3A_817 : vector<16xf32>
        %mul3A_819 = arith.mulf %gather3A_800, %bitcast_convert_type3A_816 : vector<16xf32>
        %add3A_820 = arith.addf %add3A_796, %mul3A_819 : vector<16xf32>
        %broadcast_in_dim3A_821 = arith.constant 13 : i32
        %broadcast_in_dim3A_822 = vector.broadcast %broadcast_in_dim3A_821 : i32 to vector<16x1xi32>
        %gather3A_823 = vector.shape_cast %broadcast_in_dim3A_822 : vector<16x1xi32> to vector<16xi32>
        %gather3A_824 = tpu.dynamic_gather %get3A_491[%gather3A_823] in [0] : vector<16xf32>, vector<16xi32> -> vector<16xf32>
        %add3A_825 = arith.constant 96 : i32
        %add3A_826 = arith.addi %add3A_508, %add3A_825 : i32
        %add3A_827 = arith.constant 1 : i32
        %add3A_828 = arith.addi %add3A_826, %add3A_827 : i32
        %get3A_829 = arith.index_cast %add3A_828 : i32 to index
        %get3A_830 = arith.constant 0 : index
        %get3A_831 = tpu.vector_load %arg12[%get3A_829, %get3A_830] {strides = array<i32>} : memref<768x16xi32, #tpu.memory_space<vmem>>, vector<1x16xi32>,
        %get3A_832 = vector.shape_cast %get3A_831 : vector<1x16xi32> to vector<16xi32>
        %shift_left3A_833 = arith.constant 16 : i32
        %shift_left3A_834 = vector.broadcast %shift_left3A_833 : i32 to vector<16xi32>
        %shift_left3A_835 = arith.shli %get3A_832, %shift_left3A_834 : vector<16xi32>
        %bitcast_convert_type3A_836 = tpu.bitcast %shift_left3A_835 : vector<16xi32> -> vector<16xf32>
        %and3A_837 = arith.constant -65536 : i32
        %and3A_838 = vector.broadcast %and3A_837 : i32 to vector<16xi32>
        %and3A_839 = arith.andi %get3A_832, %and3A_838 : vector<16xi32>
        %bitcast_convert_type3A_840 = tpu.bitcast %and3A_839 : vector<16xi32> -> vector<16xf32>
        %mul3A_841 = arith.mulf %gather3A_824, %bitcast_convert_type3A_836 : vector<16xf32>
        %add3A_842 = arith.addf %add3A_818, %mul3A_841 : vector<16xf32>
        %mul3A_843 = arith.mulf %gather3A_824, %bitcast_convert_type3A_840 : vector<16xf32>
        %add3A_844 = arith.addf %add3A_820, %mul3A_843 : vector<16xf32>
        %broadcast_in_dim3A_845 = arith.constant 14 : i32
        %broadcast_in_dim3A_846 = vector.broadcast %broadcast_in_dim3A_845 : i32 to vector<16x1xi32>
        %gather3A_847 = vector.shape_cast %broadcast_in_dim3A_846 : vector<16x1xi32> to vector<16xi32>
        %gather3A_848 = tpu.dynamic_gather %get3A_491[%gather3A_847] in [0] : vector<16xf32>, vector<16xi32> -> vector<16xf32>
        %add3A_849 = arith.constant 96 : i32
        %add3A_850 = arith.addi %add3A_508, %add3A_849 : i32
        %add3A_851 = arith.constant 2 : i32
        %add3A_852 = arith.addi %add3A_850, %add3A_851 : i32
        %get3A_853 = arith.index_cast %add3A_852 : i32 to index
        %get3A_854 = arith.constant 0 : index
        %get3A_855 = tpu.vector_load %arg12[%get3A_853, %get3A_854] {strides = array<i32>} : memref<768x16xi32, #tpu.memory_space<vmem>>, vector<1x16xi32>,
        %get3A_856 = vector.shape_cast %get3A_855 : vector<1x16xi32> to vector<16xi32>
        %shift_left3A_857 = arith.constant 16 : i32
        %shift_left3A_858 = vector.broadcast %shift_left3A_857 : i32 to vector<16xi32>
        %shift_left3A_859 = arith.shli %get3A_856, %shift_left3A_858 : vector<16xi32>
        %bitcast_convert_type3A_860 = tpu.bitcast %shift_left3A_859 : vector<16xi32> -> vector<16xf32>
        %and3A_861 = arith.constant -65536 : i32
        %and3A_862 = vector.broadcast %and3A_861 : i32 to vector<16xi32>
        %and3A_863 = arith.andi %get3A_856, %and3A_862 : vector<16xi32>
        %bitcast_convert_type3A_864 = tpu.bitcast %and3A_863 : vector<16xi32> -> vector<16xf32>
        %mul3A_865 = arith.mulf %gather3A_848, %bitcast_convert_type3A_860 : vector<16xf32>
        %add3A_866 = arith.addf %add3A_842, %mul3A_865 : vector<16xf32>
        %mul3A_867 = arith.mulf %gather3A_848, %bitcast_convert_type3A_864 : vector<16xf32>
        %add3A_868 = arith.addf %add3A_844, %mul3A_867 : vector<16xf32>
        %broadcast_in_dim3A_869 = arith.constant 15 : i32
        %broadcast_in_dim3A_870 = vector.broadcast %broadcast_in_dim3A_869 : i32 to vector<16x1xi32>
        %gather3A_871 = vector.shape_cast %broadcast_in_dim3A_870 : vector<16x1xi32> to vector<16xi32>
        %gather3A_872 = tpu.dynamic_gather %get3A_491[%gather3A_871] in [0] : vector<16xf32>, vector<16xi32> -> vector<16xf32>
        %add3A_873 = arith.constant 96 : i32
        %add3A_874 = arith.addi %add3A_508, %add3A_873 : i32
        %add3A_875 = arith.constant 3 : i32
        %add3A_876 = arith.addi %add3A_874, %add3A_875 : i32
        %get3A_877 = arith.index_cast %add3A_876 : i32 to index
        %get3A_878 = arith.constant 0 : index
        %get3A_879 = tpu.vector_load %arg12[%get3A_877, %get3A_878] {strides = array<i32>} : memref<768x16xi32, #tpu.memory_space<vmem>>, vector<1x16xi32>,
        %get3A_880 = vector.shape_cast %get3A_879 : vector<1x16xi32> to vector<16xi32>
        %shift_left3A_881 = arith.constant 16 : i32
        %shift_left3A_882 = vector.broadcast %shift_left3A_881 : i32 to vector<16xi32>
        %shift_left3A_883 = arith.shli %get3A_880, %shift_left3A_882 : vector<16xi32>
        %bitcast_convert_type3A_884 = tpu.bitcast %shift_left3A_883 : vector<16xi32> -> vector<16xf32>
        %and3A_885 = arith.constant -65536 : i32
        %and3A_886 = vector.broadcast %and3A_885 : i32 to vector<16xi32>
        %and3A_887 = arith.andi %get3A_880, %and3A_886 : vector<16xi32>
        %bitcast_convert_type3A_888 = tpu.bitcast %and3A_887 : vector<16xi32> -> vector<16xf32>
        %mul3A_889 = arith.mulf %gather3A_872, %bitcast_convert_type3A_884 : vector<16xf32>
        %add3A_890 = arith.addf %add3A_866, %mul3A_889 : vector<16xf32>
        %mul3A_891 = arith.mulf %gather3A_872, %bitcast_convert_type3A_888 : vector<16xf32>
        %add3A_892 = arith.addf %add3A_868, %mul3A_891 : vector<16xf32>
        %broadcast_in_dim3A_893 = arith.constant 0 : i32
        %broadcast_in_dim3A_894 = vector.broadcast %broadcast_in_dim3A_893 : i32 to vector<16x1xi32>
        %gather3A_895 = vector.shape_cast %broadcast_in_dim3A_894 : vector<16x1xi32> to vector<16xi32>
        %gather3A_896 = tpu.dynamic_gather %get3A_497[%gather3A_895] in [0] : vector<16xf32>, vector<16xi32> -> vector<16xf32>
        %add3A_897 = arith.constant 96 : i32
        %add3A_898 = arith.addi %add3A_508, %add3A_897 : i32
        %add3A_899 = arith.constant 4 : i32
        %add3A_900 = arith.addi %add3A_898, %add3A_899 : i32
        %get3A_901 = arith.index_cast %add3A_900 : i32 to index
        %get3A_902 = arith.constant 0 : index
        %get3A_903 = tpu.vector_load %arg12[%get3A_901, %get3A_902] {strides = array<i32>} : memref<768x16xi32, #tpu.memory_space<vmem>>, vector<1x16xi32>,
        %get3A_904 = vector.shape_cast %get3A_903 : vector<1x16xi32> to vector<16xi32>
        %shift_left3A_905 = arith.constant 16 : i32
        %shift_left3A_906 = vector.broadcast %shift_left3A_905 : i32 to vector<16xi32>
        %shift_left3A_907 = arith.shli %get3A_904, %shift_left3A_906 : vector<16xi32>
        %bitcast_convert_type3A_908 = tpu.bitcast %shift_left3A_907 : vector<16xi32> -> vector<16xf32>
        %and3A_909 = arith.constant -65536 : i32
        %and3A_910 = vector.broadcast %and3A_909 : i32 to vector<16xi32>
        %and3A_911 = arith.andi %get3A_904, %and3A_910 : vector<16xi32>
        %bitcast_convert_type3A_912 = tpu.bitcast %and3A_911 : vector<16xi32> -> vector<16xf32>
        %mul3A_913 = arith.mulf %gather3A_896, %bitcast_convert_type3A_908 : vector<16xf32>
        %add3A_914 = arith.addf %add3A_890, %mul3A_913 : vector<16xf32>
        %mul3A_915 = arith.mulf %gather3A_896, %bitcast_convert_type3A_912 : vector<16xf32>
        %add3A_916 = arith.addf %add3A_892, %mul3A_915 : vector<16xf32>
        %broadcast_in_dim3A_917 = arith.constant 1 : i32
        %broadcast_in_dim3A_918 = vector.broadcast %broadcast_in_dim3A_917 : i32 to vector<16x1xi32>
        %gather3A_919 = vector.shape_cast %broadcast_in_dim3A_918 : vector<16x1xi32> to vector<16xi32>
        %gather3A_920 = tpu.dynamic_gather %get3A_497[%gather3A_919] in [0] : vector<16xf32>, vector<16xi32> -> vector<16xf32>
        %add3A_921 = arith.constant 96 : i32
        %add3A_922 = arith.addi %add3A_508, %add3A_921 : i32
        %add3A_923 = arith.constant 5 : i32
        %add3A_924 = arith.addi %add3A_922, %add3A_923 : i32
        %get3A_925 = arith.index_cast %add3A_924 : i32 to index
        %get3A_926 = arith.constant 0 : index
        %get3A_927 = tpu.vector_load %arg12[%get3A_925, %get3A_926] {strides = array<i32>} : memref<768x16xi32, #tpu.memory_space<vmem>>, vector<1x16xi32>,
        %get3A_928 = vector.shape_cast %get3A_927 : vector<1x16xi32> to vector<16xi32>
        %shift_left3A_929 = arith.constant 16 : i32
        %shift_left3A_930 = vector.broadcast %shift_left3A_929 : i32 to vector<16xi32>
        %shift_left3A_931 = arith.shli %get3A_928, %shift_left3A_930 : vector<16xi32>
        %bitcast_convert_type3A_932 = tpu.bitcast %shift_left3A_931 : vector<16xi32> -> vector<16xf32>
        %and3A_933 = arith.constant -65536 : i32
        %and3A_934 = vector.broadcast %and3A_933 : i32 to vector<16xi32>
        %and3A_935 = arith.andi %get3A_928, %and3A_934 : vector<16xi32>
        %bitcast_convert_type3A_936 = tpu.bitcast %and3A_935 : vector<16xi32> -> vector<16xf32>
        %mul3A_937 = arith.mulf %gather3A_920, %bitcast_convert_type3A_932 : vector<16xf32>
        %add3A_938 = arith.addf %add3A_914, %mul3A_937 : vector<16xf32>
        %mul3A_939 = arith.mulf %gather3A_920, %bitcast_convert_type3A_936 : vector<16xf32>
        %add3A_940 = arith.addf %add3A_916, %mul3A_939 : vector<16xf32>
        %broadcast_in_dim3A_941 = arith.constant 2 : i32
        %broadcast_in_dim3A_942 = vector.broadcast %broadcast_in_dim3A_941 : i32 to vector<16x1xi32>
        %gather3A_943 = vector.shape_cast %broadcast_in_dim3A_942 : vector<16x1xi32> to vector<16xi32>
        %gather3A_944 = tpu.dynamic_gather %get3A_497[%gather3A_943] in [0] : vector<16xf32>, vector<16xi32> -> vector<16xf32>
        %add3A_945 = arith.constant 96 : i32
        %add3A_946 = arith.addi %add3A_508, %add3A_945 : i32
        %add3A_947 = arith.constant 6 : i32
        %add3A_948 = arith.addi %add3A_946, %add3A_947 : i32
        %get3A_949 = arith.index_cast %add3A_948 : i32 to index
        %get3A_950 = arith.constant 0 : index
        %get3A_951 = tpu.vector_load %arg12[%get3A_949, %get3A_950] {strides = array<i32>} : memref<768x16xi32, #tpu.memory_space<vmem>>, vector<1x16xi32>,
        %get3A_952 = vector.shape_cast %get3A_951 : vector<1x16xi32> to vector<16xi32>
        %shift_left3A_953 = arith.constant 16 : i32
        %shift_left3A_954 = vector.broadcast %shift_left3A_953 : i32 to vector<16xi32>
        %shift_left3A_955 = arith.shli %get3A_952, %shift_left3A_954 : vector<16xi32>
        %bitcast_convert_type3A_956 = tpu.bitcast %shift_left3A_955 : vector<16xi32> -> vector<16xf32>
        %and3A_957 = arith.constant -65536 : i32
        %and3A_958 = vector.broadcast %and3A_957 : i32 to vector<16xi32>
        %and3A_959 = arith.andi %get3A_952, %and3A_958 : vector<16xi32>
        %bitcast_convert_type3A_960 = tpu.bitcast %and3A_959 : vector<16xi32> -> vector<16xf32>
        %mul3A_961 = arith.mulf %gather3A_944, %bitcast_convert_type3A_956 : vector<16xf32>
        %add3A_962 = arith.addf %add3A_938, %mul3A_961 : vector<16xf32>
        %mul3A_963 = arith.mulf %gather3A_944, %bitcast_convert_type3A_960 : vector<16xf32>
        %add3A_964 = arith.addf %add3A_940, %mul3A_963 : vector<16xf32>
        %broadcast_in_dim3A_965 = arith.constant 3 : i32
        %broadcast_in_dim3A_966 = vector.broadcast %broadcast_in_dim3A_965 : i32 to vector<16x1xi32>
        %gather3A_967 = vector.shape_cast %broadcast_in_dim3A_966 : vector<16x1xi32> to vector<16xi32>
        %gather3A_968 = tpu.dynamic_gather %get3A_497[%gather3A_967] in [0] : vector<16xf32>, vector<16xi32> -> vector<16xf32>
        %add3A_969 = arith.constant 96 : i32
        %add3A_970 = arith.addi %add3A_508, %add3A_969 : i32
        %add3A_971 = arith.constant 7 : i32
        %add3A_972 = arith.addi %add3A_970, %add3A_971 : i32
        %get3A_973 = arith.index_cast %add3A_972 : i32 to index
        %get3A_974 = arith.constant 0 : index
        %get3A_975 = tpu.vector_load %arg12[%get3A_973, %get3A_974] {strides = array<i32>} : memref<768x16xi32, #tpu.memory_space<vmem>>, vector<1x16xi32>,
        %get3A_976 = vector.shape_cast %get3A_975 : vector<1x16xi32> to vector<16xi32>
        %shift_left3A_977 = arith.constant 16 : i32
        %shift_left3A_978 = vector.broadcast %shift_left3A_977 : i32 to vector<16xi32>
        %shift_left3A_979 = arith.shli %get3A_976, %shift_left3A_978 : vector<16xi32>
        %bitcast_convert_type3A_980 = tpu.bitcast %shift_left3A_979 : vector<16xi32> -> vector<16xf32>
        %and3A_981 = arith.constant -65536 : i32
        %and3A_982 = vector.broadcast %and3A_981 : i32 to vector<16xi32>
        %and3A_983 = arith.andi %get3A_976, %and3A_982 : vector<16xi32>
        %bitcast_convert_type3A_984 = tpu.bitcast %and3A_983 : vector<16xi32> -> vector<16xf32>
        %mul3A_985 = arith.mulf %gather3A_968, %bitcast_convert_type3A_980 : vector<16xf32>
        %add3A_986 = arith.addf %add3A_962, %mul3A_985 : vector<16xf32>
        %mul3A_987 = arith.mulf %gather3A_968, %bitcast_convert_type3A_984 : vector<16xf32>
        %add3A_988 = arith.addf %add3A_964, %mul3A_987 : vector<16xf32>
        %broadcast_in_dim3A_989 = arith.constant 4 : i32
        %broadcast_in_dim3A_990 = vector.broadcast %broadcast_in_dim3A_989 : i32 to vector<16x1xi32>
        %gather3A_991 = vector.shape_cast %broadcast_in_dim3A_990 : vector<16x1xi32> to vector<16xi32>
        %gather3A_992 = tpu.dynamic_gather %get3A_497[%gather3A_991] in [0] : vector<16xf32>, vector<16xi32> -> vector<16xf32>
        %add3A_993 = arith.constant 96 : i32
        %add3A_994 = arith.addi %add3A_508, %add3A_993 : i32
        %add3A_995 = arith.constant 8 : i32
        %add3A_996 = arith.addi %add3A_994, %add3A_995 : i32
        %get3A_997 = arith.index_cast %add3A_996 : i32 to index
        %get3A_998 = arith.constant 0 : index
        %get3A_999 = tpu.vector_load %arg12[%get3A_997, %get3A_998] {strides = array<i32>} : memref<768x16xi32, #tpu.memory_space<vmem>>, vector<1x16xi32>,
        %get3A_1000 = vector.shape_cast %get3A_999 : vector<1x16xi32> to vector<16xi32>
        %shift_left3A_1001 = arith.constant 16 : i32
        %shift_left3A_1002 = vector.broadcast %shift_left3A_1001 : i32 to vector<16xi32>
        %shift_left3A_1003 = arith.shli %get3A_1000, %shift_left3A_1002 : vector<16xi32>
        %bitcast_convert_type3A_1004 = tpu.bitcast %shift_left3A_1003 : vector<16xi32> -> vector<16xf32>
        %and3A_1005 = arith.constant -65536 : i32
        %and3A_1006 = vector.broadcast %and3A_1005 : i32 to vector<16xi32>
        %and3A_1007 = arith.andi %get3A_1000, %and3A_1006 : vector<16xi32>
        %bitcast_convert_type3A_1008 = tpu.bitcast %and3A_1007 : vector<16xi32> -> vector<16xf32>
        %mul3A_1009 = arith.mulf %gather3A_992, %bitcast_convert_type3A_1004 : vector<16xf32>
        %add3A_1010 = arith.addf %add3A_986, %mul3A_1009 : vector<16xf32>
        %mul3A_1011 = arith.mulf %gather3A_992, %bitcast_convert_type3A_1008 : vector<16xf32>
        %add3A_1012 = arith.addf %add3A_988, %mul3A_1011 : vector<16xf32>
        %broadcast_in_dim3A_1013 = arith.constant 5 : i32
        %broadcast_in_dim3A_1014 = vector.broadcast %broadcast_in_dim3A_1013 : i32 to vector<16x1xi32>
        %gather3A_1015 = vector.shape_cast %broadcast_in_dim3A_1014 : vector<16x1xi32> to vector<16xi32>
        %gather3A_1016 = tpu.dynamic_gather %get3A_497[%gather3A_1015] in [0] : vector<16xf32>, vector<16xi32> -> vector<16xf32>
        %add3A_1017 = arith.constant 96 : i32
        %add3A_1018 = arith.addi %add3A_508, %add3A_1017 : i32
        %add3A_1019 = arith.constant 9 : i32
        %add3A_1020 = arith.addi %add3A_1018, %add3A_1019 : i32
        %get3A_1021 = arith.index_cast %add3A_1020 : i32 to index
        %get3A_1022 = arith.constant 0 : index
        %get3A_1023 = tpu.vector_load %arg12[%get3A_1021, %get3A_1022] {strides = array<i32>} : memref<768x16xi32, #tpu.memory_space<vmem>>, vector<1x16xi32>,
        %get3A_1024 = vector.shape_cast %get3A_1023 : vector<1x16xi32> to vector<16xi32>
        %shift_left3A_1025 = arith.constant 16 : i32
        %shift_left3A_1026 = vector.broadcast %shift_left3A_1025 : i32 to vector<16xi32>
        %shift_left3A_1027 = arith.shli %get3A_1024, %shift_left3A_1026 : vector<16xi32>
        %bitcast_convert_type3A_1028 = tpu.bitcast %shift_left3A_1027 : vector<16xi32> -> vector<16xf32>
        %and3A_1029 = arith.constant -65536 : i32
        %and3A_1030 = vector.broadcast %and3A_1029 : i32 to vector<16xi32>
        %and3A_1031 = arith.andi %get3A_1024, %and3A_1030 : vector<16xi32>
        %bitcast_convert_type3A_1032 = tpu.bitcast %and3A_1031 : vector<16xi32> -> vector<16xf32>
        %mul3A_1033 = arith.mulf %gather3A_1016, %bitcast_convert_type3A_1028 : vector<16xf32>
        %add3A_1034 = arith.addf %add3A_1010, %mul3A_1033 : vector<16xf32>
        %mul3A_1035 = arith.mulf %gather3A_1016, %bitcast_convert_type3A_1032 : vector<16xf32>
        %add3A_1036 = arith.addf %add3A_1012, %mul3A_1035 : vector<16xf32>
        %broadcast_in_dim3A_1037 = arith.constant 6 : i32
        %broadcast_in_dim3A_1038 = vector.broadcast %broadcast_in_dim3A_1037 : i32 to vector<16x1xi32>
        %gather3A_1039 = vector.shape_cast %broadcast_in_dim3A_1038 : vector<16x1xi32> to vector<16xi32>
        %gather3A_1040 = tpu.dynamic_gather %get3A_497[%gather3A_1039] in [0] : vector<16xf32>, vector<16xi32> -> vector<16xf32>
        %add3A_1041 = arith.constant 96 : i32
        %add3A_1042 = arith.addi %add3A_508, %add3A_1041 : i32
        %add3A_1043 = arith.constant 10 : i32
        %add3A_1044 = arith.addi %add3A_1042, %add3A_1043 : i32
        %get3A_1045 = arith.index_cast %add3A_1044 : i32 to index
        %get3A_1046 = arith.constant 0 : index
        %get3A_1047 = tpu.vector_load %arg12[%get3A_1045, %get3A_1046] {strides = array<i32>} : memref<768x16xi32, #tpu.memory_space<vmem>>, vector<1x16xi32>,
        %get3A_1048 = vector.shape_cast %get3A_1047 : vector<1x16xi32> to vector<16xi32>
        %shift_left3A_1049 = arith.constant 16 : i32
        %shift_left3A_1050 = vector.broadcast %shift_left3A_1049 : i32 to vector<16xi32>
        %shift_left3A_1051 = arith.shli %get3A_1048, %shift_left3A_1050 : vector<16xi32>
        %bitcast_convert_type3A_1052 = tpu.bitcast %shift_left3A_1051 : vector<16xi32> -> vector<16xf32>
        %and3A_1053 = arith.constant -65536 : i32
        %and3A_1054 = vector.broadcast %and3A_1053 : i32 to vector<16xi32>
        %and3A_1055 = arith.andi %get3A_1048, %and3A_1054 : vector<16xi32>
        %bitcast_convert_type3A_1056 = tpu.bitcast %and3A_1055 : vector<16xi32> -> vector<16xf32>
        %mul3A_1057 = arith.mulf %gather3A_1040, %bitcast_convert_type3A_1052 : vector<16xf32>
        %add3A_1058 = arith.addf %add3A_1034, %mul3A_1057 : vector<16xf32>
        %mul3A_1059 = arith.mulf %gather3A_1040, %bitcast_convert_type3A_1056 : vector<16xf32>
        %add3A_1060 = arith.addf %add3A_1036, %mul3A_1059 : vector<16xf32>
        %broadcast_in_dim3A_1061 = arith.constant 7 : i32
        %broadcast_in_dim3A_1062 = vector.broadcast %broadcast_in_dim3A_1061 : i32 to vector<16x1xi32>
        %gather3A_1063 = vector.shape_cast %broadcast_in_dim3A_1062 : vector<16x1xi32> to vector<16xi32>
        %gather3A_1064 = tpu.dynamic_gather %get3A_497[%gather3A_1063] in [0] : vector<16xf32>, vector<16xi32> -> vector<16xf32>
        %add3A_1065 = arith.constant 96 : i32
        %add3A_1066 = arith.addi %add3A_508, %add3A_1065 : i32
        %add3A_1067 = arith.constant 11 : i32
        %add3A_1068 = arith.addi %add3A_1066, %add3A_1067 : i32
        %get3A_1069 = arith.index_cast %add3A_1068 : i32 to index
        %get3A_1070 = arith.constant 0 : index
        %get3A_1071 = tpu.vector_load %arg12[%get3A_1069, %get3A_1070] {strides = array<i32>} : memref<768x16xi32, #tpu.memory_space<vmem>>, vector<1x16xi32>,
        %get3A_1072 = vector.shape_cast %get3A_1071 : vector<1x16xi32> to vector<16xi32>
        %shift_left3A_1073 = arith.constant 16 : i32
        %shift_left3A_1074 = vector.broadcast %shift_left3A_1073 : i32 to vector<16xi32>
        %shift_left3A_1075 = arith.shli %get3A_1072, %shift_left3A_1074 : vector<16xi32>
        %bitcast_convert_type3A_1076 = tpu.bitcast %shift_left3A_1075 : vector<16xi32> -> vector<16xf32>
        %and3A_1077 = arith.constant -65536 : i32
        %and3A_1078 = vector.broadcast %and3A_1077 : i32 to vector<16xi32>
        %and3A_1079 = arith.andi %get3A_1072, %and3A_1078 : vector<16xi32>
        %bitcast_convert_type3A_1080 = tpu.bitcast %and3A_1079 : vector<16xi32> -> vector<16xf32>
        %mul3A_1081 = arith.mulf %gather3A_1064, %bitcast_convert_type3A_1076 : vector<16xf32>
        %add3A_1082 = arith.addf %add3A_1058, %mul3A_1081 : vector<16xf32>
        %mul3A_1083 = arith.mulf %gather3A_1064, %bitcast_convert_type3A_1080 : vector<16xf32>
        %add3A_1084 = arith.addf %add3A_1060, %mul3A_1083 : vector<16xf32>
        %broadcast_in_dim3A_1085 = arith.constant 8 : i32
        %broadcast_in_dim3A_1086 = vector.broadcast %broadcast_in_dim3A_1085 : i32 to vector<16x1xi32>
        %gather3A_1087 = vector.shape_cast %broadcast_in_dim3A_1086 : vector<16x1xi32> to vector<16xi32>
        %gather3A_1088 = tpu.dynamic_gather %get3A_497[%gather3A_1087] in [0] : vector<16xf32>, vector<16xi32> -> vector<16xf32>
        %add3A_1089 = arith.constant 192 : i32
        %add3A_1090 = arith.addi %add3A_508, %add3A_1089 : i32
        %add3A_1091 = arith.constant 0 : i32
        %add3A_1092 = arith.addi %add3A_1090, %add3A_1091 : i32
        %get3A_1093 = arith.index_cast %add3A_1092 : i32 to index
        %get3A_1094 = arith.constant 0 : index
        %get3A_1095 = tpu.vector_load %arg12[%get3A_1093, %get3A_1094] {strides = array<i32>} : memref<768x16xi32, #tpu.memory_space<vmem>>, vector<1x16xi32>,
        %get3A_1096 = vector.shape_cast %get3A_1095 : vector<1x16xi32> to vector<16xi32>
        %shift_left3A_1097 = arith.constant 16 : i32
        %shift_left3A_1098 = vector.broadcast %shift_left3A_1097 : i32 to vector<16xi32>
        %shift_left3A_1099 = arith.shli %get3A_1096, %shift_left3A_1098 : vector<16xi32>
        %bitcast_convert_type3A_1100 = tpu.bitcast %shift_left3A_1099 : vector<16xi32> -> vector<16xf32>
        %and3A_1101 = arith.constant -65536 : i32
        %and3A_1102 = vector.broadcast %and3A_1101 : i32 to vector<16xi32>
        %and3A_1103 = arith.andi %get3A_1096, %and3A_1102 : vector<16xi32>
        %bitcast_convert_type3A_1104 = tpu.bitcast %and3A_1103 : vector<16xi32> -> vector<16xf32>
        %mul3A_1105 = arith.mulf %gather3A_1088, %bitcast_convert_type3A_1100 : vector<16xf32>
        %add3A_1106 = arith.addf %add3A_1082, %mul3A_1105 : vector<16xf32>
        %mul3A_1107 = arith.mulf %gather3A_1088, %bitcast_convert_type3A_1104 : vector<16xf32>
        %add3A_1108 = arith.addf %add3A_1084, %mul3A_1107 : vector<16xf32>
        %broadcast_in_dim3A_1109 = arith.constant 9 : i32
        %broadcast_in_dim3A_1110 = vector.broadcast %broadcast_in_dim3A_1109 : i32 to vector<16x1xi32>
        %gather3A_1111 = vector.shape_cast %broadcast_in_dim3A_1110 : vector<16x1xi32> to vector<16xi32>
        %gather3A_1112 = tpu.dynamic_gather %get3A_497[%gather3A_1111] in [0] : vector<16xf32>, vector<16xi32> -> vector<16xf32>
        %add3A_1113 = arith.constant 192 : i32
        %add3A_1114 = arith.addi %add3A_508, %add3A_1113 : i32
        %add3A_1115 = arith.constant 1 : i32
        %add3A_1116 = arith.addi %add3A_1114, %add3A_1115 : i32
        %get3A_1117 = arith.index_cast %add3A_1116 : i32 to index
        %get3A_1118 = arith.constant 0 : index
        %get3A_1119 = tpu.vector_load %arg12[%get3A_1117, %get3A_1118] {strides = array<i32>} : memref<768x16xi32, #tpu.memory_space<vmem>>, vector<1x16xi32>,
        %get3A_1120 = vector.shape_cast %get3A_1119 : vector<1x16xi32> to vector<16xi32>
        %shift_left3A_1121 = arith.constant 16 : i32
        %shift_left3A_1122 = vector.broadcast %shift_left3A_1121 : i32 to vector<16xi32>
        %shift_left3A_1123 = arith.shli %get3A_1120, %shift_left3A_1122 : vector<16xi32>
        %bitcast_convert_type3A_1124 = tpu.bitcast %shift_left3A_1123 : vector<16xi32> -> vector<16xf32>
        %and3A_1125 = arith.constant -65536 : i32
        %and3A_1126 = vector.broadcast %and3A_1125 : i32 to vector<16xi32>
        %and3A_1127 = arith.andi %get3A_1120, %and3A_1126 : vector<16xi32>
        %bitcast_convert_type3A_1128 = tpu.bitcast %and3A_1127 : vector<16xi32> -> vector<16xf32>
        %mul3A_1129 = arith.mulf %gather3A_1112, %bitcast_convert_type3A_1124 : vector<16xf32>
        %add3A_1130 = arith.addf %add3A_1106, %mul3A_1129 : vector<16xf32>
        %mul3A_1131 = arith.mulf %gather3A_1112, %bitcast_convert_type3A_1128 : vector<16xf32>
        %add3A_1132 = arith.addf %add3A_1108, %mul3A_1131 : vector<16xf32>
        %broadcast_in_dim3A_1133 = arith.constant 10 : i32
        %broadcast_in_dim3A_1134 = vector.broadcast %broadcast_in_dim3A_1133 : i32 to vector<16x1xi32>
        %gather3A_1135 = vector.shape_cast %broadcast_in_dim3A_1134 : vector<16x1xi32> to vector<16xi32>
        %gather3A_1136 = tpu.dynamic_gather %get3A_497[%gather3A_1135] in [0] : vector<16xf32>, vector<16xi32> -> vector<16xf32>
        %add3A_1137 = arith.constant 192 : i32
        %add3A_1138 = arith.addi %add3A_508, %add3A_1137 : i32
        %add3A_1139 = arith.constant 2 : i32
        %add3A_1140 = arith.addi %add3A_1138, %add3A_1139 : i32
        %get3A_1141 = arith.index_cast %add3A_1140 : i32 to index
        %get3A_1142 = arith.constant 0 : index
        %get3A_1143 = tpu.vector_load %arg12[%get3A_1141, %get3A_1142] {strides = array<i32>} : memref<768x16xi32, #tpu.memory_space<vmem>>, vector<1x16xi32>,
        %get3A_1144 = vector.shape_cast %get3A_1143 : vector<1x16xi32> to vector<16xi32>
        %shift_left3A_1145 = arith.constant 16 : i32
        %shift_left3A_1146 = vector.broadcast %shift_left3A_1145 : i32 to vector<16xi32>
        %shift_left3A_1147 = arith.shli %get3A_1144, %shift_left3A_1146 : vector<16xi32>
        %bitcast_convert_type3A_1148 = tpu.bitcast %shift_left3A_1147 : vector<16xi32> -> vector<16xf32>
        %and3A_1149 = arith.constant -65536 : i32
        %and3A_1150 = vector.broadcast %and3A_1149 : i32 to vector<16xi32>
        %and3A_1151 = arith.andi %get3A_1144, %and3A_1150 : vector<16xi32>
        %bitcast_convert_type3A_1152 = tpu.bitcast %and3A_1151 : vector<16xi32> -> vector<16xf32>
        %mul3A_1153 = arith.mulf %gather3A_1136, %bitcast_convert_type3A_1148 : vector<16xf32>
        %add3A_1154 = arith.addf %add3A_1130, %mul3A_1153 : vector<16xf32>
        %mul3A_1155 = arith.mulf %gather3A_1136, %bitcast_convert_type3A_1152 : vector<16xf32>
        %add3A_1156 = arith.addf %add3A_1132, %mul3A_1155 : vector<16xf32>
        %broadcast_in_dim3A_1157 = arith.constant 11 : i32
        %broadcast_in_dim3A_1158 = vector.broadcast %broadcast_in_dim3A_1157 : i32 to vector<16x1xi32>
        %gather3A_1159 = vector.shape_cast %broadcast_in_dim3A_1158 : vector<16x1xi32> to vector<16xi32>
        %gather3A_1160 = tpu.dynamic_gather %get3A_497[%gather3A_1159] in [0] : vector<16xf32>, vector<16xi32> -> vector<16xf32>
        %add3A_1161 = arith.constant 192 : i32
        %add3A_1162 = arith.addi %add3A_508, %add3A_1161 : i32
        %add3A_1163 = arith.constant 3 : i32
        %add3A_1164 = arith.addi %add3A_1162, %add3A_1163 : i32
        %get3A_1165 = arith.index_cast %add3A_1164 : i32 to index
        %get3A_1166 = arith.constant 0 : index
        %get3A_1167 = tpu.vector_load %arg12[%get3A_1165, %get3A_1166] {strides = array<i32>} : memref<768x16xi32, #tpu.memory_space<vmem>>, vector<1x16xi32>,
        %get3A_1168 = vector.shape_cast %get3A_1167 : vector<1x16xi32> to vector<16xi32>
        %shift_left3A_1169 = arith.constant 16 : i32
        %shift_left3A_1170 = vector.broadcast %shift_left3A_1169 : i32 to vector<16xi32>
        %shift_left3A_1171 = arith.shli %get3A_1168, %shift_left3A_1170 : vector<16xi32>
        %bitcast_convert_type3A_1172 = tpu.bitcast %shift_left3A_1171 : vector<16xi32> -> vector<16xf32>
        %and3A_1173 = arith.constant -65536 : i32
        %and3A_1174 = vector.broadcast %and3A_1173 : i32 to vector<16xi32>
        %and3A_1175 = arith.andi %get3A_1168, %and3A_1174 : vector<16xi32>
        %bitcast_convert_type3A_1176 = tpu.bitcast %and3A_1175 : vector<16xi32> -> vector<16xf32>
        %mul3A_1177 = arith.mulf %gather3A_1160, %bitcast_convert_type3A_1172 : vector<16xf32>
        %add3A_1178 = arith.addf %add3A_1154, %mul3A_1177 : vector<16xf32>
        %mul3A_1179 = arith.mulf %gather3A_1160, %bitcast_convert_type3A_1176 : vector<16xf32>
        %add3A_1180 = arith.addf %add3A_1156, %mul3A_1179 : vector<16xf32>
        %broadcast_in_dim3A_1181 = arith.constant 12 : i32
        %broadcast_in_dim3A_1182 = vector.broadcast %broadcast_in_dim3A_1181 : i32 to vector<16x1xi32>
        %gather3A_1183 = vector.shape_cast %broadcast_in_dim3A_1182 : vector<16x1xi32> to vector<16xi32>
        %gather3A_1184 = tpu.dynamic_gather %get3A_497[%gather3A_1183] in [0] : vector<16xf32>, vector<16xi32> -> vector<16xf32>
        %add3A_1185 = arith.constant 192 : i32
        %add3A_1186 = arith.addi %add3A_508, %add3A_1185 : i32
        %add3A_1187 = arith.constant 4 : i32
        %add3A_1188 = arith.addi %add3A_1186, %add3A_1187 : i32
        %get3A_1189 = arith.index_cast %add3A_1188 : i32 to index
        %get3A_1190 = arith.constant 0 : index
        %get3A_1191 = tpu.vector_load %arg12[%get3A_1189, %get3A_1190] {strides = array<i32>} : memref<768x16xi32, #tpu.memory_space<vmem>>, vector<1x16xi32>,
        %get3A_1192 = vector.shape_cast %get3A_1191 : vector<1x16xi32> to vector<16xi32>
        %shift_left3A_1193 = arith.constant 16 : i32
        %shift_left3A_1194 = vector.broadcast %shift_left3A_1193 : i32 to vector<16xi32>
        %shift_left3A_1195 = arith.shli %get3A_1192, %shift_left3A_1194 : vector<16xi32>
        %bitcast_convert_type3A_1196 = tpu.bitcast %shift_left3A_1195 : vector<16xi32> -> vector<16xf32>
        %and3A_1197 = arith.constant -65536 : i32
        %and3A_1198 = vector.broadcast %and3A_1197 : i32 to vector<16xi32>
        %and3A_1199 = arith.andi %get3A_1192, %and3A_1198 : vector<16xi32>
        %bitcast_convert_type3A_1200 = tpu.bitcast %and3A_1199 : vector<16xi32> -> vector<16xf32>
        %mul3A_1201 = arith.mulf %gather3A_1184, %bitcast_convert_type3A_1196 : vector<16xf32>
        %add3A_1202 = arith.addf %add3A_1178, %mul3A_1201 : vector<16xf32>
        %mul3A_1203 = arith.mulf %gather3A_1184, %bitcast_convert_type3A_1200 : vector<16xf32>
        %add3A_1204 = arith.addf %add3A_1180, %mul3A_1203 : vector<16xf32>
        %broadcast_in_dim3A_1205 = arith.constant 13 : i32
        %broadcast_in_dim3A_1206 = vector.broadcast %broadcast_in_dim3A_1205 : i32 to vector<16x1xi32>
        %gather3A_1207 = vector.shape_cast %broadcast_in_dim3A_1206 : vector<16x1xi32> to vector<16xi32>
        %gather3A_1208 = tpu.dynamic_gather %get3A_497[%gather3A_1207] in [0] : vector<16xf32>, vector<16xi32> -> vector<16xf32>
        %add3A_1209 = arith.constant 192 : i32
        %add3A_1210 = arith.addi %add3A_508, %add3A_1209 : i32
        %add3A_1211 = arith.constant 5 : i32
        %add3A_1212 = arith.addi %add3A_1210, %add3A_1211 : i32
        %get3A_1213 = arith.index_cast %add3A_1212 : i32 to index
        %get3A_1214 = arith.constant 0 : index
        %get3A_1215 = tpu.vector_load %arg12[%get3A_1213, %get3A_1214] {strides = array<i32>} : memref<768x16xi32, #tpu.memory_space<vmem>>, vector<1x16xi32>,
        %get3A_1216 = vector.shape_cast %get3A_1215 : vector<1x16xi32> to vector<16xi32>
        %shift_left3A_1217 = arith.constant 16 : i32
        %shift_left3A_1218 = vector.broadcast %shift_left3A_1217 : i32 to vector<16xi32>
        %shift_left3A_1219 = arith.shli %get3A_1216, %shift_left3A_1218 : vector<16xi32>
        %bitcast_convert_type3A_1220 = tpu.bitcast %shift_left3A_1219 : vector<16xi32> -> vector<16xf32>
        %and3A_1221 = arith.constant -65536 : i32
        %and3A_1222 = vector.broadcast %and3A_1221 : i32 to vector<16xi32>
        %and3A_1223 = arith.andi %get3A_1216, %and3A_1222 : vector<16xi32>
        %bitcast_convert_type3A_1224 = tpu.bitcast %and3A_1223 : vector<16xi32> -> vector<16xf32>
        %mul3A_1225 = arith.mulf %gather3A_1208, %bitcast_convert_type3A_1220 : vector<16xf32>
        %add3A_1226 = arith.addf %add3A_1202, %mul3A_1225 : vector<16xf32>
        %mul3A_1227 = arith.mulf %gather3A_1208, %bitcast_convert_type3A_1224 : vector<16xf32>
        %add3A_1228 = arith.addf %add3A_1204, %mul3A_1227 : vector<16xf32>
        %broadcast_in_dim3A_1229 = arith.constant 14 : i32
        %broadcast_in_dim3A_1230 = vector.broadcast %broadcast_in_dim3A_1229 : i32 to vector<16x1xi32>
        %gather3A_1231 = vector.shape_cast %broadcast_in_dim3A_1230 : vector<16x1xi32> to vector<16xi32>
        %gather3A_1232 = tpu.dynamic_gather %get3A_497[%gather3A_1231] in [0] : vector<16xf32>, vector<16xi32> -> vector<16xf32>
        %add3A_1233 = arith.constant 192 : i32
        %add3A_1234 = arith.addi %add3A_508, %add3A_1233 : i32
        %add3A_1235 = arith.constant 6 : i32
        %add3A_1236 = arith.addi %add3A_1234, %add3A_1235 : i32
        %get3A_1237 = arith.index_cast %add3A_1236 : i32 to index
        %get3A_1238 = arith.constant 0 : index
        %get3A_1239 = tpu.vector_load %arg12[%get3A_1237, %get3A_1238] {strides = array<i32>} : memref<768x16xi32, #tpu.memory_space<vmem>>, vector<1x16xi32>,
        %get3A_1240 = vector.shape_cast %get3A_1239 : vector<1x16xi32> to vector<16xi32>
        %shift_left3A_1241 = arith.constant 16 : i32
        %shift_left3A_1242 = vector.broadcast %shift_left3A_1241 : i32 to vector<16xi32>
        %shift_left3A_1243 = arith.shli %get3A_1240, %shift_left3A_1242 : vector<16xi32>
        %bitcast_convert_type3A_1244 = tpu.bitcast %shift_left3A_1243 : vector<16xi32> -> vector<16xf32>
        %and3A_1245 = arith.constant -65536 : i32
        %and3A_1246 = vector.broadcast %and3A_1245 : i32 to vector<16xi32>
        %and3A_1247 = arith.andi %get3A_1240, %and3A_1246 : vector<16xi32>
        %bitcast_convert_type3A_1248 = tpu.bitcast %and3A_1247 : vector<16xi32> -> vector<16xf32>
        %mul3A_1249 = arith.mulf %gather3A_1232, %bitcast_convert_type3A_1244 : vector<16xf32>
        %add3A_1250 = arith.addf %add3A_1226, %mul3A_1249 : vector<16xf32>
        %mul3A_1251 = arith.mulf %gather3A_1232, %bitcast_convert_type3A_1248 : vector<16xf32>
        %add3A_1252 = arith.addf %add3A_1228, %mul3A_1251 : vector<16xf32>
        %broadcast_in_dim3A_1253 = arith.constant 15 : i32
        %broadcast_in_dim3A_1254 = vector.broadcast %broadcast_in_dim3A_1253 : i32 to vector<16x1xi32>
        %gather3A_1255 = vector.shape_cast %broadcast_in_dim3A_1254 : vector<16x1xi32> to vector<16xi32>
        %gather3A_1256 = tpu.dynamic_gather %get3A_497[%gather3A_1255] in [0] : vector<16xf32>, vector<16xi32> -> vector<16xf32>
        %add3A_1257 = arith.constant 192 : i32
        %add3A_1258 = arith.addi %add3A_508, %add3A_1257 : i32
        %add3A_1259 = arith.constant 7 : i32
        %add3A_1260 = arith.addi %add3A_1258, %add3A_1259 : i32
        %get3A_1261 = arith.index_cast %add3A_1260 : i32 to index
        %get3A_1262 = arith.constant 0 : index
        %get3A_1263 = tpu.vector_load %arg12[%get3A_1261, %get3A_1262] {strides = array<i32>} : memref<768x16xi32, #tpu.memory_space<vmem>>, vector<1x16xi32>,
        %get3A_1264 = vector.shape_cast %get3A_1263 : vector<1x16xi32> to vector<16xi32>
        %shift_left3A_1265 = arith.constant 16 : i32
        %shift_left3A_1266 = vector.broadcast %shift_left3A_1265 : i32 to vector<16xi32>
        %shift_left3A_1267 = arith.shli %get3A_1264, %shift_left3A_1266 : vector<16xi32>
        %bitcast_convert_type3A_1268 = tpu.bitcast %shift_left3A_1267 : vector<16xi32> -> vector<16xf32>
        %and3A_1269 = arith.constant -65536 : i32
        %and3A_1270 = vector.broadcast %and3A_1269 : i32 to vector<16xi32>
        %and3A_1271 = arith.andi %get3A_1264, %and3A_1270 : vector<16xi32>
        %bitcast_convert_type3A_1272 = tpu.bitcast %and3A_1271 : vector<16xi32> -> vector<16xf32>
        %mul3A_1273 = arith.mulf %gather3A_1256, %bitcast_convert_type3A_1268 : vector<16xf32>
        %add3A_1274 = arith.addf %add3A_1250, %mul3A_1273 : vector<16xf32>
        %mul3A_1275 = arith.mulf %gather3A_1256, %bitcast_convert_type3A_1272 : vector<16xf32>
        %add3A_1276 = arith.addf %add3A_1252, %mul3A_1275 : vector<16xf32>
        %broadcast_in_dim3A_1277 = arith.constant 0 : i32
        %broadcast_in_dim3A_1278 = vector.broadcast %broadcast_in_dim3A_1277 : i32 to vector<16x1xi32>
        %gather3A_1279 = vector.shape_cast %broadcast_in_dim3A_1278 : vector<16x1xi32> to vector<16xi32>
        %gather3A_1280 = tpu.dynamic_gather %get3A_503[%gather3A_1279] in [0] : vector<16xf32>, vector<16xi32> -> vector<16xf32>
        %add3A_1281 = arith.constant 192 : i32
        %add3A_1282 = arith.addi %add3A_508, %add3A_1281 : i32
        %add3A_1283 = arith.constant 8 : i32
        %add3A_1284 = arith.addi %add3A_1282, %add3A_1283 : i32
        %get3A_1285 = arith.index_cast %add3A_1284 : i32 to index
        %get3A_1286 = arith.constant 0 : index
        %get3A_1287 = tpu.vector_load %arg12[%get3A_1285, %get3A_1286] {strides = array<i32>} : memref<768x16xi32, #tpu.memory_space<vmem>>, vector<1x16xi32>,
        %get3A_1288 = vector.shape_cast %get3A_1287 : vector<1x16xi32> to vector<16xi32>
        %shift_left3A_1289 = arith.constant 16 : i32
        %shift_left3A_1290 = vector.broadcast %shift_left3A_1289 : i32 to vector<16xi32>
        %shift_left3A_1291 = arith.shli %get3A_1288, %shift_left3A_1290 : vector<16xi32>
        %bitcast_convert_type3A_1292 = tpu.bitcast %shift_left3A_1291 : vector<16xi32> -> vector<16xf32>
        %and3A_1293 = arith.constant -65536 : i32
        %and3A_1294 = vector.broadcast %and3A_1293 : i32 to vector<16xi32>
        %and3A_1295 = arith.andi %get3A_1288, %and3A_1294 : vector<16xi32>
        %bitcast_convert_type3A_1296 = tpu.bitcast %and3A_1295 : vector<16xi32> -> vector<16xf32>
        %mul3A_1297 = arith.mulf %gather3A_1280, %bitcast_convert_type3A_1292 : vector<16xf32>
        %add3A_1298 = arith.addf %add3A_1274, %mul3A_1297 : vector<16xf32>
        %mul3A_1299 = arith.mulf %gather3A_1280, %bitcast_convert_type3A_1296 : vector<16xf32>
        %add3A_1300 = arith.addf %add3A_1276, %mul3A_1299 : vector<16xf32>
        %broadcast_in_dim3A_1301 = arith.constant 1 : i32
        %broadcast_in_dim3A_1302 = vector.broadcast %broadcast_in_dim3A_1301 : i32 to vector<16x1xi32>
        %gather3A_1303 = vector.shape_cast %broadcast_in_dim3A_1302 : vector<16x1xi32> to vector<16xi32>
        %gather3A_1304 = tpu.dynamic_gather %get3A_503[%gather3A_1303] in [0] : vector<16xf32>, vector<16xi32> -> vector<16xf32>
        %add3A_1305 = arith.constant 192 : i32
        %add3A_1306 = arith.addi %add3A_508, %add3A_1305 : i32
        %add3A_1307 = arith.constant 9 : i32
        %add3A_1308 = arith.addi %add3A_1306, %add3A_1307 : i32
        %get3A_1309 = arith.index_cast %add3A_1308 : i32 to index
        %get3A_1310 = arith.constant 0 : index
        %get3A_1311 = tpu.vector_load %arg12[%get3A_1309, %get3A_1310] {strides = array<i32>} : memref<768x16xi32, #tpu.memory_space<vmem>>, vector<1x16xi32>,
        %get3A_1312 = vector.shape_cast %get3A_1311 : vector<1x16xi32> to vector<16xi32>
        %shift_left3A_1313 = arith.constant 16 : i32
        %shift_left3A_1314 = vector.broadcast %shift_left3A_1313 : i32 to vector<16xi32>
        %shift_left3A_1315 = arith.shli %get3A_1312, %shift_left3A_1314 : vector<16xi32>
        %bitcast_convert_type3A_1316 = tpu.bitcast %shift_left3A_1315 : vector<16xi32> -> vector<16xf32>
        %and3A_1317 = arith.constant -65536 : i32
        %and3A_1318 = vector.broadcast %and3A_1317 : i32 to vector<16xi32>
        %and3A_1319 = arith.andi %get3A_1312, %and3A_1318 : vector<16xi32>
        %bitcast_convert_type3A_1320 = tpu.bitcast %and3A_1319 : vector<16xi32> -> vector<16xf32>
        %mul3A_1321 = arith.mulf %gather3A_1304, %bitcast_convert_type3A_1316 : vector<16xf32>
        %add3A_1322 = arith.addf %add3A_1298, %mul3A_1321 : vector<16xf32>
        %mul3A_1323 = arith.mulf %gather3A_1304, %bitcast_convert_type3A_1320 : vector<16xf32>
        %add3A_1324 = arith.addf %add3A_1300, %mul3A_1323 : vector<16xf32>
        %broadcast_in_dim3A_1325 = arith.constant 2 : i32
        %broadcast_in_dim3A_1326 = vector.broadcast %broadcast_in_dim3A_1325 : i32 to vector<16x1xi32>
        %gather3A_1327 = vector.shape_cast %broadcast_in_dim3A_1326 : vector<16x1xi32> to vector<16xi32>
        %gather3A_1328 = tpu.dynamic_gather %get3A_503[%gather3A_1327] in [0] : vector<16xf32>, vector<16xi32> -> vector<16xf32>
        %add3A_1329 = arith.constant 192 : i32
        %add3A_1330 = arith.addi %add3A_508, %add3A_1329 : i32
        %add3A_1331 = arith.constant 10 : i32
        %add3A_1332 = arith.addi %add3A_1330, %add3A_1331 : i32
        %get3A_1333 = arith.index_cast %add3A_1332 : i32 to index
        %get3A_1334 = arith.constant 0 : index
        %get3A_1335 = tpu.vector_load %arg12[%get3A_1333, %get3A_1334] {strides = array<i32>} : memref<768x16xi32, #tpu.memory_space<vmem>>, vector<1x16xi32>,
        %get3A_1336 = vector.shape_cast %get3A_1335 : vector<1x16xi32> to vector<16xi32>
        %shift_left3A_1337 = arith.constant 16 : i32
        %shift_left3A_1338 = vector.broadcast %shift_left3A_1337 : i32 to vector<16xi32>
        %shift_left3A_1339 = arith.shli %get3A_1336, %shift_left3A_1338 : vector<16xi32>
        %bitcast_convert_type3A_1340 = tpu.bitcast %shift_left3A_1339 : vector<16xi32> -> vector<16xf32>
        %and3A_1341 = arith.constant -65536 : i32
        %and3A_1342 = vector.broadcast %and3A_1341 : i32 to vector<16xi32>
        %and3A_1343 = arith.andi %get3A_1336, %and3A_1342 : vector<16xi32>
        %bitcast_convert_type3A_1344 = tpu.bitcast %and3A_1343 : vector<16xi32> -> vector<16xf32>
        %mul3A_1345 = arith.mulf %gather3A_1328, %bitcast_convert_type3A_1340 : vector<16xf32>
        %add3A_1346 = arith.addf %add3A_1322, %mul3A_1345 : vector<16xf32>
        %mul3A_1347 = arith.mulf %gather3A_1328, %bitcast_convert_type3A_1344 : vector<16xf32>
        %add3A_1348 = arith.addf %add3A_1324, %mul3A_1347 : vector<16xf32>
        %broadcast_in_dim3A_1349 = arith.constant 3 : i32
        %broadcast_in_dim3A_1350 = vector.broadcast %broadcast_in_dim3A_1349 : i32 to vector<16x1xi32>
        %gather3A_1351 = vector.shape_cast %broadcast_in_dim3A_1350 : vector<16x1xi32> to vector<16xi32>
        %gather3A_1352 = tpu.dynamic_gather %get3A_503[%gather3A_1351] in [0] : vector<16xf32>, vector<16xi32> -> vector<16xf32>
        %add3A_1353 = arith.constant 192 : i32
        %add3A_1354 = arith.addi %add3A_508, %add3A_1353 : i32
        %add3A_1355 = arith.constant 11 : i32
        %add3A_1356 = arith.addi %add3A_1354, %add3A_1355 : i32
        %get3A_1357 = arith.index_cast %add3A_1356 : i32 to index
        %get3A_1358 = arith.constant 0 : index
        %get3A_1359 = tpu.vector_load %arg12[%get3A_1357, %get3A_1358] {strides = array<i32>} : memref<768x16xi32, #tpu.memory_space<vmem>>, vector<1x16xi32>,
        %get3A_1360 = vector.shape_cast %get3A_1359 : vector<1x16xi32> to vector<16xi32>
        %shift_left3A_1361 = arith.constant 16 : i32
        %shift_left3A_1362 = vector.broadcast %shift_left3A_1361 : i32 to vector<16xi32>
        %shift_left3A_1363 = arith.shli %get3A_1360, %shift_left3A_1362 : vector<16xi32>
        %bitcast_convert_type3A_1364 = tpu.bitcast %shift_left3A_1363 : vector<16xi32> -> vector<16xf32>
        %and3A_1365 = arith.constant -65536 : i32
        %and3A_1366 = vector.broadcast %and3A_1365 : i32 to vector<16xi32>
        %and3A_1367 = arith.andi %get3A_1360, %and3A_1366 : vector<16xi32>
        %bitcast_convert_type3A_1368 = tpu.bitcast %and3A_1367 : vector<16xi32> -> vector<16xf32>
        %mul3A_1369 = arith.mulf %gather3A_1352, %bitcast_convert_type3A_1364 : vector<16xf32>
        %add3A_1370 = arith.addf %add3A_1346, %mul3A_1369 : vector<16xf32>
        %mul3A_1371 = arith.mulf %gather3A_1352, %bitcast_convert_type3A_1368 : vector<16xf32>
        %add3A_1372 = arith.addf %add3A_1348, %mul3A_1371 : vector<16xf32>
        %broadcast_in_dim3A_1373 = arith.constant 4 : i32
        %broadcast_in_dim3A_1374 = vector.broadcast %broadcast_in_dim3A_1373 : i32 to vector<16x1xi32>
        %gather3A_1375 = vector.shape_cast %broadcast_in_dim3A_1374 : vector<16x1xi32> to vector<16xi32>
        %gather3A_1376 = tpu.dynamic_gather %get3A_503[%gather3A_1375] in [0] : vector<16xf32>, vector<16xi32> -> vector<16xf32>
        %add3A_1377 = arith.constant 288 : i32
        %add3A_1378 = arith.addi %add3A_508, %add3A_1377 : i32
        %add3A_1379 = arith.constant 0 : i32
        %add3A_1380 = arith.addi %add3A_1378, %add3A_1379 : i32
        %get3A_1381 = arith.index_cast %add3A_1380 : i32 to index
        %get3A_1382 = arith.constant 0 : index
        %get3A_1383 = tpu.vector_load %arg12[%get3A_1381, %get3A_1382] {strides = array<i32>} : memref<768x16xi32, #tpu.memory_space<vmem>>, vector<1x16xi32>,
        %get3A_1384 = vector.shape_cast %get3A_1383 : vector<1x16xi32> to vector<16xi32>
        %shift_left3A_1385 = arith.constant 16 : i32
        %shift_left3A_1386 = vector.broadcast %shift_left3A_1385 : i32 to vector<16xi32>
        %shift_left3A_1387 = arith.shli %get3A_1384, %shift_left3A_1386 : vector<16xi32>
        %bitcast_convert_type3A_1388 = tpu.bitcast %shift_left3A_1387 : vector<16xi32> -> vector<16xf32>
        %and3A_1389 = arith.constant -65536 : i32
        %and3A_1390 = vector.broadcast %and3A_1389 : i32 to vector<16xi32>
        %and3A_1391 = arith.andi %get3A_1384, %and3A_1390 : vector<16xi32>
        %bitcast_convert_type3A_1392 = tpu.bitcast %and3A_1391 : vector<16xi32> -> vector<16xf32>
        %mul3A_1393 = arith.mulf %gather3A_1376, %bitcast_convert_type3A_1388 : vector<16xf32>
        %add3A_1394 = arith.addf %add3A_1370, %mul3A_1393 : vector<16xf32>
        %mul3A_1395 = arith.mulf %gather3A_1376, %bitcast_convert_type3A_1392 : vector<16xf32>
        %add3A_1396 = arith.addf %add3A_1372, %mul3A_1395 : vector<16xf32>
        %broadcast_in_dim3A_1397 = arith.constant 5 : i32
        %broadcast_in_dim3A_1398 = vector.broadcast %broadcast_in_dim3A_1397 : i32 to vector<16x1xi32>
        %gather3A_1399 = vector.shape_cast %broadcast_in_dim3A_1398 : vector<16x1xi32> to vector<16xi32>
        %gather3A_1400 = tpu.dynamic_gather %get3A_503[%gather3A_1399] in [0] : vector<16xf32>, vector<16xi32> -> vector<16xf32>
        %add3A_1401 = arith.constant 288 : i32
        %add3A_1402 = arith.addi %add3A_508, %add3A_1401 : i32
        %add3A_1403 = arith.constant 1 : i32
        %add3A_1404 = arith.addi %add3A_1402, %add3A_1403 : i32
        %get3A_1405 = arith.index_cast %add3A_1404 : i32 to index
        %get3A_1406 = arith.constant 0 : index
        %get3A_1407 = tpu.vector_load %arg12[%get3A_1405, %get3A_1406] {strides = array<i32>} : memref<768x16xi32, #tpu.memory_space<vmem>>, vector<1x16xi32>,
        %get3A_1408 = vector.shape_cast %get3A_1407 : vector<1x16xi32> to vector<16xi32>
        %shift_left3A_1409 = arith.constant 16 : i32
        %shift_left3A_1410 = vector.broadcast %shift_left3A_1409 : i32 to vector<16xi32>
        %shift_left3A_1411 = arith.shli %get3A_1408, %shift_left3A_1410 : vector<16xi32>
        %bitcast_convert_type3A_1412 = tpu.bitcast %shift_left3A_1411 : vector<16xi32> -> vector<16xf32>
        %and3A_1413 = arith.constant -65536 : i32
        %and3A_1414 = vector.broadcast %and3A_1413 : i32 to vector<16xi32>
        %and3A_1415 = arith.andi %get3A_1408, %and3A_1414 : vector<16xi32>
        %bitcast_convert_type3A_1416 = tpu.bitcast %and3A_1415 : vector<16xi32> -> vector<16xf32>
        %mul3A_1417 = arith.mulf %gather3A_1400, %bitcast_convert_type3A_1412 : vector<16xf32>
        %add3A_1418 = arith.addf %add3A_1394, %mul3A_1417 : vector<16xf32>
        %mul3A_1419 = arith.mulf %gather3A_1400, %bitcast_convert_type3A_1416 : vector<16xf32>
        %add3A_1420 = arith.addf %add3A_1396, %mul3A_1419 : vector<16xf32>
        %broadcast_in_dim3A_1421 = arith.constant 6 : i32
        %broadcast_in_dim3A_1422 = vector.broadcast %broadcast_in_dim3A_1421 : i32 to vector<16x1xi32>
        %gather3A_1423 = vector.shape_cast %broadcast_in_dim3A_1422 : vector<16x1xi32> to vector<16xi32>
        %gather3A_1424 = tpu.dynamic_gather %get3A_503[%gather3A_1423] in [0] : vector<16xf32>, vector<16xi32> -> vector<16xf32>
        %add3A_1425 = arith.constant 288 : i32
        %add3A_1426 = arith.addi %add3A_508, %add3A_1425 : i32
        %add3A_1427 = arith.constant 2 : i32
        %add3A_1428 = arith.addi %add3A_1426, %add3A_1427 : i32
        %get3A_1429 = arith.index_cast %add3A_1428 : i32 to index
        %get3A_1430 = arith.constant 0 : index
        %get3A_1431 = tpu.vector_load %arg12[%get3A_1429, %get3A_1430] {strides = array<i32>} : memref<768x16xi32, #tpu.memory_space<vmem>>, vector<1x16xi32>,
        %get3A_1432 = vector.shape_cast %get3A_1431 : vector<1x16xi32> to vector<16xi32>
        %shift_left3A_1433 = arith.constant 16 : i32
        %shift_left3A_1434 = vector.broadcast %shift_left3A_1433 : i32 to vector<16xi32>
        %shift_left3A_1435 = arith.shli %get3A_1432, %shift_left3A_1434 : vector<16xi32>
        %bitcast_convert_type3A_1436 = tpu.bitcast %shift_left3A_1435 : vector<16xi32> -> vector<16xf32>
        %and3A_1437 = arith.constant -65536 : i32
        %and3A_1438 = vector.broadcast %and3A_1437 : i32 to vector<16xi32>
        %and3A_1439 = arith.andi %get3A_1432, %and3A_1438 : vector<16xi32>
        %bitcast_convert_type3A_1440 = tpu.bitcast %and3A_1439 : vector<16xi32> -> vector<16xf32>
        %mul3A_1441 = arith.mulf %gather3A_1424, %bitcast_convert_type3A_1436 : vector<16xf32>
        %add3A_1442 = arith.addf %add3A_1418, %mul3A_1441 : vector<16xf32>
        %mul3A_1443 = arith.mulf %gather3A_1424, %bitcast_convert_type3A_1440 : vector<16xf32>
        %add3A_1444 = arith.addf %add3A_1420, %mul3A_1443 : vector<16xf32>
        %broadcast_in_dim3A_1445 = arith.constant 7 : i32
        %broadcast_in_dim3A_1446 = vector.broadcast %broadcast_in_dim3A_1445 : i32 to vector<16x1xi32>
        %gather3A_1447 = vector.shape_cast %broadcast_in_dim3A_1446 : vector<16x1xi32> to vector<16xi32>
        %gather3A_1448 = tpu.dynamic_gather %get3A_503[%gather3A_1447] in [0] : vector<16xf32>, vector<16xi32> -> vector<16xf32>
        %add3A_1449 = arith.constant 288 : i32
        %add3A_1450 = arith.addi %add3A_508, %add3A_1449 : i32
        %add3A_1451 = arith.constant 3 : i32
        %add3A_1452 = arith.addi %add3A_1450, %add3A_1451 : i32
        %get3A_1453 = arith.index_cast %add3A_1452 : i32 to index
        %get3A_1454 = arith.constant 0 : index
        %get3A_1455 = tpu.vector_load %arg12[%get3A_1453, %get3A_1454] {strides = array<i32>} : memref<768x16xi32, #tpu.memory_space<vmem>>, vector<1x16xi32>,
        %get3A_1456 = vector.shape_cast %get3A_1455 : vector<1x16xi32> to vector<16xi32>
        %shift_left3A_1457 = arith.constant 16 : i32
        %shift_left3A_1458 = vector.broadcast %shift_left3A_1457 : i32 to vector<16xi32>
        %shift_left3A_1459 = arith.shli %get3A_1456, %shift_left3A_1458 : vector<16xi32>
        %bitcast_convert_type3A_1460 = tpu.bitcast %shift_left3A_1459 : vector<16xi32> -> vector<16xf32>
        %and3A_1461 = arith.constant -65536 : i32
        %and3A_1462 = vector.broadcast %and3A_1461 : i32 to vector<16xi32>
        %and3A_1463 = arith.andi %get3A_1456, %and3A_1462 : vector<16xi32>
        %bitcast_convert_type3A_1464 = tpu.bitcast %and3A_1463 : vector<16xi32> -> vector<16xf32>
        %mul3A_1465 = arith.mulf %gather3A_1448, %bitcast_convert_type3A_1460 : vector<16xf32>
        %add3A_1466 = arith.addf %add3A_1442, %mul3A_1465 : vector<16xf32>
        %mul3A_1467 = arith.mulf %gather3A_1448, %bitcast_convert_type3A_1464 : vector<16xf32>
        %add3A_1468 = arith.addf %add3A_1444, %mul3A_1467 : vector<16xf32>
        %broadcast_in_dim3A_1469 = arith.constant 8 : i32
        %broadcast_in_dim3A_1470 = vector.broadcast %broadcast_in_dim3A_1469 : i32 to vector<16x1xi32>
        %gather3A_1471 = vector.shape_cast %broadcast_in_dim3A_1470 : vector<16x1xi32> to vector<16xi32>
        %gather3A_1472 = tpu.dynamic_gather %get3A_503[%gather3A_1471] in [0] : vector<16xf32>, vector<16xi32> -> vector<16xf32>
        %add3A_1473 = arith.constant 288 : i32
        %add3A_1474 = arith.addi %add3A_508, %add3A_1473 : i32
        %add3A_1475 = arith.constant 4 : i32
        %add3A_1476 = arith.addi %add3A_1474, %add3A_1475 : i32
        %get3A_1477 = arith.index_cast %add3A_1476 : i32 to index
        %get3A_1478 = arith.constant 0 : index
        %get3A_1479 = tpu.vector_load %arg12[%get3A_1477, %get3A_1478] {strides = array<i32>} : memref<768x16xi32, #tpu.memory_space<vmem>>, vector<1x16xi32>,
        %get3A_1480 = vector.shape_cast %get3A_1479 : vector<1x16xi32> to vector<16xi32>
        %shift_left3A_1481 = arith.constant 16 : i32
        %shift_left3A_1482 = vector.broadcast %shift_left3A_1481 : i32 to vector<16xi32>
        %shift_left3A_1483 = arith.shli %get3A_1480, %shift_left3A_1482 : vector<16xi32>
        %bitcast_convert_type3A_1484 = tpu.bitcast %shift_left3A_1483 : vector<16xi32> -> vector<16xf32>
        %and3A_1485 = arith.constant -65536 : i32
        %and3A_1486 = vector.broadcast %and3A_1485 : i32 to vector<16xi32>
        %and3A_1487 = arith.andi %get3A_1480, %and3A_1486 : vector<16xi32>
        %bitcast_convert_type3A_1488 = tpu.bitcast %and3A_1487 : vector<16xi32> -> vector<16xf32>
        %mul3A_1489 = arith.mulf %gather3A_1472, %bitcast_convert_type3A_1484 : vector<16xf32>
        %add3A_1490 = arith.addf %add3A_1466, %mul3A_1489 : vector<16xf32>
        %mul3A_1491 = arith.mulf %gather3A_1472, %bitcast_convert_type3A_1488 : vector<16xf32>
        %add3A_1492 = arith.addf %add3A_1468, %mul3A_1491 : vector<16xf32>
        %broadcast_in_dim3A_1493 = arith.constant 9 : i32
        %broadcast_in_dim3A_1494 = vector.broadcast %broadcast_in_dim3A_1493 : i32 to vector<16x1xi32>
        %gather3A_1495 = vector.shape_cast %broadcast_in_dim3A_1494 : vector<16x1xi32> to vector<16xi32>
        %gather3A_1496 = tpu.dynamic_gather %get3A_503[%gather3A_1495] in [0] : vector<16xf32>, vector<16xi32> -> vector<16xf32>
        %add3A_1497 = arith.constant 288 : i32
        %add3A_1498 = arith.addi %add3A_508, %add3A_1497 : i32
        %add3A_1499 = arith.constant 5 : i32
        %add3A_1500 = arith.addi %add3A_1498, %add3A_1499 : i32
        %get3A_1501 = arith.index_cast %add3A_1500 : i32 to index
        %get3A_1502 = arith.constant 0 : index
        %get3A_1503 = tpu.vector_load %arg12[%get3A_1501, %get3A_1502] {strides = array<i32>} : memref<768x16xi32, #tpu.memory_space<vmem>>, vector<1x16xi32>,
        %get3A_1504 = vector.shape_cast %get3A_1503 : vector<1x16xi32> to vector<16xi32>
        %shift_left3A_1505 = arith.constant 16 : i32
        %shift_left3A_1506 = vector.broadcast %shift_left3A_1505 : i32 to vector<16xi32>
        %shift_left3A_1507 = arith.shli %get3A_1504, %shift_left3A_1506 : vector<16xi32>
        %bitcast_convert_type3A_1508 = tpu.bitcast %shift_left3A_1507 : vector<16xi32> -> vector<16xf32>
        %and3A_1509 = arith.constant -65536 : i32
        %and3A_1510 = vector.broadcast %and3A_1509 : i32 to vector<16xi32>
        %and3A_1511 = arith.andi %get3A_1504, %and3A_1510 : vector<16xi32>
        %bitcast_convert_type3A_1512 = tpu.bitcast %and3A_1511 : vector<16xi32> -> vector<16xf32>
        %mul3A_1513 = arith.mulf %gather3A_1496, %bitcast_convert_type3A_1508 : vector<16xf32>
        %add3A_1514 = arith.addf %add3A_1490, %mul3A_1513 : vector<16xf32>
        %mul3A_1515 = arith.mulf %gather3A_1496, %bitcast_convert_type3A_1512 : vector<16xf32>
        %add3A_1516 = arith.addf %add3A_1492, %mul3A_1515 : vector<16xf32>
        %broadcast_in_dim3A_1517 = arith.constant 10 : i32
        %broadcast_in_dim3A_1518 = vector.broadcast %broadcast_in_dim3A_1517 : i32 to vector<16x1xi32>
        %gather3A_1519 = vector.shape_cast %broadcast_in_dim3A_1518 : vector<16x1xi32> to vector<16xi32>
        %gather3A_1520 = tpu.dynamic_gather %get3A_503[%gather3A_1519] in [0] : vector<16xf32>, vector<16xi32> -> vector<16xf32>
        %add3A_1521 = arith.constant 288 : i32
        %add3A_1522 = arith.addi %add3A_508, %add3A_1521 : i32
        %add3A_1523 = arith.constant 6 : i32
        %add3A_1524 = arith.addi %add3A_1522, %add3A_1523 : i32
        %get3A_1525 = arith.index_cast %add3A_1524 : i32 to index
        %get3A_1526 = arith.constant 0 : index
        %get3A_1527 = tpu.vector_load %arg12[%get3A_1525, %get3A_1526] {strides = array<i32>} : memref<768x16xi32, #tpu.memory_space<vmem>>, vector<1x16xi32>,
        %get3A_1528 = vector.shape_cast %get3A_1527 : vector<1x16xi32> to vector<16xi32>
        %shift_left3A_1529 = arith.constant 16 : i32
        %shift_left3A_1530 = vector.broadcast %shift_left3A_1529 : i32 to vector<16xi32>
        %shift_left3A_1531 = arith.shli %get3A_1528, %shift_left3A_1530 : vector<16xi32>
        %bitcast_convert_type3A_1532 = tpu.bitcast %shift_left3A_1531 : vector<16xi32> -> vector<16xf32>
        %and3A_1533 = arith.constant -65536 : i32
        %and3A_1534 = vector.broadcast %and3A_1533 : i32 to vector<16xi32>
        %and3A_1535 = arith.andi %get3A_1528, %and3A_1534 : vector<16xi32>
        %bitcast_convert_type3A_1536 = tpu.bitcast %and3A_1535 : vector<16xi32> -> vector<16xf32>
        %mul3A_1537 = arith.mulf %gather3A_1520, %bitcast_convert_type3A_1532 : vector<16xf32>
        %add3A_1538 = arith.addf %add3A_1514, %mul3A_1537 : vector<16xf32>
        %mul3A_1539 = arith.mulf %gather3A_1520, %bitcast_convert_type3A_1536 : vector<16xf32>
        %add3A_1540 = arith.addf %add3A_1516, %mul3A_1539 : vector<16xf32>
        %broadcast_in_dim3A_1541 = arith.constant 11 : i32
        %broadcast_in_dim3A_1542 = vector.broadcast %broadcast_in_dim3A_1541 : i32 to vector<16x1xi32>
        %gather3A_1543 = vector.shape_cast %broadcast_in_dim3A_1542 : vector<16x1xi32> to vector<16xi32>
        %gather3A_1544 = tpu.dynamic_gather %get3A_503[%gather3A_1543] in [0] : vector<16xf32>, vector<16xi32> -> vector<16xf32>
        %add3A_1545 = arith.constant 288 : i32
        %add3A_1546 = arith.addi %add3A_508, %add3A_1545 : i32
        %add3A_1547 = arith.constant 7 : i32
        %add3A_1548 = arith.addi %add3A_1546, %add3A_1547 : i32
        %get3A_1549 = arith.index_cast %add3A_1548 : i32 to index
        %get3A_1550 = arith.constant 0 : index
        %get3A_1551 = tpu.vector_load %arg12[%get3A_1549, %get3A_1550] {strides = array<i32>} : memref<768x16xi32, #tpu.memory_space<vmem>>, vector<1x16xi32>,
        %get3A_1552 = vector.shape_cast %get3A_1551 : vector<1x16xi32> to vector<16xi32>
        %shift_left3A_1553 = arith.constant 16 : i32
        %shift_left3A_1554 = vector.broadcast %shift_left3A_1553 : i32 to vector<16xi32>
        %shift_left3A_1555 = arith.shli %get3A_1552, %shift_left3A_1554 : vector<16xi32>
        %bitcast_convert_type3A_1556 = tpu.bitcast %shift_left3A_1555 : vector<16xi32> -> vector<16xf32>
        %and3A_1557 = arith.constant -65536 : i32
        %and3A_1558 = vector.broadcast %and3A_1557 : i32 to vector<16xi32>
        %and3A_1559 = arith.andi %get3A_1552, %and3A_1558 : vector<16xi32>
        %bitcast_convert_type3A_1560 = tpu.bitcast %and3A_1559 : vector<16xi32> -> vector<16xf32>
        %mul3A_1561 = arith.mulf %gather3A_1544, %bitcast_convert_type3A_1556 : vector<16xf32>
        %add3A_1562 = arith.addf %add3A_1538, %mul3A_1561 : vector<16xf32>
        %mul3A_1563 = arith.mulf %gather3A_1544, %bitcast_convert_type3A_1560 : vector<16xf32>
        %add3A_1564 = arith.addf %add3A_1540, %mul3A_1563 : vector<16xf32>
        %broadcast_in_dim3A_1565 = arith.constant 12 : i32
        %broadcast_in_dim3A_1566 = vector.broadcast %broadcast_in_dim3A_1565 : i32 to vector<16x1xi32>
        %gather3A_1567 = vector.shape_cast %broadcast_in_dim3A_1566 : vector<16x1xi32> to vector<16xi32>
        %gather3A_1568 = tpu.dynamic_gather %get3A_503[%gather3A_1567] in [0] : vector<16xf32>, vector<16xi32> -> vector<16xf32>
        %add3A_1569 = arith.constant 288 : i32
        %add3A_1570 = arith.addi %add3A_508, %add3A_1569 : i32
        %add3A_1571 = arith.constant 8 : i32
        %add3A_1572 = arith.addi %add3A_1570, %add3A_1571 : i32
        %get3A_1573 = arith.index_cast %add3A_1572 : i32 to index
        %get3A_1574 = arith.constant 0 : index
        %get3A_1575 = tpu.vector_load %arg12[%get3A_1573, %get3A_1574] {strides = array<i32>} : memref<768x16xi32, #tpu.memory_space<vmem>>, vector<1x16xi32>,
        %get3A_1576 = vector.shape_cast %get3A_1575 : vector<1x16xi32> to vector<16xi32>
        %shift_left3A_1577 = arith.constant 16 : i32
        %shift_left3A_1578 = vector.broadcast %shift_left3A_1577 : i32 to vector<16xi32>
        %shift_left3A_1579 = arith.shli %get3A_1576, %shift_left3A_1578 : vector<16xi32>
        %bitcast_convert_type3A_1580 = tpu.bitcast %shift_left3A_1579 : vector<16xi32> -> vector<16xf32>
        %and3A_1581 = arith.constant -65536 : i32
        %and3A_1582 = vector.broadcast %and3A_1581 : i32 to vector<16xi32>
        %and3A_1583 = arith.andi %get3A_1576, %and3A_1582 : vector<16xi32>
        %bitcast_convert_type3A_1584 = tpu.bitcast %and3A_1583 : vector<16xi32> -> vector<16xf32>
        %mul3A_1585 = arith.mulf %gather3A_1568, %bitcast_convert_type3A_1580 : vector<16xf32>
        %add3A_1586 = arith.addf %add3A_1562, %mul3A_1585 : vector<16xf32>
        %mul3A_1587 = arith.mulf %gather3A_1568, %bitcast_convert_type3A_1584 : vector<16xf32>
        %add3A_1588 = arith.addf %add3A_1564, %mul3A_1587 : vector<16xf32>
        %broadcast_in_dim3A_1589 = arith.constant 13 : i32
        %broadcast_in_dim3A_1590 = vector.broadcast %broadcast_in_dim3A_1589 : i32 to vector<16x1xi32>
        %gather3A_1591 = vector.shape_cast %broadcast_in_dim3A_1590 : vector<16x1xi32> to vector<16xi32>
        %gather3A_1592 = tpu.dynamic_gather %get3A_503[%gather3A_1591] in [0] : vector<16xf32>, vector<16xi32> -> vector<16xf32>
        %add3A_1593 = arith.constant 288 : i32
        %add3A_1594 = arith.addi %add3A_508, %add3A_1593 : i32
        %add3A_1595 = arith.constant 9 : i32
        %add3A_1596 = arith.addi %add3A_1594, %add3A_1595 : i32
        %get3A_1597 = arith.index_cast %add3A_1596 : i32 to index
        %get3A_1598 = arith.constant 0 : index
        %get3A_1599 = tpu.vector_load %arg12[%get3A_1597, %get3A_1598] {strides = array<i32>} : memref<768x16xi32, #tpu.memory_space<vmem>>, vector<1x16xi32>,
        %get3A_1600 = vector.shape_cast %get3A_1599 : vector<1x16xi32> to vector<16xi32>
        %shift_left3A_1601 = arith.constant 16 : i32
        %shift_left3A_1602 = vector.broadcast %shift_left3A_1601 : i32 to vector<16xi32>
        %shift_left3A_1603 = arith.shli %get3A_1600, %shift_left3A_1602 : vector<16xi32>
        %bitcast_convert_type3A_1604 = tpu.bitcast %shift_left3A_1603 : vector<16xi32> -> vector<16xf32>
        %and3A_1605 = arith.constant -65536 : i32
        %and3A_1606 = vector.broadcast %and3A_1605 : i32 to vector<16xi32>
        %and3A_1607 = arith.andi %get3A_1600, %and3A_1606 : vector<16xi32>
        %bitcast_convert_type3A_1608 = tpu.bitcast %and3A_1607 : vector<16xi32> -> vector<16xf32>
        %mul3A_1609 = arith.mulf %gather3A_1592, %bitcast_convert_type3A_1604 : vector<16xf32>
        %add3A_1610 = arith.addf %add3A_1586, %mul3A_1609 : vector<16xf32>
        %mul3A_1611 = arith.mulf %gather3A_1592, %bitcast_convert_type3A_1608 : vector<16xf32>
        %add3A_1612 = arith.addf %add3A_1588, %mul3A_1611 : vector<16xf32>
        %broadcast_in_dim3A_1613 = arith.constant 14 : i32
        %broadcast_in_dim3A_1614 = vector.broadcast %broadcast_in_dim3A_1613 : i32 to vector<16x1xi32>
        %gather3A_1615 = vector.shape_cast %broadcast_in_dim3A_1614 : vector<16x1xi32> to vector<16xi32>
        %gather3A_1616 = tpu.dynamic_gather %get3A_503[%gather3A_1615] in [0] : vector<16xf32>, vector<16xi32> -> vector<16xf32>
        %add3A_1617 = arith.constant 288 : i32
        %add3A_1618 = arith.addi %add3A_508, %add3A_1617 : i32
        %add3A_1619 = arith.constant 10 : i32
        %add3A_1620 = arith.addi %add3A_1618, %add3A_1619 : i32
        %get3A_1621 = arith.index_cast %add3A_1620 : i32 to index
        %get3A_1622 = arith.constant 0 : index
        %get3A_1623 = tpu.vector_load %arg12[%get3A_1621, %get3A_1622] {strides = array<i32>} : memref<768x16xi32, #tpu.memory_space<vmem>>, vector<1x16xi32>,
        %get3A_1624 = vector.shape_cast %get3A_1623 : vector<1x16xi32> to vector<16xi32>
        %shift_left3A_1625 = arith.constant 16 : i32
        %shift_left3A_1626 = vector.broadcast %shift_left3A_1625 : i32 to vector<16xi32>
        %shift_left3A_1627 = arith.shli %get3A_1624, %shift_left3A_1626 : vector<16xi32>
        %bitcast_convert_type3A_1628 = tpu.bitcast %shift_left3A_1627 : vector<16xi32> -> vector<16xf32>
        %and3A_1629 = arith.constant -65536 : i32
        %and3A_1630 = vector.broadcast %and3A_1629 : i32 to vector<16xi32>
        %and3A_1631 = arith.andi %get3A_1624, %and3A_1630 : vector<16xi32>
        %bitcast_convert_type3A_1632 = tpu.bitcast %and3A_1631 : vector<16xi32> -> vector<16xf32>
        %mul3A_1633 = arith.mulf %gather3A_1616, %bitcast_convert_type3A_1628 : vector<16xf32>
        %add3A_1634 = arith.addf %add3A_1610, %mul3A_1633 : vector<16xf32>
        %mul3A_1635 = arith.mulf %gather3A_1616, %bitcast_convert_type3A_1632 : vector<16xf32>
        %add3A_1636 = arith.addf %add3A_1612, %mul3A_1635 : vector<16xf32>
        %broadcast_in_dim3A_1637 = arith.constant 15 : i32
        %broadcast_in_dim3A_1638 = vector.broadcast %broadcast_in_dim3A_1637 : i32 to vector<16x1xi32>
        %gather3A_1639 = vector.shape_cast %broadcast_in_dim3A_1638 : vector<16x1xi32> to vector<16xi32>
        %gather3A_1640 = tpu.dynamic_gather %get3A_503[%gather3A_1639] in [0] : vector<16xf32>, vector<16xi32> -> vector<16xf32>
        %add3A_1641 = arith.constant 288 : i32
        %add3A_1642 = arith.addi %add3A_508, %add3A_1641 : i32
        %add3A_1643 = arith.constant 11 : i32
        %add3A_1644 = arith.addi %add3A_1642, %add3A_1643 : i32
        %get3A_1645 = arith.index_cast %add3A_1644 : i32 to index
        %get3A_1646 = arith.constant 0 : index
        %get3A_1647 = tpu.vector_load %arg12[%get3A_1645, %get3A_1646] {strides = array<i32>} : memref<768x16xi32, #tpu.memory_space<vmem>>, vector<1x16xi32>,
        %get3A_1648 = vector.shape_cast %get3A_1647 : vector<1x16xi32> to vector<16xi32>
        %shift_left3A_1649 = arith.constant 16 : i32
        %shift_left3A_1650 = vector.broadcast %shift_left3A_1649 : i32 to vector<16xi32>
        %shift_left3A_1651 = arith.shli %get3A_1648, %shift_left3A_1650 : vector<16xi32>
        %bitcast_convert_type3A_1652 = tpu.bitcast %shift_left3A_1651 : vector<16xi32> -> vector<16xf32>
        %and3A_1653 = arith.constant -65536 : i32
        %and3A_1654 = vector.broadcast %and3A_1653 : i32 to vector<16xi32>
        %and3A_1655 = arith.andi %get3A_1648, %and3A_1654 : vector<16xi32>
        %bitcast_convert_type3A_1656 = tpu.bitcast %and3A_1655 : vector<16xi32> -> vector<16xf32>
        %mul3A_1657 = arith.mulf %gather3A_1640, %bitcast_convert_type3A_1652 : vector<16xf32>
        %add3A_1658 = arith.addf %add3A_1634, %mul3A_1657 : vector<16xf32>
        %mul3A_1659 = arith.mulf %gather3A_1640, %bitcast_convert_type3A_1656 : vector<16xf32>
        %add3A_1660 = arith.addf %add3A_1636, %mul3A_1659 : vector<16xf32>
        %swap3A = arith.index_cast %scan3A_467 : i32 to index
        %swap3A_1661 = arith.constant 0 : index
        %swap3A_1662 = tpu.vector_load %arg15[%swap3A, %swap3A_1661] {strides = array<i32>} : memref<16x32xf32, #tpu.memory_space<vmem>>, vector<1x16xf32>,
        %swap3A_1663 = vector.shape_cast %swap3A_1662 : vector<1x16xf32> to vector<16xf32>
        %swap3A_1664 = vector.shape_cast %add3A_1658 : vector<16xf32> to vector<1x16xf32>
        tpu.vector_store %arg15[%swap3A, %swap3A_1661], %swap3A_1664 {strides = array<i32>} : memref<16x32xf32, #tpu.memory_space<vmem>>, vector<1x16xf32>,
        %swap3A_1665 = arith.index_cast %scan3A_467 : i32 to index
        %swap3A_1666 = arith.constant 16 : index
        %swap3A_1667 = tpu.vector_load %arg15[%swap3A_1665, %swap3A_1666] {strides = array<i32>} : memref<16x32xf32, #tpu.memory_space<vmem>>, vector<1x16xf32>,
        %swap3A_1668 = vector.shape_cast %swap3A_1667 : vector<1x16xf32> to vector<16xf32>
        %swap3A_1669 = vector.shape_cast %add3A_1660 : vector<16xf32> to vector<1x16xf32>
        tpu.vector_store %arg15[%swap3A_1665, %swap3A_1666], %swap3A_1669 {strides = array<i32>} : memref<16x32xf32, #tpu.memory_space<vmem>>, vector<1x16xf32>,
      }
      %scan3A_248 = arith.constant 16 : i32
      %add3A_249 = arith.addi %mul3A_2, %add3A_174 : i32
      %min3A_250 = arith.constant 1199 : i32
      %min3A_251 = arith.minsi %add3A_249, %min3A_250 : i32
      %dma_start3A_252 = arith.constant 0 : i32
      %dma_start3A_253 = arith.constant 0 : i32
      %dma_start3A_254 = tpu.memref_slice %arg5[%min3A_251, %dma_start3A_252, %dma_start3A_253] : memref<1200x16x32xf32, #tpu.memory_space<hbm>> -> memref<1x16x32xf32, #tpu.memory_space<hbm>>
      %dma_start3A_255 = tpu.memref_squeeze %dma_start3A_254 : memref<1x16x32xf32, #tpu.memory_space<hbm>> -> memref<16x32xf32, #tpu.memory_space<hbm>>
      %dma_start3A_256 = arith.constant 0 : i32
      %dma_start3A_257 = arith.constant 0 : i32
      %dma_start3A_258 = tpu.memref_slice %arg5[%min3A_251, %dma_start3A_256, %dma_start3A_257] : memref<1200x16x32xf32, #tpu.memory_space<hbm>> -> memref<1x16x32xf32, #tpu.memory_space<hbm>>
      %dma_start3A_259 = tpu.memref_squeeze %dma_start3A_258 : memref<1x16x32xf32, #tpu.memory_space<hbm>> -> memref<16x32xf32, #tpu.memory_space<hbm>>
      tpu.enqueue_dma source(%arg15 : memref<16x32xf32, #tpu.memory_space<vmem>>) target(%dma_start3A_259 : memref<16x32xf32, #tpu.memory_space<hbm>>) target_semaphore(%arg24 : memref<!tpu.dma_semaphore, #tpu.memory_space<semaphore_mem>>)
      %add3A_260 = arith.constant 3 : i32
      %add3A_261 = arith.addi %add3A_174, %add3A_260 : i32
      %lt3A_262 = arith.constant 39 : i32
      %lt3A_263 = arith.cmpi slt, %add3A_261, %lt3A_262 : i32
      %convert_element_type3A_264 = arith.extui %lt3A_263 : i1 to i32
      %cond3A_265 = arith.constant 0 : i32
      %cond3A_266 = arith.cmpi ne, %convert_element_type3A_264, %cond3A_265 : i32
      scf.if %cond3A_266 {
        %add3A_467 = arith.constant 3 : i32
        %add3A_468 = arith.addi %add3A_174, %add3A_467 : i32
        %add3A_469 = arith.addi %mul3A_2, %add3A_468 : i32
        %min3A_470 = arith.constant 1199 : i32
        %min3A_471 = arith.minsi %add3A_469, %min3A_470 : i32
        %dma_start3A_472 = arith.constant 0 : i32
        %dma_start3A_473 = arith.constant 0 : i32
        %dma_start3A_474 = tpu.memref_slice %arg3[%min3A_471, %dma_start3A_472, %dma_start3A_473] : memref<1200x2x384xi32, #tpu.memory_space<hbm>> -> memref<1x2x384xi32, #tpu.memory_space<hbm>>
        %dma_start3A_475 = tpu.memref_squeeze %dma_start3A_474 : memref<1x2x384xi32, #tpu.memory_space<hbm>> -> memref<2x384xi32, #tpu.memory_space<hbm>>
        %dma_start3A_476 = arith.constant 0 : i32
        %dma_start3A_477 = arith.constant 0 : i32
        %dma_start3A_478 = tpu.memref_slice %arg3[%min3A_471, %dma_start3A_476, %dma_start3A_477] : memref<1200x2x384xi32, #tpu.memory_space<hbm>> -> memref<1x2x384xi32, #tpu.memory_space<hbm>>
        %dma_start3A_479 = tpu.memref_squeeze %dma_start3A_478 : memref<1x2x384xi32, #tpu.memory_space<hbm>> -> memref<2x384xi32, #tpu.memory_space<hbm>>
        tpu.enqueue_dma source(%dma_start3A_479 : memref<2x384xi32, #tpu.memory_space<hbm>>) target(%arg6 : memref<2x384xi32, #tpu.memory_space<vmem>>) target_semaphore(%arg18 : memref<!tpu.dma_semaphore, #tpu.memory_space<semaphore_mem>>)
        %dma_start3A_480 = arith.constant 0 : i32
        %dma_start3A_481 = arith.constant 0 : i32
        %dma_start3A_482 = tpu.memref_slice %arg4[%min3A_471, %dma_start3A_480, %dma_start3A_481] : memref<1200x2x384xf32, #tpu.memory_space<hbm>> -> memref<1x2x384xf32, #tpu.memory_space<hbm>>
        %dma_start3A_483 = tpu.memref_squeeze %dma_start3A_482 : memref<1x2x384xf32, #tpu.memory_space<hbm>> -> memref<2x384xf32, #tpu.memory_space<hbm>>
        %dma_start3A_484 = arith.constant 0 : i32
        %dma_start3A_485 = arith.constant 0 : i32
        %dma_start3A_486 = tpu.memref_slice %arg4[%min3A_471, %dma_start3A_484, %dma_start3A_485] : memref<1200x2x384xf32, #tpu.memory_space<hbm>> -> memref<1x2x384xf32, #tpu.memory_space<hbm>>
        %dma_start3A_487 = tpu.memref_squeeze %dma_start3A_486 : memref<1x2x384xf32, #tpu.memory_space<hbm>> -> memref<2x384xf32, #tpu.memory_space<hbm>>
        tpu.enqueue_dma source(%dma_start3A_487 : memref<2x384xf32, #tpu.memory_space<hbm>>) target(%arg9 : memref<2x384xf32, #tpu.memory_space<vmem>>) target_semaphore(%arg18 : memref<!tpu.dma_semaphore, #tpu.memory_space<semaphore_mem>>)
      } else {
      }
      %mul3A_267 = arith.constant 3 : i32
      %mul3A_268 = arith.muli %scan3A_170, %mul3A_267 : i32
      %add3A_269 = arith.constant 1 : i32
      %add3A_270 = arith.addi %mul3A_268, %add3A_269 : i32
      %add3A_271 = arith.constant 1 : i32
      %add3A_272 = arith.addi %add3A_270, %add3A_271 : i32
      %lt3A_273 = arith.constant 39 : i32
      %lt3A_274 = arith.cmpi slt, %add3A_272, %lt3A_273 : i32
      %convert_element_type3A_275 = arith.extui %lt3A_274 : i1 to i32
      %cond3A_276 = arith.constant 0 : i32
      %cond3A_277 = arith.cmpi ne, %convert_element_type3A_275, %cond3A_276 : i32
      scf.if %cond3A_277 {
        %dma_wait3A_467 = arith.constant 0 : i32
        %dma_wait3A_468 = arith.constant 0 : i32
        %dma_wait3A_469 = arith.constant 0 : i32
        %dma_wait3A_470 = tpu.memref_slice %arg3[%dma_wait3A_467, %dma_wait3A_468, %dma_wait3A_469] : memref<1200x2x384xi32, #tpu.memory_space<hbm>> -> memref<1x2x384xi32, #tpu.memory_space<hbm>>
        %dma_wait3A_471 = tpu.memref_squeeze %dma_wait3A_470 : memref<1x2x384xi32, #tpu.memory_space<hbm>> -> memref<2x384xi32, #tpu.memory_space<hbm>>
        %dma_wait3A_472 = arith.constant 0 : i32
        %dma_wait3A_473 = arith.constant 0 : i32
        %dma_wait3A_474 = tpu.memref_slice %arg3[%dma_wait3A_467, %dma_wait3A_472, %dma_wait3A_473] : memref<1200x2x384xi32, #tpu.memory_space<hbm>> -> memref<1x2x384xi32, #tpu.memory_space<hbm>>
        %dma_wait3A_475 = tpu.memref_squeeze %dma_wait3A_474 : memref<1x2x384xi32, #tpu.memory_space<hbm>> -> memref<2x384xi32, #tpu.memory_space<hbm>>
        tpu.wait_dma2 semaphore(%arg20 : memref<!tpu.dma_semaphore, #tpu.memory_space<semaphore_mem>>) src(%dma_wait3A_475 : memref<2x384xi32, #tpu.memory_space<hbm>>) dst(%arg8 : memref<2x384xi32, #tpu.memory_space<vmem>>)
        %dma_wait3A_476 = arith.constant 0 : i32
        %dma_wait3A_477 = arith.constant 0 : i32
        %dma_wait3A_478 = arith.constant 0 : i32
        %dma_wait3A_479 = tpu.memref_slice %arg4[%dma_wait3A_476, %dma_wait3A_477, %dma_wait3A_478] : memref<1200x2x384xf32, #tpu.memory_space<hbm>> -> memref<1x2x384xf32, #tpu.memory_space<hbm>>
        %dma_wait3A_480 = tpu.memref_squeeze %dma_wait3A_479 : memref<1x2x384xf32, #tpu.memory_space<hbm>> -> memref<2x384xf32, #tpu.memory_space<hbm>>
        %dma_wait3A_481 = arith.constant 0 : i32
        %dma_wait3A_482 = arith.constant 0 : i32
        %dma_wait3A_483 = tpu.memref_slice %arg4[%dma_wait3A_476, %dma_wait3A_481, %dma_wait3A_482] : memref<1200x2x384xf32, #tpu.memory_space<hbm>> -> memref<1x2x384xf32, #tpu.memory_space<hbm>>
        %dma_wait3A_484 = tpu.memref_squeeze %dma_wait3A_483 : memref<1x2x384xf32, #tpu.memory_space<hbm>> -> memref<2x384xf32, #tpu.memory_space<hbm>>
        tpu.wait_dma2 semaphore(%arg20 : memref<!tpu.dma_semaphore, #tpu.memory_space<semaphore_mem>>) src(%dma_wait3A_484 : memref<2x384xf32, #tpu.memory_space<hbm>>) dst(%arg11 : memref<2x384xf32, #tpu.memory_space<vmem>>)
        %dma_start3A_485 = arith.constant 0 : i32
        %dma_start3A_486 = arith.constant 0 : i32
        %dma_start3A_487 = arith.constant 0 : i32
        %dma_start3A_488 = tpu.memref_slice %arg14[%dma_start3A_486, %dma_start3A_487] : memref<768x16xi32, #tpu.memory_space<vmem>> -> memref<128x16xi32, #tpu.memory_space<vmem>>
        %dma_start3A_489 = arith.constant 0 : i32
        %dma_start3A_490 = tpu.memref_slice %arg8[%dma_start3A_485, %dma_start3A_489] : memref<2x384xi32, #tpu.memory_space<vmem>> -> memref<1x128xi32, #tpu.memory_space<vmem>>
        %dma_start3A_491 = tpu.memref_squeeze %dma_start3A_490 : memref<1x128xi32, #tpu.memory_space<vmem>> -> memref<128xi32, #tpu.memory_space<vmem>>
        %dma_start3A_492 = arith.constant 0 : i32
        %dma_start3A_493 = arith.constant 0 : i32
        %dma_start3A_494 = tpu.memref_slice %arg2[%dma_start3A_492, %dma_start3A_493] : memref<537600x16xi32, #tpu.memory_space<hbm>> -> memref<537600x16xi32, #tpu.memory_space<hbm>>
        tpu.enqueue_indirect_dma source(%dma_start3A_494 : memref<537600x16xi32, #tpu.memory_space<hbm>>) target(%dma_start3A_488 : memref<128x16xi32, #tpu.memory_space<vmem>>) offsets(%dma_start3A_491 : memref<128xi32, #tpu.memory_space<vmem>>) semaphore(%arg23 : memref<!tpu.dma_semaphore, #tpu.memory_space<semaphore_mem>>)
        %dma_start3A_495 = arith.constant 0 : i32
        %dma_start3A_496 = arith.constant 128 : i32
        %dma_start3A_497 = arith.constant 0 : i32
        %dma_start3A_498 = tpu.memref_slice %arg14[%dma_start3A_496, %dma_start3A_497] : memref<768x16xi32, #tpu.memory_space<vmem>> -> memref<128x16xi32, #tpu.memory_space<vmem>>
        %dma_start3A_499 = arith.constant 128 : i32
        %dma_start3A_500 = tpu.memref_slice %arg8[%dma_start3A_495, %dma_start3A_499] : memref<2x384xi32, #tpu.memory_space<vmem>> -> memref<1x128xi32, #tpu.memory_space<vmem>>
        %dma_start3A_501 = tpu.memref_squeeze %dma_start3A_500 : memref<1x128xi32, #tpu.memory_space<vmem>> -> memref<128xi32, #tpu.memory_space<vmem>>
        %dma_start3A_502 = arith.constant 0 : i32
        %dma_start3A_503 = arith.constant 0 : i32
        %dma_start3A_504 = tpu.memref_slice %arg2[%dma_start3A_502, %dma_start3A_503] : memref<537600x16xi32, #tpu.memory_space<hbm>> -> memref<537600x16xi32, #tpu.memory_space<hbm>>
        tpu.enqueue_indirect_dma source(%dma_start3A_504 : memref<537600x16xi32, #tpu.memory_space<hbm>>) target(%dma_start3A_498 : memref<128x16xi32, #tpu.memory_space<vmem>>) offsets(%dma_start3A_501 : memref<128xi32, #tpu.memory_space<vmem>>) semaphore(%arg23 : memref<!tpu.dma_semaphore, #tpu.memory_space<semaphore_mem>>)
        %dma_start3A_505 = arith.constant 0 : i32
        %dma_start3A_506 = arith.constant 256 : i32
        %dma_start3A_507 = arith.constant 0 : i32
        %dma_start3A_508 = tpu.memref_slice %arg14[%dma_start3A_506, %dma_start3A_507] : memref<768x16xi32, #tpu.memory_space<vmem>> -> memref<128x16xi32, #tpu.memory_space<vmem>>
        %dma_start3A_509 = arith.constant 256 : i32
        %dma_start3A_510 = tpu.memref_slice %arg8[%dma_start3A_505, %dma_start3A_509] : memref<2x384xi32, #tpu.memory_space<vmem>> -> memref<1x128xi32, #tpu.memory_space<vmem>>
        %dma_start3A_511 = tpu.memref_squeeze %dma_start3A_510 : memref<1x128xi32, #tpu.memory_space<vmem>> -> memref<128xi32, #tpu.memory_space<vmem>>
        %dma_start3A_512 = arith.constant 0 : i32
        %dma_start3A_513 = arith.constant 0 : i32
        %dma_start3A_514 = tpu.memref_slice %arg2[%dma_start3A_512, %dma_start3A_513] : memref<537600x16xi32, #tpu.memory_space<hbm>> -> memref<537600x16xi32, #tpu.memory_space<hbm>>
        tpu.enqueue_indirect_dma source(%dma_start3A_514 : memref<537600x16xi32, #tpu.memory_space<hbm>>) target(%dma_start3A_508 : memref<128x16xi32, #tpu.memory_space<vmem>>) offsets(%dma_start3A_511 : memref<128xi32, #tpu.memory_space<vmem>>) semaphore(%arg23 : memref<!tpu.dma_semaphore, #tpu.memory_space<semaphore_mem>>)
        %dma_start3A_515 = arith.constant 1 : i32
        %dma_start3A_516 = arith.constant 384 : i32
        %dma_start3A_517 = arith.constant 0 : i32
        %dma_start3A_518 = tpu.memref_slice %arg14[%dma_start3A_516, %dma_start3A_517] : memref<768x16xi32, #tpu.memory_space<vmem>> -> memref<128x16xi32, #tpu.memory_space<vmem>>
        %dma_start3A_519 = arith.constant 0 : i32
        %dma_start3A_520 = tpu.memref_slice %arg8[%dma_start3A_515, %dma_start3A_519] : memref<2x384xi32, #tpu.memory_space<vmem>> -> memref<1x128xi32, #tpu.memory_space<vmem>>
        %dma_start3A_521 = tpu.memref_squeeze %dma_start3A_520 : memref<1x128xi32, #tpu.memory_space<vmem>> -> memref<128xi32, #tpu.memory_space<vmem>>
        %dma_start3A_522 = arith.constant 0 : i32
        %dma_start3A_523 = arith.constant 0 : i32
        %dma_start3A_524 = tpu.memref_slice %arg2[%dma_start3A_522, %dma_start3A_523] : memref<537600x16xi32, #tpu.memory_space<hbm>> -> memref<537600x16xi32, #tpu.memory_space<hbm>>
        tpu.enqueue_indirect_dma source(%dma_start3A_524 : memref<537600x16xi32, #tpu.memory_space<hbm>>) target(%dma_start3A_518 : memref<128x16xi32, #tpu.memory_space<vmem>>) offsets(%dma_start3A_521 : memref<128xi32, #tpu.memory_space<vmem>>) semaphore(%arg23 : memref<!tpu.dma_semaphore, #tpu.memory_space<semaphore_mem>>)
        %dma_start3A_525 = arith.constant 1 : i32
        %dma_start3A_526 = arith.constant 512 : i32
        %dma_start3A_527 = arith.constant 0 : i32
        %dma_start3A_528 = tpu.memref_slice %arg14[%dma_start3A_526, %dma_start3A_527] : memref<768x16xi32, #tpu.memory_space<vmem>> -> memref<128x16xi32, #tpu.memory_space<vmem>>
        %dma_start3A_529 = arith.constant 128 : i32
        %dma_start3A_530 = tpu.memref_slice %arg8[%dma_start3A_525, %dma_start3A_529] : memref<2x384xi32, #tpu.memory_space<vmem>> -> memref<1x128xi32, #tpu.memory_space<vmem>>
        %dma_start3A_531 = tpu.memref_squeeze %dma_start3A_530 : memref<1x128xi32, #tpu.memory_space<vmem>> -> memref<128xi32, #tpu.memory_space<vmem>>
        %dma_start3A_532 = arith.constant 0 : i32
        %dma_start3A_533 = arith.constant 0 : i32
        %dma_start3A_534 = tpu.memref_slice %arg2[%dma_start3A_532, %dma_start3A_533] : memref<537600x16xi32, #tpu.memory_space<hbm>> -> memref<537600x16xi32, #tpu.memory_space<hbm>>
        tpu.enqueue_indirect_dma source(%dma_start3A_534 : memref<537600x16xi32, #tpu.memory_space<hbm>>) target(%dma_start3A_528 : memref<128x16xi32, #tpu.memory_space<vmem>>) offsets(%dma_start3A_531 : memref<128xi32, #tpu.memory_space<vmem>>) semaphore(%arg23 : memref<!tpu.dma_semaphore, #tpu.memory_space<semaphore_mem>>)
        %dma_start3A_535 = arith.constant 1 : i32
        %dma_start3A_536 = arith.constant 640 : i32
        %dma_start3A_537 = arith.constant 0 : i32
        %dma_start3A_538 = tpu.memref_slice %arg14[%dma_start3A_536, %dma_start3A_537] : memref<768x16xi32, #tpu.memory_space<vmem>> -> memref<128x16xi32, #tpu.memory_space<vmem>>
        %dma_start3A_539 = arith.constant 256 : i32
        %dma_start3A_540 = tpu.memref_slice %arg8[%dma_start3A_535, %dma_start3A_539] : memref<2x384xi32, #tpu.memory_space<vmem>> -> memref<1x128xi32, #tpu.memory_space<vmem>>
        %dma_start3A_541 = tpu.memref_squeeze %dma_start3A_540 : memref<1x128xi32, #tpu.memory_space<vmem>> -> memref<128xi32, #tpu.memory_space<vmem>>
        %dma_start3A_542 = arith.constant 0 : i32
        %dma_start3A_543 = arith.constant 0 : i32
        %dma_start3A_544 = tpu.memref_slice %arg2[%dma_start3A_542, %dma_start3A_543] : memref<537600x16xi32, #tpu.memory_space<hbm>> -> memref<537600x16xi32, #tpu.memory_space<hbm>>
        tpu.enqueue_indirect_dma source(%dma_start3A_544 : memref<537600x16xi32, #tpu.memory_space<hbm>>) target(%dma_start3A_538 : memref<128x16xi32, #tpu.memory_space<vmem>>) offsets(%dma_start3A_541 : memref<128xi32, #tpu.memory_space<vmem>>) semaphore(%arg23 : memref<!tpu.dma_semaphore, #tpu.memory_space<semaphore_mem>>)
      } else {
      }
      %dma_wait3A_278 = arith.constant 0 : i32
      %dma_wait3A_279 = arith.constant 0 : i32
      %dma_wait3A_280 = arith.constant 0 : i32
      %dma_wait3A_281 = tpu.memref_slice %arg13[%dma_wait3A_279, %dma_wait3A_280] : memref<768x16xi32, #tpu.memory_space<vmem>> -> memref<128x16xi32, #tpu.memory_space<vmem>>
      %dma_wait3A_282 = arith.constant 0 : i32
      %dma_wait3A_283 = tpu.memref_slice %arg7[%dma_wait3A_278, %dma_wait3A_282] : memref<2x384xi32, #tpu.memory_space<vmem>> -> memref<1x128xi32, #tpu.memory_space<vmem>>
      %dma_wait3A_284 = tpu.memref_squeeze %dma_wait3A_283 : memref<1x128xi32, #tpu.memory_space<vmem>> -> memref<128xi32, #tpu.memory_space<vmem>>
      %dma_wait3A_285 = arith.constant 0 : i32
      %dma_wait3A_286 = arith.constant 0 : i32
      %dma_wait3A_287 = tpu.memref_slice %arg2[%dma_wait3A_285, %dma_wait3A_286] : memref<537600x16xi32, #tpu.memory_space<hbm>> -> memref<537600x16xi32, #tpu.memory_space<hbm>>
      tpu.wait_indirect_dma semaphore(%arg22 : memref<!tpu.dma_semaphore, #tpu.memory_space<semaphore_mem>>) src(%dma_wait3A_287 : memref<537600x16xi32, #tpu.memory_space<hbm>>) dst(%dma_wait3A_281 : memref<128x16xi32, #tpu.memory_space<vmem>>)
      %dma_wait3A_288 = arith.constant 0 : i32
      %dma_wait3A_289 = arith.constant 128 : i32
      %dma_wait3A_290 = arith.constant 0 : i32
      %dma_wait3A_291 = tpu.memref_slice %arg13[%dma_wait3A_289, %dma_wait3A_290] : memref<768x16xi32, #tpu.memory_space<vmem>> -> memref<128x16xi32, #tpu.memory_space<vmem>>
      %dma_wait3A_292 = arith.constant 128 : i32
      %dma_wait3A_293 = tpu.memref_slice %arg7[%dma_wait3A_288, %dma_wait3A_292] : memref<2x384xi32, #tpu.memory_space<vmem>> -> memref<1x128xi32, #tpu.memory_space<vmem>>
      %dma_wait3A_294 = tpu.memref_squeeze %dma_wait3A_293 : memref<1x128xi32, #tpu.memory_space<vmem>> -> memref<128xi32, #tpu.memory_space<vmem>>
      %dma_wait3A_295 = arith.constant 0 : i32
      %dma_wait3A_296 = arith.constant 0 : i32
      %dma_wait3A_297 = tpu.memref_slice %arg2[%dma_wait3A_295, %dma_wait3A_296] : memref<537600x16xi32, #tpu.memory_space<hbm>> -> memref<537600x16xi32, #tpu.memory_space<hbm>>
      tpu.wait_indirect_dma semaphore(%arg22 : memref<!tpu.dma_semaphore, #tpu.memory_space<semaphore_mem>>) src(%dma_wait3A_297 : memref<537600x16xi32, #tpu.memory_space<hbm>>) dst(%dma_wait3A_291 : memref<128x16xi32, #tpu.memory_space<vmem>>)
      %dma_wait3A_298 = arith.constant 0 : i32
      %dma_wait3A_299 = arith.constant 256 : i32
      %dma_wait3A_300 = arith.constant 0 : i32
      %dma_wait3A_301 = tpu.memref_slice %arg13[%dma_wait3A_299, %dma_wait3A_300] : memref<768x16xi32, #tpu.memory_space<vmem>> -> memref<128x16xi32, #tpu.memory_space<vmem>>
      %dma_wait3A_302 = arith.constant 256 : i32
      %dma_wait3A_303 = tpu.memref_slice %arg7[%dma_wait3A_298, %dma_wait3A_302] : memref<2x384xi32, #tpu.memory_space<vmem>> -> memref<1x128xi32, #tpu.memory_space<vmem>>
      %dma_wait3A_304 = tpu.memref_squeeze %dma_wait3A_303 : memref<1x128xi32, #tpu.memory_space<vmem>> -> memref<128xi32, #tpu.memory_space<vmem>>
      %dma_wait3A_305 = arith.constant 0 : i32
      %dma_wait3A_306 = arith.constant 0 : i32
      %dma_wait3A_307 = tpu.memref_slice %arg2[%dma_wait3A_305, %dma_wait3A_306] : memref<537600x16xi32, #tpu.memory_space<hbm>> -> memref<537600x16xi32, #tpu.memory_space<hbm>>
      tpu.wait_indirect_dma semaphore(%arg22 : memref<!tpu.dma_semaphore, #tpu.memory_space<semaphore_mem>>) src(%dma_wait3A_307 : memref<537600x16xi32, #tpu.memory_space<hbm>>) dst(%dma_wait3A_301 : memref<128x16xi32, #tpu.memory_space<vmem>>)
      %dma_wait3A_308 = arith.constant 1 : i32
      %dma_wait3A_309 = arith.constant 384 : i32
      %dma_wait3A_310 = arith.constant 0 : i32
      %dma_wait3A_311 = tpu.memref_slice %arg13[%dma_wait3A_309, %dma_wait3A_310] : memref<768x16xi32, #tpu.memory_space<vmem>> -> memref<128x16xi32, #tpu.memory_space<vmem>>
      %dma_wait3A_312 = arith.constant 0 : i32
      %dma_wait3A_313 = tpu.memref_slice %arg7[%dma_wait3A_308, %dma_wait3A_312] : memref<2x384xi32, #tpu.memory_space<vmem>> -> memref<1x128xi32, #tpu.memory_space<vmem>>
      %dma_wait3A_314 = tpu.memref_squeeze %dma_wait3A_313 : memref<1x128xi32, #tpu.memory_space<vmem>> -> memref<128xi32, #tpu.memory_space<vmem>>
      %dma_wait3A_315 = arith.constant 0 : i32
      %dma_wait3A_316 = arith.constant 0 : i32
      %dma_wait3A_317 = tpu.memref_slice %arg2[%dma_wait3A_315, %dma_wait3A_316] : memref<537600x16xi32, #tpu.memory_space<hbm>> -> memref<537600x16xi32, #tpu.memory_space<hbm>>
      tpu.wait_indirect_dma semaphore(%arg22 : memref<!tpu.dma_semaphore, #tpu.memory_space<semaphore_mem>>) src(%dma_wait3A_317 : memref<537600x16xi32, #tpu.memory_space<hbm>>) dst(%dma_wait3A_311 : memref<128x16xi32, #tpu.memory_space<vmem>>)
      %dma_wait3A_318 = arith.constant 1 : i32
      %dma_wait3A_319 = arith.constant 512 : i32
      %dma_wait3A_320 = arith.constant 0 : i32
      %dma_wait3A_321 = tpu.memref_slice %arg13[%dma_wait3A_319, %dma_wait3A_320] : memref<768x16xi32, #tpu.memory_space<vmem>> -> memref<128x16xi32, #tpu.memory_space<vmem>>
      %dma_wait3A_322 = arith.constant 128 : i32
      %dma_wait3A_323 = tpu.memref_slice %arg7[%dma_wait3A_318, %dma_wait3A_322] : memref<2x384xi32, #tpu.memory_space<vmem>> -> memref<1x128xi32, #tpu.memory_space<vmem>>
      %dma_wait3A_324 = tpu.memref_squeeze %dma_wait3A_323 : memref<1x128xi32, #tpu.memory_space<vmem>> -> memref<128xi32, #tpu.memory_space<vmem>>
      %dma_wait3A_325 = arith.constant 0 : i32
      %dma_wait3A_326 = arith.constant 0 : i32
      %dma_wait3A_327 = tpu.memref_slice %arg2[%dma_wait3A_325, %dma_wait3A_326] : memref<537600x16xi32, #tpu.memory_space<hbm>> -> memref<537600x16xi32, #tpu.memory_space<hbm>>
      tpu.wait_indirect_dma semaphore(%arg22 : memref<!tpu.dma_semaphore, #tpu.memory_space<semaphore_mem>>) src(%dma_wait3A_327 : memref<537600x16xi32, #tpu.memory_space<hbm>>) dst(%dma_wait3A_321 : memref<128x16xi32, #tpu.memory_space<vmem>>)
      %dma_wait3A_328 = arith.constant 1 : i32
      %dma_wait3A_329 = arith.constant 640 : i32
      %dma_wait3A_330 = arith.constant 0 : i32
      %dma_wait3A_331 = tpu.memref_slice %arg13[%dma_wait3A_329, %dma_wait3A_330] : memref<768x16xi32, #tpu.memory_space<vmem>> -> memref<128x16xi32, #tpu.memory_space<vmem>>
      %dma_wait3A_332 = arith.constant 256 : i32
      %dma_wait3A_333 = tpu.memref_slice %arg7[%dma_wait3A_328, %dma_wait3A_332] : memref<2x384xi32, #tpu.memory_space<vmem>> -> memref<1x128xi32, #tpu.memory_space<vmem>>
      %dma_wait3A_334 = tpu.memref_squeeze %dma_wait3A_333 : memref<1x128xi32, #tpu.memory_space<vmem>> -> memref<128xi32, #tpu.memory_space<vmem>>
      %dma_wait3A_335 = arith.constant 0 : i32
      %dma_wait3A_336 = arith.constant 0 : i32
      %dma_wait3A_337 = tpu.memref_slice %arg2[%dma_wait3A_335, %dma_wait3A_336] : memref<537600x16xi32, #tpu.memory_space<hbm>> -> memref<537600x16xi32, #tpu.memory_space<hbm>>
      tpu.wait_indirect_dma semaphore(%arg22 : memref<!tpu.dma_semaphore, #tpu.memory_space<semaphore_mem>>) src(%dma_wait3A_337 : memref<537600x16xi32, #tpu.memory_space<hbm>>) dst(%dma_wait3A_331 : memref<128x16xi32, #tpu.memory_space<vmem>>)
      %ge3A_338 = arith.constant 3 : i32
      %ge3A_339 = arith.cmpi sge, %add3A_270, %ge3A_338 : i32
      %convert_element_type3A_340 = arith.extui %ge3A_339 : i1 to i32
      %cond3A_341 = arith.constant 0 : i32
      %cond3A_342 = arith.cmpi ne, %convert_element_type3A_340, %cond3A_341 : i32
      scf.if %cond3A_342 {
        %dma_wait3A_467 = arith.constant 0 : i32
        %dma_wait3A_468 = arith.constant 0 : i32
        %dma_wait3A_469 = arith.constant 0 : i32
        %dma_wait3A_470 = tpu.memref_slice %arg5[%dma_wait3A_467, %dma_wait3A_468, %dma_wait3A_469] : memref<1200x16x32xf32, #tpu.memory_space<hbm>> -> memref<1x16x32xf32, #tpu.memory_space<hbm>>
        %dma_wait3A_471 = tpu.memref_squeeze %dma_wait3A_470 : memref<1x16x32xf32, #tpu.memory_space<hbm>> -> memref<16x32xf32, #tpu.memory_space<hbm>>
        %dma_wait3A_472 = arith.constant 0 : i32
        %dma_wait3A_473 = arith.constant 0 : i32
        %dma_wait3A_474 = tpu.memref_slice %arg5[%dma_wait3A_467, %dma_wait3A_472, %dma_wait3A_473] : memref<1200x16x32xf32, #tpu.memory_space<hbm>> -> memref<1x16x32xf32, #tpu.memory_space<hbm>>
        %dma_wait3A_475 = tpu.memref_squeeze %dma_wait3A_474 : memref<1x16x32xf32, #tpu.memory_space<hbm>> -> memref<16x32xf32, #tpu.memory_space<hbm>>
        tpu.wait_dma2 semaphore(%arg25 : memref<!tpu.dma_semaphore, #tpu.memory_space<semaphore_mem>>) src(%arg16 : memref<16x32xf32, #tpu.memory_space<vmem>>) dst(%dma_wait3A_475 : memref<16x32xf32, #tpu.memory_space<hbm>>)
      } else {
      }
      %scan3A_343 = arith.constant 0 : i32
      %scan3A_344 = arith.constant 0 : i32
      %scan3A_345 = arith.constant 16 : i32
      %scan3A_346 = arith.addi %scan3A_344, %scan3A_345 : i32
      %scan3A_347 = arith.constant 1 : i32
      scf.for %scan3A_467 = %scan3A_344 to %scan3A_346 step %scan3A_347  : i32 {
        %jit3A = arith.constant 8 : i32
        %div3A = arith.divsi %scan3A_467, %jit3A : i32
        %sign3A = arith.constant 0 : i32
        %sign3A_468 = arith.cmpi sgt, %scan3A_467, %sign3A : i32
        %sign3A_469 = arith.extui %sign3A_468 : i1 to i32
        %sign3A_470 = arith.constant 0 : i32
        %sign3A_471 = arith.cmpi slt, %scan3A_467, %sign3A_470 : i32
        %sign3A_472 = arith.extui %sign3A_471 : i1 to i32
        %sign3A_473 = arith.subi %sign3A_469, %sign3A_472 : i32
        %sign3A_474 = arith.constant 0 : i32
        %sign3A_475 = arith.cmpi sgt, %jit3A, %sign3A_474 : i32
        %sign3A_476 = arith.extui %sign3A_475 : i1 to i32
        %sign3A_477 = arith.constant 0 : i32
        %sign3A_478 = arith.cmpi slt, %jit3A, %sign3A_477 : i32
        %sign3A_479 = arith.extui %sign3A_478 : i1 to i32
        %sign3A_480 = arith.subi %sign3A_476, %sign3A_479 : i32
        %ne3A = arith.cmpi ne, %sign3A_473, %sign3A_480 : i32
        %rem3A = arith.remsi %scan3A_467, %jit3A : i32
        %ne3A_481 = arith.constant 0 : i32
        %ne3A_482 = arith.cmpi ne, %rem3A, %ne3A_481 : i32
        %and3A = arith.andi %ne3A, %ne3A_482 : i1
        %sub3A = arith.constant 1 : i32
        %sub3A_483 = arith.subi %div3A, %sub3A : i32
        %select_n3A = arith.select %and3A, %sub3A_483, %div3A : i32
        %mul3A_484 = arith.constant 8 : i32
        %mul3A_485 = arith.muli %select_n3A, %mul3A_484 : i32
        %sub3A_486 = arith.subi %scan3A_467, %mul3A_485 : i32
        %mul3A_487 = arith.constant 48 : i32
        %mul3A_488 = arith.muli %sub3A_486, %mul3A_487 : i32
        %get3A = arith.index_cast %select_n3A : i32 to index
        %get3A_489 = arith.index_cast %mul3A_488 : i32 to index
        %get3A_490 = tpu.vector_load %arg10[%get3A, %get3A_489] {strides = array<i32>} : memref<2x384xf32, #tpu.memory_space<vmem>>, vector<1x16xf32>,
        %get3A_491 = vector.shape_cast %get3A_490 : vector<1x16xf32> to vector<16xf32>
        %add3A_492 = arith.constant 16 : i32
        %add3A_493 = arith.addi %mul3A_488, %add3A_492 : i32
        %get3A_494 = arith.index_cast %select_n3A : i32 to index
        %get3A_495 = arith.index_cast %add3A_493 : i32 to index
        %get3A_496 = tpu.vector_load %arg10[%get3A_494, %get3A_495] {strides = array<i32>} : memref<2x384xf32, #tpu.memory_space<vmem>>, vector<1x16xf32>,
        %get3A_497 = vector.shape_cast %get3A_496 : vector<1x16xf32> to vector<16xf32>
        %add3A_498 = arith.constant 32 : i32
        %add3A_499 = arith.addi %mul3A_488, %add3A_498 : i32
        %get3A_500 = arith.index_cast %select_n3A : i32 to index
        %get3A_501 = arith.index_cast %add3A_499 : i32 to index
        %get3A_502 = tpu.vector_load %arg10[%get3A_500, %get3A_501] {strides = array<i32>} : memref<2x384xf32, #tpu.memory_space<vmem>>, vector<1x16xf32>,
        %get3A_503 = vector.shape_cast %get3A_502 : vector<1x16xf32> to vector<16xf32>
        %mul3A_504 = arith.constant 384 : i32
        %mul3A_505 = arith.muli %select_n3A, %mul3A_504 : i32
        %mul3A_506 = arith.constant 12 : i32
        %mul3A_507 = arith.muli %sub3A_486, %mul3A_506 : i32
        %add3A_508 = arith.addi %mul3A_505, %mul3A_507 : i32
        %broadcast_in_dim3A = arith.constant 0.000000e+00 : f32
        %broadcast_in_dim3A_509 = vector.broadcast %broadcast_in_dim3A : f32 to vector<16xf32>
        %broadcast_in_dim3A_510 = arith.constant 0.000000e+00 : f32
        %broadcast_in_dim3A_511 = vector.broadcast %broadcast_in_dim3A_510 : f32 to vector<16xf32>
        %broadcast_in_dim3A_512 = arith.constant 0 : i32
        %broadcast_in_dim3A_513 = vector.broadcast %broadcast_in_dim3A_512 : i32 to vector<16x1xi32>
        %gather3A = vector.shape_cast %broadcast_in_dim3A_513 : vector<16x1xi32> to vector<16xi32>
        %gather3A_514 = tpu.dynamic_gather %get3A_491[%gather3A] in [0] : vector<16xf32>, vector<16xi32> -> vector<16xf32>
        %add3A_515 = arith.constant 0 : i32
        %add3A_516 = arith.addi %add3A_508, %add3A_515 : i32
        %add3A_517 = arith.constant 0 : i32
        %add3A_518 = arith.addi %add3A_516, %add3A_517 : i32
        %get3A_519 = arith.index_cast %add3A_518 : i32 to index
        %get3A_520 = arith.constant 0 : index
        %get3A_521 = tpu.vector_load %arg13[%get3A_519, %get3A_520] {strides = array<i32>} : memref<768x16xi32, #tpu.memory_space<vmem>>, vector<1x16xi32>,
        %get3A_522 = vector.shape_cast %get3A_521 : vector<1x16xi32> to vector<16xi32>
        %shift_left3A = arith.constant 16 : i32
        %shift_left3A_523 = vector.broadcast %shift_left3A : i32 to vector<16xi32>
        %shift_left3A_524 = arith.shli %get3A_522, %shift_left3A_523 : vector<16xi32>
        %bitcast_convert_type3A = tpu.bitcast %shift_left3A_524 : vector<16xi32> -> vector<16xf32>
        %and3A_525 = arith.constant -65536 : i32
        %and3A_526 = vector.broadcast %and3A_525 : i32 to vector<16xi32>
        %and3A_527 = arith.andi %get3A_522, %and3A_526 : vector<16xi32>
        %bitcast_convert_type3A_528 = tpu.bitcast %and3A_527 : vector<16xi32> -> vector<16xf32>
        %mul3A_529 = arith.mulf %gather3A_514, %bitcast_convert_type3A : vector<16xf32>
        %add3A_530 = arith.addf %broadcast_in_dim3A_509, %mul3A_529 : vector<16xf32>
        %mul3A_531 = arith.mulf %gather3A_514, %bitcast_convert_type3A_528 : vector<16xf32>
        %add3A_532 = arith.addf %broadcast_in_dim3A_511, %mul3A_531 : vector<16xf32>
        %broadcast_in_dim3A_533 = arith.constant 1 : i32
        %broadcast_in_dim3A_534 = vector.broadcast %broadcast_in_dim3A_533 : i32 to vector<16x1xi32>
        %gather3A_535 = vector.shape_cast %broadcast_in_dim3A_534 : vector<16x1xi32> to vector<16xi32>
        %gather3A_536 = tpu.dynamic_gather %get3A_491[%gather3A_535] in [0] : vector<16xf32>, vector<16xi32> -> vector<16xf32>
        %add3A_537 = arith.constant 0 : i32
        %add3A_538 = arith.addi %add3A_508, %add3A_537 : i32
        %add3A_539 = arith.constant 1 : i32
        %add3A_540 = arith.addi %add3A_538, %add3A_539 : i32
        %get3A_541 = arith.index_cast %add3A_540 : i32 to index
        %get3A_542 = arith.constant 0 : index
        %get3A_543 = tpu.vector_load %arg13[%get3A_541, %get3A_542] {strides = array<i32>} : memref<768x16xi32, #tpu.memory_space<vmem>>, vector<1x16xi32>,
        %get3A_544 = vector.shape_cast %get3A_543 : vector<1x16xi32> to vector<16xi32>
        %shift_left3A_545 = arith.constant 16 : i32
        %shift_left3A_546 = vector.broadcast %shift_left3A_545 : i32 to vector<16xi32>
        %shift_left3A_547 = arith.shli %get3A_544, %shift_left3A_546 : vector<16xi32>
        %bitcast_convert_type3A_548 = tpu.bitcast %shift_left3A_547 : vector<16xi32> -> vector<16xf32>
        %and3A_549 = arith.constant -65536 : i32
        %and3A_550 = vector.broadcast %and3A_549 : i32 to vector<16xi32>
        %and3A_551 = arith.andi %get3A_544, %and3A_550 : vector<16xi32>
        %bitcast_convert_type3A_552 = tpu.bitcast %and3A_551 : vector<16xi32> -> vector<16xf32>
        %mul3A_553 = arith.mulf %gather3A_536, %bitcast_convert_type3A_548 : vector<16xf32>
        %add3A_554 = arith.addf %add3A_530, %mul3A_553 : vector<16xf32>
        %mul3A_555 = arith.mulf %gather3A_536, %bitcast_convert_type3A_552 : vector<16xf32>
        %add3A_556 = arith.addf %add3A_532, %mul3A_555 : vector<16xf32>
        %broadcast_in_dim3A_557 = arith.constant 2 : i32
        %broadcast_in_dim3A_558 = vector.broadcast %broadcast_in_dim3A_557 : i32 to vector<16x1xi32>
        %gather3A_559 = vector.shape_cast %broadcast_in_dim3A_558 : vector<16x1xi32> to vector<16xi32>
        %gather3A_560 = tpu.dynamic_gather %get3A_491[%gather3A_559] in [0] : vector<16xf32>, vector<16xi32> -> vector<16xf32>
        %add3A_561 = arith.constant 0 : i32
        %add3A_562 = arith.addi %add3A_508, %add3A_561 : i32
        %add3A_563 = arith.constant 2 : i32
        %add3A_564 = arith.addi %add3A_562, %add3A_563 : i32
        %get3A_565 = arith.index_cast %add3A_564 : i32 to index
        %get3A_566 = arith.constant 0 : index
        %get3A_567 = tpu.vector_load %arg13[%get3A_565, %get3A_566] {strides = array<i32>} : memref<768x16xi32, #tpu.memory_space<vmem>>, vector<1x16xi32>,
        %get3A_568 = vector.shape_cast %get3A_567 : vector<1x16xi32> to vector<16xi32>
        %shift_left3A_569 = arith.constant 16 : i32
        %shift_left3A_570 = vector.broadcast %shift_left3A_569 : i32 to vector<16xi32>
        %shift_left3A_571 = arith.shli %get3A_568, %shift_left3A_570 : vector<16xi32>
        %bitcast_convert_type3A_572 = tpu.bitcast %shift_left3A_571 : vector<16xi32> -> vector<16xf32>
        %and3A_573 = arith.constant -65536 : i32
        %and3A_574 = vector.broadcast %and3A_573 : i32 to vector<16xi32>
        %and3A_575 = arith.andi %get3A_568, %and3A_574 : vector<16xi32>
        %bitcast_convert_type3A_576 = tpu.bitcast %and3A_575 : vector<16xi32> -> vector<16xf32>
        %mul3A_577 = arith.mulf %gather3A_560, %bitcast_convert_type3A_572 : vector<16xf32>
        %add3A_578 = arith.addf %add3A_554, %mul3A_577 : vector<16xf32>
        %mul3A_579 = arith.mulf %gather3A_560, %bitcast_convert_type3A_576 : vector<16xf32>
        %add3A_580 = arith.addf %add3A_556, %mul3A_579 : vector<16xf32>
        %broadcast_in_dim3A_581 = arith.constant 3 : i32
        %broadcast_in_dim3A_582 = vector.broadcast %broadcast_in_dim3A_581 : i32 to vector<16x1xi32>
        %gather3A_583 = vector.shape_cast %broadcast_in_dim3A_582 : vector<16x1xi32> to vector<16xi32>
        %gather3A_584 = tpu.dynamic_gather %get3A_491[%gather3A_583] in [0] : vector<16xf32>, vector<16xi32> -> vector<16xf32>
        %add3A_585 = arith.constant 0 : i32
        %add3A_586 = arith.addi %add3A_508, %add3A_585 : i32
        %add3A_587 = arith.constant 3 : i32
        %add3A_588 = arith.addi %add3A_586, %add3A_587 : i32
        %get3A_589 = arith.index_cast %add3A_588 : i32 to index
        %get3A_590 = arith.constant 0 : index
        %get3A_591 = tpu.vector_load %arg13[%get3A_589, %get3A_590] {strides = array<i32>} : memref<768x16xi32, #tpu.memory_space<vmem>>, vector<1x16xi32>,
        %get3A_592 = vector.shape_cast %get3A_591 : vector<1x16xi32> to vector<16xi32>
        %shift_left3A_593 = arith.constant 16 : i32
        %shift_left3A_594 = vector.broadcast %shift_left3A_593 : i32 to vector<16xi32>
        %shift_left3A_595 = arith.shli %get3A_592, %shift_left3A_594 : vector<16xi32>
        %bitcast_convert_type3A_596 = tpu.bitcast %shift_left3A_595 : vector<16xi32> -> vector<16xf32>
        %and3A_597 = arith.constant -65536 : i32
        %and3A_598 = vector.broadcast %and3A_597 : i32 to vector<16xi32>
        %and3A_599 = arith.andi %get3A_592, %and3A_598 : vector<16xi32>
        %bitcast_convert_type3A_600 = tpu.bitcast %and3A_599 : vector<16xi32> -> vector<16xf32>
        %mul3A_601 = arith.mulf %gather3A_584, %bitcast_convert_type3A_596 : vector<16xf32>
        %add3A_602 = arith.addf %add3A_578, %mul3A_601 : vector<16xf32>
        %mul3A_603 = arith.mulf %gather3A_584, %bitcast_convert_type3A_600 : vector<16xf32>
        %add3A_604 = arith.addf %add3A_580, %mul3A_603 : vector<16xf32>
        %broadcast_in_dim3A_605 = arith.constant 4 : i32
        %broadcast_in_dim3A_606 = vector.broadcast %broadcast_in_dim3A_605 : i32 to vector<16x1xi32>
        %gather3A_607 = vector.shape_cast %broadcast_in_dim3A_606 : vector<16x1xi32> to vector<16xi32>
        %gather3A_608 = tpu.dynamic_gather %get3A_491[%gather3A_607] in [0] : vector<16xf32>, vector<16xi32> -> vector<16xf32>
        %add3A_609 = arith.constant 0 : i32
        %add3A_610 = arith.addi %add3A_508, %add3A_609 : i32
        %add3A_611 = arith.constant 4 : i32
        %add3A_612 = arith.addi %add3A_610, %add3A_611 : i32
        %get3A_613 = arith.index_cast %add3A_612 : i32 to index
        %get3A_614 = arith.constant 0 : index
        %get3A_615 = tpu.vector_load %arg13[%get3A_613, %get3A_614] {strides = array<i32>} : memref<768x16xi32, #tpu.memory_space<vmem>>, vector<1x16xi32>,
        %get3A_616 = vector.shape_cast %get3A_615 : vector<1x16xi32> to vector<16xi32>
        %shift_left3A_617 = arith.constant 16 : i32
        %shift_left3A_618 = vector.broadcast %shift_left3A_617 : i32 to vector<16xi32>
        %shift_left3A_619 = arith.shli %get3A_616, %shift_left3A_618 : vector<16xi32>
        %bitcast_convert_type3A_620 = tpu.bitcast %shift_left3A_619 : vector<16xi32> -> vector<16xf32>
        %and3A_621 = arith.constant -65536 : i32
        %and3A_622 = vector.broadcast %and3A_621 : i32 to vector<16xi32>
        %and3A_623 = arith.andi %get3A_616, %and3A_622 : vector<16xi32>
        %bitcast_convert_type3A_624 = tpu.bitcast %and3A_623 : vector<16xi32> -> vector<16xf32>
        %mul3A_625 = arith.mulf %gather3A_608, %bitcast_convert_type3A_620 : vector<16xf32>
        %add3A_626 = arith.addf %add3A_602, %mul3A_625 : vector<16xf32>
        %mul3A_627 = arith.mulf %gather3A_608, %bitcast_convert_type3A_624 : vector<16xf32>
        %add3A_628 = arith.addf %add3A_604, %mul3A_627 : vector<16xf32>
        %broadcast_in_dim3A_629 = arith.constant 5 : i32
        %broadcast_in_dim3A_630 = vector.broadcast %broadcast_in_dim3A_629 : i32 to vector<16x1xi32>
        %gather3A_631 = vector.shape_cast %broadcast_in_dim3A_630 : vector<16x1xi32> to vector<16xi32>
        %gather3A_632 = tpu.dynamic_gather %get3A_491[%gather3A_631] in [0] : vector<16xf32>, vector<16xi32> -> vector<16xf32>
        %add3A_633 = arith.constant 0 : i32
        %add3A_634 = arith.addi %add3A_508, %add3A_633 : i32
        %add3A_635 = arith.constant 5 : i32
        %add3A_636 = arith.addi %add3A_634, %add3A_635 : i32
        %get3A_637 = arith.index_cast %add3A_636 : i32 to index
        %get3A_638 = arith.constant 0 : index
        %get3A_639 = tpu.vector_load %arg13[%get3A_637, %get3A_638] {strides = array<i32>} : memref<768x16xi32, #tpu.memory_space<vmem>>, vector<1x16xi32>,
        %get3A_640 = vector.shape_cast %get3A_639 : vector<1x16xi32> to vector<16xi32>
        %shift_left3A_641 = arith.constant 16 : i32
        %shift_left3A_642 = vector.broadcast %shift_left3A_641 : i32 to vector<16xi32>
        %shift_left3A_643 = arith.shli %get3A_640, %shift_left3A_642 : vector<16xi32>
        %bitcast_convert_type3A_644 = tpu.bitcast %shift_left3A_643 : vector<16xi32> -> vector<16xf32>
        %and3A_645 = arith.constant -65536 : i32
        %and3A_646 = vector.broadcast %and3A_645 : i32 to vector<16xi32>
        %and3A_647 = arith.andi %get3A_640, %and3A_646 : vector<16xi32>
        %bitcast_convert_type3A_648 = tpu.bitcast %and3A_647 : vector<16xi32> -> vector<16xf32>
        %mul3A_649 = arith.mulf %gather3A_632, %bitcast_convert_type3A_644 : vector<16xf32>
        %add3A_650 = arith.addf %add3A_626, %mul3A_649 : vector<16xf32>
        %mul3A_651 = arith.mulf %gather3A_632, %bitcast_convert_type3A_648 : vector<16xf32>
        %add3A_652 = arith.addf %add3A_628, %mul3A_651 : vector<16xf32>
        %broadcast_in_dim3A_653 = arith.constant 6 : i32
        %broadcast_in_dim3A_654 = vector.broadcast %broadcast_in_dim3A_653 : i32 to vector<16x1xi32>
        %gather3A_655 = vector.shape_cast %broadcast_in_dim3A_654 : vector<16x1xi32> to vector<16xi32>
        %gather3A_656 = tpu.dynamic_gather %get3A_491[%gather3A_655] in [0] : vector<16xf32>, vector<16xi32> -> vector<16xf32>
        %add3A_657 = arith.constant 0 : i32
        %add3A_658 = arith.addi %add3A_508, %add3A_657 : i32
        %add3A_659 = arith.constant 6 : i32
        %add3A_660 = arith.addi %add3A_658, %add3A_659 : i32
        %get3A_661 = arith.index_cast %add3A_660 : i32 to index
        %get3A_662 = arith.constant 0 : index
        %get3A_663 = tpu.vector_load %arg13[%get3A_661, %get3A_662] {strides = array<i32>} : memref<768x16xi32, #tpu.memory_space<vmem>>, vector<1x16xi32>,
        %get3A_664 = vector.shape_cast %get3A_663 : vector<1x16xi32> to vector<16xi32>
        %shift_left3A_665 = arith.constant 16 : i32
        %shift_left3A_666 = vector.broadcast %shift_left3A_665 : i32 to vector<16xi32>
        %shift_left3A_667 = arith.shli %get3A_664, %shift_left3A_666 : vector<16xi32>
        %bitcast_convert_type3A_668 = tpu.bitcast %shift_left3A_667 : vector<16xi32> -> vector<16xf32>
        %and3A_669 = arith.constant -65536 : i32
        %and3A_670 = vector.broadcast %and3A_669 : i32 to vector<16xi32>
        %and3A_671 = arith.andi %get3A_664, %and3A_670 : vector<16xi32>
        %bitcast_convert_type3A_672 = tpu.bitcast %and3A_671 : vector<16xi32> -> vector<16xf32>
        %mul3A_673 = arith.mulf %gather3A_656, %bitcast_convert_type3A_668 : vector<16xf32>
        %add3A_674 = arith.addf %add3A_650, %mul3A_673 : vector<16xf32>
        %mul3A_675 = arith.mulf %gather3A_656, %bitcast_convert_type3A_672 : vector<16xf32>
        %add3A_676 = arith.addf %add3A_652, %mul3A_675 : vector<16xf32>
        %broadcast_in_dim3A_677 = arith.constant 7 : i32
        %broadcast_in_dim3A_678 = vector.broadcast %broadcast_in_dim3A_677 : i32 to vector<16x1xi32>
        %gather3A_679 = vector.shape_cast %broadcast_in_dim3A_678 : vector<16x1xi32> to vector<16xi32>
        %gather3A_680 = tpu.dynamic_gather %get3A_491[%gather3A_679] in [0] : vector<16xf32>, vector<16xi32> -> vector<16xf32>
        %add3A_681 = arith.constant 0 : i32
        %add3A_682 = arith.addi %add3A_508, %add3A_681 : i32
        %add3A_683 = arith.constant 7 : i32
        %add3A_684 = arith.addi %add3A_682, %add3A_683 : i32
        %get3A_685 = arith.index_cast %add3A_684 : i32 to index
        %get3A_686 = arith.constant 0 : index
        %get3A_687 = tpu.vector_load %arg13[%get3A_685, %get3A_686] {strides = array<i32>} : memref<768x16xi32, #tpu.memory_space<vmem>>, vector<1x16xi32>,
        %get3A_688 = vector.shape_cast %get3A_687 : vector<1x16xi32> to vector<16xi32>
        %shift_left3A_689 = arith.constant 16 : i32
        %shift_left3A_690 = vector.broadcast %shift_left3A_689 : i32 to vector<16xi32>
        %shift_left3A_691 = arith.shli %get3A_688, %shift_left3A_690 : vector<16xi32>
        %bitcast_convert_type3A_692 = tpu.bitcast %shift_left3A_691 : vector<16xi32> -> vector<16xf32>
        %and3A_693 = arith.constant -65536 : i32
        %and3A_694 = vector.broadcast %and3A_693 : i32 to vector<16xi32>
        %and3A_695 = arith.andi %get3A_688, %and3A_694 : vector<16xi32>
        %bitcast_convert_type3A_696 = tpu.bitcast %and3A_695 : vector<16xi32> -> vector<16xf32>
        %mul3A_697 = arith.mulf %gather3A_680, %bitcast_convert_type3A_692 : vector<16xf32>
        %add3A_698 = arith.addf %add3A_674, %mul3A_697 : vector<16xf32>
        %mul3A_699 = arith.mulf %gather3A_680, %bitcast_convert_type3A_696 : vector<16xf32>
        %add3A_700 = arith.addf %add3A_676, %mul3A_699 : vector<16xf32>
        %broadcast_in_dim3A_701 = arith.constant 8 : i32
        %broadcast_in_dim3A_702 = vector.broadcast %broadcast_in_dim3A_701 : i32 to vector<16x1xi32>
        %gather3A_703 = vector.shape_cast %broadcast_in_dim3A_702 : vector<16x1xi32> to vector<16xi32>
        %gather3A_704 = tpu.dynamic_gather %get3A_491[%gather3A_703] in [0] : vector<16xf32>, vector<16xi32> -> vector<16xf32>
        %add3A_705 = arith.constant 0 : i32
        %add3A_706 = arith.addi %add3A_508, %add3A_705 : i32
        %add3A_707 = arith.constant 8 : i32
        %add3A_708 = arith.addi %add3A_706, %add3A_707 : i32
        %get3A_709 = arith.index_cast %add3A_708 : i32 to index
        %get3A_710 = arith.constant 0 : index
        %get3A_711 = tpu.vector_load %arg13[%get3A_709, %get3A_710] {strides = array<i32>} : memref<768x16xi32, #tpu.memory_space<vmem>>, vector<1x16xi32>,
        %get3A_712 = vector.shape_cast %get3A_711 : vector<1x16xi32> to vector<16xi32>
        %shift_left3A_713 = arith.constant 16 : i32
        %shift_left3A_714 = vector.broadcast %shift_left3A_713 : i32 to vector<16xi32>
        %shift_left3A_715 = arith.shli %get3A_712, %shift_left3A_714 : vector<16xi32>
        %bitcast_convert_type3A_716 = tpu.bitcast %shift_left3A_715 : vector<16xi32> -> vector<16xf32>
        %and3A_717 = arith.constant -65536 : i32
        %and3A_718 = vector.broadcast %and3A_717 : i32 to vector<16xi32>
        %and3A_719 = arith.andi %get3A_712, %and3A_718 : vector<16xi32>
        %bitcast_convert_type3A_720 = tpu.bitcast %and3A_719 : vector<16xi32> -> vector<16xf32>
        %mul3A_721 = arith.mulf %gather3A_704, %bitcast_convert_type3A_716 : vector<16xf32>
        %add3A_722 = arith.addf %add3A_698, %mul3A_721 : vector<16xf32>
        %mul3A_723 = arith.mulf %gather3A_704, %bitcast_convert_type3A_720 : vector<16xf32>
        %add3A_724 = arith.addf %add3A_700, %mul3A_723 : vector<16xf32>
        %broadcast_in_dim3A_725 = arith.constant 9 : i32
        %broadcast_in_dim3A_726 = vector.broadcast %broadcast_in_dim3A_725 : i32 to vector<16x1xi32>
        %gather3A_727 = vector.shape_cast %broadcast_in_dim3A_726 : vector<16x1xi32> to vector<16xi32>
        %gather3A_728 = tpu.dynamic_gather %get3A_491[%gather3A_727] in [0] : vector<16xf32>, vector<16xi32> -> vector<16xf32>
        %add3A_729 = arith.constant 0 : i32
        %add3A_730 = arith.addi %add3A_508, %add3A_729 : i32
        %add3A_731 = arith.constant 9 : i32
        %add3A_732 = arith.addi %add3A_730, %add3A_731 : i32
        %get3A_733 = arith.index_cast %add3A_732 : i32 to index
        %get3A_734 = arith.constant 0 : index
        %get3A_735 = tpu.vector_load %arg13[%get3A_733, %get3A_734] {strides = array<i32>} : memref<768x16xi32, #tpu.memory_space<vmem>>, vector<1x16xi32>,
        %get3A_736 = vector.shape_cast %get3A_735 : vector<1x16xi32> to vector<16xi32>
        %shift_left3A_737 = arith.constant 16 : i32
        %shift_left3A_738 = vector.broadcast %shift_left3A_737 : i32 to vector<16xi32>
        %shift_left3A_739 = arith.shli %get3A_736, %shift_left3A_738 : vector<16xi32>
        %bitcast_convert_type3A_740 = tpu.bitcast %shift_left3A_739 : vector<16xi32> -> vector<16xf32>
        %and3A_741 = arith.constant -65536 : i32
        %and3A_742 = vector.broadcast %and3A_741 : i32 to vector<16xi32>
        %and3A_743 = arith.andi %get3A_736, %and3A_742 : vector<16xi32>
        %bitcast_convert_type3A_744 = tpu.bitcast %and3A_743 : vector<16xi32> -> vector<16xf32>
        %mul3A_745 = arith.mulf %gather3A_728, %bitcast_convert_type3A_740 : vector<16xf32>
        %add3A_746 = arith.addf %add3A_722, %mul3A_745 : vector<16xf32>
        %mul3A_747 = arith.mulf %gather3A_728, %bitcast_convert_type3A_744 : vector<16xf32>
        %add3A_748 = arith.addf %add3A_724, %mul3A_747 : vector<16xf32>
        %broadcast_in_dim3A_749 = arith.constant 10 : i32
        %broadcast_in_dim3A_750 = vector.broadcast %broadcast_in_dim3A_749 : i32 to vector<16x1xi32>
        %gather3A_751 = vector.shape_cast %broadcast_in_dim3A_750 : vector<16x1xi32> to vector<16xi32>
        %gather3A_752 = tpu.dynamic_gather %get3A_491[%gather3A_751] in [0] : vector<16xf32>, vector<16xi32> -> vector<16xf32>
        %add3A_753 = arith.constant 0 : i32
        %add3A_754 = arith.addi %add3A_508, %add3A_753 : i32
        %add3A_755 = arith.constant 10 : i32
        %add3A_756 = arith.addi %add3A_754, %add3A_755 : i32
        %get3A_757 = arith.index_cast %add3A_756 : i32 to index
        %get3A_758 = arith.constant 0 : index
        %get3A_759 = tpu.vector_load %arg13[%get3A_757, %get3A_758] {strides = array<i32>} : memref<768x16xi32, #tpu.memory_space<vmem>>, vector<1x16xi32>,
        %get3A_760 = vector.shape_cast %get3A_759 : vector<1x16xi32> to vector<16xi32>
        %shift_left3A_761 = arith.constant 16 : i32
        %shift_left3A_762 = vector.broadcast %shift_left3A_761 : i32 to vector<16xi32>
        %shift_left3A_763 = arith.shli %get3A_760, %shift_left3A_762 : vector<16xi32>
        %bitcast_convert_type3A_764 = tpu.bitcast %shift_left3A_763 : vector<16xi32> -> vector<16xf32>
        %and3A_765 = arith.constant -65536 : i32
        %and3A_766 = vector.broadcast %and3A_765 : i32 to vector<16xi32>
        %and3A_767 = arith.andi %get3A_760, %and3A_766 : vector<16xi32>
        %bitcast_convert_type3A_768 = tpu.bitcast %and3A_767 : vector<16xi32> -> vector<16xf32>
        %mul3A_769 = arith.mulf %gather3A_752, %bitcast_convert_type3A_764 : vector<16xf32>
        %add3A_770 = arith.addf %add3A_746, %mul3A_769 : vector<16xf32>
        %mul3A_771 = arith.mulf %gather3A_752, %bitcast_convert_type3A_768 : vector<16xf32>
        %add3A_772 = arith.addf %add3A_748, %mul3A_771 : vector<16xf32>
        %broadcast_in_dim3A_773 = arith.constant 11 : i32
        %broadcast_in_dim3A_774 = vector.broadcast %broadcast_in_dim3A_773 : i32 to vector<16x1xi32>
        %gather3A_775 = vector.shape_cast %broadcast_in_dim3A_774 : vector<16x1xi32> to vector<16xi32>
        %gather3A_776 = tpu.dynamic_gather %get3A_491[%gather3A_775] in [0] : vector<16xf32>, vector<16xi32> -> vector<16xf32>
        %add3A_777 = arith.constant 0 : i32
        %add3A_778 = arith.addi %add3A_508, %add3A_777 : i32
        %add3A_779 = arith.constant 11 : i32
        %add3A_780 = arith.addi %add3A_778, %add3A_779 : i32
        %get3A_781 = arith.index_cast %add3A_780 : i32 to index
        %get3A_782 = arith.constant 0 : index
        %get3A_783 = tpu.vector_load %arg13[%get3A_781, %get3A_782] {strides = array<i32>} : memref<768x16xi32, #tpu.memory_space<vmem>>, vector<1x16xi32>,
        %get3A_784 = vector.shape_cast %get3A_783 : vector<1x16xi32> to vector<16xi32>
        %shift_left3A_785 = arith.constant 16 : i32
        %shift_left3A_786 = vector.broadcast %shift_left3A_785 : i32 to vector<16xi32>
        %shift_left3A_787 = arith.shli %get3A_784, %shift_left3A_786 : vector<16xi32>
        %bitcast_convert_type3A_788 = tpu.bitcast %shift_left3A_787 : vector<16xi32> -> vector<16xf32>
        %and3A_789 = arith.constant -65536 : i32
        %and3A_790 = vector.broadcast %and3A_789 : i32 to vector<16xi32>
        %and3A_791 = arith.andi %get3A_784, %and3A_790 : vector<16xi32>
        %bitcast_convert_type3A_792 = tpu.bitcast %and3A_791 : vector<16xi32> -> vector<16xf32>
        %mul3A_793 = arith.mulf %gather3A_776, %bitcast_convert_type3A_788 : vector<16xf32>
        %add3A_794 = arith.addf %add3A_770, %mul3A_793 : vector<16xf32>
        %mul3A_795 = arith.mulf %gather3A_776, %bitcast_convert_type3A_792 : vector<16xf32>
        %add3A_796 = arith.addf %add3A_772, %mul3A_795 : vector<16xf32>
        %broadcast_in_dim3A_797 = arith.constant 12 : i32
        %broadcast_in_dim3A_798 = vector.broadcast %broadcast_in_dim3A_797 : i32 to vector<16x1xi32>
        %gather3A_799 = vector.shape_cast %broadcast_in_dim3A_798 : vector<16x1xi32> to vector<16xi32>
        %gather3A_800 = tpu.dynamic_gather %get3A_491[%gather3A_799] in [0] : vector<16xf32>, vector<16xi32> -> vector<16xf32>
        %add3A_801 = arith.constant 96 : i32
        %add3A_802 = arith.addi %add3A_508, %add3A_801 : i32
        %add3A_803 = arith.constant 0 : i32
        %add3A_804 = arith.addi %add3A_802, %add3A_803 : i32
        %get3A_805 = arith.index_cast %add3A_804 : i32 to index
        %get3A_806 = arith.constant 0 : index
        %get3A_807 = tpu.vector_load %arg13[%get3A_805, %get3A_806] {strides = array<i32>} : memref<768x16xi32, #tpu.memory_space<vmem>>, vector<1x16xi32>,
        %get3A_808 = vector.shape_cast %get3A_807 : vector<1x16xi32> to vector<16xi32>
        %shift_left3A_809 = arith.constant 16 : i32
        %shift_left3A_810 = vector.broadcast %shift_left3A_809 : i32 to vector<16xi32>
        %shift_left3A_811 = arith.shli %get3A_808, %shift_left3A_810 : vector<16xi32>
        %bitcast_convert_type3A_812 = tpu.bitcast %shift_left3A_811 : vector<16xi32> -> vector<16xf32>
        %and3A_813 = arith.constant -65536 : i32
        %and3A_814 = vector.broadcast %and3A_813 : i32 to vector<16xi32>
        %and3A_815 = arith.andi %get3A_808, %and3A_814 : vector<16xi32>
        %bitcast_convert_type3A_816 = tpu.bitcast %and3A_815 : vector<16xi32> -> vector<16xf32>
        %mul3A_817 = arith.mulf %gather3A_800, %bitcast_convert_type3A_812 : vector<16xf32>
        %add3A_818 = arith.addf %add3A_794, %mul3A_817 : vector<16xf32>
        %mul3A_819 = arith.mulf %gather3A_800, %bitcast_convert_type3A_816 : vector<16xf32>
        %add3A_820 = arith.addf %add3A_796, %mul3A_819 : vector<16xf32>
        %broadcast_in_dim3A_821 = arith.constant 13 : i32
        %broadcast_in_dim3A_822 = vector.broadcast %broadcast_in_dim3A_821 : i32 to vector<16x1xi32>
        %gather3A_823 = vector.shape_cast %broadcast_in_dim3A_822 : vector<16x1xi32> to vector<16xi32>
        %gather3A_824 = tpu.dynamic_gather %get3A_491[%gather3A_823] in [0] : vector<16xf32>, vector<16xi32> -> vector<16xf32>
        %add3A_825 = arith.constant 96 : i32
        %add3A_826 = arith.addi %add3A_508, %add3A_825 : i32
        %add3A_827 = arith.constant 1 : i32
        %add3A_828 = arith.addi %add3A_826, %add3A_827 : i32
        %get3A_829 = arith.index_cast %add3A_828 : i32 to index
        %get3A_830 = arith.constant 0 : index
        %get3A_831 = tpu.vector_load %arg13[%get3A_829, %get3A_830] {strides = array<i32>} : memref<768x16xi32, #tpu.memory_space<vmem>>, vector<1x16xi32>,
        %get3A_832 = vector.shape_cast %get3A_831 : vector<1x16xi32> to vector<16xi32>
        %shift_left3A_833 = arith.constant 16 : i32
        %shift_left3A_834 = vector.broadcast %shift_left3A_833 : i32 to vector<16xi32>
        %shift_left3A_835 = arith.shli %get3A_832, %shift_left3A_834 : vector<16xi32>
        %bitcast_convert_type3A_836 = tpu.bitcast %shift_left3A_835 : vector<16xi32> -> vector<16xf32>
        %and3A_837 = arith.constant -65536 : i32
        %and3A_838 = vector.broadcast %and3A_837 : i32 to vector<16xi32>
        %and3A_839 = arith.andi %get3A_832, %and3A_838 : vector<16xi32>
        %bitcast_convert_type3A_840 = tpu.bitcast %and3A_839 : vector<16xi32> -> vector<16xf32>
        %mul3A_841 = arith.mulf %gather3A_824, %bitcast_convert_type3A_836 : vector<16xf32>
        %add3A_842 = arith.addf %add3A_818, %mul3A_841 : vector<16xf32>
        %mul3A_843 = arith.mulf %gather3A_824, %bitcast_convert_type3A_840 : vector<16xf32>
        %add3A_844 = arith.addf %add3A_820, %mul3A_843 : vector<16xf32>
        %broadcast_in_dim3A_845 = arith.constant 14 : i32
        %broadcast_in_dim3A_846 = vector.broadcast %broadcast_in_dim3A_845 : i32 to vector<16x1xi32>
        %gather3A_847 = vector.shape_cast %broadcast_in_dim3A_846 : vector<16x1xi32> to vector<16xi32>
        %gather3A_848 = tpu.dynamic_gather %get3A_491[%gather3A_847] in [0] : vector<16xf32>, vector<16xi32> -> vector<16xf32>
        %add3A_849 = arith.constant 96 : i32
        %add3A_850 = arith.addi %add3A_508, %add3A_849 : i32
        %add3A_851 = arith.constant 2 : i32
        %add3A_852 = arith.addi %add3A_850, %add3A_851 : i32
        %get3A_853 = arith.index_cast %add3A_852 : i32 to index
        %get3A_854 = arith.constant 0 : index
        %get3A_855 = tpu.vector_load %arg13[%get3A_853, %get3A_854] {strides = array<i32>} : memref<768x16xi32, #tpu.memory_space<vmem>>, vector<1x16xi32>,
        %get3A_856 = vector.shape_cast %get3A_855 : vector<1x16xi32> to vector<16xi32>
        %shift_left3A_857 = arith.constant 16 : i32
        %shift_left3A_858 = vector.broadcast %shift_left3A_857 : i32 to vector<16xi32>
        %shift_left3A_859 = arith.shli %get3A_856, %shift_left3A_858 : vector<16xi32>
        %bitcast_convert_type3A_860 = tpu.bitcast %shift_left3A_859 : vector<16xi32> -> vector<16xf32>
        %and3A_861 = arith.constant -65536 : i32
        %and3A_862 = vector.broadcast %and3A_861 : i32 to vector<16xi32>
        %and3A_863 = arith.andi %get3A_856, %and3A_862 : vector<16xi32>
        %bitcast_convert_type3A_864 = tpu.bitcast %and3A_863 : vector<16xi32> -> vector<16xf32>
        %mul3A_865 = arith.mulf %gather3A_848, %bitcast_convert_type3A_860 : vector<16xf32>
        %add3A_866 = arith.addf %add3A_842, %mul3A_865 : vector<16xf32>
        %mul3A_867 = arith.mulf %gather3A_848, %bitcast_convert_type3A_864 : vector<16xf32>
        %add3A_868 = arith.addf %add3A_844, %mul3A_867 : vector<16xf32>
        %broadcast_in_dim3A_869 = arith.constant 15 : i32
        %broadcast_in_dim3A_870 = vector.broadcast %broadcast_in_dim3A_869 : i32 to vector<16x1xi32>
        %gather3A_871 = vector.shape_cast %broadcast_in_dim3A_870 : vector<16x1xi32> to vector<16xi32>
        %gather3A_872 = tpu.dynamic_gather %get3A_491[%gather3A_871] in [0] : vector<16xf32>, vector<16xi32> -> vector<16xf32>
        %add3A_873 = arith.constant 96 : i32
        %add3A_874 = arith.addi %add3A_508, %add3A_873 : i32
        %add3A_875 = arith.constant 3 : i32
        %add3A_876 = arith.addi %add3A_874, %add3A_875 : i32
        %get3A_877 = arith.index_cast %add3A_876 : i32 to index
        %get3A_878 = arith.constant 0 : index
        %get3A_879 = tpu.vector_load %arg13[%get3A_877, %get3A_878] {strides = array<i32>} : memref<768x16xi32, #tpu.memory_space<vmem>>, vector<1x16xi32>,
        %get3A_880 = vector.shape_cast %get3A_879 : vector<1x16xi32> to vector<16xi32>
        %shift_left3A_881 = arith.constant 16 : i32
        %shift_left3A_882 = vector.broadcast %shift_left3A_881 : i32 to vector<16xi32>
        %shift_left3A_883 = arith.shli %get3A_880, %shift_left3A_882 : vector<16xi32>
        %bitcast_convert_type3A_884 = tpu.bitcast %shift_left3A_883 : vector<16xi32> -> vector<16xf32>
        %and3A_885 = arith.constant -65536 : i32
        %and3A_886 = vector.broadcast %and3A_885 : i32 to vector<16xi32>
        %and3A_887 = arith.andi %get3A_880, %and3A_886 : vector<16xi32>
        %bitcast_convert_type3A_888 = tpu.bitcast %and3A_887 : vector<16xi32> -> vector<16xf32>
        %mul3A_889 = arith.mulf %gather3A_872, %bitcast_convert_type3A_884 : vector<16xf32>
        %add3A_890 = arith.addf %add3A_866, %mul3A_889 : vector<16xf32>
        %mul3A_891 = arith.mulf %gather3A_872, %bitcast_convert_type3A_888 : vector<16xf32>
        %add3A_892 = arith.addf %add3A_868, %mul3A_891 : vector<16xf32>
        %broadcast_in_dim3A_893 = arith.constant 0 : i32
        %broadcast_in_dim3A_894 = vector.broadcast %broadcast_in_dim3A_893 : i32 to vector<16x1xi32>
        %gather3A_895 = vector.shape_cast %broadcast_in_dim3A_894 : vector<16x1xi32> to vector<16xi32>
        %gather3A_896 = tpu.dynamic_gather %get3A_497[%gather3A_895] in [0] : vector<16xf32>, vector<16xi32> -> vector<16xf32>
        %add3A_897 = arith.constant 96 : i32
        %add3A_898 = arith.addi %add3A_508, %add3A_897 : i32
        %add3A_899 = arith.constant 4 : i32
        %add3A_900 = arith.addi %add3A_898, %add3A_899 : i32
        %get3A_901 = arith.index_cast %add3A_900 : i32 to index
        %get3A_902 = arith.constant 0 : index
        %get3A_903 = tpu.vector_load %arg13[%get3A_901, %get3A_902] {strides = array<i32>} : memref<768x16xi32, #tpu.memory_space<vmem>>, vector<1x16xi32>,
        %get3A_904 = vector.shape_cast %get3A_903 : vector<1x16xi32> to vector<16xi32>
        %shift_left3A_905 = arith.constant 16 : i32
        %shift_left3A_906 = vector.broadcast %shift_left3A_905 : i32 to vector<16xi32>
        %shift_left3A_907 = arith.shli %get3A_904, %shift_left3A_906 : vector<16xi32>
        %bitcast_convert_type3A_908 = tpu.bitcast %shift_left3A_907 : vector<16xi32> -> vector<16xf32>
        %and3A_909 = arith.constant -65536 : i32
        %and3A_910 = vector.broadcast %and3A_909 : i32 to vector<16xi32>
        %and3A_911 = arith.andi %get3A_904, %and3A_910 : vector<16xi32>
        %bitcast_convert_type3A_912 = tpu.bitcast %and3A_911 : vector<16xi32> -> vector<16xf32>
        %mul3A_913 = arith.mulf %gather3A_896, %bitcast_convert_type3A_908 : vector<16xf32>
        %add3A_914 = arith.addf %add3A_890, %mul3A_913 : vector<16xf32>
        %mul3A_915 = arith.mulf %gather3A_896, %bitcast_convert_type3A_912 : vector<16xf32>
        %add3A_916 = arith.addf %add3A_892, %mul3A_915 : vector<16xf32>
        %broadcast_in_dim3A_917 = arith.constant 1 : i32
        %broadcast_in_dim3A_918 = vector.broadcast %broadcast_in_dim3A_917 : i32 to vector<16x1xi32>
        %gather3A_919 = vector.shape_cast %broadcast_in_dim3A_918 : vector<16x1xi32> to vector<16xi32>
        %gather3A_920 = tpu.dynamic_gather %get3A_497[%gather3A_919] in [0] : vector<16xf32>, vector<16xi32> -> vector<16xf32>
        %add3A_921 = arith.constant 96 : i32
        %add3A_922 = arith.addi %add3A_508, %add3A_921 : i32
        %add3A_923 = arith.constant 5 : i32
        %add3A_924 = arith.addi %add3A_922, %add3A_923 : i32
        %get3A_925 = arith.index_cast %add3A_924 : i32 to index
        %get3A_926 = arith.constant 0 : index
        %get3A_927 = tpu.vector_load %arg13[%get3A_925, %get3A_926] {strides = array<i32>} : memref<768x16xi32, #tpu.memory_space<vmem>>, vector<1x16xi32>,
        %get3A_928 = vector.shape_cast %get3A_927 : vector<1x16xi32> to vector<16xi32>
        %shift_left3A_929 = arith.constant 16 : i32
        %shift_left3A_930 = vector.broadcast %shift_left3A_929 : i32 to vector<16xi32>
        %shift_left3A_931 = arith.shli %get3A_928, %shift_left3A_930 : vector<16xi32>
        %bitcast_convert_type3A_932 = tpu.bitcast %shift_left3A_931 : vector<16xi32> -> vector<16xf32>
        %and3A_933 = arith.constant -65536 : i32
        %and3A_934 = vector.broadcast %and3A_933 : i32 to vector<16xi32>
        %and3A_935 = arith.andi %get3A_928, %and3A_934 : vector<16xi32>
        %bitcast_convert_type3A_936 = tpu.bitcast %and3A_935 : vector<16xi32> -> vector<16xf32>
        %mul3A_937 = arith.mulf %gather3A_920, %bitcast_convert_type3A_932 : vector<16xf32>
        %add3A_938 = arith.addf %add3A_914, %mul3A_937 : vector<16xf32>
        %mul3A_939 = arith.mulf %gather3A_920, %bitcast_convert_type3A_936 : vector<16xf32>
        %add3A_940 = arith.addf %add3A_916, %mul3A_939 : vector<16xf32>
        %broadcast_in_dim3A_941 = arith.constant 2 : i32
        %broadcast_in_dim3A_942 = vector.broadcast %broadcast_in_dim3A_941 : i32 to vector<16x1xi32>
        %gather3A_943 = vector.shape_cast %broadcast_in_dim3A_942 : vector<16x1xi32> to vector<16xi32>
        %gather3A_944 = tpu.dynamic_gather %get3A_497[%gather3A_943] in [0] : vector<16xf32>, vector<16xi32> -> vector<16xf32>
        %add3A_945 = arith.constant 96 : i32
        %add3A_946 = arith.addi %add3A_508, %add3A_945 : i32
        %add3A_947 = arith.constant 6 : i32
        %add3A_948 = arith.addi %add3A_946, %add3A_947 : i32
        %get3A_949 = arith.index_cast %add3A_948 : i32 to index
        %get3A_950 = arith.constant 0 : index
        %get3A_951 = tpu.vector_load %arg13[%get3A_949, %get3A_950] {strides = array<i32>} : memref<768x16xi32, #tpu.memory_space<vmem>>, vector<1x16xi32>,
        %get3A_952 = vector.shape_cast %get3A_951 : vector<1x16xi32> to vector<16xi32>
        %shift_left3A_953 = arith.constant 16 : i32
        %shift_left3A_954 = vector.broadcast %shift_left3A_953 : i32 to vector<16xi32>
        %shift_left3A_955 = arith.shli %get3A_952, %shift_left3A_954 : vector<16xi32>
        %bitcast_convert_type3A_956 = tpu.bitcast %shift_left3A_955 : vector<16xi32> -> vector<16xf32>
        %and3A_957 = arith.constant -65536 : i32
        %and3A_958 = vector.broadcast %and3A_957 : i32 to vector<16xi32>
        %and3A_959 = arith.andi %get3A_952, %and3A_958 : vector<16xi32>
        %bitcast_convert_type3A_960 = tpu.bitcast %and3A_959 : vector<16xi32> -> vector<16xf32>
        %mul3A_961 = arith.mulf %gather3A_944, %bitcast_convert_type3A_956 : vector<16xf32>
        %add3A_962 = arith.addf %add3A_938, %mul3A_961 : vector<16xf32>
        %mul3A_963 = arith.mulf %gather3A_944, %bitcast_convert_type3A_960 : vector<16xf32>
        %add3A_964 = arith.addf %add3A_940, %mul3A_963 : vector<16xf32>
        %broadcast_in_dim3A_965 = arith.constant 3 : i32
        %broadcast_in_dim3A_966 = vector.broadcast %broadcast_in_dim3A_965 : i32 to vector<16x1xi32>
        %gather3A_967 = vector.shape_cast %broadcast_in_dim3A_966 : vector<16x1xi32> to vector<16xi32>
        %gather3A_968 = tpu.dynamic_gather %get3A_497[%gather3A_967] in [0] : vector<16xf32>, vector<16xi32> -> vector<16xf32>
        %add3A_969 = arith.constant 96 : i32
        %add3A_970 = arith.addi %add3A_508, %add3A_969 : i32
        %add3A_971 = arith.constant 7 : i32
        %add3A_972 = arith.addi %add3A_970, %add3A_971 : i32
        %get3A_973 = arith.index_cast %add3A_972 : i32 to index
        %get3A_974 = arith.constant 0 : index
        %get3A_975 = tpu.vector_load %arg13[%get3A_973, %get3A_974] {strides = array<i32>} : memref<768x16xi32, #tpu.memory_space<vmem>>, vector<1x16xi32>,
        %get3A_976 = vector.shape_cast %get3A_975 : vector<1x16xi32> to vector<16xi32>
        %shift_left3A_977 = arith.constant 16 : i32
        %shift_left3A_978 = vector.broadcast %shift_left3A_977 : i32 to vector<16xi32>
        %shift_left3A_979 = arith.shli %get3A_976, %shift_left3A_978 : vector<16xi32>
        %bitcast_convert_type3A_980 = tpu.bitcast %shift_left3A_979 : vector<16xi32> -> vector<16xf32>
        %and3A_981 = arith.constant -65536 : i32
        %and3A_982 = vector.broadcast %and3A_981 : i32 to vector<16xi32>
        %and3A_983 = arith.andi %get3A_976, %and3A_982 : vector<16xi32>
        %bitcast_convert_type3A_984 = tpu.bitcast %and3A_983 : vector<16xi32> -> vector<16xf32>
        %mul3A_985 = arith.mulf %gather3A_968, %bitcast_convert_type3A_980 : vector<16xf32>
        %add3A_986 = arith.addf %add3A_962, %mul3A_985 : vector<16xf32>
        %mul3A_987 = arith.mulf %gather3A_968, %bitcast_convert_type3A_984 : vector<16xf32>
        %add3A_988 = arith.addf %add3A_964, %mul3A_987 : vector<16xf32>
        %broadcast_in_dim3A_989 = arith.constant 4 : i32
        %broadcast_in_dim3A_990 = vector.broadcast %broadcast_in_dim3A_989 : i32 to vector<16x1xi32>
        %gather3A_991 = vector.shape_cast %broadcast_in_dim3A_990 : vector<16x1xi32> to vector<16xi32>
        %gather3A_992 = tpu.dynamic_gather %get3A_497[%gather3A_991] in [0] : vector<16xf32>, vector<16xi32> -> vector<16xf32>
        %add3A_993 = arith.constant 96 : i32
        %add3A_994 = arith.addi %add3A_508, %add3A_993 : i32
        %add3A_995 = arith.constant 8 : i32
        %add3A_996 = arith.addi %add3A_994, %add3A_995 : i32
        %get3A_997 = arith.index_cast %add3A_996 : i32 to index
        %get3A_998 = arith.constant 0 : index
        %get3A_999 = tpu.vector_load %arg13[%get3A_997, %get3A_998] {strides = array<i32>} : memref<768x16xi32, #tpu.memory_space<vmem>>, vector<1x16xi32>,
        %get3A_1000 = vector.shape_cast %get3A_999 : vector<1x16xi32> to vector<16xi32>
        %shift_left3A_1001 = arith.constant 16 : i32
        %shift_left3A_1002 = vector.broadcast %shift_left3A_1001 : i32 to vector<16xi32>
        %shift_left3A_1003 = arith.shli %get3A_1000, %shift_left3A_1002 : vector<16xi32>
        %bitcast_convert_type3A_1004 = tpu.bitcast %shift_left3A_1003 : vector<16xi32> -> vector<16xf32>
        %and3A_1005 = arith.constant -65536 : i32
        %and3A_1006 = vector.broadcast %and3A_1005 : i32 to vector<16xi32>
        %and3A_1007 = arith.andi %get3A_1000, %and3A_1006 : vector<16xi32>
        %bitcast_convert_type3A_1008 = tpu.bitcast %and3A_1007 : vector<16xi32> -> vector<16xf32>
        %mul3A_1009 = arith.mulf %gather3A_992, %bitcast_convert_type3A_1004 : vector<16xf32>
        %add3A_1010 = arith.addf %add3A_986, %mul3A_1009 : vector<16xf32>
        %mul3A_1011 = arith.mulf %gather3A_992, %bitcast_convert_type3A_1008 : vector<16xf32>
        %add3A_1012 = arith.addf %add3A_988, %mul3A_1011 : vector<16xf32>
        %broadcast_in_dim3A_1013 = arith.constant 5 : i32
        %broadcast_in_dim3A_1014 = vector.broadcast %broadcast_in_dim3A_1013 : i32 to vector<16x1xi32>
        %gather3A_1015 = vector.shape_cast %broadcast_in_dim3A_1014 : vector<16x1xi32> to vector<16xi32>
        %gather3A_1016 = tpu.dynamic_gather %get3A_497[%gather3A_1015] in [0] : vector<16xf32>, vector<16xi32> -> vector<16xf32>
        %add3A_1017 = arith.constant 96 : i32
        %add3A_1018 = arith.addi %add3A_508, %add3A_1017 : i32
        %add3A_1019 = arith.constant 9 : i32
        %add3A_1020 = arith.addi %add3A_1018, %add3A_1019 : i32
        %get3A_1021 = arith.index_cast %add3A_1020 : i32 to index
        %get3A_1022 = arith.constant 0 : index
        %get3A_1023 = tpu.vector_load %arg13[%get3A_1021, %get3A_1022] {strides = array<i32>} : memref<768x16xi32, #tpu.memory_space<vmem>>, vector<1x16xi32>,
        %get3A_1024 = vector.shape_cast %get3A_1023 : vector<1x16xi32> to vector<16xi32>
        %shift_left3A_1025 = arith.constant 16 : i32
        %shift_left3A_1026 = vector.broadcast %shift_left3A_1025 : i32 to vector<16xi32>
        %shift_left3A_1027 = arith.shli %get3A_1024, %shift_left3A_1026 : vector<16xi32>
        %bitcast_convert_type3A_1028 = tpu.bitcast %shift_left3A_1027 : vector<16xi32> -> vector<16xf32>
        %and3A_1029 = arith.constant -65536 : i32
        %and3A_1030 = vector.broadcast %and3A_1029 : i32 to vector<16xi32>
        %and3A_1031 = arith.andi %get3A_1024, %and3A_1030 : vector<16xi32>
        %bitcast_convert_type3A_1032 = tpu.bitcast %and3A_1031 : vector<16xi32> -> vector<16xf32>
        %mul3A_1033 = arith.mulf %gather3A_1016, %bitcast_convert_type3A_1028 : vector<16xf32>
        %add3A_1034 = arith.addf %add3A_1010, %mul3A_1033 : vector<16xf32>
        %mul3A_1035 = arith.mulf %gather3A_1016, %bitcast_convert_type3A_1032 : vector<16xf32>
        %add3A_1036 = arith.addf %add3A_1012, %mul3A_1035 : vector<16xf32>
        %broadcast_in_dim3A_1037 = arith.constant 6 : i32
        %broadcast_in_dim3A_1038 = vector.broadcast %broadcast_in_dim3A_1037 : i32 to vector<16x1xi32>
        %gather3A_1039 = vector.shape_cast %broadcast_in_dim3A_1038 : vector<16x1xi32> to vector<16xi32>
        %gather3A_1040 = tpu.dynamic_gather %get3A_497[%gather3A_1039] in [0] : vector<16xf32>, vector<16xi32> -> vector<16xf32>
        %add3A_1041 = arith.constant 96 : i32
        %add3A_1042 = arith.addi %add3A_508, %add3A_1041 : i32
        %add3A_1043 = arith.constant 10 : i32
        %add3A_1044 = arith.addi %add3A_1042, %add3A_1043 : i32
        %get3A_1045 = arith.index_cast %add3A_1044 : i32 to index
        %get3A_1046 = arith.constant 0 : index
        %get3A_1047 = tpu.vector_load %arg13[%get3A_1045, %get3A_1046] {strides = array<i32>} : memref<768x16xi32, #tpu.memory_space<vmem>>, vector<1x16xi32>,
        %get3A_1048 = vector.shape_cast %get3A_1047 : vector<1x16xi32> to vector<16xi32>
        %shift_left3A_1049 = arith.constant 16 : i32
        %shift_left3A_1050 = vector.broadcast %shift_left3A_1049 : i32 to vector<16xi32>
        %shift_left3A_1051 = arith.shli %get3A_1048, %shift_left3A_1050 : vector<16xi32>
        %bitcast_convert_type3A_1052 = tpu.bitcast %shift_left3A_1051 : vector<16xi32> -> vector<16xf32>
        %and3A_1053 = arith.constant -65536 : i32
        %and3A_1054 = vector.broadcast %and3A_1053 : i32 to vector<16xi32>
        %and3A_1055 = arith.andi %get3A_1048, %and3A_1054 : vector<16xi32>
        %bitcast_convert_type3A_1056 = tpu.bitcast %and3A_1055 : vector<16xi32> -> vector<16xf32>
        %mul3A_1057 = arith.mulf %gather3A_1040, %bitcast_convert_type3A_1052 : vector<16xf32>
        %add3A_1058 = arith.addf %add3A_1034, %mul3A_1057 : vector<16xf32>
        %mul3A_1059 = arith.mulf %gather3A_1040, %bitcast_convert_type3A_1056 : vector<16xf32>
        %add3A_1060 = arith.addf %add3A_1036, %mul3A_1059 : vector<16xf32>
        %broadcast_in_dim3A_1061 = arith.constant 7 : i32
        %broadcast_in_dim3A_1062 = vector.broadcast %broadcast_in_dim3A_1061 : i32 to vector<16x1xi32>
        %gather3A_1063 = vector.shape_cast %broadcast_in_dim3A_1062 : vector<16x1xi32> to vector<16xi32>
        %gather3A_1064 = tpu.dynamic_gather %get3A_497[%gather3A_1063] in [0] : vector<16xf32>, vector<16xi32> -> vector<16xf32>
        %add3A_1065 = arith.constant 96 : i32
        %add3A_1066 = arith.addi %add3A_508, %add3A_1065 : i32
        %add3A_1067 = arith.constant 11 : i32
        %add3A_1068 = arith.addi %add3A_1066, %add3A_1067 : i32
        %get3A_1069 = arith.index_cast %add3A_1068 : i32 to index
        %get3A_1070 = arith.constant 0 : index
        %get3A_1071 = tpu.vector_load %arg13[%get3A_1069, %get3A_1070] {strides = array<i32>} : memref<768x16xi32, #tpu.memory_space<vmem>>, vector<1x16xi32>,
        %get3A_1072 = vector.shape_cast %get3A_1071 : vector<1x16xi32> to vector<16xi32>
        %shift_left3A_1073 = arith.constant 16 : i32
        %shift_left3A_1074 = vector.broadcast %shift_left3A_1073 : i32 to vector<16xi32>
        %shift_left3A_1075 = arith.shli %get3A_1072, %shift_left3A_1074 : vector<16xi32>
        %bitcast_convert_type3A_1076 = tpu.bitcast %shift_left3A_1075 : vector<16xi32> -> vector<16xf32>
        %and3A_1077 = arith.constant -65536 : i32
        %and3A_1078 = vector.broadcast %and3A_1077 : i32 to vector<16xi32>
        %and3A_1079 = arith.andi %get3A_1072, %and3A_1078 : vector<16xi32>
        %bitcast_convert_type3A_1080 = tpu.bitcast %and3A_1079 : vector<16xi32> -> vector<16xf32>
        %mul3A_1081 = arith.mulf %gather3A_1064, %bitcast_convert_type3A_1076 : vector<16xf32>
        %add3A_1082 = arith.addf %add3A_1058, %mul3A_1081 : vector<16xf32>
        %mul3A_1083 = arith.mulf %gather3A_1064, %bitcast_convert_type3A_1080 : vector<16xf32>
        %add3A_1084 = arith.addf %add3A_1060, %mul3A_1083 : vector<16xf32>
        %broadcast_in_dim3A_1085 = arith.constant 8 : i32
        %broadcast_in_dim3A_1086 = vector.broadcast %broadcast_in_dim3A_1085 : i32 to vector<16x1xi32>
        %gather3A_1087 = vector.shape_cast %broadcast_in_dim3A_1086 : vector<16x1xi32> to vector<16xi32>
        %gather3A_1088 = tpu.dynamic_gather %get3A_497[%gather3A_1087] in [0] : vector<16xf32>, vector<16xi32> -> vector<16xf32>
        %add3A_1089 = arith.constant 192 : i32
        %add3A_1090 = arith.addi %add3A_508, %add3A_1089 : i32
        %add3A_1091 = arith.constant 0 : i32
        %add3A_1092 = arith.addi %add3A_1090, %add3A_1091 : i32
        %get3A_1093 = arith.index_cast %add3A_1092 : i32 to index
        %get3A_1094 = arith.constant 0 : index
        %get3A_1095 = tpu.vector_load %arg13[%get3A_1093, %get3A_1094] {strides = array<i32>} : memref<768x16xi32, #tpu.memory_space<vmem>>, vector<1x16xi32>,
        %get3A_1096 = vector.shape_cast %get3A_1095 : vector<1x16xi32> to vector<16xi32>
        %shift_left3A_1097 = arith.constant 16 : i32
        %shift_left3A_1098 = vector.broadcast %shift_left3A_1097 : i32 to vector<16xi32>
        %shift_left3A_1099 = arith.shli %get3A_1096, %shift_left3A_1098 : vector<16xi32>
        %bitcast_convert_type3A_1100 = tpu.bitcast %shift_left3A_1099 : vector<16xi32> -> vector<16xf32>
        %and3A_1101 = arith.constant -65536 : i32
        %and3A_1102 = vector.broadcast %and3A_1101 : i32 to vector<16xi32>
        %and3A_1103 = arith.andi %get3A_1096, %and3A_1102 : vector<16xi32>
        %bitcast_convert_type3A_1104 = tpu.bitcast %and3A_1103 : vector<16xi32> -> vector<16xf32>
        %mul3A_1105 = arith.mulf %gather3A_1088, %bitcast_convert_type3A_1100 : vector<16xf32>
        %add3A_1106 = arith.addf %add3A_1082, %mul3A_1105 : vector<16xf32>
        %mul3A_1107 = arith.mulf %gather3A_1088, %bitcast_convert_type3A_1104 : vector<16xf32>
        %add3A_1108 = arith.addf %add3A_1084, %mul3A_1107 : vector<16xf32>
        %broadcast_in_dim3A_1109 = arith.constant 9 : i32
        %broadcast_in_dim3A_1110 = vector.broadcast %broadcast_in_dim3A_1109 : i32 to vector<16x1xi32>
        %gather3A_1111 = vector.shape_cast %broadcast_in_dim3A_1110 : vector<16x1xi32> to vector<16xi32>
        %gather3A_1112 = tpu.dynamic_gather %get3A_497[%gather3A_1111] in [0] : vector<16xf32>, vector<16xi32> -> vector<16xf32>
        %add3A_1113 = arith.constant 192 : i32
        %add3A_1114 = arith.addi %add3A_508, %add3A_1113 : i32
        %add3A_1115 = arith.constant 1 : i32
        %add3A_1116 = arith.addi %add3A_1114, %add3A_1115 : i32
        %get3A_1117 = arith.index_cast %add3A_1116 : i32 to index
        %get3A_1118 = arith.constant 0 : index
        %get3A_1119 = tpu.vector_load %arg13[%get3A_1117, %get3A_1118] {strides = array<i32>} : memref<768x16xi32, #tpu.memory_space<vmem>>, vector<1x16xi32>,
        %get3A_1120 = vector.shape_cast %get3A_1119 : vector<1x16xi32> to vector<16xi32>
        %shift_left3A_1121 = arith.constant 16 : i32
        %shift_left3A_1122 = vector.broadcast %shift_left3A_1121 : i32 to vector<16xi32>
        %shift_left3A_1123 = arith.shli %get3A_1120, %shift_left3A_1122 : vector<16xi32>
        %bitcast_convert_type3A_1124 = tpu.bitcast %shift_left3A_1123 : vector<16xi32> -> vector<16xf32>
        %and3A_1125 = arith.constant -65536 : i32
        %and3A_1126 = vector.broadcast %and3A_1125 : i32 to vector<16xi32>
        %and3A_1127 = arith.andi %get3A_1120, %and3A_1126 : vector<16xi32>
        %bitcast_convert_type3A_1128 = tpu.bitcast %and3A_1127 : vector<16xi32> -> vector<16xf32>
        %mul3A_1129 = arith.mulf %gather3A_1112, %bitcast_convert_type3A_1124 : vector<16xf32>
        %add3A_1130 = arith.addf %add3A_1106, %mul3A_1129 : vector<16xf32>
        %mul3A_1131 = arith.mulf %gather3A_1112, %bitcast_convert_type3A_1128 : vector<16xf32>
        %add3A_1132 = arith.addf %add3A_1108, %mul3A_1131 : vector<16xf32>
        %broadcast_in_dim3A_1133 = arith.constant 10 : i32
        %broadcast_in_dim3A_1134 = vector.broadcast %broadcast_in_dim3A_1133 : i32 to vector<16x1xi32>
        %gather3A_1135 = vector.shape_cast %broadcast_in_dim3A_1134 : vector<16x1xi32> to vector<16xi32>
        %gather3A_1136 = tpu.dynamic_gather %get3A_497[%gather3A_1135] in [0] : vector<16xf32>, vector<16xi32> -> vector<16xf32>
        %add3A_1137 = arith.constant 192 : i32
        %add3A_1138 = arith.addi %add3A_508, %add3A_1137 : i32
        %add3A_1139 = arith.constant 2 : i32
        %add3A_1140 = arith.addi %add3A_1138, %add3A_1139 : i32
        %get3A_1141 = arith.index_cast %add3A_1140 : i32 to index
        %get3A_1142 = arith.constant 0 : index
        %get3A_1143 = tpu.vector_load %arg13[%get3A_1141, %get3A_1142] {strides = array<i32>} : memref<768x16xi32, #tpu.memory_space<vmem>>, vector<1x16xi32>,
        %get3A_1144 = vector.shape_cast %get3A_1143 : vector<1x16xi32> to vector<16xi32>
        %shift_left3A_1145 = arith.constant 16 : i32
        %shift_left3A_1146 = vector.broadcast %shift_left3A_1145 : i32 to vector<16xi32>
        %shift_left3A_1147 = arith.shli %get3A_1144, %shift_left3A_1146 : vector<16xi32>
        %bitcast_convert_type3A_1148 = tpu.bitcast %shift_left3A_1147 : vector<16xi32> -> vector<16xf32>
        %and3A_1149 = arith.constant -65536 : i32
        %and3A_1150 = vector.broadcast %and3A_1149 : i32 to vector<16xi32>
        %and3A_1151 = arith.andi %get3A_1144, %and3A_1150 : vector<16xi32>
        %bitcast_convert_type3A_1152 = tpu.bitcast %and3A_1151 : vector<16xi32> -> vector<16xf32>
        %mul3A_1153 = arith.mulf %gather3A_1136, %bitcast_convert_type3A_1148 : vector<16xf32>
        %add3A_1154 = arith.addf %add3A_1130, %mul3A_1153 : vector<16xf32>
        %mul3A_1155 = arith.mulf %gather3A_1136, %bitcast_convert_type3A_1152 : vector<16xf32>
        %add3A_1156 = arith.addf %add3A_1132, %mul3A_1155 : vector<16xf32>
        %broadcast_in_dim3A_1157 = arith.constant 11 : i32
        %broadcast_in_dim3A_1158 = vector.broadcast %broadcast_in_dim3A_1157 : i32 to vector<16x1xi32>
        %gather3A_1159 = vector.shape_cast %broadcast_in_dim3A_1158 : vector<16x1xi32> to vector<16xi32>
        %gather3A_1160 = tpu.dynamic_gather %get3A_497[%gather3A_1159] in [0] : vector<16xf32>, vector<16xi32> -> vector<16xf32>
        %add3A_1161 = arith.constant 192 : i32
        %add3A_1162 = arith.addi %add3A_508, %add3A_1161 : i32
        %add3A_1163 = arith.constant 3 : i32
        %add3A_1164 = arith.addi %add3A_1162, %add3A_1163 : i32
        %get3A_1165 = arith.index_cast %add3A_1164 : i32 to index
        %get3A_1166 = arith.constant 0 : index
        %get3A_1167 = tpu.vector_load %arg13[%get3A_1165, %get3A_1166] {strides = array<i32>} : memref<768x16xi32, #tpu.memory_space<vmem>>, vector<1x16xi32>,
        %get3A_1168 = vector.shape_cast %get3A_1167 : vector<1x16xi32> to vector<16xi32>
        %shift_left3A_1169 = arith.constant 16 : i32
        %shift_left3A_1170 = vector.broadcast %shift_left3A_1169 : i32 to vector<16xi32>
        %shift_left3A_1171 = arith.shli %get3A_1168, %shift_left3A_1170 : vector<16xi32>
        %bitcast_convert_type3A_1172 = tpu.bitcast %shift_left3A_1171 : vector<16xi32> -> vector<16xf32>
        %and3A_1173 = arith.constant -65536 : i32
        %and3A_1174 = vector.broadcast %and3A_1173 : i32 to vector<16xi32>
        %and3A_1175 = arith.andi %get3A_1168, %and3A_1174 : vector<16xi32>
        %bitcast_convert_type3A_1176 = tpu.bitcast %and3A_1175 : vector<16xi32> -> vector<16xf32>
        %mul3A_1177 = arith.mulf %gather3A_1160, %bitcast_convert_type3A_1172 : vector<16xf32>
        %add3A_1178 = arith.addf %add3A_1154, %mul3A_1177 : vector<16xf32>
        %mul3A_1179 = arith.mulf %gather3A_1160, %bitcast_convert_type3A_1176 : vector<16xf32>
        %add3A_1180 = arith.addf %add3A_1156, %mul3A_1179 : vector<16xf32>
        %broadcast_in_dim3A_1181 = arith.constant 12 : i32
        %broadcast_in_dim3A_1182 = vector.broadcast %broadcast_in_dim3A_1181 : i32 to vector<16x1xi32>
        %gather3A_1183 = vector.shape_cast %broadcast_in_dim3A_1182 : vector<16x1xi32> to vector<16xi32>
        %gather3A_1184 = tpu.dynamic_gather %get3A_497[%gather3A_1183] in [0] : vector<16xf32>, vector<16xi32> -> vector<16xf32>
        %add3A_1185 = arith.constant 192 : i32
        %add3A_1186 = arith.addi %add3A_508, %add3A_1185 : i32
        %add3A_1187 = arith.constant 4 : i32
        %add3A_1188 = arith.addi %add3A_1186, %add3A_1187 : i32
        %get3A_1189 = arith.index_cast %add3A_1188 : i32 to index
        %get3A_1190 = arith.constant 0 : index
        %get3A_1191 = tpu.vector_load %arg13[%get3A_1189, %get3A_1190] {strides = array<i32>} : memref<768x16xi32, #tpu.memory_space<vmem>>, vector<1x16xi32>,
        %get3A_1192 = vector.shape_cast %get3A_1191 : vector<1x16xi32> to vector<16xi32>
        %shift_left3A_1193 = arith.constant 16 : i32
        %shift_left3A_1194 = vector.broadcast %shift_left3A_1193 : i32 to vector<16xi32>
        %shift_left3A_1195 = arith.shli %get3A_1192, %shift_left3A_1194 : vector<16xi32>
        %bitcast_convert_type3A_1196 = tpu.bitcast %shift_left3A_1195 : vector<16xi32> -> vector<16xf32>
        %and3A_1197 = arith.constant -65536 : i32
        %and3A_1198 = vector.broadcast %and3A_1197 : i32 to vector<16xi32>
        %and3A_1199 = arith.andi %get3A_1192, %and3A_1198 : vector<16xi32>
        %bitcast_convert_type3A_1200 = tpu.bitcast %and3A_1199 : vector<16xi32> -> vector<16xf32>
        %mul3A_1201 = arith.mulf %gather3A_1184, %bitcast_convert_type3A_1196 : vector<16xf32>
        %add3A_1202 = arith.addf %add3A_1178, %mul3A_1201 : vector<16xf32>
        %mul3A_1203 = arith.mulf %gather3A_1184, %bitcast_convert_type3A_1200 : vector<16xf32>
        %add3A_1204 = arith.addf %add3A_1180, %mul3A_1203 : vector<16xf32>
        %broadcast_in_dim3A_1205 = arith.constant 13 : i32
        %broadcast_in_dim3A_1206 = vector.broadcast %broadcast_in_dim3A_1205 : i32 to vector<16x1xi32>
        %gather3A_1207 = vector.shape_cast %broadcast_in_dim3A_1206 : vector<16x1xi32> to vector<16xi32>
        %gather3A_1208 = tpu.dynamic_gather %get3A_497[%gather3A_1207] in [0] : vector<16xf32>, vector<16xi32> -> vector<16xf32>
        %add3A_1209 = arith.constant 192 : i32
        %add3A_1210 = arith.addi %add3A_508, %add3A_1209 : i32
        %add3A_1211 = arith.constant 5 : i32
        %add3A_1212 = arith.addi %add3A_1210, %add3A_1211 : i32
        %get3A_1213 = arith.index_cast %add3A_1212 : i32 to index
        %get3A_1214 = arith.constant 0 : index
        %get3A_1215 = tpu.vector_load %arg13[%get3A_1213, %get3A_1214] {strides = array<i32>} : memref<768x16xi32, #tpu.memory_space<vmem>>, vector<1x16xi32>,
        %get3A_1216 = vector.shape_cast %get3A_1215 : vector<1x16xi32> to vector<16xi32>
        %shift_left3A_1217 = arith.constant 16 : i32
        %shift_left3A_1218 = vector.broadcast %shift_left3A_1217 : i32 to vector<16xi32>
        %shift_left3A_1219 = arith.shli %get3A_1216, %shift_left3A_1218 : vector<16xi32>
        %bitcast_convert_type3A_1220 = tpu.bitcast %shift_left3A_1219 : vector<16xi32> -> vector<16xf32>
        %and3A_1221 = arith.constant -65536 : i32
        %and3A_1222 = vector.broadcast %and3A_1221 : i32 to vector<16xi32>
        %and3A_1223 = arith.andi %get3A_1216, %and3A_1222 : vector<16xi32>
        %bitcast_convert_type3A_1224 = tpu.bitcast %and3A_1223 : vector<16xi32> -> vector<16xf32>
        %mul3A_1225 = arith.mulf %gather3A_1208, %bitcast_convert_type3A_1220 : vector<16xf32>
        %add3A_1226 = arith.addf %add3A_1202, %mul3A_1225 : vector<16xf32>
        %mul3A_1227 = arith.mulf %gather3A_1208, %bitcast_convert_type3A_1224 : vector<16xf32>
        %add3A_1228 = arith.addf %add3A_1204, %mul3A_1227 : vector<16xf32>
        %broadcast_in_dim3A_1229 = arith.constant 14 : i32
        %broadcast_in_dim3A_1230 = vector.broadcast %broadcast_in_dim3A_1229 : i32 to vector<16x1xi32>
        %gather3A_1231 = vector.shape_cast %broadcast_in_dim3A_1230 : vector<16x1xi32> to vector<16xi32>
        %gather3A_1232 = tpu.dynamic_gather %get3A_497[%gather3A_1231] in [0] : vector<16xf32>, vector<16xi32> -> vector<16xf32>
        %add3A_1233 = arith.constant 192 : i32
        %add3A_1234 = arith.addi %add3A_508, %add3A_1233 : i32
        %add3A_1235 = arith.constant 6 : i32
        %add3A_1236 = arith.addi %add3A_1234, %add3A_1235 : i32
        %get3A_1237 = arith.index_cast %add3A_1236 : i32 to index
        %get3A_1238 = arith.constant 0 : index
        %get3A_1239 = tpu.vector_load %arg13[%get3A_1237, %get3A_1238] {strides = array<i32>} : memref<768x16xi32, #tpu.memory_space<vmem>>, vector<1x16xi32>,
        %get3A_1240 = vector.shape_cast %get3A_1239 : vector<1x16xi32> to vector<16xi32>
        %shift_left3A_1241 = arith.constant 16 : i32
        %shift_left3A_1242 = vector.broadcast %shift_left3A_1241 : i32 to vector<16xi32>
        %shift_left3A_1243 = arith.shli %get3A_1240, %shift_left3A_1242 : vector<16xi32>
        %bitcast_convert_type3A_1244 = tpu.bitcast %shift_left3A_1243 : vector<16xi32> -> vector<16xf32>
        %and3A_1245 = arith.constant -65536 : i32
        %and3A_1246 = vector.broadcast %and3A_1245 : i32 to vector<16xi32>
        %and3A_1247 = arith.andi %get3A_1240, %and3A_1246 : vector<16xi32>
        %bitcast_convert_type3A_1248 = tpu.bitcast %and3A_1247 : vector<16xi32> -> vector<16xf32>
        %mul3A_1249 = arith.mulf %gather3A_1232, %bitcast_convert_type3A_1244 : vector<16xf32>
        %add3A_1250 = arith.addf %add3A_1226, %mul3A_1249 : vector<16xf32>
        %mul3A_1251 = arith.mulf %gather3A_1232, %bitcast_convert_type3A_1248 : vector<16xf32>
        %add3A_1252 = arith.addf %add3A_1228, %mul3A_1251 : vector<16xf32>
        %broadcast_in_dim3A_1253 = arith.constant 15 : i32
        %broadcast_in_dim3A_1254 = vector.broadcast %broadcast_in_dim3A_1253 : i32 to vector<16x1xi32>
        %gather3A_1255 = vector.shape_cast %broadcast_in_dim3A_1254 : vector<16x1xi32> to vector<16xi32>
        %gather3A_1256 = tpu.dynamic_gather %get3A_497[%gather3A_1255] in [0] : vector<16xf32>, vector<16xi32> -> vector<16xf32>
        %add3A_1257 = arith.constant 192 : i32
        %add3A_1258 = arith.addi %add3A_508, %add3A_1257 : i32
        %add3A_1259 = arith.constant 7 : i32
        %add3A_1260 = arith.addi %add3A_1258, %add3A_1259 : i32
        %get3A_1261 = arith.index_cast %add3A_1260 : i32 to index
        %get3A_1262 = arith.constant 0 : index
        %get3A_1263 = tpu.vector_load %arg13[%get3A_1261, %get3A_1262] {strides = array<i32>} : memref<768x16xi32, #tpu.memory_space<vmem>>, vector<1x16xi32>,
        %get3A_1264 = vector.shape_cast %get3A_1263 : vector<1x16xi32> to vector<16xi32>
        %shift_left3A_1265 = arith.constant 16 : i32
        %shift_left3A_1266 = vector.broadcast %shift_left3A_1265 : i32 to vector<16xi32>
        %shift_left3A_1267 = arith.shli %get3A_1264, %shift_left3A_1266 : vector<16xi32>
        %bitcast_convert_type3A_1268 = tpu.bitcast %shift_left3A_1267 : vector<16xi32> -> vector<16xf32>
        %and3A_1269 = arith.constant -65536 : i32
        %and3A_1270 = vector.broadcast %and3A_1269 : i32 to vector<16xi32>
        %and3A_1271 = arith.andi %get3A_1264, %and3A_1270 : vector<16xi32>
        %bitcast_convert_type3A_1272 = tpu.bitcast %and3A_1271 : vector<16xi32> -> vector<16xf32>
        %mul3A_1273 = arith.mulf %gather3A_1256, %bitcast_convert_type3A_1268 : vector<16xf32>
        %add3A_1274 = arith.addf %add3A_1250, %mul3A_1273 : vector<16xf32>
        %mul3A_1275 = arith.mulf %gather3A_1256, %bitcast_convert_type3A_1272 : vector<16xf32>
        %add3A_1276 = arith.addf %add3A_1252, %mul3A_1275 : vector<16xf32>
        %broadcast_in_dim3A_1277 = arith.constant 0 : i32
        %broadcast_in_dim3A_1278 = vector.broadcast %broadcast_in_dim3A_1277 : i32 to vector<16x1xi32>
        %gather3A_1279 = vector.shape_cast %broadcast_in_dim3A_1278 : vector<16x1xi32> to vector<16xi32>
        %gather3A_1280 = tpu.dynamic_gather %get3A_503[%gather3A_1279] in [0] : vector<16xf32>, vector<16xi32> -> vector<16xf32>
        %add3A_1281 = arith.constant 192 : i32
        %add3A_1282 = arith.addi %add3A_508, %add3A_1281 : i32
        %add3A_1283 = arith.constant 8 : i32
        %add3A_1284 = arith.addi %add3A_1282, %add3A_1283 : i32
        %get3A_1285 = arith.index_cast %add3A_1284 : i32 to index
        %get3A_1286 = arith.constant 0 : index
        %get3A_1287 = tpu.vector_load %arg13[%get3A_1285, %get3A_1286] {strides = array<i32>} : memref<768x16xi32, #tpu.memory_space<vmem>>, vector<1x16xi32>,
        %get3A_1288 = vector.shape_cast %get3A_1287 : vector<1x16xi32> to vector<16xi32>
        %shift_left3A_1289 = arith.constant 16 : i32
        %shift_left3A_1290 = vector.broadcast %shift_left3A_1289 : i32 to vector<16xi32>
        %shift_left3A_1291 = arith.shli %get3A_1288, %shift_left3A_1290 : vector<16xi32>
        %bitcast_convert_type3A_1292 = tpu.bitcast %shift_left3A_1291 : vector<16xi32> -> vector<16xf32>
        %and3A_1293 = arith.constant -65536 : i32
        %and3A_1294 = vector.broadcast %and3A_1293 : i32 to vector<16xi32>
        %and3A_1295 = arith.andi %get3A_1288, %and3A_1294 : vector<16xi32>
        %bitcast_convert_type3A_1296 = tpu.bitcast %and3A_1295 : vector<16xi32> -> vector<16xf32>
        %mul3A_1297 = arith.mulf %gather3A_1280, %bitcast_convert_type3A_1292 : vector<16xf32>
        %add3A_1298 = arith.addf %add3A_1274, %mul3A_1297 : vector<16xf32>
        %mul3A_1299 = arith.mulf %gather3A_1280, %bitcast_convert_type3A_1296 : vector<16xf32>
        %add3A_1300 = arith.addf %add3A_1276, %mul3A_1299 : vector<16xf32>
        %broadcast_in_dim3A_1301 = arith.constant 1 : i32
        %broadcast_in_dim3A_1302 = vector.broadcast %broadcast_in_dim3A_1301 : i32 to vector<16x1xi32>
        %gather3A_1303 = vector.shape_cast %broadcast_in_dim3A_1302 : vector<16x1xi32> to vector<16xi32>
        %gather3A_1304 = tpu.dynamic_gather %get3A_503[%gather3A_1303] in [0] : vector<16xf32>, vector<16xi32> -> vector<16xf32>
        %add3A_1305 = arith.constant 192 : i32
        %add3A_1306 = arith.addi %add3A_508, %add3A_1305 : i32
        %add3A_1307 = arith.constant 9 : i32
        %add3A_1308 = arith.addi %add3A_1306, %add3A_1307 : i32
        %get3A_1309 = arith.index_cast %add3A_1308 : i32 to index
        %get3A_1310 = arith.constant 0 : index
        %get3A_1311 = tpu.vector_load %arg13[%get3A_1309, %get3A_1310] {strides = array<i32>} : memref<768x16xi32, #tpu.memory_space<vmem>>, vector<1x16xi32>,
        %get3A_1312 = vector.shape_cast %get3A_1311 : vector<1x16xi32> to vector<16xi32>
        %shift_left3A_1313 = arith.constant 16 : i32
        %shift_left3A_1314 = vector.broadcast %shift_left3A_1313 : i32 to vector<16xi32>
        %shift_left3A_1315 = arith.shli %get3A_1312, %shift_left3A_1314 : vector<16xi32>
        %bitcast_convert_type3A_1316 = tpu.bitcast %shift_left3A_1315 : vector<16xi32> -> vector<16xf32>
        %and3A_1317 = arith.constant -65536 : i32
        %and3A_1318 = vector.broadcast %and3A_1317 : i32 to vector<16xi32>
        %and3A_1319 = arith.andi %get3A_1312, %and3A_1318 : vector<16xi32>
        %bitcast_convert_type3A_1320 = tpu.bitcast %and3A_1319 : vector<16xi32> -> vector<16xf32>
        %mul3A_1321 = arith.mulf %gather3A_1304, %bitcast_convert_type3A_1316 : vector<16xf32>
        %add3A_1322 = arith.addf %add3A_1298, %mul3A_1321 : vector<16xf32>
        %mul3A_1323 = arith.mulf %gather3A_1304, %bitcast_convert_type3A_1320 : vector<16xf32>
        %add3A_1324 = arith.addf %add3A_1300, %mul3A_1323 : vector<16xf32>
        %broadcast_in_dim3A_1325 = arith.constant 2 : i32
        %broadcast_in_dim3A_1326 = vector.broadcast %broadcast_in_dim3A_1325 : i32 to vector<16x1xi32>
        %gather3A_1327 = vector.shape_cast %broadcast_in_dim3A_1326 : vector<16x1xi32> to vector<16xi32>
        %gather3A_1328 = tpu.dynamic_gather %get3A_503[%gather3A_1327] in [0] : vector<16xf32>, vector<16xi32> -> vector<16xf32>
        %add3A_1329 = arith.constant 192 : i32
        %add3A_1330 = arith.addi %add3A_508, %add3A_1329 : i32
        %add3A_1331 = arith.constant 10 : i32
        %add3A_1332 = arith.addi %add3A_1330, %add3A_1331 : i32
        %get3A_1333 = arith.index_cast %add3A_1332 : i32 to index
        %get3A_1334 = arith.constant 0 : index
        %get3A_1335 = tpu.vector_load %arg13[%get3A_1333, %get3A_1334] {strides = array<i32>} : memref<768x16xi32, #tpu.memory_space<vmem>>, vector<1x16xi32>,
        %get3A_1336 = vector.shape_cast %get3A_1335 : vector<1x16xi32> to vector<16xi32>
        %shift_left3A_1337 = arith.constant 16 : i32
        %shift_left3A_1338 = vector.broadcast %shift_left3A_1337 : i32 to vector<16xi32>
        %shift_left3A_1339 = arith.shli %get3A_1336, %shift_left3A_1338 : vector<16xi32>
        %bitcast_convert_type3A_1340 = tpu.bitcast %shift_left3A_1339 : vector<16xi32> -> vector<16xf32>
        %and3A_1341 = arith.constant -65536 : i32
        %and3A_1342 = vector.broadcast %and3A_1341 : i32 to vector<16xi32>
        %and3A_1343 = arith.andi %get3A_1336, %and3A_1342 : vector<16xi32>
        %bitcast_convert_type3A_1344 = tpu.bitcast %and3A_1343 : vector<16xi32> -> vector<16xf32>
        %mul3A_1345 = arith.mulf %gather3A_1328, %bitcast_convert_type3A_1340 : vector<16xf32>
        %add3A_1346 = arith.addf %add3A_1322, %mul3A_1345 : vector<16xf32>
        %mul3A_1347 = arith.mulf %gather3A_1328, %bitcast_convert_type3A_1344 : vector<16xf32>
        %add3A_1348 = arith.addf %add3A_1324, %mul3A_1347 : vector<16xf32>
        %broadcast_in_dim3A_1349 = arith.constant 3 : i32
        %broadcast_in_dim3A_1350 = vector.broadcast %broadcast_in_dim3A_1349 : i32 to vector<16x1xi32>
        %gather3A_1351 = vector.shape_cast %broadcast_in_dim3A_1350 : vector<16x1xi32> to vector<16xi32>
        %gather3A_1352 = tpu.dynamic_gather %get3A_503[%gather3A_1351] in [0] : vector<16xf32>, vector<16xi32> -> vector<16xf32>
        %add3A_1353 = arith.constant 192 : i32
        %add3A_1354 = arith.addi %add3A_508, %add3A_1353 : i32
        %add3A_1355 = arith.constant 11 : i32
        %add3A_1356 = arith.addi %add3A_1354, %add3A_1355 : i32
        %get3A_1357 = arith.index_cast %add3A_1356 : i32 to index
        %get3A_1358 = arith.constant 0 : index
        %get3A_1359 = tpu.vector_load %arg13[%get3A_1357, %get3A_1358] {strides = array<i32>} : memref<768x16xi32, #tpu.memory_space<vmem>>, vector<1x16xi32>,
        %get3A_1360 = vector.shape_cast %get3A_1359 : vector<1x16xi32> to vector<16xi32>
        %shift_left3A_1361 = arith.constant 16 : i32
        %shift_left3A_1362 = vector.broadcast %shift_left3A_1361 : i32 to vector<16xi32>
        %shift_left3A_1363 = arith.shli %get3A_1360, %shift_left3A_1362 : vector<16xi32>
        %bitcast_convert_type3A_1364 = tpu.bitcast %shift_left3A_1363 : vector<16xi32> -> vector<16xf32>
        %and3A_1365 = arith.constant -65536 : i32
        %and3A_1366 = vector.broadcast %and3A_1365 : i32 to vector<16xi32>
        %and3A_1367 = arith.andi %get3A_1360, %and3A_1366 : vector<16xi32>
        %bitcast_convert_type3A_1368 = tpu.bitcast %and3A_1367 : vector<16xi32> -> vector<16xf32>
        %mul3A_1369 = arith.mulf %gather3A_1352, %bitcast_convert_type3A_1364 : vector<16xf32>
        %add3A_1370 = arith.addf %add3A_1346, %mul3A_1369 : vector<16xf32>
        %mul3A_1371 = arith.mulf %gather3A_1352, %bitcast_convert_type3A_1368 : vector<16xf32>
        %add3A_1372 = arith.addf %add3A_1348, %mul3A_1371 : vector<16xf32>
        %broadcast_in_dim3A_1373 = arith.constant 4 : i32
        %broadcast_in_dim3A_1374 = vector.broadcast %broadcast_in_dim3A_1373 : i32 to vector<16x1xi32>
        %gather3A_1375 = vector.shape_cast %broadcast_in_dim3A_1374 : vector<16x1xi32> to vector<16xi32>
        %gather3A_1376 = tpu.dynamic_gather %get3A_503[%gather3A_1375] in [0] : vector<16xf32>, vector<16xi32> -> vector<16xf32>
        %add3A_1377 = arith.constant 288 : i32
        %add3A_1378 = arith.addi %add3A_508, %add3A_1377 : i32
        %add3A_1379 = arith.constant 0 : i32
        %add3A_1380 = arith.addi %add3A_1378, %add3A_1379 : i32
        %get3A_1381 = arith.index_cast %add3A_1380 : i32 to index
        %get3A_1382 = arith.constant 0 : index
        %get3A_1383 = tpu.vector_load %arg13[%get3A_1381, %get3A_1382] {strides = array<i32>} : memref<768x16xi32, #tpu.memory_space<vmem>>, vector<1x16xi32>,
        %get3A_1384 = vector.shape_cast %get3A_1383 : vector<1x16xi32> to vector<16xi32>
        %shift_left3A_1385 = arith.constant 16 : i32
        %shift_left3A_1386 = vector.broadcast %shift_left3A_1385 : i32 to vector<16xi32>
        %shift_left3A_1387 = arith.shli %get3A_1384, %shift_left3A_1386 : vector<16xi32>
        %bitcast_convert_type3A_1388 = tpu.bitcast %shift_left3A_1387 : vector<16xi32> -> vector<16xf32>
        %and3A_1389 = arith.constant -65536 : i32
        %and3A_1390 = vector.broadcast %and3A_1389 : i32 to vector<16xi32>
        %and3A_1391 = arith.andi %get3A_1384, %and3A_1390 : vector<16xi32>
        %bitcast_convert_type3A_1392 = tpu.bitcast %and3A_1391 : vector<16xi32> -> vector<16xf32>
        %mul3A_1393 = arith.mulf %gather3A_1376, %bitcast_convert_type3A_1388 : vector<16xf32>
        %add3A_1394 = arith.addf %add3A_1370, %mul3A_1393 : vector<16xf32>
        %mul3A_1395 = arith.mulf %gather3A_1376, %bitcast_convert_type3A_1392 : vector<16xf32>
        %add3A_1396 = arith.addf %add3A_1372, %mul3A_1395 : vector<16xf32>
        %broadcast_in_dim3A_1397 = arith.constant 5 : i32
        %broadcast_in_dim3A_1398 = vector.broadcast %broadcast_in_dim3A_1397 : i32 to vector<16x1xi32>
        %gather3A_1399 = vector.shape_cast %broadcast_in_dim3A_1398 : vector<16x1xi32> to vector<16xi32>
        %gather3A_1400 = tpu.dynamic_gather %get3A_503[%gather3A_1399] in [0] : vector<16xf32>, vector<16xi32> -> vector<16xf32>
        %add3A_1401 = arith.constant 288 : i32
        %add3A_1402 = arith.addi %add3A_508, %add3A_1401 : i32
        %add3A_1403 = arith.constant 1 : i32
        %add3A_1404 = arith.addi %add3A_1402, %add3A_1403 : i32
        %get3A_1405 = arith.index_cast %add3A_1404 : i32 to index
        %get3A_1406 = arith.constant 0 : index
        %get3A_1407 = tpu.vector_load %arg13[%get3A_1405, %get3A_1406] {strides = array<i32>} : memref<768x16xi32, #tpu.memory_space<vmem>>, vector<1x16xi32>,
        %get3A_1408 = vector.shape_cast %get3A_1407 : vector<1x16xi32> to vector<16xi32>
        %shift_left3A_1409 = arith.constant 16 : i32
        %shift_left3A_1410 = vector.broadcast %shift_left3A_1409 : i32 to vector<16xi32>
        %shift_left3A_1411 = arith.shli %get3A_1408, %shift_left3A_1410 : vector<16xi32>
        %bitcast_convert_type3A_1412 = tpu.bitcast %shift_left3A_1411 : vector<16xi32> -> vector<16xf32>
        %and3A_1413 = arith.constant -65536 : i32
        %and3A_1414 = vector.broadcast %and3A_1413 : i32 to vector<16xi32>
        %and3A_1415 = arith.andi %get3A_1408, %and3A_1414 : vector<16xi32>
        %bitcast_convert_type3A_1416 = tpu.bitcast %and3A_1415 : vector<16xi32> -> vector<16xf32>
        %mul3A_1417 = arith.mulf %gather3A_1400, %bitcast_convert_type3A_1412 : vector<16xf32>
        %add3A_1418 = arith.addf %add3A_1394, %mul3A_1417 : vector<16xf32>
        %mul3A_1419 = arith.mulf %gather3A_1400, %bitcast_convert_type3A_1416 : vector<16xf32>
        %add3A_1420 = arith.addf %add3A_1396, %mul3A_1419 : vector<16xf32>
        %broadcast_in_dim3A_1421 = arith.constant 6 : i32
        %broadcast_in_dim3A_1422 = vector.broadcast %broadcast_in_dim3A_1421 : i32 to vector<16x1xi32>
        %gather3A_1423 = vector.shape_cast %broadcast_in_dim3A_1422 : vector<16x1xi32> to vector<16xi32>
        %gather3A_1424 = tpu.dynamic_gather %get3A_503[%gather3A_1423] in [0] : vector<16xf32>, vector<16xi32> -> vector<16xf32>
        %add3A_1425 = arith.constant 288 : i32
        %add3A_1426 = arith.addi %add3A_508, %add3A_1425 : i32
        %add3A_1427 = arith.constant 2 : i32
        %add3A_1428 = arith.addi %add3A_1426, %add3A_1427 : i32
        %get3A_1429 = arith.index_cast %add3A_1428 : i32 to index
        %get3A_1430 = arith.constant 0 : index
        %get3A_1431 = tpu.vector_load %arg13[%get3A_1429, %get3A_1430] {strides = array<i32>} : memref<768x16xi32, #tpu.memory_space<vmem>>, vector<1x16xi32>,
        %get3A_1432 = vector.shape_cast %get3A_1431 : vector<1x16xi32> to vector<16xi32>
        %shift_left3A_1433 = arith.constant 16 : i32
        %shift_left3A_1434 = vector.broadcast %shift_left3A_1433 : i32 to vector<16xi32>
        %shift_left3A_1435 = arith.shli %get3A_1432, %shift_left3A_1434 : vector<16xi32>
        %bitcast_convert_type3A_1436 = tpu.bitcast %shift_left3A_1435 : vector<16xi32> -> vector<16xf32>
        %and3A_1437 = arith.constant -65536 : i32
        %and3A_1438 = vector.broadcast %and3A_1437 : i32 to vector<16xi32>
        %and3A_1439 = arith.andi %get3A_1432, %and3A_1438 : vector<16xi32>
        %bitcast_convert_type3A_1440 = tpu.bitcast %and3A_1439 : vector<16xi32> -> vector<16xf32>
        %mul3A_1441 = arith.mulf %gather3A_1424, %bitcast_convert_type3A_1436 : vector<16xf32>
        %add3A_1442 = arith.addf %add3A_1418, %mul3A_1441 : vector<16xf32>
        %mul3A_1443 = arith.mulf %gather3A_1424, %bitcast_convert_type3A_1440 : vector<16xf32>
        %add3A_1444 = arith.addf %add3A_1420, %mul3A_1443 : vector<16xf32>
        %broadcast_in_dim3A_1445 = arith.constant 7 : i32
        %broadcast_in_dim3A_1446 = vector.broadcast %broadcast_in_dim3A_1445 : i32 to vector<16x1xi32>
        %gather3A_1447 = vector.shape_cast %broadcast_in_dim3A_1446 : vector<16x1xi32> to vector<16xi32>
        %gather3A_1448 = tpu.dynamic_gather %get3A_503[%gather3A_1447] in [0] : vector<16xf32>, vector<16xi32> -> vector<16xf32>
        %add3A_1449 = arith.constant 288 : i32
        %add3A_1450 = arith.addi %add3A_508, %add3A_1449 : i32
        %add3A_1451 = arith.constant 3 : i32
        %add3A_1452 = arith.addi %add3A_1450, %add3A_1451 : i32
        %get3A_1453 = arith.index_cast %add3A_1452 : i32 to index
        %get3A_1454 = arith.constant 0 : index
        %get3A_1455 = tpu.vector_load %arg13[%get3A_1453, %get3A_1454] {strides = array<i32>} : memref<768x16xi32, #tpu.memory_space<vmem>>, vector<1x16xi32>,
        %get3A_1456 = vector.shape_cast %get3A_1455 : vector<1x16xi32> to vector<16xi32>
        %shift_left3A_1457 = arith.constant 16 : i32
        %shift_left3A_1458 = vector.broadcast %shift_left3A_1457 : i32 to vector<16xi32>
        %shift_left3A_1459 = arith.shli %get3A_1456, %shift_left3A_1458 : vector<16xi32>
        %bitcast_convert_type3A_1460 = tpu.bitcast %shift_left3A_1459 : vector<16xi32> -> vector<16xf32>
        %and3A_1461 = arith.constant -65536 : i32
        %and3A_1462 = vector.broadcast %and3A_1461 : i32 to vector<16xi32>
        %and3A_1463 = arith.andi %get3A_1456, %and3A_1462 : vector<16xi32>
        %bitcast_convert_type3A_1464 = tpu.bitcast %and3A_1463 : vector<16xi32> -> vector<16xf32>
        %mul3A_1465 = arith.mulf %gather3A_1448, %bitcast_convert_type3A_1460 : vector<16xf32>
        %add3A_1466 = arith.addf %add3A_1442, %mul3A_1465 : vector<16xf32>
        %mul3A_1467 = arith.mulf %gather3A_1448, %bitcast_convert_type3A_1464 : vector<16xf32>
        %add3A_1468 = arith.addf %add3A_1444, %mul3A_1467 : vector<16xf32>
        %broadcast_in_dim3A_1469 = arith.constant 8 : i32
        %broadcast_in_dim3A_1470 = vector.broadcast %broadcast_in_dim3A_1469 : i32 to vector<16x1xi32>
        %gather3A_1471 = vector.shape_cast %broadcast_in_dim3A_1470 : vector<16x1xi32> to vector<16xi32>
        %gather3A_1472 = tpu.dynamic_gather %get3A_503[%gather3A_1471] in [0] : vector<16xf32>, vector<16xi32> -> vector<16xf32>
        %add3A_1473 = arith.constant 288 : i32
        %add3A_1474 = arith.addi %add3A_508, %add3A_1473 : i32
        %add3A_1475 = arith.constant 4 : i32
        %add3A_1476 = arith.addi %add3A_1474, %add3A_1475 : i32
        %get3A_1477 = arith.index_cast %add3A_1476 : i32 to index
        %get3A_1478 = arith.constant 0 : index
        %get3A_1479 = tpu.vector_load %arg13[%get3A_1477, %get3A_1478] {strides = array<i32>} : memref<768x16xi32, #tpu.memory_space<vmem>>, vector<1x16xi32>,
        %get3A_1480 = vector.shape_cast %get3A_1479 : vector<1x16xi32> to vector<16xi32>
        %shift_left3A_1481 = arith.constant 16 : i32
        %shift_left3A_1482 = vector.broadcast %shift_left3A_1481 : i32 to vector<16xi32>
        %shift_left3A_1483 = arith.shli %get3A_1480, %shift_left3A_1482 : vector<16xi32>
        %bitcast_convert_type3A_1484 = tpu.bitcast %shift_left3A_1483 : vector<16xi32> -> vector<16xf32>
        %and3A_1485 = arith.constant -65536 : i32
        %and3A_1486 = vector.broadcast %and3A_1485 : i32 to vector<16xi32>
        %and3A_1487 = arith.andi %get3A_1480, %and3A_1486 : vector<16xi32>
        %bitcast_convert_type3A_1488 = tpu.bitcast %and3A_1487 : vector<16xi32> -> vector<16xf32>
        %mul3A_1489 = arith.mulf %gather3A_1472, %bitcast_convert_type3A_1484 : vector<16xf32>
        %add3A_1490 = arith.addf %add3A_1466, %mul3A_1489 : vector<16xf32>
        %mul3A_1491 = arith.mulf %gather3A_1472, %bitcast_convert_type3A_1488 : vector<16xf32>
        %add3A_1492 = arith.addf %add3A_1468, %mul3A_1491 : vector<16xf32>
        %broadcast_in_dim3A_1493 = arith.constant 9 : i32
        %broadcast_in_dim3A_1494 = vector.broadcast %broadcast_in_dim3A_1493 : i32 to vector<16x1xi32>
        %gather3A_1495 = vector.shape_cast %broadcast_in_dim3A_1494 : vector<16x1xi32> to vector<16xi32>
        %gather3A_1496 = tpu.dynamic_gather %get3A_503[%gather3A_1495] in [0] : vector<16xf32>, vector<16xi32> -> vector<16xf32>
        %add3A_1497 = arith.constant 288 : i32
        %add3A_1498 = arith.addi %add3A_508, %add3A_1497 : i32
        %add3A_1499 = arith.constant 5 : i32
        %add3A_1500 = arith.addi %add3A_1498, %add3A_1499 : i32
        %get3A_1501 = arith.index_cast %add3A_1500 : i32 to index
        %get3A_1502 = arith.constant 0 : index
        %get3A_1503 = tpu.vector_load %arg13[%get3A_1501, %get3A_1502] {strides = array<i32>} : memref<768x16xi32, #tpu.memory_space<vmem>>, vector<1x16xi32>,
        %get3A_1504 = vector.shape_cast %get3A_1503 : vector<1x16xi32> to vector<16xi32>
        %shift_left3A_1505 = arith.constant 16 : i32
        %shift_left3A_1506 = vector.broadcast %shift_left3A_1505 : i32 to vector<16xi32>
        %shift_left3A_1507 = arith.shli %get3A_1504, %shift_left3A_1506 : vector<16xi32>
        %bitcast_convert_type3A_1508 = tpu.bitcast %shift_left3A_1507 : vector<16xi32> -> vector<16xf32>
        %and3A_1509 = arith.constant -65536 : i32
        %and3A_1510 = vector.broadcast %and3A_1509 : i32 to vector<16xi32>
        %and3A_1511 = arith.andi %get3A_1504, %and3A_1510 : vector<16xi32>
        %bitcast_convert_type3A_1512 = tpu.bitcast %and3A_1511 : vector<16xi32> -> vector<16xf32>
        %mul3A_1513 = arith.mulf %gather3A_1496, %bitcast_convert_type3A_1508 : vector<16xf32>
        %add3A_1514 = arith.addf %add3A_1490, %mul3A_1513 : vector<16xf32>
        %mul3A_1515 = arith.mulf %gather3A_1496, %bitcast_convert_type3A_1512 : vector<16xf32>
        %add3A_1516 = arith.addf %add3A_1492, %mul3A_1515 : vector<16xf32>
        %broadcast_in_dim3A_1517 = arith.constant 10 : i32
        %broadcast_in_dim3A_1518 = vector.broadcast %broadcast_in_dim3A_1517 : i32 to vector<16x1xi32>
        %gather3A_1519 = vector.shape_cast %broadcast_in_dim3A_1518 : vector<16x1xi32> to vector<16xi32>
        %gather3A_1520 = tpu.dynamic_gather %get3A_503[%gather3A_1519] in [0] : vector<16xf32>, vector<16xi32> -> vector<16xf32>
        %add3A_1521 = arith.constant 288 : i32
        %add3A_1522 = arith.addi %add3A_508, %add3A_1521 : i32
        %add3A_1523 = arith.constant 6 : i32
        %add3A_1524 = arith.addi %add3A_1522, %add3A_1523 : i32
        %get3A_1525 = arith.index_cast %add3A_1524 : i32 to index
        %get3A_1526 = arith.constant 0 : index
        %get3A_1527 = tpu.vector_load %arg13[%get3A_1525, %get3A_1526] {strides = array<i32>} : memref<768x16xi32, #tpu.memory_space<vmem>>, vector<1x16xi32>,
        %get3A_1528 = vector.shape_cast %get3A_1527 : vector<1x16xi32> to vector<16xi32>
        %shift_left3A_1529 = arith.constant 16 : i32
        %shift_left3A_1530 = vector.broadcast %shift_left3A_1529 : i32 to vector<16xi32>
        %shift_left3A_1531 = arith.shli %get3A_1528, %shift_left3A_1530 : vector<16xi32>
        %bitcast_convert_type3A_1532 = tpu.bitcast %shift_left3A_1531 : vector<16xi32> -> vector<16xf32>
        %and3A_1533 = arith.constant -65536 : i32
        %and3A_1534 = vector.broadcast %and3A_1533 : i32 to vector<16xi32>
        %and3A_1535 = arith.andi %get3A_1528, %and3A_1534 : vector<16xi32>
        %bitcast_convert_type3A_1536 = tpu.bitcast %and3A_1535 : vector<16xi32> -> vector<16xf32>
        %mul3A_1537 = arith.mulf %gather3A_1520, %bitcast_convert_type3A_1532 : vector<16xf32>
        %add3A_1538 = arith.addf %add3A_1514, %mul3A_1537 : vector<16xf32>
        %mul3A_1539 = arith.mulf %gather3A_1520, %bitcast_convert_type3A_1536 : vector<16xf32>
        %add3A_1540 = arith.addf %add3A_1516, %mul3A_1539 : vector<16xf32>
        %broadcast_in_dim3A_1541 = arith.constant 11 : i32
        %broadcast_in_dim3A_1542 = vector.broadcast %broadcast_in_dim3A_1541 : i32 to vector<16x1xi32>
        %gather3A_1543 = vector.shape_cast %broadcast_in_dim3A_1542 : vector<16x1xi32> to vector<16xi32>
        %gather3A_1544 = tpu.dynamic_gather %get3A_503[%gather3A_1543] in [0] : vector<16xf32>, vector<16xi32> -> vector<16xf32>
        %add3A_1545 = arith.constant 288 : i32
        %add3A_1546 = arith.addi %add3A_508, %add3A_1545 : i32
        %add3A_1547 = arith.constant 7 : i32
        %add3A_1548 = arith.addi %add3A_1546, %add3A_1547 : i32
        %get3A_1549 = arith.index_cast %add3A_1548 : i32 to index
        %get3A_1550 = arith.constant 0 : index
        %get3A_1551 = tpu.vector_load %arg13[%get3A_1549, %get3A_1550] {strides = array<i32>} : memref<768x16xi32, #tpu.memory_space<vmem>>, vector<1x16xi32>,
        %get3A_1552 = vector.shape_cast %get3A_1551 : vector<1x16xi32> to vector<16xi32>
        %shift_left3A_1553 = arith.constant 16 : i32
        %shift_left3A_1554 = vector.broadcast %shift_left3A_1553 : i32 to vector<16xi32>
        %shift_left3A_1555 = arith.shli %get3A_1552, %shift_left3A_1554 : vector<16xi32>
        %bitcast_convert_type3A_1556 = tpu.bitcast %shift_left3A_1555 : vector<16xi32> -> vector<16xf32>
        %and3A_1557 = arith.constant -65536 : i32
        %and3A_1558 = vector.broadcast %and3A_1557 : i32 to vector<16xi32>
        %and3A_1559 = arith.andi %get3A_1552, %and3A_1558 : vector<16xi32>
        %bitcast_convert_type3A_1560 = tpu.bitcast %and3A_1559 : vector<16xi32> -> vector<16xf32>
        %mul3A_1561 = arith.mulf %gather3A_1544, %bitcast_convert_type3A_1556 : vector<16xf32>
        %add3A_1562 = arith.addf %add3A_1538, %mul3A_1561 : vector<16xf32>
        %mul3A_1563 = arith.mulf %gather3A_1544, %bitcast_convert_type3A_1560 : vector<16xf32>
        %add3A_1564 = arith.addf %add3A_1540, %mul3A_1563 : vector<16xf32>
        %broadcast_in_dim3A_1565 = arith.constant 12 : i32
        %broadcast_in_dim3A_1566 = vector.broadcast %broadcast_in_dim3A_1565 : i32 to vector<16x1xi32>
        %gather3A_1567 = vector.shape_cast %broadcast_in_dim3A_1566 : vector<16x1xi32> to vector<16xi32>
        %gather3A_1568 = tpu.dynamic_gather %get3A_503[%gather3A_1567] in [0] : vector<16xf32>, vector<16xi32> -> vector<16xf32>
        %add3A_1569 = arith.constant 288 : i32
        %add3A_1570 = arith.addi %add3A_508, %add3A_1569 : i32
        %add3A_1571 = arith.constant 8 : i32
        %add3A_1572 = arith.addi %add3A_1570, %add3A_1571 : i32
        %get3A_1573 = arith.index_cast %add3A_1572 : i32 to index
        %get3A_1574 = arith.constant 0 : index
        %get3A_1575 = tpu.vector_load %arg13[%get3A_1573, %get3A_1574] {strides = array<i32>} : memref<768x16xi32, #tpu.memory_space<vmem>>, vector<1x16xi32>,
        %get3A_1576 = vector.shape_cast %get3A_1575 : vector<1x16xi32> to vector<16xi32>
        %shift_left3A_1577 = arith.constant 16 : i32
        %shift_left3A_1578 = vector.broadcast %shift_left3A_1577 : i32 to vector<16xi32>
        %shift_left3A_1579 = arith.shli %get3A_1576, %shift_left3A_1578 : vector<16xi32>
        %bitcast_convert_type3A_1580 = tpu.bitcast %shift_left3A_1579 : vector<16xi32> -> vector<16xf32>
        %and3A_1581 = arith.constant -65536 : i32
        %and3A_1582 = vector.broadcast %and3A_1581 : i32 to vector<16xi32>
        %and3A_1583 = arith.andi %get3A_1576, %and3A_1582 : vector<16xi32>
        %bitcast_convert_type3A_1584 = tpu.bitcast %and3A_1583 : vector<16xi32> -> vector<16xf32>
        %mul3A_1585 = arith.mulf %gather3A_1568, %bitcast_convert_type3A_1580 : vector<16xf32>
        %add3A_1586 = arith.addf %add3A_1562, %mul3A_1585 : vector<16xf32>
        %mul3A_1587 = arith.mulf %gather3A_1568, %bitcast_convert_type3A_1584 : vector<16xf32>
        %add3A_1588 = arith.addf %add3A_1564, %mul3A_1587 : vector<16xf32>
        %broadcast_in_dim3A_1589 = arith.constant 13 : i32
        %broadcast_in_dim3A_1590 = vector.broadcast %broadcast_in_dim3A_1589 : i32 to vector<16x1xi32>
        %gather3A_1591 = vector.shape_cast %broadcast_in_dim3A_1590 : vector<16x1xi32> to vector<16xi32>
        %gather3A_1592 = tpu.dynamic_gather %get3A_503[%gather3A_1591] in [0] : vector<16xf32>, vector<16xi32> -> vector<16xf32>
        %add3A_1593 = arith.constant 288 : i32
        %add3A_1594 = arith.addi %add3A_508, %add3A_1593 : i32
        %add3A_1595 = arith.constant 9 : i32
        %add3A_1596 = arith.addi %add3A_1594, %add3A_1595 : i32
        %get3A_1597 = arith.index_cast %add3A_1596 : i32 to index
        %get3A_1598 = arith.constant 0 : index
        %get3A_1599 = tpu.vector_load %arg13[%get3A_1597, %get3A_1598] {strides = array<i32>} : memref<768x16xi32, #tpu.memory_space<vmem>>, vector<1x16xi32>,
        %get3A_1600 = vector.shape_cast %get3A_1599 : vector<1x16xi32> to vector<16xi32>
        %shift_left3A_1601 = arith.constant 16 : i32
        %shift_left3A_1602 = vector.broadcast %shift_left3A_1601 : i32 to vector<16xi32>
        %shift_left3A_1603 = arith.shli %get3A_1600, %shift_left3A_1602 : vector<16xi32>
        %bitcast_convert_type3A_1604 = tpu.bitcast %shift_left3A_1603 : vector<16xi32> -> vector<16xf32>
        %and3A_1605 = arith.constant -65536 : i32
        %and3A_1606 = vector.broadcast %and3A_1605 : i32 to vector<16xi32>
        %and3A_1607 = arith.andi %get3A_1600, %and3A_1606 : vector<16xi32>
        %bitcast_convert_type3A_1608 = tpu.bitcast %and3A_1607 : vector<16xi32> -> vector<16xf32>
        %mul3A_1609 = arith.mulf %gather3A_1592, %bitcast_convert_type3A_1604 : vector<16xf32>
        %add3A_1610 = arith.addf %add3A_1586, %mul3A_1609 : vector<16xf32>
        %mul3A_1611 = arith.mulf %gather3A_1592, %bitcast_convert_type3A_1608 : vector<16xf32>
        %add3A_1612 = arith.addf %add3A_1588, %mul3A_1611 : vector<16xf32>
        %broadcast_in_dim3A_1613 = arith.constant 14 : i32
        %broadcast_in_dim3A_1614 = vector.broadcast %broadcast_in_dim3A_1613 : i32 to vector<16x1xi32>
        %gather3A_1615 = vector.shape_cast %broadcast_in_dim3A_1614 : vector<16x1xi32> to vector<16xi32>
        %gather3A_1616 = tpu.dynamic_gather %get3A_503[%gather3A_1615] in [0] : vector<16xf32>, vector<16xi32> -> vector<16xf32>
        %add3A_1617 = arith.constant 288 : i32
        %add3A_1618 = arith.addi %add3A_508, %add3A_1617 : i32
        %add3A_1619 = arith.constant 10 : i32
        %add3A_1620 = arith.addi %add3A_1618, %add3A_1619 : i32
        %get3A_1621 = arith.index_cast %add3A_1620 : i32 to index
        %get3A_1622 = arith.constant 0 : index
        %get3A_1623 = tpu.vector_load %arg13[%get3A_1621, %get3A_1622] {strides = array<i32>} : memref<768x16xi32, #tpu.memory_space<vmem>>, vector<1x16xi32>,
        %get3A_1624 = vector.shape_cast %get3A_1623 : vector<1x16xi32> to vector<16xi32>
        %shift_left3A_1625 = arith.constant 16 : i32
        %shift_left3A_1626 = vector.broadcast %shift_left3A_1625 : i32 to vector<16xi32>
        %shift_left3A_1627 = arith.shli %get3A_1624, %shift_left3A_1626 : vector<16xi32>
        %bitcast_convert_type3A_1628 = tpu.bitcast %shift_left3A_1627 : vector<16xi32> -> vector<16xf32>
        %and3A_1629 = arith.constant -65536 : i32
        %and3A_1630 = vector.broadcast %and3A_1629 : i32 to vector<16xi32>
        %and3A_1631 = arith.andi %get3A_1624, %and3A_1630 : vector<16xi32>
        %bitcast_convert_type3A_1632 = tpu.bitcast %and3A_1631 : vector<16xi32> -> vector<16xf32>
        %mul3A_1633 = arith.mulf %gather3A_1616, %bitcast_convert_type3A_1628 : vector<16xf32>
        %add3A_1634 = arith.addf %add3A_1610, %mul3A_1633 : vector<16xf32>
        %mul3A_1635 = arith.mulf %gather3A_1616, %bitcast_convert_type3A_1632 : vector<16xf32>
        %add3A_1636 = arith.addf %add3A_1612, %mul3A_1635 : vector<16xf32>
        %broadcast_in_dim3A_1637 = arith.constant 15 : i32
        %broadcast_in_dim3A_1638 = vector.broadcast %broadcast_in_dim3A_1637 : i32 to vector<16x1xi32>
        %gather3A_1639 = vector.shape_cast %broadcast_in_dim3A_1638 : vector<16x1xi32> to vector<16xi32>
        %gather3A_1640 = tpu.dynamic_gather %get3A_503[%gather3A_1639] in [0] : vector<16xf32>, vector<16xi32> -> vector<16xf32>
        %add3A_1641 = arith.constant 288 : i32
        %add3A_1642 = arith.addi %add3A_508, %add3A_1641 : i32
        %add3A_1643 = arith.constant 11 : i32
        %add3A_1644 = arith.addi %add3A_1642, %add3A_1643 : i32
        %get3A_1645 = arith.index_cast %add3A_1644 : i32 to index
        %get3A_1646 = arith.constant 0 : index
        %get3A_1647 = tpu.vector_load %arg13[%get3A_1645, %get3A_1646] {strides = array<i32>} : memref<768x16xi32, #tpu.memory_space<vmem>>, vector<1x16xi32>,
        %get3A_1648 = vector.shape_cast %get3A_1647 : vector<1x16xi32> to vector<16xi32>
        %shift_left3A_1649 = arith.constant 16 : i32
        %shift_left3A_1650 = vector.broadcast %shift_left3A_1649 : i32 to vector<16xi32>
        %shift_left3A_1651 = arith.shli %get3A_1648, %shift_left3A_1650 : vector<16xi32>
        %bitcast_convert_type3A_1652 = tpu.bitcast %shift_left3A_1651 : vector<16xi32> -> vector<16xf32>
        %and3A_1653 = arith.constant -65536 : i32
        %and3A_1654 = vector.broadcast %and3A_1653 : i32 to vector<16xi32>
        %and3A_1655 = arith.andi %get3A_1648, %and3A_1654 : vector<16xi32>
        %bitcast_convert_type3A_1656 = tpu.bitcast %and3A_1655 : vector<16xi32> -> vector<16xf32>
        %mul3A_1657 = arith.mulf %gather3A_1640, %bitcast_convert_type3A_1652 : vector<16xf32>
        %add3A_1658 = arith.addf %add3A_1634, %mul3A_1657 : vector<16xf32>
        %mul3A_1659 = arith.mulf %gather3A_1640, %bitcast_convert_type3A_1656 : vector<16xf32>
        %add3A_1660 = arith.addf %add3A_1636, %mul3A_1659 : vector<16xf32>
        %swap3A = arith.index_cast %scan3A_467 : i32 to index
        %swap3A_1661 = arith.constant 0 : index
        %swap3A_1662 = tpu.vector_load %arg16[%swap3A, %swap3A_1661] {strides = array<i32>} : memref<16x32xf32, #tpu.memory_space<vmem>>, vector<1x16xf32>,
        %swap3A_1663 = vector.shape_cast %swap3A_1662 : vector<1x16xf32> to vector<16xf32>
        %swap3A_1664 = vector.shape_cast %add3A_1658 : vector<16xf32> to vector<1x16xf32>
        tpu.vector_store %arg16[%swap3A, %swap3A_1661], %swap3A_1664 {strides = array<i32>} : memref<16x32xf32, #tpu.memory_space<vmem>>, vector<1x16xf32>,
        %swap3A_1665 = arith.index_cast %scan3A_467 : i32 to index
        %swap3A_1666 = arith.constant 16 : index
        %swap3A_1667 = tpu.vector_load %arg16[%swap3A_1665, %swap3A_1666] {strides = array<i32>} : memref<16x32xf32, #tpu.memory_space<vmem>>, vector<1x16xf32>,
        %swap3A_1668 = vector.shape_cast %swap3A_1667 : vector<1x16xf32> to vector<16xf32>
        %swap3A_1669 = vector.shape_cast %add3A_1660 : vector<16xf32> to vector<1x16xf32>
        tpu.vector_store %arg16[%swap3A_1665, %swap3A_1666], %swap3A_1669 {strides = array<i32>} : memref<16x32xf32, #tpu.memory_space<vmem>>, vector<1x16xf32>,
      }
      %scan3A_348 = arith.constant 16 : i32
      %add3A_349 = arith.addi %mul3A_2, %add3A_270 : i32
      %min3A_350 = arith.constant 1199 : i32
      %min3A_351 = arith.minsi %add3A_349, %min3A_350 : i32
      %dma_start3A_352 = arith.constant 0 : i32
      %dma_start3A_353 = arith.constant 0 : i32
      %dma_start3A_354 = tpu.memref_slice %arg5[%min3A_351, %dma_start3A_352, %dma_start3A_353] : memref<1200x16x32xf32, #tpu.memory_space<hbm>> -> memref<1x16x32xf32, #tpu.memory_space<hbm>>
      %dma_start3A_355 = tpu.memref_squeeze %dma_start3A_354 : memref<1x16x32xf32, #tpu.memory_space<hbm>> -> memref<16x32xf32, #tpu.memory_space<hbm>>
      %dma_start3A_356 = arith.constant 0 : i32
      %dma_start3A_357 = arith.constant 0 : i32
      %dma_start3A_358 = tpu.memref_slice %arg5[%min3A_351, %dma_start3A_356, %dma_start3A_357] : memref<1200x16x32xf32, #tpu.memory_space<hbm>> -> memref<1x16x32xf32, #tpu.memory_space<hbm>>
      %dma_start3A_359 = tpu.memref_squeeze %dma_start3A_358 : memref<1x16x32xf32, #tpu.memory_space<hbm>> -> memref<16x32xf32, #tpu.memory_space<hbm>>
      tpu.enqueue_dma source(%arg16 : memref<16x32xf32, #tpu.memory_space<vmem>>) target(%dma_start3A_359 : memref<16x32xf32, #tpu.memory_space<hbm>>) target_semaphore(%arg25 : memref<!tpu.dma_semaphore, #tpu.memory_space<semaphore_mem>>)
      %add3A_360 = arith.constant 3 : i32
      %add3A_361 = arith.addi %add3A_270, %add3A_360 : i32
      %lt3A_362 = arith.constant 39 : i32
      %lt3A_363 = arith.cmpi slt, %add3A_361, %lt3A_362 : i32
      %convert_element_type3A_364 = arith.extui %lt3A_363 : i1 to i32
      %cond3A_365 = arith.constant 0 : i32
      %cond3A_366 = arith.cmpi ne, %convert_element_type3A_364, %cond3A_365 : i32
      scf.if %cond3A_366 {
        %add3A_467 = arith.constant 3 : i32
        %add3A_468 = arith.addi %add3A_270, %add3A_467 : i32
        %add3A_469 = arith.addi %mul3A_2, %add3A_468 : i32
        %min3A_470 = arith.constant 1199 : i32
        %min3A_471 = arith.minsi %add3A_469, %min3A_470 : i32
        %dma_start3A_472 = arith.constant 0 : i32
        %dma_start3A_473 = arith.constant 0 : i32
        %dma_start3A_474 = tpu.memref_slice %arg3[%min3A_471, %dma_start3A_472, %dma_start3A_473] : memref<1200x2x384xi32, #tpu.memory_space<hbm>> -> memref<1x2x384xi32, #tpu.memory_space<hbm>>
        %dma_start3A_475 = tpu.memref_squeeze %dma_start3A_474 : memref<1x2x384xi32, #tpu.memory_space<hbm>> -> memref<2x384xi32, #tpu.memory_space<hbm>>
        %dma_start3A_476 = arith.constant 0 : i32
        %dma_start3A_477 = arith.constant 0 : i32
        %dma_start3A_478 = tpu.memref_slice %arg3[%min3A_471, %dma_start3A_476, %dma_start3A_477] : memref<1200x2x384xi32, #tpu.memory_space<hbm>> -> memref<1x2x384xi32, #tpu.memory_space<hbm>>
        %dma_start3A_479 = tpu.memref_squeeze %dma_start3A_478 : memref<1x2x384xi32, #tpu.memory_space<hbm>> -> memref<2x384xi32, #tpu.memory_space<hbm>>
        tpu.enqueue_dma source(%dma_start3A_479 : memref<2x384xi32, #tpu.memory_space<hbm>>) target(%arg7 : memref<2x384xi32, #tpu.memory_space<vmem>>) target_semaphore(%arg19 : memref<!tpu.dma_semaphore, #tpu.memory_space<semaphore_mem>>)
        %dma_start3A_480 = arith.constant 0 : i32
        %dma_start3A_481 = arith.constant 0 : i32
        %dma_start3A_482 = tpu.memref_slice %arg4[%min3A_471, %dma_start3A_480, %dma_start3A_481] : memref<1200x2x384xf32, #tpu.memory_space<hbm>> -> memref<1x2x384xf32, #tpu.memory_space<hbm>>
        %dma_start3A_483 = tpu.memref_squeeze %dma_start3A_482 : memref<1x2x384xf32, #tpu.memory_space<hbm>> -> memref<2x384xf32, #tpu.memory_space<hbm>>
        %dma_start3A_484 = arith.constant 0 : i32
        %dma_start3A_485 = arith.constant 0 : i32
        %dma_start3A_486 = tpu.memref_slice %arg4[%min3A_471, %dma_start3A_484, %dma_start3A_485] : memref<1200x2x384xf32, #tpu.memory_space<hbm>> -> memref<1x2x384xf32, #tpu.memory_space<hbm>>
        %dma_start3A_487 = tpu.memref_squeeze %dma_start3A_486 : memref<1x2x384xf32, #tpu.memory_space<hbm>> -> memref<2x384xf32, #tpu.memory_space<hbm>>
        tpu.enqueue_dma source(%dma_start3A_487 : memref<2x384xf32, #tpu.memory_space<hbm>>) target(%arg10 : memref<2x384xf32, #tpu.memory_space<vmem>>) target_semaphore(%arg19 : memref<!tpu.dma_semaphore, #tpu.memory_space<semaphore_mem>>)
      } else {
      }
      %mul3A_367 = arith.constant 3 : i32
      %mul3A_368 = arith.muli %scan3A_170, %mul3A_367 : i32
      %add3A_369 = arith.constant 2 : i32
      %add3A_370 = arith.addi %mul3A_368, %add3A_369 : i32
      %add3A_371 = arith.constant 1 : i32
      %add3A_372 = arith.addi %add3A_370, %add3A_371 : i32
      %lt3A_373 = arith.constant 39 : i32
      %lt3A_374 = arith.cmpi slt, %add3A_372, %lt3A_373 : i32
      %convert_element_type3A_375 = arith.extui %lt3A_374 : i1 to i32
      %cond3A_376 = arith.constant 0 : i32
      %cond3A_377 = arith.cmpi ne, %convert_element_type3A_375, %cond3A_376 : i32
      scf.if %cond3A_377 {
        %dma_wait3A_467 = arith.constant 0 : i32
        %dma_wait3A_468 = arith.constant 0 : i32
        %dma_wait3A_469 = arith.constant 0 : i32
        %dma_wait3A_470 = tpu.memref_slice %arg3[%dma_wait3A_467, %dma_wait3A_468, %dma_wait3A_469] : memref<1200x2x384xi32, #tpu.memory_space<hbm>> -> memref<1x2x384xi32, #tpu.memory_space<hbm>>
        %dma_wait3A_471 = tpu.memref_squeeze %dma_wait3A_470 : memref<1x2x384xi32, #tpu.memory_space<hbm>> -> memref<2x384xi32, #tpu.memory_space<hbm>>
        %dma_wait3A_472 = arith.constant 0 : i32
        %dma_wait3A_473 = arith.constant 0 : i32
        %dma_wait3A_474 = tpu.memref_slice %arg3[%dma_wait3A_467, %dma_wait3A_472, %dma_wait3A_473] : memref<1200x2x384xi32, #tpu.memory_space<hbm>> -> memref<1x2x384xi32, #tpu.memory_space<hbm>>
        %dma_wait3A_475 = tpu.memref_squeeze %dma_wait3A_474 : memref<1x2x384xi32, #tpu.memory_space<hbm>> -> memref<2x384xi32, #tpu.memory_space<hbm>>
        tpu.wait_dma2 semaphore(%arg18 : memref<!tpu.dma_semaphore, #tpu.memory_space<semaphore_mem>>) src(%dma_wait3A_475 : memref<2x384xi32, #tpu.memory_space<hbm>>) dst(%arg6 : memref<2x384xi32, #tpu.memory_space<vmem>>)
        %dma_wait3A_476 = arith.constant 0 : i32
        %dma_wait3A_477 = arith.constant 0 : i32
        %dma_wait3A_478 = arith.constant 0 : i32
        %dma_wait3A_479 = tpu.memref_slice %arg4[%dma_wait3A_476, %dma_wait3A_477, %dma_wait3A_478] : memref<1200x2x384xf32, #tpu.memory_space<hbm>> -> memref<1x2x384xf32, #tpu.memory_space<hbm>>
        %dma_wait3A_480 = tpu.memref_squeeze %dma_wait3A_479 : memref<1x2x384xf32, #tpu.memory_space<hbm>> -> memref<2x384xf32, #tpu.memory_space<hbm>>
        %dma_wait3A_481 = arith.constant 0 : i32
        %dma_wait3A_482 = arith.constant 0 : i32
        %dma_wait3A_483 = tpu.memref_slice %arg4[%dma_wait3A_476, %dma_wait3A_481, %dma_wait3A_482] : memref<1200x2x384xf32, #tpu.memory_space<hbm>> -> memref<1x2x384xf32, #tpu.memory_space<hbm>>
        %dma_wait3A_484 = tpu.memref_squeeze %dma_wait3A_483 : memref<1x2x384xf32, #tpu.memory_space<hbm>> -> memref<2x384xf32, #tpu.memory_space<hbm>>
        tpu.wait_dma2 semaphore(%arg18 : memref<!tpu.dma_semaphore, #tpu.memory_space<semaphore_mem>>) src(%dma_wait3A_484 : memref<2x384xf32, #tpu.memory_space<hbm>>) dst(%arg9 : memref<2x384xf32, #tpu.memory_space<vmem>>)
        %dma_start3A_485 = arith.constant 0 : i32
        %dma_start3A_486 = arith.constant 0 : i32
        %dma_start3A_487 = arith.constant 0 : i32
        %dma_start3A_488 = tpu.memref_slice %arg12[%dma_start3A_486, %dma_start3A_487] : memref<768x16xi32, #tpu.memory_space<vmem>> -> memref<128x16xi32, #tpu.memory_space<vmem>>
        %dma_start3A_489 = arith.constant 0 : i32
        %dma_start3A_490 = tpu.memref_slice %arg6[%dma_start3A_485, %dma_start3A_489] : memref<2x384xi32, #tpu.memory_space<vmem>> -> memref<1x128xi32, #tpu.memory_space<vmem>>
        %dma_start3A_491 = tpu.memref_squeeze %dma_start3A_490 : memref<1x128xi32, #tpu.memory_space<vmem>> -> memref<128xi32, #tpu.memory_space<vmem>>
        %dma_start3A_492 = arith.constant 0 : i32
        %dma_start3A_493 = arith.constant 0 : i32
        %dma_start3A_494 = tpu.memref_slice %arg2[%dma_start3A_492, %dma_start3A_493] : memref<537600x16xi32, #tpu.memory_space<hbm>> -> memref<537600x16xi32, #tpu.memory_space<hbm>>
        tpu.enqueue_indirect_dma source(%dma_start3A_494 : memref<537600x16xi32, #tpu.memory_space<hbm>>) target(%dma_start3A_488 : memref<128x16xi32, #tpu.memory_space<vmem>>) offsets(%dma_start3A_491 : memref<128xi32, #tpu.memory_space<vmem>>) semaphore(%arg21 : memref<!tpu.dma_semaphore, #tpu.memory_space<semaphore_mem>>)
        %dma_start3A_495 = arith.constant 0 : i32
        %dma_start3A_496 = arith.constant 128 : i32
        %dma_start3A_497 = arith.constant 0 : i32
        %dma_start3A_498 = tpu.memref_slice %arg12[%dma_start3A_496, %dma_start3A_497] : memref<768x16xi32, #tpu.memory_space<vmem>> -> memref<128x16xi32, #tpu.memory_space<vmem>>
        %dma_start3A_499 = arith.constant 128 : i32
        %dma_start3A_500 = tpu.memref_slice %arg6[%dma_start3A_495, %dma_start3A_499] : memref<2x384xi32, #tpu.memory_space<vmem>> -> memref<1x128xi32, #tpu.memory_space<vmem>>
        %dma_start3A_501 = tpu.memref_squeeze %dma_start3A_500 : memref<1x128xi32, #tpu.memory_space<vmem>> -> memref<128xi32, #tpu.memory_space<vmem>>
        %dma_start3A_502 = arith.constant 0 : i32
        %dma_start3A_503 = arith.constant 0 : i32
        %dma_start3A_504 = tpu.memref_slice %arg2[%dma_start3A_502, %dma_start3A_503] : memref<537600x16xi32, #tpu.memory_space<hbm>> -> memref<537600x16xi32, #tpu.memory_space<hbm>>
        tpu.enqueue_indirect_dma source(%dma_start3A_504 : memref<537600x16xi32, #tpu.memory_space<hbm>>) target(%dma_start3A_498 : memref<128x16xi32, #tpu.memory_space<vmem>>) offsets(%dma_start3A_501 : memref<128xi32, #tpu.memory_space<vmem>>) semaphore(%arg21 : memref<!tpu.dma_semaphore, #tpu.memory_space<semaphore_mem>>)
        %dma_start3A_505 = arith.constant 0 : i32
        %dma_start3A_506 = arith.constant 256 : i32
        %dma_start3A_507 = arith.constant 0 : i32
        %dma_start3A_508 = tpu.memref_slice %arg12[%dma_start3A_506, %dma_start3A_507] : memref<768x16xi32, #tpu.memory_space<vmem>> -> memref<128x16xi32, #tpu.memory_space<vmem>>
        %dma_start3A_509 = arith.constant 256 : i32
        %dma_start3A_510 = tpu.memref_slice %arg6[%dma_start3A_505, %dma_start3A_509] : memref<2x384xi32, #tpu.memory_space<vmem>> -> memref<1x128xi32, #tpu.memory_space<vmem>>
        %dma_start3A_511 = tpu.memref_squeeze %dma_start3A_510 : memref<1x128xi32, #tpu.memory_space<vmem>> -> memref<128xi32, #tpu.memory_space<vmem>>
        %dma_start3A_512 = arith.constant 0 : i32
        %dma_start3A_513 = arith.constant 0 : i32
        %dma_start3A_514 = tpu.memref_slice %arg2[%dma_start3A_512, %dma_start3A_513] : memref<537600x16xi32, #tpu.memory_space<hbm>> -> memref<537600x16xi32, #tpu.memory_space<hbm>>
        tpu.enqueue_indirect_dma source(%dma_start3A_514 : memref<537600x16xi32, #tpu.memory_space<hbm>>) target(%dma_start3A_508 : memref<128x16xi32, #tpu.memory_space<vmem>>) offsets(%dma_start3A_511 : memref<128xi32, #tpu.memory_space<vmem>>) semaphore(%arg21 : memref<!tpu.dma_semaphore, #tpu.memory_space<semaphore_mem>>)
        %dma_start3A_515 = arith.constant 1 : i32
        %dma_start3A_516 = arith.constant 384 : i32
        %dma_start3A_517 = arith.constant 0 : i32
        %dma_start3A_518 = tpu.memref_slice %arg12[%dma_start3A_516, %dma_start3A_517] : memref<768x16xi32, #tpu.memory_space<vmem>> -> memref<128x16xi32, #tpu.memory_space<vmem>>
        %dma_start3A_519 = arith.constant 0 : i32
        %dma_start3A_520 = tpu.memref_slice %arg6[%dma_start3A_515, %dma_start3A_519] : memref<2x384xi32, #tpu.memory_space<vmem>> -> memref<1x128xi32, #tpu.memory_space<vmem>>
        %dma_start3A_521 = tpu.memref_squeeze %dma_start3A_520 : memref<1x128xi32, #tpu.memory_space<vmem>> -> memref<128xi32, #tpu.memory_space<vmem>>
        %dma_start3A_522 = arith.constant 0 : i32
        %dma_start3A_523 = arith.constant 0 : i32
        %dma_start3A_524 = tpu.memref_slice %arg2[%dma_start3A_522, %dma_start3A_523] : memref<537600x16xi32, #tpu.memory_space<hbm>> -> memref<537600x16xi32, #tpu.memory_space<hbm>>
        tpu.enqueue_indirect_dma source(%dma_start3A_524 : memref<537600x16xi32, #tpu.memory_space<hbm>>) target(%dma_start3A_518 : memref<128x16xi32, #tpu.memory_space<vmem>>) offsets(%dma_start3A_521 : memref<128xi32, #tpu.memory_space<vmem>>) semaphore(%arg21 : memref<!tpu.dma_semaphore, #tpu.memory_space<semaphore_mem>>)
        %dma_start3A_525 = arith.constant 1 : i32
        %dma_start3A_526 = arith.constant 512 : i32
        %dma_start3A_527 = arith.constant 0 : i32
        %dma_start3A_528 = tpu.memref_slice %arg12[%dma_start3A_526, %dma_start3A_527] : memref<768x16xi32, #tpu.memory_space<vmem>> -> memref<128x16xi32, #tpu.memory_space<vmem>>
        %dma_start3A_529 = arith.constant 128 : i32
        %dma_start3A_530 = tpu.memref_slice %arg6[%dma_start3A_525, %dma_start3A_529] : memref<2x384xi32, #tpu.memory_space<vmem>> -> memref<1x128xi32, #tpu.memory_space<vmem>>
        %dma_start3A_531 = tpu.memref_squeeze %dma_start3A_530 : memref<1x128xi32, #tpu.memory_space<vmem>> -> memref<128xi32, #tpu.memory_space<vmem>>
        %dma_start3A_532 = arith.constant 0 : i32
        %dma_start3A_533 = arith.constant 0 : i32
        %dma_start3A_534 = tpu.memref_slice %arg2[%dma_start3A_532, %dma_start3A_533] : memref<537600x16xi32, #tpu.memory_space<hbm>> -> memref<537600x16xi32, #tpu.memory_space<hbm>>
        tpu.enqueue_indirect_dma source(%dma_start3A_534 : memref<537600x16xi32, #tpu.memory_space<hbm>>) target(%dma_start3A_528 : memref<128x16xi32, #tpu.memory_space<vmem>>) offsets(%dma_start3A_531 : memref<128xi32, #tpu.memory_space<vmem>>) semaphore(%arg21 : memref<!tpu.dma_semaphore, #tpu.memory_space<semaphore_mem>>)
        %dma_start3A_535 = arith.constant 1 : i32
        %dma_start3A_536 = arith.constant 640 : i32
        %dma_start3A_537 = arith.constant 0 : i32
        %dma_start3A_538 = tpu.memref_slice %arg12[%dma_start3A_536, %dma_start3A_537] : memref<768x16xi32, #tpu.memory_space<vmem>> -> memref<128x16xi32, #tpu.memory_space<vmem>>
        %dma_start3A_539 = arith.constant 256 : i32
        %dma_start3A_540 = tpu.memref_slice %arg6[%dma_start3A_535, %dma_start3A_539] : memref<2x384xi32, #tpu.memory_space<vmem>> -> memref<1x128xi32, #tpu.memory_space<vmem>>
        %dma_start3A_541 = tpu.memref_squeeze %dma_start3A_540 : memref<1x128xi32, #tpu.memory_space<vmem>> -> memref<128xi32, #tpu.memory_space<vmem>>
        %dma_start3A_542 = arith.constant 0 : i32
        %dma_start3A_543 = arith.constant 0 : i32
        %dma_start3A_544 = tpu.memref_slice %arg2[%dma_start3A_542, %dma_start3A_543] : memref<537600x16xi32, #tpu.memory_space<hbm>> -> memref<537600x16xi32, #tpu.memory_space<hbm>>
        tpu.enqueue_indirect_dma source(%dma_start3A_544 : memref<537600x16xi32, #tpu.memory_space<hbm>>) target(%dma_start3A_538 : memref<128x16xi32, #tpu.memory_space<vmem>>) offsets(%dma_start3A_541 : memref<128xi32, #tpu.memory_space<vmem>>) semaphore(%arg21 : memref<!tpu.dma_semaphore, #tpu.memory_space<semaphore_mem>>)
      } else {
      }
      %dma_wait3A_378 = arith.constant 0 : i32
      %dma_wait3A_379 = arith.constant 0 : i32
      %dma_wait3A_380 = arith.constant 0 : i32
      %dma_wait3A_381 = tpu.memref_slice %arg14[%dma_wait3A_379, %dma_wait3A_380] : memref<768x16xi32, #tpu.memory_space<vmem>> -> memref<128x16xi32, #tpu.memory_space<vmem>>
      %dma_wait3A_382 = arith.constant 0 : i32
      %dma_wait3A_383 = tpu.memref_slice %arg8[%dma_wait3A_378, %dma_wait3A_382] : memref<2x384xi32, #tpu.memory_space<vmem>> -> memref<1x128xi32, #tpu.memory_space<vmem>>
      %dma_wait3A_384 = tpu.memref_squeeze %dma_wait3A_383 : memref<1x128xi32, #tpu.memory_space<vmem>> -> memref<128xi32, #tpu.memory_space<vmem>>
      %dma_wait3A_385 = arith.constant 0 : i32
      %dma_wait3A_386 = arith.constant 0 : i32
      %dma_wait3A_387 = tpu.memref_slice %arg2[%dma_wait3A_385, %dma_wait3A_386] : memref<537600x16xi32, #tpu.memory_space<hbm>> -> memref<537600x16xi32, #tpu.memory_space<hbm>>
      tpu.wait_indirect_dma semaphore(%arg23 : memref<!tpu.dma_semaphore, #tpu.memory_space<semaphore_mem>>) src(%dma_wait3A_387 : memref<537600x16xi32, #tpu.memory_space<hbm>>) dst(%dma_wait3A_381 : memref<128x16xi32, #tpu.memory_space<vmem>>)
      %dma_wait3A_388 = arith.constant 0 : i32
      %dma_wait3A_389 = arith.constant 128 : i32
      %dma_wait3A_390 = arith.constant 0 : i32
      %dma_wait3A_391 = tpu.memref_slice %arg14[%dma_wait3A_389, %dma_wait3A_390] : memref<768x16xi32, #tpu.memory_space<vmem>> -> memref<128x16xi32, #tpu.memory_space<vmem>>
      %dma_wait3A_392 = arith.constant 128 : i32
      %dma_wait3A_393 = tpu.memref_slice %arg8[%dma_wait3A_388, %dma_wait3A_392] : memref<2x384xi32, #tpu.memory_space<vmem>> -> memref<1x128xi32, #tpu.memory_space<vmem>>
      %dma_wait3A_394 = tpu.memref_squeeze %dma_wait3A_393 : memref<1x128xi32, #tpu.memory_space<vmem>> -> memref<128xi32, #tpu.memory_space<vmem>>
      %dma_wait3A_395 = arith.constant 0 : i32
      %dma_wait3A_396 = arith.constant 0 : i32
      %dma_wait3A_397 = tpu.memref_slice %arg2[%dma_wait3A_395, %dma_wait3A_396] : memref<537600x16xi32, #tpu.memory_space<hbm>> -> memref<537600x16xi32, #tpu.memory_space<hbm>>
      tpu.wait_indirect_dma semaphore(%arg23 : memref<!tpu.dma_semaphore, #tpu.memory_space<semaphore_mem>>) src(%dma_wait3A_397 : memref<537600x16xi32, #tpu.memory_space<hbm>>) dst(%dma_wait3A_391 : memref<128x16xi32, #tpu.memory_space<vmem>>)
      %dma_wait3A_398 = arith.constant 0 : i32
      %dma_wait3A_399 = arith.constant 256 : i32
      %dma_wait3A_400 = arith.constant 0 : i32
      %dma_wait3A_401 = tpu.memref_slice %arg14[%dma_wait3A_399, %dma_wait3A_400] : memref<768x16xi32, #tpu.memory_space<vmem>> -> memref<128x16xi32, #tpu.memory_space<vmem>>
      %dma_wait3A_402 = arith.constant 256 : i32
      %dma_wait3A_403 = tpu.memref_slice %arg8[%dma_wait3A_398, %dma_wait3A_402] : memref<2x384xi32, #tpu.memory_space<vmem>> -> memref<1x128xi32, #tpu.memory_space<vmem>>
      %dma_wait3A_404 = tpu.memref_squeeze %dma_wait3A_403 : memref<1x128xi32, #tpu.memory_space<vmem>> -> memref<128xi32, #tpu.memory_space<vmem>>
      %dma_wait3A_405 = arith.constant 0 : i32
      %dma_wait3A_406 = arith.constant 0 : i32
      %dma_wait3A_407 = tpu.memref_slice %arg2[%dma_wait3A_405, %dma_wait3A_406] : memref<537600x16xi32, #tpu.memory_space<hbm>> -> memref<537600x16xi32, #tpu.memory_space<hbm>>
      tpu.wait_indirect_dma semaphore(%arg23 : memref<!tpu.dma_semaphore, #tpu.memory_space<semaphore_mem>>) src(%dma_wait3A_407 : memref<537600x16xi32, #tpu.memory_space<hbm>>) dst(%dma_wait3A_401 : memref<128x16xi32, #tpu.memory_space<vmem>>)
      %dma_wait3A_408 = arith.constant 1 : i32
      %dma_wait3A_409 = arith.constant 384 : i32
      %dma_wait3A_410 = arith.constant 0 : i32
      %dma_wait3A_411 = tpu.memref_slice %arg14[%dma_wait3A_409, %dma_wait3A_410] : memref<768x16xi32, #tpu.memory_space<vmem>> -> memref<128x16xi32, #tpu.memory_space<vmem>>
      %dma_wait3A_412 = arith.constant 0 : i32
      %dma_wait3A_413 = tpu.memref_slice %arg8[%dma_wait3A_408, %dma_wait3A_412] : memref<2x384xi32, #tpu.memory_space<vmem>> -> memref<1x128xi32, #tpu.memory_space<vmem>>
      %dma_wait3A_414 = tpu.memref_squeeze %dma_wait3A_413 : memref<1x128xi32, #tpu.memory_space<vmem>> -> memref<128xi32, #tpu.memory_space<vmem>>
      %dma_wait3A_415 = arith.constant 0 : i32
      %dma_wait3A_416 = arith.constant 0 : i32
      %dma_wait3A_417 = tpu.memref_slice %arg2[%dma_wait3A_415, %dma_wait3A_416] : memref<537600x16xi32, #tpu.memory_space<hbm>> -> memref<537600x16xi32, #tpu.memory_space<hbm>>
      tpu.wait_indirect_dma semaphore(%arg23 : memref<!tpu.dma_semaphore, #tpu.memory_space<semaphore_mem>>) src(%dma_wait3A_417 : memref<537600x16xi32, #tpu.memory_space<hbm>>) dst(%dma_wait3A_411 : memref<128x16xi32, #tpu.memory_space<vmem>>)
      %dma_wait3A_418 = arith.constant 1 : i32
      %dma_wait3A_419 = arith.constant 512 : i32
      %dma_wait3A_420 = arith.constant 0 : i32
      %dma_wait3A_421 = tpu.memref_slice %arg14[%dma_wait3A_419, %dma_wait3A_420] : memref<768x16xi32, #tpu.memory_space<vmem>> -> memref<128x16xi32, #tpu.memory_space<vmem>>
      %dma_wait3A_422 = arith.constant 128 : i32
      %dma_wait3A_423 = tpu.memref_slice %arg8[%dma_wait3A_418, %dma_wait3A_422] : memref<2x384xi32, #tpu.memory_space<vmem>> -> memref<1x128xi32, #tpu.memory_space<vmem>>
      %dma_wait3A_424 = tpu.memref_squeeze %dma_wait3A_423 : memref<1x128xi32, #tpu.memory_space<vmem>> -> memref<128xi32, #tpu.memory_space<vmem>>
      %dma_wait3A_425 = arith.constant 0 : i32
      %dma_wait3A_426 = arith.constant 0 : i32
      %dma_wait3A_427 = tpu.memref_slice %arg2[%dma_wait3A_425, %dma_wait3A_426] : memref<537600x16xi32, #tpu.memory_space<hbm>> -> memref<537600x16xi32, #tpu.memory_space<hbm>>
      tpu.wait_indirect_dma semaphore(%arg23 : memref<!tpu.dma_semaphore, #tpu.memory_space<semaphore_mem>>) src(%dma_wait3A_427 : memref<537600x16xi32, #tpu.memory_space<hbm>>) dst(%dma_wait3A_421 : memref<128x16xi32, #tpu.memory_space<vmem>>)
      %dma_wait3A_428 = arith.constant 1 : i32
      %dma_wait3A_429 = arith.constant 640 : i32
      %dma_wait3A_430 = arith.constant 0 : i32
      %dma_wait3A_431 = tpu.memref_slice %arg14[%dma_wait3A_429, %dma_wait3A_430] : memref<768x16xi32, #tpu.memory_space<vmem>> -> memref<128x16xi32, #tpu.memory_space<vmem>>
      %dma_wait3A_432 = arith.constant 256 : i32
      %dma_wait3A_433 = tpu.memref_slice %arg8[%dma_wait3A_428, %dma_wait3A_432] : memref<2x384xi32, #tpu.memory_space<vmem>> -> memref<1x128xi32, #tpu.memory_space<vmem>>
      %dma_wait3A_434 = tpu.memref_squeeze %dma_wait3A_433 : memref<1x128xi32, #tpu.memory_space<vmem>> -> memref<128xi32, #tpu.memory_space<vmem>>
      %dma_wait3A_435 = arith.constant 0 : i32
      %dma_wait3A_436 = arith.constant 0 : i32
      %dma_wait3A_437 = tpu.memref_slice %arg2[%dma_wait3A_435, %dma_wait3A_436] : memref<537600x16xi32, #tpu.memory_space<hbm>> -> memref<537600x16xi32, #tpu.memory_space<hbm>>
      tpu.wait_indirect_dma semaphore(%arg23 : memref<!tpu.dma_semaphore, #tpu.memory_space<semaphore_mem>>) src(%dma_wait3A_437 : memref<537600x16xi32, #tpu.memory_space<hbm>>) dst(%dma_wait3A_431 : memref<128x16xi32, #tpu.memory_space<vmem>>)
      %ge3A_438 = arith.constant 3 : i32
      %ge3A_439 = arith.cmpi sge, %add3A_370, %ge3A_438 : i32
      %convert_element_type3A_440 = arith.extui %ge3A_439 : i1 to i32
      %cond3A_441 = arith.constant 0 : i32
      %cond3A_442 = arith.cmpi ne, %convert_element_type3A_440, %cond3A_441 : i32
      scf.if %cond3A_442 {
        %dma_wait3A_467 = arith.constant 0 : i32
        %dma_wait3A_468 = arith.constant 0 : i32
        %dma_wait3A_469 = arith.constant 0 : i32
        %dma_wait3A_470 = tpu.memref_slice %arg5[%dma_wait3A_467, %dma_wait3A_468, %dma_wait3A_469] : memref<1200x16x32xf32, #tpu.memory_space<hbm>> -> memref<1x16x32xf32, #tpu.memory_space<hbm>>
        %dma_wait3A_471 = tpu.memref_squeeze %dma_wait3A_470 : memref<1x16x32xf32, #tpu.memory_space<hbm>> -> memref<16x32xf32, #tpu.memory_space<hbm>>
        %dma_wait3A_472 = arith.constant 0 : i32
        %dma_wait3A_473 = arith.constant 0 : i32
        %dma_wait3A_474 = tpu.memref_slice %arg5[%dma_wait3A_467, %dma_wait3A_472, %dma_wait3A_473] : memref<1200x16x32xf32, #tpu.memory_space<hbm>> -> memref<1x16x32xf32, #tpu.memory_space<hbm>>
        %dma_wait3A_475 = tpu.memref_squeeze %dma_wait3A_474 : memref<1x16x32xf32, #tpu.memory_space<hbm>> -> memref<16x32xf32, #tpu.memory_space<hbm>>
        tpu.wait_dma2 semaphore(%arg26 : memref<!tpu.dma_semaphore, #tpu.memory_space<semaphore_mem>>) src(%arg17 : memref<16x32xf32, #tpu.memory_space<vmem>>) dst(%dma_wait3A_475 : memref<16x32xf32, #tpu.memory_space<hbm>>)
      } else {
      }
      %scan3A_443 = arith.constant 0 : i32
      %scan3A_444 = arith.constant 0 : i32
      %scan3A_445 = arith.constant 16 : i32
      %scan3A_446 = arith.addi %scan3A_444, %scan3A_445 : i32
      %scan3A_447 = arith.constant 1 : i32
      scf.for %scan3A_467 = %scan3A_444 to %scan3A_446 step %scan3A_447  : i32 {
        %jit3A = arith.constant 8 : i32
        %div3A = arith.divsi %scan3A_467, %jit3A : i32
        %sign3A = arith.constant 0 : i32
        %sign3A_468 = arith.cmpi sgt, %scan3A_467, %sign3A : i32
        %sign3A_469 = arith.extui %sign3A_468 : i1 to i32
        %sign3A_470 = arith.constant 0 : i32
        %sign3A_471 = arith.cmpi slt, %scan3A_467, %sign3A_470 : i32
        %sign3A_472 = arith.extui %sign3A_471 : i1 to i32
        %sign3A_473 = arith.subi %sign3A_469, %sign3A_472 : i32
        %sign3A_474 = arith.constant 0 : i32
        %sign3A_475 = arith.cmpi sgt, %jit3A, %sign3A_474 : i32
        %sign3A_476 = arith.extui %sign3A_475 : i1 to i32
        %sign3A_477 = arith.constant 0 : i32
        %sign3A_478 = arith.cmpi slt, %jit3A, %sign3A_477 : i32
        %sign3A_479 = arith.extui %sign3A_478 : i1 to i32
        %sign3A_480 = arith.subi %sign3A_476, %sign3A_479 : i32
        %ne3A = arith.cmpi ne, %sign3A_473, %sign3A_480 : i32
        %rem3A = arith.remsi %scan3A_467, %jit3A : i32
        %ne3A_481 = arith.constant 0 : i32
        %ne3A_482 = arith.cmpi ne, %rem3A, %ne3A_481 : i32
        %and3A = arith.andi %ne3A, %ne3A_482 : i1
        %sub3A = arith.constant 1 : i32
        %sub3A_483 = arith.subi %div3A, %sub3A : i32
        %select_n3A = arith.select %and3A, %sub3A_483, %div3A : i32
        %mul3A_484 = arith.constant 8 : i32
        %mul3A_485 = arith.muli %select_n3A, %mul3A_484 : i32
        %sub3A_486 = arith.subi %scan3A_467, %mul3A_485 : i32
        %mul3A_487 = arith.constant 48 : i32
        %mul3A_488 = arith.muli %sub3A_486, %mul3A_487 : i32
        %get3A = arith.index_cast %select_n3A : i32 to index
        %get3A_489 = arith.index_cast %mul3A_488 : i32 to index
        %get3A_490 = tpu.vector_load %arg11[%get3A, %get3A_489] {strides = array<i32>} : memref<2x384xf32, #tpu.memory_space<vmem>>, vector<1x16xf32>,
        %get3A_491 = vector.shape_cast %get3A_490 : vector<1x16xf32> to vector<16xf32>
        %add3A_492 = arith.constant 16 : i32
        %add3A_493 = arith.addi %mul3A_488, %add3A_492 : i32
        %get3A_494 = arith.index_cast %select_n3A : i32 to index
        %get3A_495 = arith.index_cast %add3A_493 : i32 to index
        %get3A_496 = tpu.vector_load %arg11[%get3A_494, %get3A_495] {strides = array<i32>} : memref<2x384xf32, #tpu.memory_space<vmem>>, vector<1x16xf32>,
        %get3A_497 = vector.shape_cast %get3A_496 : vector<1x16xf32> to vector<16xf32>
        %add3A_498 = arith.constant 32 : i32
        %add3A_499 = arith.addi %mul3A_488, %add3A_498 : i32
        %get3A_500 = arith.index_cast %select_n3A : i32 to index
        %get3A_501 = arith.index_cast %add3A_499 : i32 to index
        %get3A_502 = tpu.vector_load %arg11[%get3A_500, %get3A_501] {strides = array<i32>} : memref<2x384xf32, #tpu.memory_space<vmem>>, vector<1x16xf32>,
        %get3A_503 = vector.shape_cast %get3A_502 : vector<1x16xf32> to vector<16xf32>
        %mul3A_504 = arith.constant 384 : i32
        %mul3A_505 = arith.muli %select_n3A, %mul3A_504 : i32
        %mul3A_506 = arith.constant 12 : i32
        %mul3A_507 = arith.muli %sub3A_486, %mul3A_506 : i32
        %add3A_508 = arith.addi %mul3A_505, %mul3A_507 : i32
        %broadcast_in_dim3A = arith.constant 0.000000e+00 : f32
        %broadcast_in_dim3A_509 = vector.broadcast %broadcast_in_dim3A : f32 to vector<16xf32>
        %broadcast_in_dim3A_510 = arith.constant 0.000000e+00 : f32
        %broadcast_in_dim3A_511 = vector.broadcast %broadcast_in_dim3A_510 : f32 to vector<16xf32>
        %broadcast_in_dim3A_512 = arith.constant 0 : i32
        %broadcast_in_dim3A_513 = vector.broadcast %broadcast_in_dim3A_512 : i32 to vector<16x1xi32>
        %gather3A = vector.shape_cast %broadcast_in_dim3A_513 : vector<16x1xi32> to vector<16xi32>
        %gather3A_514 = tpu.dynamic_gather %get3A_491[%gather3A] in [0] : vector<16xf32>, vector<16xi32> -> vector<16xf32>
        %add3A_515 = arith.constant 0 : i32
        %add3A_516 = arith.addi %add3A_508, %add3A_515 : i32
        %add3A_517 = arith.constant 0 : i32
        %add3A_518 = arith.addi %add3A_516, %add3A_517 : i32
        %get3A_519 = arith.index_cast %add3A_518 : i32 to index
        %get3A_520 = arith.constant 0 : index
        %get3A_521 = tpu.vector_load %arg14[%get3A_519, %get3A_520] {strides = array<i32>} : memref<768x16xi32, #tpu.memory_space<vmem>>, vector<1x16xi32>,
        %get3A_522 = vector.shape_cast %get3A_521 : vector<1x16xi32> to vector<16xi32>
        %shift_left3A = arith.constant 16 : i32
        %shift_left3A_523 = vector.broadcast %shift_left3A : i32 to vector<16xi32>
        %shift_left3A_524 = arith.shli %get3A_522, %shift_left3A_523 : vector<16xi32>
        %bitcast_convert_type3A = tpu.bitcast %shift_left3A_524 : vector<16xi32> -> vector<16xf32>
        %and3A_525 = arith.constant -65536 : i32
        %and3A_526 = vector.broadcast %and3A_525 : i32 to vector<16xi32>
        %and3A_527 = arith.andi %get3A_522, %and3A_526 : vector<16xi32>
        %bitcast_convert_type3A_528 = tpu.bitcast %and3A_527 : vector<16xi32> -> vector<16xf32>
        %mul3A_529 = arith.mulf %gather3A_514, %bitcast_convert_type3A : vector<16xf32>
        %add3A_530 = arith.addf %broadcast_in_dim3A_509, %mul3A_529 : vector<16xf32>
        %mul3A_531 = arith.mulf %gather3A_514, %bitcast_convert_type3A_528 : vector<16xf32>
        %add3A_532 = arith.addf %broadcast_in_dim3A_511, %mul3A_531 : vector<16xf32>
        %broadcast_in_dim3A_533 = arith.constant 1 : i32
        %broadcast_in_dim3A_534 = vector.broadcast %broadcast_in_dim3A_533 : i32 to vector<16x1xi32>
        %gather3A_535 = vector.shape_cast %broadcast_in_dim3A_534 : vector<16x1xi32> to vector<16xi32>
        %gather3A_536 = tpu.dynamic_gather %get3A_491[%gather3A_535] in [0] : vector<16xf32>, vector<16xi32> -> vector<16xf32>
        %add3A_537 = arith.constant 0 : i32
        %add3A_538 = arith.addi %add3A_508, %add3A_537 : i32
        %add3A_539 = arith.constant 1 : i32
        %add3A_540 = arith.addi %add3A_538, %add3A_539 : i32
        %get3A_541 = arith.index_cast %add3A_540 : i32 to index
        %get3A_542 = arith.constant 0 : index
        %get3A_543 = tpu.vector_load %arg14[%get3A_541, %get3A_542] {strides = array<i32>} : memref<768x16xi32, #tpu.memory_space<vmem>>, vector<1x16xi32>,
        %get3A_544 = vector.shape_cast %get3A_543 : vector<1x16xi32> to vector<16xi32>
        %shift_left3A_545 = arith.constant 16 : i32
        %shift_left3A_546 = vector.broadcast %shift_left3A_545 : i32 to vector<16xi32>
        %shift_left3A_547 = arith.shli %get3A_544, %shift_left3A_546 : vector<16xi32>
        %bitcast_convert_type3A_548 = tpu.bitcast %shift_left3A_547 : vector<16xi32> -> vector<16xf32>
        %and3A_549 = arith.constant -65536 : i32
        %and3A_550 = vector.broadcast %and3A_549 : i32 to vector<16xi32>
        %and3A_551 = arith.andi %get3A_544, %and3A_550 : vector<16xi32>
        %bitcast_convert_type3A_552 = tpu.bitcast %and3A_551 : vector<16xi32> -> vector<16xf32>
        %mul3A_553 = arith.mulf %gather3A_536, %bitcast_convert_type3A_548 : vector<16xf32>
        %add3A_554 = arith.addf %add3A_530, %mul3A_553 : vector<16xf32>
        %mul3A_555 = arith.mulf %gather3A_536, %bitcast_convert_type3A_552 : vector<16xf32>
        %add3A_556 = arith.addf %add3A_532, %mul3A_555 : vector<16xf32>
        %broadcast_in_dim3A_557 = arith.constant 2 : i32
        %broadcast_in_dim3A_558 = vector.broadcast %broadcast_in_dim3A_557 : i32 to vector<16x1xi32>
        %gather3A_559 = vector.shape_cast %broadcast_in_dim3A_558 : vector<16x1xi32> to vector<16xi32>
        %gather3A_560 = tpu.dynamic_gather %get3A_491[%gather3A_559] in [0] : vector<16xf32>, vector<16xi32> -> vector<16xf32>
        %add3A_561 = arith.constant 0 : i32
        %add3A_562 = arith.addi %add3A_508, %add3A_561 : i32
        %add3A_563 = arith.constant 2 : i32
        %add3A_564 = arith.addi %add3A_562, %add3A_563 : i32
        %get3A_565 = arith.index_cast %add3A_564 : i32 to index
        %get3A_566 = arith.constant 0 : index
        %get3A_567 = tpu.vector_load %arg14[%get3A_565, %get3A_566] {strides = array<i32>} : memref<768x16xi32, #tpu.memory_space<vmem>>, vector<1x16xi32>,
        %get3A_568 = vector.shape_cast %get3A_567 : vector<1x16xi32> to vector<16xi32>
        %shift_left3A_569 = arith.constant 16 : i32
        %shift_left3A_570 = vector.broadcast %shift_left3A_569 : i32 to vector<16xi32>
        %shift_left3A_571 = arith.shli %get3A_568, %shift_left3A_570 : vector<16xi32>
        %bitcast_convert_type3A_572 = tpu.bitcast %shift_left3A_571 : vector<16xi32> -> vector<16xf32>
        %and3A_573 = arith.constant -65536 : i32
        %and3A_574 = vector.broadcast %and3A_573 : i32 to vector<16xi32>
        %and3A_575 = arith.andi %get3A_568, %and3A_574 : vector<16xi32>
        %bitcast_convert_type3A_576 = tpu.bitcast %and3A_575 : vector<16xi32> -> vector<16xf32>
        %mul3A_577 = arith.mulf %gather3A_560, %bitcast_convert_type3A_572 : vector<16xf32>
        %add3A_578 = arith.addf %add3A_554, %mul3A_577 : vector<16xf32>
        %mul3A_579 = arith.mulf %gather3A_560, %bitcast_convert_type3A_576 : vector<16xf32>
        %add3A_580 = arith.addf %add3A_556, %mul3A_579 : vector<16xf32>
        %broadcast_in_dim3A_581 = arith.constant 3 : i32
        %broadcast_in_dim3A_582 = vector.broadcast %broadcast_in_dim3A_581 : i32 to vector<16x1xi32>
        %gather3A_583 = vector.shape_cast %broadcast_in_dim3A_582 : vector<16x1xi32> to vector<16xi32>
        %gather3A_584 = tpu.dynamic_gather %get3A_491[%gather3A_583] in [0] : vector<16xf32>, vector<16xi32> -> vector<16xf32>
        %add3A_585 = arith.constant 0 : i32
        %add3A_586 = arith.addi %add3A_508, %add3A_585 : i32
        %add3A_587 = arith.constant 3 : i32
        %add3A_588 = arith.addi %add3A_586, %add3A_587 : i32
        %get3A_589 = arith.index_cast %add3A_588 : i32 to index
        %get3A_590 = arith.constant 0 : index
        %get3A_591 = tpu.vector_load %arg14[%get3A_589, %get3A_590] {strides = array<i32>} : memref<768x16xi32, #tpu.memory_space<vmem>>, vector<1x16xi32>,
        %get3A_592 = vector.shape_cast %get3A_591 : vector<1x16xi32> to vector<16xi32>
        %shift_left3A_593 = arith.constant 16 : i32
        %shift_left3A_594 = vector.broadcast %shift_left3A_593 : i32 to vector<16xi32>
        %shift_left3A_595 = arith.shli %get3A_592, %shift_left3A_594 : vector<16xi32>
        %bitcast_convert_type3A_596 = tpu.bitcast %shift_left3A_595 : vector<16xi32> -> vector<16xf32>
        %and3A_597 = arith.constant -65536 : i32
        %and3A_598 = vector.broadcast %and3A_597 : i32 to vector<16xi32>
        %and3A_599 = arith.andi %get3A_592, %and3A_598 : vector<16xi32>
        %bitcast_convert_type3A_600 = tpu.bitcast %and3A_599 : vector<16xi32> -> vector<16xf32>
        %mul3A_601 = arith.mulf %gather3A_584, %bitcast_convert_type3A_596 : vector<16xf32>
        %add3A_602 = arith.addf %add3A_578, %mul3A_601 : vector<16xf32>
        %mul3A_603 = arith.mulf %gather3A_584, %bitcast_convert_type3A_600 : vector<16xf32>
        %add3A_604 = arith.addf %add3A_580, %mul3A_603 : vector<16xf32>
        %broadcast_in_dim3A_605 = arith.constant 4 : i32
        %broadcast_in_dim3A_606 = vector.broadcast %broadcast_in_dim3A_605 : i32 to vector<16x1xi32>
        %gather3A_607 = vector.shape_cast %broadcast_in_dim3A_606 : vector<16x1xi32> to vector<16xi32>
        %gather3A_608 = tpu.dynamic_gather %get3A_491[%gather3A_607] in [0] : vector<16xf32>, vector<16xi32> -> vector<16xf32>
        %add3A_609 = arith.constant 0 : i32
        %add3A_610 = arith.addi %add3A_508, %add3A_609 : i32
        %add3A_611 = arith.constant 4 : i32
        %add3A_612 = arith.addi %add3A_610, %add3A_611 : i32
        %get3A_613 = arith.index_cast %add3A_612 : i32 to index
        %get3A_614 = arith.constant 0 : index
        %get3A_615 = tpu.vector_load %arg14[%get3A_613, %get3A_614] {strides = array<i32>} : memref<768x16xi32, #tpu.memory_space<vmem>>, vector<1x16xi32>,
        %get3A_616 = vector.shape_cast %get3A_615 : vector<1x16xi32> to vector<16xi32>
        %shift_left3A_617 = arith.constant 16 : i32
        %shift_left3A_618 = vector.broadcast %shift_left3A_617 : i32 to vector<16xi32>
        %shift_left3A_619 = arith.shli %get3A_616, %shift_left3A_618 : vector<16xi32>
        %bitcast_convert_type3A_620 = tpu.bitcast %shift_left3A_619 : vector<16xi32> -> vector<16xf32>
        %and3A_621 = arith.constant -65536 : i32
        %and3A_622 = vector.broadcast %and3A_621 : i32 to vector<16xi32>
        %and3A_623 = arith.andi %get3A_616, %and3A_622 : vector<16xi32>
        %bitcast_convert_type3A_624 = tpu.bitcast %and3A_623 : vector<16xi32> -> vector<16xf32>
        %mul3A_625 = arith.mulf %gather3A_608, %bitcast_convert_type3A_620 : vector<16xf32>
        %add3A_626 = arith.addf %add3A_602, %mul3A_625 : vector<16xf32>
        %mul3A_627 = arith.mulf %gather3A_608, %bitcast_convert_type3A_624 : vector<16xf32>
        %add3A_628 = arith.addf %add3A_604, %mul3A_627 : vector<16xf32>
        %broadcast_in_dim3A_629 = arith.constant 5 : i32
        %broadcast_in_dim3A_630 = vector.broadcast %broadcast_in_dim3A_629 : i32 to vector<16x1xi32>
        %gather3A_631 = vector.shape_cast %broadcast_in_dim3A_630 : vector<16x1xi32> to vector<16xi32>
        %gather3A_632 = tpu.dynamic_gather %get3A_491[%gather3A_631] in [0] : vector<16xf32>, vector<16xi32> -> vector<16xf32>
        %add3A_633 = arith.constant 0 : i32
        %add3A_634 = arith.addi %add3A_508, %add3A_633 : i32
        %add3A_635 = arith.constant 5 : i32
        %add3A_636 = arith.addi %add3A_634, %add3A_635 : i32
        %get3A_637 = arith.index_cast %add3A_636 : i32 to index
        %get3A_638 = arith.constant 0 : index
        %get3A_639 = tpu.vector_load %arg14[%get3A_637, %get3A_638] {strides = array<i32>} : memref<768x16xi32, #tpu.memory_space<vmem>>, vector<1x16xi32>,
        %get3A_640 = vector.shape_cast %get3A_639 : vector<1x16xi32> to vector<16xi32>
        %shift_left3A_641 = arith.constant 16 : i32
        %shift_left3A_642 = vector.broadcast %shift_left3A_641 : i32 to vector<16xi32>
        %shift_left3A_643 = arith.shli %get3A_640, %shift_left3A_642 : vector<16xi32>
        %bitcast_convert_type3A_644 = tpu.bitcast %shift_left3A_643 : vector<16xi32> -> vector<16xf32>
        %and3A_645 = arith.constant -65536 : i32
        %and3A_646 = vector.broadcast %and3A_645 : i32 to vector<16xi32>
        %and3A_647 = arith.andi %get3A_640, %and3A_646 : vector<16xi32>
        %bitcast_convert_type3A_648 = tpu.bitcast %and3A_647 : vector<16xi32> -> vector<16xf32>
        %mul3A_649 = arith.mulf %gather3A_632, %bitcast_convert_type3A_644 : vector<16xf32>
        %add3A_650 = arith.addf %add3A_626, %mul3A_649 : vector<16xf32>
        %mul3A_651 = arith.mulf %gather3A_632, %bitcast_convert_type3A_648 : vector<16xf32>
        %add3A_652 = arith.addf %add3A_628, %mul3A_651 : vector<16xf32>
        %broadcast_in_dim3A_653 = arith.constant 6 : i32
        %broadcast_in_dim3A_654 = vector.broadcast %broadcast_in_dim3A_653 : i32 to vector<16x1xi32>
        %gather3A_655 = vector.shape_cast %broadcast_in_dim3A_654 : vector<16x1xi32> to vector<16xi32>
        %gather3A_656 = tpu.dynamic_gather %get3A_491[%gather3A_655] in [0] : vector<16xf32>, vector<16xi32> -> vector<16xf32>
        %add3A_657 = arith.constant 0 : i32
        %add3A_658 = arith.addi %add3A_508, %add3A_657 : i32
        %add3A_659 = arith.constant 6 : i32
        %add3A_660 = arith.addi %add3A_658, %add3A_659 : i32
        %get3A_661 = arith.index_cast %add3A_660 : i32 to index
        %get3A_662 = arith.constant 0 : index
        %get3A_663 = tpu.vector_load %arg14[%get3A_661, %get3A_662] {strides = array<i32>} : memref<768x16xi32, #tpu.memory_space<vmem>>, vector<1x16xi32>,
        %get3A_664 = vector.shape_cast %get3A_663 : vector<1x16xi32> to vector<16xi32>
        %shift_left3A_665 = arith.constant 16 : i32
        %shift_left3A_666 = vector.broadcast %shift_left3A_665 : i32 to vector<16xi32>
        %shift_left3A_667 = arith.shli %get3A_664, %shift_left3A_666 : vector<16xi32>
        %bitcast_convert_type3A_668 = tpu.bitcast %shift_left3A_667 : vector<16xi32> -> vector<16xf32>
        %and3A_669 = arith.constant -65536 : i32
        %and3A_670 = vector.broadcast %and3A_669 : i32 to vector<16xi32>
        %and3A_671 = arith.andi %get3A_664, %and3A_670 : vector<16xi32>
        %bitcast_convert_type3A_672 = tpu.bitcast %and3A_671 : vector<16xi32> -> vector<16xf32>
        %mul3A_673 = arith.mulf %gather3A_656, %bitcast_convert_type3A_668 : vector<16xf32>
        %add3A_674 = arith.addf %add3A_650, %mul3A_673 : vector<16xf32>
        %mul3A_675 = arith.mulf %gather3A_656, %bitcast_convert_type3A_672 : vector<16xf32>
        %add3A_676 = arith.addf %add3A_652, %mul3A_675 : vector<16xf32>
        %broadcast_in_dim3A_677 = arith.constant 7 : i32
        %broadcast_in_dim3A_678 = vector.broadcast %broadcast_in_dim3A_677 : i32 to vector<16x1xi32>
        %gather3A_679 = vector.shape_cast %broadcast_in_dim3A_678 : vector<16x1xi32> to vector<16xi32>
        %gather3A_680 = tpu.dynamic_gather %get3A_491[%gather3A_679] in [0] : vector<16xf32>, vector<16xi32> -> vector<16xf32>
        %add3A_681 = arith.constant 0 : i32
        %add3A_682 = arith.addi %add3A_508, %add3A_681 : i32
        %add3A_683 = arith.constant 7 : i32
        %add3A_684 = arith.addi %add3A_682, %add3A_683 : i32
        %get3A_685 = arith.index_cast %add3A_684 : i32 to index
        %get3A_686 = arith.constant 0 : index
        %get3A_687 = tpu.vector_load %arg14[%get3A_685, %get3A_686] {strides = array<i32>} : memref<768x16xi32, #tpu.memory_space<vmem>>, vector<1x16xi32>,
        %get3A_688 = vector.shape_cast %get3A_687 : vector<1x16xi32> to vector<16xi32>
        %shift_left3A_689 = arith.constant 16 : i32
        %shift_left3A_690 = vector.broadcast %shift_left3A_689 : i32 to vector<16xi32>
        %shift_left3A_691 = arith.shli %get3A_688, %shift_left3A_690 : vector<16xi32>
        %bitcast_convert_type3A_692 = tpu.bitcast %shift_left3A_691 : vector<16xi32> -> vector<16xf32>
        %and3A_693 = arith.constant -65536 : i32
        %and3A_694 = vector.broadcast %and3A_693 : i32 to vector<16xi32>
        %and3A_695 = arith.andi %get3A_688, %and3A_694 : vector<16xi32>
        %bitcast_convert_type3A_696 = tpu.bitcast %and3A_695 : vector<16xi32> -> vector<16xf32>
        %mul3A_697 = arith.mulf %gather3A_680, %bitcast_convert_type3A_692 : vector<16xf32>
        %add3A_698 = arith.addf %add3A_674, %mul3A_697 : vector<16xf32>
        %mul3A_699 = arith.mulf %gather3A_680, %bitcast_convert_type3A_696 : vector<16xf32>
        %add3A_700 = arith.addf %add3A_676, %mul3A_699 : vector<16xf32>
        %broadcast_in_dim3A_701 = arith.constant 8 : i32
        %broadcast_in_dim3A_702 = vector.broadcast %broadcast_in_dim3A_701 : i32 to vector<16x1xi32>
        %gather3A_703 = vector.shape_cast %broadcast_in_dim3A_702 : vector<16x1xi32> to vector<16xi32>
        %gather3A_704 = tpu.dynamic_gather %get3A_491[%gather3A_703] in [0] : vector<16xf32>, vector<16xi32> -> vector<16xf32>
        %add3A_705 = arith.constant 0 : i32
        %add3A_706 = arith.addi %add3A_508, %add3A_705 : i32
        %add3A_707 = arith.constant 8 : i32
        %add3A_708 = arith.addi %add3A_706, %add3A_707 : i32
        %get3A_709 = arith.index_cast %add3A_708 : i32 to index
        %get3A_710 = arith.constant 0 : index
        %get3A_711 = tpu.vector_load %arg14[%get3A_709, %get3A_710] {strides = array<i32>} : memref<768x16xi32, #tpu.memory_space<vmem>>, vector<1x16xi32>,
        %get3A_712 = vector.shape_cast %get3A_711 : vector<1x16xi32> to vector<16xi32>
        %shift_left3A_713 = arith.constant 16 : i32
        %shift_left3A_714 = vector.broadcast %shift_left3A_713 : i32 to vector<16xi32>
        %shift_left3A_715 = arith.shli %get3A_712, %shift_left3A_714 : vector<16xi32>
        %bitcast_convert_type3A_716 = tpu.bitcast %shift_left3A_715 : vector<16xi32> -> vector<16xf32>
        %and3A_717 = arith.constant -65536 : i32
        %and3A_718 = vector.broadcast %and3A_717 : i32 to vector<16xi32>
        %and3A_719 = arith.andi %get3A_712, %and3A_718 : vector<16xi32>
        %bitcast_convert_type3A_720 = tpu.bitcast %and3A_719 : vector<16xi32> -> vector<16xf32>
        %mul3A_721 = arith.mulf %gather3A_704, %bitcast_convert_type3A_716 : vector<16xf32>
        %add3A_722 = arith.addf %add3A_698, %mul3A_721 : vector<16xf32>
        %mul3A_723 = arith.mulf %gather3A_704, %bitcast_convert_type3A_720 : vector<16xf32>
        %add3A_724 = arith.addf %add3A_700, %mul3A_723 : vector<16xf32>
        %broadcast_in_dim3A_725 = arith.constant 9 : i32
        %broadcast_in_dim3A_726 = vector.broadcast %broadcast_in_dim3A_725 : i32 to vector<16x1xi32>
        %gather3A_727 = vector.shape_cast %broadcast_in_dim3A_726 : vector<16x1xi32> to vector<16xi32>
        %gather3A_728 = tpu.dynamic_gather %get3A_491[%gather3A_727] in [0] : vector<16xf32>, vector<16xi32> -> vector<16xf32>
        %add3A_729 = arith.constant 0 : i32
        %add3A_730 = arith.addi %add3A_508, %add3A_729 : i32
        %add3A_731 = arith.constant 9 : i32
        %add3A_732 = arith.addi %add3A_730, %add3A_731 : i32
        %get3A_733 = arith.index_cast %add3A_732 : i32 to index
        %get3A_734 = arith.constant 0 : index
        %get3A_735 = tpu.vector_load %arg14[%get3A_733, %get3A_734] {strides = array<i32>} : memref<768x16xi32, #tpu.memory_space<vmem>>, vector<1x16xi32>,
        %get3A_736 = vector.shape_cast %get3A_735 : vector<1x16xi32> to vector<16xi32>
        %shift_left3A_737 = arith.constant 16 : i32
        %shift_left3A_738 = vector.broadcast %shift_left3A_737 : i32 to vector<16xi32>
        %shift_left3A_739 = arith.shli %get3A_736, %shift_left3A_738 : vector<16xi32>
        %bitcast_convert_type3A_740 = tpu.bitcast %shift_left3A_739 : vector<16xi32> -> vector<16xf32>
        %and3A_741 = arith.constant -65536 : i32
        %and3A_742 = vector.broadcast %and3A_741 : i32 to vector<16xi32>
        %and3A_743 = arith.andi %get3A_736, %and3A_742 : vector<16xi32>
        %bitcast_convert_type3A_744 = tpu.bitcast %and3A_743 : vector<16xi32> -> vector<16xf32>
        %mul3A_745 = arith.mulf %gather3A_728, %bitcast_convert_type3A_740 : vector<16xf32>
        %add3A_746 = arith.addf %add3A_722, %mul3A_745 : vector<16xf32>
        %mul3A_747 = arith.mulf %gather3A_728, %bitcast_convert_type3A_744 : vector<16xf32>
        %add3A_748 = arith.addf %add3A_724, %mul3A_747 : vector<16xf32>
        %broadcast_in_dim3A_749 = arith.constant 10 : i32
        %broadcast_in_dim3A_750 = vector.broadcast %broadcast_in_dim3A_749 : i32 to vector<16x1xi32>
        %gather3A_751 = vector.shape_cast %broadcast_in_dim3A_750 : vector<16x1xi32> to vector<16xi32>
        %gather3A_752 = tpu.dynamic_gather %get3A_491[%gather3A_751] in [0] : vector<16xf32>, vector<16xi32> -> vector<16xf32>
        %add3A_753 = arith.constant 0 : i32
        %add3A_754 = arith.addi %add3A_508, %add3A_753 : i32
        %add3A_755 = arith.constant 10 : i32
        %add3A_756 = arith.addi %add3A_754, %add3A_755 : i32
        %get3A_757 = arith.index_cast %add3A_756 : i32 to index
        %get3A_758 = arith.constant 0 : index
        %get3A_759 = tpu.vector_load %arg14[%get3A_757, %get3A_758] {strides = array<i32>} : memref<768x16xi32, #tpu.memory_space<vmem>>, vector<1x16xi32>,
        %get3A_760 = vector.shape_cast %get3A_759 : vector<1x16xi32> to vector<16xi32>
        %shift_left3A_761 = arith.constant 16 : i32
        %shift_left3A_762 = vector.broadcast %shift_left3A_761 : i32 to vector<16xi32>
        %shift_left3A_763 = arith.shli %get3A_760, %shift_left3A_762 : vector<16xi32>
        %bitcast_convert_type3A_764 = tpu.bitcast %shift_left3A_763 : vector<16xi32> -> vector<16xf32>
        %and3A_765 = arith.constant -65536 : i32
        %and3A_766 = vector.broadcast %and3A_765 : i32 to vector<16xi32>
        %and3A_767 = arith.andi %get3A_760, %and3A_766 : vector<16xi32>
        %bitcast_convert_type3A_768 = tpu.bitcast %and3A_767 : vector<16xi32> -> vector<16xf32>
        %mul3A_769 = arith.mulf %gather3A_752, %bitcast_convert_type3A_764 : vector<16xf32>
        %add3A_770 = arith.addf %add3A_746, %mul3A_769 : vector<16xf32>
        %mul3A_771 = arith.mulf %gather3A_752, %bitcast_convert_type3A_768 : vector<16xf32>
        %add3A_772 = arith.addf %add3A_748, %mul3A_771 : vector<16xf32>
        %broadcast_in_dim3A_773 = arith.constant 11 : i32
        %broadcast_in_dim3A_774 = vector.broadcast %broadcast_in_dim3A_773 : i32 to vector<16x1xi32>
        %gather3A_775 = vector.shape_cast %broadcast_in_dim3A_774 : vector<16x1xi32> to vector<16xi32>
        %gather3A_776 = tpu.dynamic_gather %get3A_491[%gather3A_775] in [0] : vector<16xf32>, vector<16xi32> -> vector<16xf32>
        %add3A_777 = arith.constant 0 : i32
        %add3A_778 = arith.addi %add3A_508, %add3A_777 : i32
        %add3A_779 = arith.constant 11 : i32
        %add3A_780 = arith.addi %add3A_778, %add3A_779 : i32
        %get3A_781 = arith.index_cast %add3A_780 : i32 to index
        %get3A_782 = arith.constant 0 : index
        %get3A_783 = tpu.vector_load %arg14[%get3A_781, %get3A_782] {strides = array<i32>} : memref<768x16xi32, #tpu.memory_space<vmem>>, vector<1x16xi32>,
        %get3A_784 = vector.shape_cast %get3A_783 : vector<1x16xi32> to vector<16xi32>
        %shift_left3A_785 = arith.constant 16 : i32
        %shift_left3A_786 = vector.broadcast %shift_left3A_785 : i32 to vector<16xi32>
        %shift_left3A_787 = arith.shli %get3A_784, %shift_left3A_786 : vector<16xi32>
        %bitcast_convert_type3A_788 = tpu.bitcast %shift_left3A_787 : vector<16xi32> -> vector<16xf32>
        %and3A_789 = arith.constant -65536 : i32
        %and3A_790 = vector.broadcast %and3A_789 : i32 to vector<16xi32>
        %and3A_791 = arith.andi %get3A_784, %and3A_790 : vector<16xi32>
        %bitcast_convert_type3A_792 = tpu.bitcast %and3A_791 : vector<16xi32> -> vector<16xf32>
        %mul3A_793 = arith.mulf %gather3A_776, %bitcast_convert_type3A_788 : vector<16xf32>
        %add3A_794 = arith.addf %add3A_770, %mul3A_793 : vector<16xf32>
        %mul3A_795 = arith.mulf %gather3A_776, %bitcast_convert_type3A_792 : vector<16xf32>
        %add3A_796 = arith.addf %add3A_772, %mul3A_795 : vector<16xf32>
        %broadcast_in_dim3A_797 = arith.constant 12 : i32
        %broadcast_in_dim3A_798 = vector.broadcast %broadcast_in_dim3A_797 : i32 to vector<16x1xi32>
        %gather3A_799 = vector.shape_cast %broadcast_in_dim3A_798 : vector<16x1xi32> to vector<16xi32>
        %gather3A_800 = tpu.dynamic_gather %get3A_491[%gather3A_799] in [0] : vector<16xf32>, vector<16xi32> -> vector<16xf32>
        %add3A_801 = arith.constant 96 : i32
        %add3A_802 = arith.addi %add3A_508, %add3A_801 : i32
        %add3A_803 = arith.constant 0 : i32
        %add3A_804 = arith.addi %add3A_802, %add3A_803 : i32
        %get3A_805 = arith.index_cast %add3A_804 : i32 to index
        %get3A_806 = arith.constant 0 : index
        %get3A_807 = tpu.vector_load %arg14[%get3A_805, %get3A_806] {strides = array<i32>} : memref<768x16xi32, #tpu.memory_space<vmem>>, vector<1x16xi32>,
        %get3A_808 = vector.shape_cast %get3A_807 : vector<1x16xi32> to vector<16xi32>
        %shift_left3A_809 = arith.constant 16 : i32
        %shift_left3A_810 = vector.broadcast %shift_left3A_809 : i32 to vector<16xi32>
        %shift_left3A_811 = arith.shli %get3A_808, %shift_left3A_810 : vector<16xi32>
        %bitcast_convert_type3A_812 = tpu.bitcast %shift_left3A_811 : vector<16xi32> -> vector<16xf32>
        %and3A_813 = arith.constant -65536 : i32
        %and3A_814 = vector.broadcast %and3A_813 : i32 to vector<16xi32>
        %and3A_815 = arith.andi %get3A_808, %and3A_814 : vector<16xi32>
        %bitcast_convert_type3A_816 = tpu.bitcast %and3A_815 : vector<16xi32> -> vector<16xf32>
        %mul3A_817 = arith.mulf %gather3A_800, %bitcast_convert_type3A_812 : vector<16xf32>
        %add3A_818 = arith.addf %add3A_794, %mul3A_817 : vector<16xf32>
        %mul3A_819 = arith.mulf %gather3A_800, %bitcast_convert_type3A_816 : vector<16xf32>
        %add3A_820 = arith.addf %add3A_796, %mul3A_819 : vector<16xf32>
        %broadcast_in_dim3A_821 = arith.constant 13 : i32
        %broadcast_in_dim3A_822 = vector.broadcast %broadcast_in_dim3A_821 : i32 to vector<16x1xi32>
        %gather3A_823 = vector.shape_cast %broadcast_in_dim3A_822 : vector<16x1xi32> to vector<16xi32>
        %gather3A_824 = tpu.dynamic_gather %get3A_491[%gather3A_823] in [0] : vector<16xf32>, vector<16xi32> -> vector<16xf32>
        %add3A_825 = arith.constant 96 : i32
        %add3A_826 = arith.addi %add3A_508, %add3A_825 : i32
        %add3A_827 = arith.constant 1 : i32
        %add3A_828 = arith.addi %add3A_826, %add3A_827 : i32
        %get3A_829 = arith.index_cast %add3A_828 : i32 to index
        %get3A_830 = arith.constant 0 : index
        %get3A_831 = tpu.vector_load %arg14[%get3A_829, %get3A_830] {strides = array<i32>} : memref<768x16xi32, #tpu.memory_space<vmem>>, vector<1x16xi32>,
        %get3A_832 = vector.shape_cast %get3A_831 : vector<1x16xi32> to vector<16xi32>
        %shift_left3A_833 = arith.constant 16 : i32
        %shift_left3A_834 = vector.broadcast %shift_left3A_833 : i32 to vector<16xi32>
        %shift_left3A_835 = arith.shli %get3A_832, %shift_left3A_834 : vector<16xi32>
        %bitcast_convert_type3A_836 = tpu.bitcast %shift_left3A_835 : vector<16xi32> -> vector<16xf32>
        %and3A_837 = arith.constant -65536 : i32
        %and3A_838 = vector.broadcast %and3A_837 : i32 to vector<16xi32>
        %and3A_839 = arith.andi %get3A_832, %and3A_838 : vector<16xi32>
        %bitcast_convert_type3A_840 = tpu.bitcast %and3A_839 : vector<16xi32> -> vector<16xf32>
        %mul3A_841 = arith.mulf %gather3A_824, %bitcast_convert_type3A_836 : vector<16xf32>
        %add3A_842 = arith.addf %add3A_818, %mul3A_841 : vector<16xf32>
        %mul3A_843 = arith.mulf %gather3A_824, %bitcast_convert_type3A_840 : vector<16xf32>
        %add3A_844 = arith.addf %add3A_820, %mul3A_843 : vector<16xf32>
        %broadcast_in_dim3A_845 = arith.constant 14 : i32
        %broadcast_in_dim3A_846 = vector.broadcast %broadcast_in_dim3A_845 : i32 to vector<16x1xi32>
        %gather3A_847 = vector.shape_cast %broadcast_in_dim3A_846 : vector<16x1xi32> to vector<16xi32>
        %gather3A_848 = tpu.dynamic_gather %get3A_491[%gather3A_847] in [0] : vector<16xf32>, vector<16xi32> -> vector<16xf32>
        %add3A_849 = arith.constant 96 : i32
        %add3A_850 = arith.addi %add3A_508, %add3A_849 : i32
        %add3A_851 = arith.constant 2 : i32
        %add3A_852 = arith.addi %add3A_850, %add3A_851 : i32
        %get3A_853 = arith.index_cast %add3A_852 : i32 to index
        %get3A_854 = arith.constant 0 : index
        %get3A_855 = tpu.vector_load %arg14[%get3A_853, %get3A_854] {strides = array<i32>} : memref<768x16xi32, #tpu.memory_space<vmem>>, vector<1x16xi32>,
        %get3A_856 = vector.shape_cast %get3A_855 : vector<1x16xi32> to vector<16xi32>
        %shift_left3A_857 = arith.constant 16 : i32
        %shift_left3A_858 = vector.broadcast %shift_left3A_857 : i32 to vector<16xi32>
        %shift_left3A_859 = arith.shli %get3A_856, %shift_left3A_858 : vector<16xi32>
        %bitcast_convert_type3A_860 = tpu.bitcast %shift_left3A_859 : vector<16xi32> -> vector<16xf32>
        %and3A_861 = arith.constant -65536 : i32
        %and3A_862 = vector.broadcast %and3A_861 : i32 to vector<16xi32>
        %and3A_863 = arith.andi %get3A_856, %and3A_862 : vector<16xi32>
        %bitcast_convert_type3A_864 = tpu.bitcast %and3A_863 : vector<16xi32> -> vector<16xf32>
        %mul3A_865 = arith.mulf %gather3A_848, %bitcast_convert_type3A_860 : vector<16xf32>
        %add3A_866 = arith.addf %add3A_842, %mul3A_865 : vector<16xf32>
        %mul3A_867 = arith.mulf %gather3A_848, %bitcast_convert_type3A_864 : vector<16xf32>
        %add3A_868 = arith.addf %add3A_844, %mul3A_867 : vector<16xf32>
        %broadcast_in_dim3A_869 = arith.constant 15 : i32
        %broadcast_in_dim3A_870 = vector.broadcast %broadcast_in_dim3A_869 : i32 to vector<16x1xi32>
        %gather3A_871 = vector.shape_cast %broadcast_in_dim3A_870 : vector<16x1xi32> to vector<16xi32>
        %gather3A_872 = tpu.dynamic_gather %get3A_491[%gather3A_871] in [0] : vector<16xf32>, vector<16xi32> -> vector<16xf32>
        %add3A_873 = arith.constant 96 : i32
        %add3A_874 = arith.addi %add3A_508, %add3A_873 : i32
        %add3A_875 = arith.constant 3 : i32
        %add3A_876 = arith.addi %add3A_874, %add3A_875 : i32
        %get3A_877 = arith.index_cast %add3A_876 : i32 to index
        %get3A_878 = arith.constant 0 : index
        %get3A_879 = tpu.vector_load %arg14[%get3A_877, %get3A_878] {strides = array<i32>} : memref<768x16xi32, #tpu.memory_space<vmem>>, vector<1x16xi32>,
        %get3A_880 = vector.shape_cast %get3A_879 : vector<1x16xi32> to vector<16xi32>
        %shift_left3A_881 = arith.constant 16 : i32
        %shift_left3A_882 = vector.broadcast %shift_left3A_881 : i32 to vector<16xi32>
        %shift_left3A_883 = arith.shli %get3A_880, %shift_left3A_882 : vector<16xi32>
        %bitcast_convert_type3A_884 = tpu.bitcast %shift_left3A_883 : vector<16xi32> -> vector<16xf32>
        %and3A_885 = arith.constant -65536 : i32
        %and3A_886 = vector.broadcast %and3A_885 : i32 to vector<16xi32>
        %and3A_887 = arith.andi %get3A_880, %and3A_886 : vector<16xi32>
        %bitcast_convert_type3A_888 = tpu.bitcast %and3A_887 : vector<16xi32> -> vector<16xf32>
        %mul3A_889 = arith.mulf %gather3A_872, %bitcast_convert_type3A_884 : vector<16xf32>
        %add3A_890 = arith.addf %add3A_866, %mul3A_889 : vector<16xf32>
        %mul3A_891 = arith.mulf %gather3A_872, %bitcast_convert_type3A_888 : vector<16xf32>
        %add3A_892 = arith.addf %add3A_868, %mul3A_891 : vector<16xf32>
        %broadcast_in_dim3A_893 = arith.constant 0 : i32
        %broadcast_in_dim3A_894 = vector.broadcast %broadcast_in_dim3A_893 : i32 to vector<16x1xi32>
        %gather3A_895 = vector.shape_cast %broadcast_in_dim3A_894 : vector<16x1xi32> to vector<16xi32>
        %gather3A_896 = tpu.dynamic_gather %get3A_497[%gather3A_895] in [0] : vector<16xf32>, vector<16xi32> -> vector<16xf32>
        %add3A_897 = arith.constant 96 : i32
        %add3A_898 = arith.addi %add3A_508, %add3A_897 : i32
        %add3A_899 = arith.constant 4 : i32
        %add3A_900 = arith.addi %add3A_898, %add3A_899 : i32
        %get3A_901 = arith.index_cast %add3A_900 : i32 to index
        %get3A_902 = arith.constant 0 : index
        %get3A_903 = tpu.vector_load %arg14[%get3A_901, %get3A_902] {strides = array<i32>} : memref<768x16xi32, #tpu.memory_space<vmem>>, vector<1x16xi32>,
        %get3A_904 = vector.shape_cast %get3A_903 : vector<1x16xi32> to vector<16xi32>
        %shift_left3A_905 = arith.constant 16 : i32
        %shift_left3A_906 = vector.broadcast %shift_left3A_905 : i32 to vector<16xi32>
        %shift_left3A_907 = arith.shli %get3A_904, %shift_left3A_906 : vector<16xi32>
        %bitcast_convert_type3A_908 = tpu.bitcast %shift_left3A_907 : vector<16xi32> -> vector<16xf32>
        %and3A_909 = arith.constant -65536 : i32
        %and3A_910 = vector.broadcast %and3A_909 : i32 to vector<16xi32>
        %and3A_911 = arith.andi %get3A_904, %and3A_910 : vector<16xi32>
        %bitcast_convert_type3A_912 = tpu.bitcast %and3A_911 : vector<16xi32> -> vector<16xf32>
        %mul3A_913 = arith.mulf %gather3A_896, %bitcast_convert_type3A_908 : vector<16xf32>
        %add3A_914 = arith.addf %add3A_890, %mul3A_913 : vector<16xf32>
        %mul3A_915 = arith.mulf %gather3A_896, %bitcast_convert_type3A_912 : vector<16xf32>
        %add3A_916 = arith.addf %add3A_892, %mul3A_915 : vector<16xf32>
        %broadcast_in_dim3A_917 = arith.constant 1 : i32
        %broadcast_in_dim3A_918 = vector.broadcast %broadcast_in_dim3A_917 : i32 to vector<16x1xi32>
        %gather3A_919 = vector.shape_cast %broadcast_in_dim3A_918 : vector<16x1xi32> to vector<16xi32>
        %gather3A_920 = tpu.dynamic_gather %get3A_497[%gather3A_919] in [0] : vector<16xf32>, vector<16xi32> -> vector<16xf32>
        %add3A_921 = arith.constant 96 : i32
        %add3A_922 = arith.addi %add3A_508, %add3A_921 : i32
        %add3A_923 = arith.constant 5 : i32
        %add3A_924 = arith.addi %add3A_922, %add3A_923 : i32
        %get3A_925 = arith.index_cast %add3A_924 : i32 to index
        %get3A_926 = arith.constant 0 : index
        %get3A_927 = tpu.vector_load %arg14[%get3A_925, %get3A_926] {strides = array<i32>} : memref<768x16xi32, #tpu.memory_space<vmem>>, vector<1x16xi32>,
        %get3A_928 = vector.shape_cast %get3A_927 : vector<1x16xi32> to vector<16xi32>
        %shift_left3A_929 = arith.constant 16 : i32
        %shift_left3A_930 = vector.broadcast %shift_left3A_929 : i32 to vector<16xi32>
        %shift_left3A_931 = arith.shli %get3A_928, %shift_left3A_930 : vector<16xi32>
        %bitcast_convert_type3A_932 = tpu.bitcast %shift_left3A_931 : vector<16xi32> -> vector<16xf32>
        %and3A_933 = arith.constant -65536 : i32
        %and3A_934 = vector.broadcast %and3A_933 : i32 to vector<16xi32>
        %and3A_935 = arith.andi %get3A_928, %and3A_934 : vector<16xi32>
        %bitcast_convert_type3A_936 = tpu.bitcast %and3A_935 : vector<16xi32> -> vector<16xf32>
        %mul3A_937 = arith.mulf %gather3A_920, %bitcast_convert_type3A_932 : vector<16xf32>
        %add3A_938 = arith.addf %add3A_914, %mul3A_937 : vector<16xf32>
        %mul3A_939 = arith.mulf %gather3A_920, %bitcast_convert_type3A_936 : vector<16xf32>
        %add3A_940 = arith.addf %add3A_916, %mul3A_939 : vector<16xf32>
        %broadcast_in_dim3A_941 = arith.constant 2 : i32
        %broadcast_in_dim3A_942 = vector.broadcast %broadcast_in_dim3A_941 : i32 to vector<16x1xi32>
        %gather3A_943 = vector.shape_cast %broadcast_in_dim3A_942 : vector<16x1xi32> to vector<16xi32>
        %gather3A_944 = tpu.dynamic_gather %get3A_497[%gather3A_943] in [0] : vector<16xf32>, vector<16xi32> -> vector<16xf32>
        %add3A_945 = arith.constant 96 : i32
        %add3A_946 = arith.addi %add3A_508, %add3A_945 : i32
        %add3A_947 = arith.constant 6 : i32
        %add3A_948 = arith.addi %add3A_946, %add3A_947 : i32
        %get3A_949 = arith.index_cast %add3A_948 : i32 to index
        %get3A_950 = arith.constant 0 : index
        %get3A_951 = tpu.vector_load %arg14[%get3A_949, %get3A_950] {strides = array<i32>} : memref<768x16xi32, #tpu.memory_space<vmem>>, vector<1x16xi32>,
        %get3A_952 = vector.shape_cast %get3A_951 : vector<1x16xi32> to vector<16xi32>
        %shift_left3A_953 = arith.constant 16 : i32
        %shift_left3A_954 = vector.broadcast %shift_left3A_953 : i32 to vector<16xi32>
        %shift_left3A_955 = arith.shli %get3A_952, %shift_left3A_954 : vector<16xi32>
        %bitcast_convert_type3A_956 = tpu.bitcast %shift_left3A_955 : vector<16xi32> -> vector<16xf32>
        %and3A_957 = arith.constant -65536 : i32
        %and3A_958 = vector.broadcast %and3A_957 : i32 to vector<16xi32>
        %and3A_959 = arith.andi %get3A_952, %and3A_958 : vector<16xi32>
        %bitcast_convert_type3A_960 = tpu.bitcast %and3A_959 : vector<16xi32> -> vector<16xf32>
        %mul3A_961 = arith.mulf %gather3A_944, %bitcast_convert_type3A_956 : vector<16xf32>
        %add3A_962 = arith.addf %add3A_938, %mul3A_961 : vector<16xf32>
        %mul3A_963 = arith.mulf %gather3A_944, %bitcast_convert_type3A_960 : vector<16xf32>
        %add3A_964 = arith.addf %add3A_940, %mul3A_963 : vector<16xf32>
        %broadcast_in_dim3A_965 = arith.constant 3 : i32
        %broadcast_in_dim3A_966 = vector.broadcast %broadcast_in_dim3A_965 : i32 to vector<16x1xi32>
        %gather3A_967 = vector.shape_cast %broadcast_in_dim3A_966 : vector<16x1xi32> to vector<16xi32>
        %gather3A_968 = tpu.dynamic_gather %get3A_497[%gather3A_967] in [0] : vector<16xf32>, vector<16xi32> -> vector<16xf32>
        %add3A_969 = arith.constant 96 : i32
        %add3A_970 = arith.addi %add3A_508, %add3A_969 : i32
        %add3A_971 = arith.constant 7 : i32
        %add3A_972 = arith.addi %add3A_970, %add3A_971 : i32
        %get3A_973 = arith.index_cast %add3A_972 : i32 to index
        %get3A_974 = arith.constant 0 : index
        %get3A_975 = tpu.vector_load %arg14[%get3A_973, %get3A_974] {strides = array<i32>} : memref<768x16xi32, #tpu.memory_space<vmem>>, vector<1x16xi32>,
        %get3A_976 = vector.shape_cast %get3A_975 : vector<1x16xi32> to vector<16xi32>
        %shift_left3A_977 = arith.constant 16 : i32
        %shift_left3A_978 = vector.broadcast %shift_left3A_977 : i32 to vector<16xi32>
        %shift_left3A_979 = arith.shli %get3A_976, %shift_left3A_978 : vector<16xi32>
        %bitcast_convert_type3A_980 = tpu.bitcast %shift_left3A_979 : vector<16xi32> -> vector<16xf32>
        %and3A_981 = arith.constant -65536 : i32
        %and3A_982 = vector.broadcast %and3A_981 : i32 to vector<16xi32>
        %and3A_983 = arith.andi %get3A_976, %and3A_982 : vector<16xi32>
        %bitcast_convert_type3A_984 = tpu.bitcast %and3A_983 : vector<16xi32> -> vector<16xf32>
        %mul3A_985 = arith.mulf %gather3A_968, %bitcast_convert_type3A_980 : vector<16xf32>
        %add3A_986 = arith.addf %add3A_962, %mul3A_985 : vector<16xf32>
        %mul3A_987 = arith.mulf %gather3A_968, %bitcast_convert_type3A_984 : vector<16xf32>
        %add3A_988 = arith.addf %add3A_964, %mul3A_987 : vector<16xf32>
        %broadcast_in_dim3A_989 = arith.constant 4 : i32
        %broadcast_in_dim3A_990 = vector.broadcast %broadcast_in_dim3A_989 : i32 to vector<16x1xi32>
        %gather3A_991 = vector.shape_cast %broadcast_in_dim3A_990 : vector<16x1xi32> to vector<16xi32>
        %gather3A_992 = tpu.dynamic_gather %get3A_497[%gather3A_991] in [0] : vector<16xf32>, vector<16xi32> -> vector<16xf32>
        %add3A_993 = arith.constant 96 : i32
        %add3A_994 = arith.addi %add3A_508, %add3A_993 : i32
        %add3A_995 = arith.constant 8 : i32
        %add3A_996 = arith.addi %add3A_994, %add3A_995 : i32
        %get3A_997 = arith.index_cast %add3A_996 : i32 to index
        %get3A_998 = arith.constant 0 : index
        %get3A_999 = tpu.vector_load %arg14[%get3A_997, %get3A_998] {strides = array<i32>} : memref<768x16xi32, #tpu.memory_space<vmem>>, vector<1x16xi32>,
        %get3A_1000 = vector.shape_cast %get3A_999 : vector<1x16xi32> to vector<16xi32>
        %shift_left3A_1001 = arith.constant 16 : i32
        %shift_left3A_1002 = vector.broadcast %shift_left3A_1001 : i32 to vector<16xi32>
        %shift_left3A_1003 = arith.shli %get3A_1000, %shift_left3A_1002 : vector<16xi32>
        %bitcast_convert_type3A_1004 = tpu.bitcast %shift_left3A_1003 : vector<16xi32> -> vector<16xf32>
        %and3A_1005 = arith.constant -65536 : i32
        %and3A_1006 = vector.broadcast %and3A_1005 : i32 to vector<16xi32>
        %and3A_1007 = arith.andi %get3A_1000, %and3A_1006 : vector<16xi32>
        %bitcast_convert_type3A_1008 = tpu.bitcast %and3A_1007 : vector<16xi32> -> vector<16xf32>
        %mul3A_1009 = arith.mulf %gather3A_992, %bitcast_convert_type3A_1004 : vector<16xf32>
        %add3A_1010 = arith.addf %add3A_986, %mul3A_1009 : vector<16xf32>
        %mul3A_1011 = arith.mulf %gather3A_992, %bitcast_convert_type3A_1008 : vector<16xf32>
        %add3A_1012 = arith.addf %add3A_988, %mul3A_1011 : vector<16xf32>
        %broadcast_in_dim3A_1013 = arith.constant 5 : i32
        %broadcast_in_dim3A_1014 = vector.broadcast %broadcast_in_dim3A_1013 : i32 to vector<16x1xi32>
        %gather3A_1015 = vector.shape_cast %broadcast_in_dim3A_1014 : vector<16x1xi32> to vector<16xi32>
        %gather3A_1016 = tpu.dynamic_gather %get3A_497[%gather3A_1015] in [0] : vector<16xf32>, vector<16xi32> -> vector<16xf32>
        %add3A_1017 = arith.constant 96 : i32
        %add3A_1018 = arith.addi %add3A_508, %add3A_1017 : i32
        %add3A_1019 = arith.constant 9 : i32
        %add3A_1020 = arith.addi %add3A_1018, %add3A_1019 : i32
        %get3A_1021 = arith.index_cast %add3A_1020 : i32 to index
        %get3A_1022 = arith.constant 0 : index
        %get3A_1023 = tpu.vector_load %arg14[%get3A_1021, %get3A_1022] {strides = array<i32>} : memref<768x16xi32, #tpu.memory_space<vmem>>, vector<1x16xi32>,
        %get3A_1024 = vector.shape_cast %get3A_1023 : vector<1x16xi32> to vector<16xi32>
        %shift_left3A_1025 = arith.constant 16 : i32
        %shift_left3A_1026 = vector.broadcast %shift_left3A_1025 : i32 to vector<16xi32>
        %shift_left3A_1027 = arith.shli %get3A_1024, %shift_left3A_1026 : vector<16xi32>
        %bitcast_convert_type3A_1028 = tpu.bitcast %shift_left3A_1027 : vector<16xi32> -> vector<16xf32>
        %and3A_1029 = arith.constant -65536 : i32
        %and3A_1030 = vector.broadcast %and3A_1029 : i32 to vector<16xi32>
        %and3A_1031 = arith.andi %get3A_1024, %and3A_1030 : vector<16xi32>
        %bitcast_convert_type3A_1032 = tpu.bitcast %and3A_1031 : vector<16xi32> -> vector<16xf32>
        %mul3A_1033 = arith.mulf %gather3A_1016, %bitcast_convert_type3A_1028 : vector<16xf32>
        %add3A_1034 = arith.addf %add3A_1010, %mul3A_1033 : vector<16xf32>
        %mul3A_1035 = arith.mulf %gather3A_1016, %bitcast_convert_type3A_1032 : vector<16xf32>
        %add3A_1036 = arith.addf %add3A_1012, %mul3A_1035 : vector<16xf32>
        %broadcast_in_dim3A_1037 = arith.constant 6 : i32
        %broadcast_in_dim3A_1038 = vector.broadcast %broadcast_in_dim3A_1037 : i32 to vector<16x1xi32>
        %gather3A_1039 = vector.shape_cast %broadcast_in_dim3A_1038 : vector<16x1xi32> to vector<16xi32>
        %gather3A_1040 = tpu.dynamic_gather %get3A_497[%gather3A_1039] in [0] : vector<16xf32>, vector<16xi32> -> vector<16xf32>
        %add3A_1041 = arith.constant 96 : i32
        %add3A_1042 = arith.addi %add3A_508, %add3A_1041 : i32
        %add3A_1043 = arith.constant 10 : i32
        %add3A_1044 = arith.addi %add3A_1042, %add3A_1043 : i32
        %get3A_1045 = arith.index_cast %add3A_1044 : i32 to index
        %get3A_1046 = arith.constant 0 : index
        %get3A_1047 = tpu.vector_load %arg14[%get3A_1045, %get3A_1046] {strides = array<i32>} : memref<768x16xi32, #tpu.memory_space<vmem>>, vector<1x16xi32>,
        %get3A_1048 = vector.shape_cast %get3A_1047 : vector<1x16xi32> to vector<16xi32>
        %shift_left3A_1049 = arith.constant 16 : i32
        %shift_left3A_1050 = vector.broadcast %shift_left3A_1049 : i32 to vector<16xi32>
        %shift_left3A_1051 = arith.shli %get3A_1048, %shift_left3A_1050 : vector<16xi32>
        %bitcast_convert_type3A_1052 = tpu.bitcast %shift_left3A_1051 : vector<16xi32> -> vector<16xf32>
        %and3A_1053 = arith.constant -65536 : i32
        %and3A_1054 = vector.broadcast %and3A_1053 : i32 to vector<16xi32>
        %and3A_1055 = arith.andi %get3A_1048, %and3A_1054 : vector<16xi32>
        %bitcast_convert_type3A_1056 = tpu.bitcast %and3A_1055 : vector<16xi32> -> vector<16xf32>
        %mul3A_1057 = arith.mulf %gather3A_1040, %bitcast_convert_type3A_1052 : vector<16xf32>
        %add3A_1058 = arith.addf %add3A_1034, %mul3A_1057 : vector<16xf32>
        %mul3A_1059 = arith.mulf %gather3A_1040, %bitcast_convert_type3A_1056 : vector<16xf32>
        %add3A_1060 = arith.addf %add3A_1036, %mul3A_1059 : vector<16xf32>
        %broadcast_in_dim3A_1061 = arith.constant 7 : i32
        %broadcast_in_dim3A_1062 = vector.broadcast %broadcast_in_dim3A_1061 : i32 to vector<16x1xi32>
        %gather3A_1063 = vector.shape_cast %broadcast_in_dim3A_1062 : vector<16x1xi32> to vector<16xi32>
        %gather3A_1064 = tpu.dynamic_gather %get3A_497[%gather3A_1063] in [0] : vector<16xf32>, vector<16xi32> -> vector<16xf32>
        %add3A_1065 = arith.constant 96 : i32
        %add3A_1066 = arith.addi %add3A_508, %add3A_1065 : i32
        %add3A_1067 = arith.constant 11 : i32
        %add3A_1068 = arith.addi %add3A_1066, %add3A_1067 : i32
        %get3A_1069 = arith.index_cast %add3A_1068 : i32 to index
        %get3A_1070 = arith.constant 0 : index
        %get3A_1071 = tpu.vector_load %arg14[%get3A_1069, %get3A_1070] {strides = array<i32>} : memref<768x16xi32, #tpu.memory_space<vmem>>, vector<1x16xi32>,
        %get3A_1072 = vector.shape_cast %get3A_1071 : vector<1x16xi32> to vector<16xi32>
        %shift_left3A_1073 = arith.constant 16 : i32
        %shift_left3A_1074 = vector.broadcast %shift_left3A_1073 : i32 to vector<16xi32>
        %shift_left3A_1075 = arith.shli %get3A_1072, %shift_left3A_1074 : vector<16xi32>
        %bitcast_convert_type3A_1076 = tpu.bitcast %shift_left3A_1075 : vector<16xi32> -> vector<16xf32>
        %and3A_1077 = arith.constant -65536 : i32
        %and3A_1078 = vector.broadcast %and3A_1077 : i32 to vector<16xi32>
        %and3A_1079 = arith.andi %get3A_1072, %and3A_1078 : vector<16xi32>
        %bitcast_convert_type3A_1080 = tpu.bitcast %and3A_1079 : vector<16xi32> -> vector<16xf32>
        %mul3A_1081 = arith.mulf %gather3A_1064, %bitcast_convert_type3A_1076 : vector<16xf32>
        %add3A_1082 = arith.addf %add3A_1058, %mul3A_1081 : vector<16xf32>
        %mul3A_1083 = arith.mulf %gather3A_1064, %bitcast_convert_type3A_1080 : vector<16xf32>
        %add3A_1084 = arith.addf %add3A_1060, %mul3A_1083 : vector<16xf32>
        %broadcast_in_dim3A_1085 = arith.constant 8 : i32
        %broadcast_in_dim3A_1086 = vector.broadcast %broadcast_in_dim3A_1085 : i32 to vector<16x1xi32>
        %gather3A_1087 = vector.shape_cast %broadcast_in_dim3A_1086 : vector<16x1xi32> to vector<16xi32>
        %gather3A_1088 = tpu.dynamic_gather %get3A_497[%gather3A_1087] in [0] : vector<16xf32>, vector<16xi32> -> vector<16xf32>
        %add3A_1089 = arith.constant 192 : i32
        %add3A_1090 = arith.addi %add3A_508, %add3A_1089 : i32
        %add3A_1091 = arith.constant 0 : i32
        %add3A_1092 = arith.addi %add3A_1090, %add3A_1091 : i32
        %get3A_1093 = arith.index_cast %add3A_1092 : i32 to index
        %get3A_1094 = arith.constant 0 : index
        %get3A_1095 = tpu.vector_load %arg14[%get3A_1093, %get3A_1094] {strides = array<i32>} : memref<768x16xi32, #tpu.memory_space<vmem>>, vector<1x16xi32>,
        %get3A_1096 = vector.shape_cast %get3A_1095 : vector<1x16xi32> to vector<16xi32>
        %shift_left3A_1097 = arith.constant 16 : i32
        %shift_left3A_1098 = vector.broadcast %shift_left3A_1097 : i32 to vector<16xi32>
        %shift_left3A_1099 = arith.shli %get3A_1096, %shift_left3A_1098 : vector<16xi32>
        %bitcast_convert_type3A_1100 = tpu.bitcast %shift_left3A_1099 : vector<16xi32> -> vector<16xf32>
        %and3A_1101 = arith.constant -65536 : i32
        %and3A_1102 = vector.broadcast %and3A_1101 : i32 to vector<16xi32>
        %and3A_1103 = arith.andi %get3A_1096, %and3A_1102 : vector<16xi32>
        %bitcast_convert_type3A_1104 = tpu.bitcast %and3A_1103 : vector<16xi32> -> vector<16xf32>
        %mul3A_1105 = arith.mulf %gather3A_1088, %bitcast_convert_type3A_1100 : vector<16xf32>
        %add3A_1106 = arith.addf %add3A_1082, %mul3A_1105 : vector<16xf32>
        %mul3A_1107 = arith.mulf %gather3A_1088, %bitcast_convert_type3A_1104 : vector<16xf32>
        %add3A_1108 = arith.addf %add3A_1084, %mul3A_1107 : vector<16xf32>
        %broadcast_in_dim3A_1109 = arith.constant 9 : i32
        %broadcast_in_dim3A_1110 = vector.broadcast %broadcast_in_dim3A_1109 : i32 to vector<16x1xi32>
        %gather3A_1111 = vector.shape_cast %broadcast_in_dim3A_1110 : vector<16x1xi32> to vector<16xi32>
        %gather3A_1112 = tpu.dynamic_gather %get3A_497[%gather3A_1111] in [0] : vector<16xf32>, vector<16xi32> -> vector<16xf32>
        %add3A_1113 = arith.constant 192 : i32
        %add3A_1114 = arith.addi %add3A_508, %add3A_1113 : i32
        %add3A_1115 = arith.constant 1 : i32
        %add3A_1116 = arith.addi %add3A_1114, %add3A_1115 : i32
        %get3A_1117 = arith.index_cast %add3A_1116 : i32 to index
        %get3A_1118 = arith.constant 0 : index
        %get3A_1119 = tpu.vector_load %arg14[%get3A_1117, %get3A_1118] {strides = array<i32>} : memref<768x16xi32, #tpu.memory_space<vmem>>, vector<1x16xi32>,
        %get3A_1120 = vector.shape_cast %get3A_1119 : vector<1x16xi32> to vector<16xi32>
        %shift_left3A_1121 = arith.constant 16 : i32
        %shift_left3A_1122 = vector.broadcast %shift_left3A_1121 : i32 to vector<16xi32>
        %shift_left3A_1123 = arith.shli %get3A_1120, %shift_left3A_1122 : vector<16xi32>
        %bitcast_convert_type3A_1124 = tpu.bitcast %shift_left3A_1123 : vector<16xi32> -> vector<16xf32>
        %and3A_1125 = arith.constant -65536 : i32
        %and3A_1126 = vector.broadcast %and3A_1125 : i32 to vector<16xi32>
        %and3A_1127 = arith.andi %get3A_1120, %and3A_1126 : vector<16xi32>
        %bitcast_convert_type3A_1128 = tpu.bitcast %and3A_1127 : vector<16xi32> -> vector<16xf32>
        %mul3A_1129 = arith.mulf %gather3A_1112, %bitcast_convert_type3A_1124 : vector<16xf32>
        %add3A_1130 = arith.addf %add3A_1106, %mul3A_1129 : vector<16xf32>
        %mul3A_1131 = arith.mulf %gather3A_1112, %bitcast_convert_type3A_1128 : vector<16xf32>
        %add3A_1132 = arith.addf %add3A_1108, %mul3A_1131 : vector<16xf32>
        %broadcast_in_dim3A_1133 = arith.constant 10 : i32
        %broadcast_in_dim3A_1134 = vector.broadcast %broadcast_in_dim3A_1133 : i32 to vector<16x1xi32>
        %gather3A_1135 = vector.shape_cast %broadcast_in_dim3A_1134 : vector<16x1xi32> to vector<16xi32>
        %gather3A_1136 = tpu.dynamic_gather %get3A_497[%gather3A_1135] in [0] : vector<16xf32>, vector<16xi32> -> vector<16xf32>
        %add3A_1137 = arith.constant 192 : i32
        %add3A_1138 = arith.addi %add3A_508, %add3A_1137 : i32
        %add3A_1139 = arith.constant 2 : i32
        %add3A_1140 = arith.addi %add3A_1138, %add3A_1139 : i32
        %get3A_1141 = arith.index_cast %add3A_1140 : i32 to index
        %get3A_1142 = arith.constant 0 : index
        %get3A_1143 = tpu.vector_load %arg14[%get3A_1141, %get3A_1142] {strides = array<i32>} : memref<768x16xi32, #tpu.memory_space<vmem>>, vector<1x16xi32>,
        %get3A_1144 = vector.shape_cast %get3A_1143 : vector<1x16xi32> to vector<16xi32>
        %shift_left3A_1145 = arith.constant 16 : i32
        %shift_left3A_1146 = vector.broadcast %shift_left3A_1145 : i32 to vector<16xi32>
        %shift_left3A_1147 = arith.shli %get3A_1144, %shift_left3A_1146 : vector<16xi32>
        %bitcast_convert_type3A_1148 = tpu.bitcast %shift_left3A_1147 : vector<16xi32> -> vector<16xf32>
        %and3A_1149 = arith.constant -65536 : i32
        %and3A_1150 = vector.broadcast %and3A_1149 : i32 to vector<16xi32>
        %and3A_1151 = arith.andi %get3A_1144, %and3A_1150 : vector<16xi32>
        %bitcast_convert_type3A_1152 = tpu.bitcast %and3A_1151 : vector<16xi32> -> vector<16xf32>
        %mul3A_1153 = arith.mulf %gather3A_1136, %bitcast_convert_type3A_1148 : vector<16xf32>
        %add3A_1154 = arith.addf %add3A_1130, %mul3A_1153 : vector<16xf32>
        %mul3A_1155 = arith.mulf %gather3A_1136, %bitcast_convert_type3A_1152 : vector<16xf32>
        %add3A_1156 = arith.addf %add3A_1132, %mul3A_1155 : vector<16xf32>
        %broadcast_in_dim3A_1157 = arith.constant 11 : i32
        %broadcast_in_dim3A_1158 = vector.broadcast %broadcast_in_dim3A_1157 : i32 to vector<16x1xi32>
        %gather3A_1159 = vector.shape_cast %broadcast_in_dim3A_1158 : vector<16x1xi32> to vector<16xi32>
        %gather3A_1160 = tpu.dynamic_gather %get3A_497[%gather3A_1159] in [0] : vector<16xf32>, vector<16xi32> -> vector<16xf32>
        %add3A_1161 = arith.constant 192 : i32
        %add3A_1162 = arith.addi %add3A_508, %add3A_1161 : i32
        %add3A_1163 = arith.constant 3 : i32
        %add3A_1164 = arith.addi %add3A_1162, %add3A_1163 : i32
        %get3A_1165 = arith.index_cast %add3A_1164 : i32 to index
        %get3A_1166 = arith.constant 0 : index
        %get3A_1167 = tpu.vector_load %arg14[%get3A_1165, %get3A_1166] {strides = array<i32>} : memref<768x16xi32, #tpu.memory_space<vmem>>, vector<1x16xi32>,
        %get3A_1168 = vector.shape_cast %get3A_1167 : vector<1x16xi32> to vector<16xi32>
        %shift_left3A_1169 = arith.constant 16 : i32
        %shift_left3A_1170 = vector.broadcast %shift_left3A_1169 : i32 to vector<16xi32>
        %shift_left3A_1171 = arith.shli %get3A_1168, %shift_left3A_1170 : vector<16xi32>
        %bitcast_convert_type3A_1172 = tpu.bitcast %shift_left3A_1171 : vector<16xi32> -> vector<16xf32>
        %and3A_1173 = arith.constant -65536 : i32
        %and3A_1174 = vector.broadcast %and3A_1173 : i32 to vector<16xi32>
        %and3A_1175 = arith.andi %get3A_1168, %and3A_1174 : vector<16xi32>
        %bitcast_convert_type3A_1176 = tpu.bitcast %and3A_1175 : vector<16xi32> -> vector<16xf32>
        %mul3A_1177 = arith.mulf %gather3A_1160, %bitcast_convert_type3A_1172 : vector<16xf32>
        %add3A_1178 = arith.addf %add3A_1154, %mul3A_1177 : vector<16xf32>
        %mul3A_1179 = arith.mulf %gather3A_1160, %bitcast_convert_type3A_1176 : vector<16xf32>
        %add3A_1180 = arith.addf %add3A_1156, %mul3A_1179 : vector<16xf32>
        %broadcast_in_dim3A_1181 = arith.constant 12 : i32
        %broadcast_in_dim3A_1182 = vector.broadcast %broadcast_in_dim3A_1181 : i32 to vector<16x1xi32>
        %gather3A_1183 = vector.shape_cast %broadcast_in_dim3A_1182 : vector<16x1xi32> to vector<16xi32>
        %gather3A_1184 = tpu.dynamic_gather %get3A_497[%gather3A_1183] in [0] : vector<16xf32>, vector<16xi32> -> vector<16xf32>
        %add3A_1185 = arith.constant 192 : i32
        %add3A_1186 = arith.addi %add3A_508, %add3A_1185 : i32
        %add3A_1187 = arith.constant 4 : i32
        %add3A_1188 = arith.addi %add3A_1186, %add3A_1187 : i32
        %get3A_1189 = arith.index_cast %add3A_1188 : i32 to index
        %get3A_1190 = arith.constant 0 : index
        %get3A_1191 = tpu.vector_load %arg14[%get3A_1189, %get3A_1190] {strides = array<i32>} : memref<768x16xi32, #tpu.memory_space<vmem>>, vector<1x16xi32>,
        %get3A_1192 = vector.shape_cast %get3A_1191 : vector<1x16xi32> to vector<16xi32>
        %shift_left3A_1193 = arith.constant 16 : i32
        %shift_left3A_1194 = vector.broadcast %shift_left3A_1193 : i32 to vector<16xi32>
        %shift_left3A_1195 = arith.shli %get3A_1192, %shift_left3A_1194 : vector<16xi32>
        %bitcast_convert_type3A_1196 = tpu.bitcast %shift_left3A_1195 : vector<16xi32> -> vector<16xf32>
        %and3A_1197 = arith.constant -65536 : i32
        %and3A_1198 = vector.broadcast %and3A_1197 : i32 to vector<16xi32>
        %and3A_1199 = arith.andi %get3A_1192, %and3A_1198 : vector<16xi32>
        %bitcast_convert_type3A_1200 = tpu.bitcast %and3A_1199 : vector<16xi32> -> vector<16xf32>
        %mul3A_1201 = arith.mulf %gather3A_1184, %bitcast_convert_type3A_1196 : vector<16xf32>
        %add3A_1202 = arith.addf %add3A_1178, %mul3A_1201 : vector<16xf32>
        %mul3A_1203 = arith.mulf %gather3A_1184, %bitcast_convert_type3A_1200 : vector<16xf32>
        %add3A_1204 = arith.addf %add3A_1180, %mul3A_1203 : vector<16xf32>
        %broadcast_in_dim3A_1205 = arith.constant 13 : i32
        %broadcast_in_dim3A_1206 = vector.broadcast %broadcast_in_dim3A_1205 : i32 to vector<16x1xi32>
        %gather3A_1207 = vector.shape_cast %broadcast_in_dim3A_1206 : vector<16x1xi32> to vector<16xi32>
        %gather3A_1208 = tpu.dynamic_gather %get3A_497[%gather3A_1207] in [0] : vector<16xf32>, vector<16xi32> -> vector<16xf32>
        %add3A_1209 = arith.constant 192 : i32
        %add3A_1210 = arith.addi %add3A_508, %add3A_1209 : i32
        %add3A_1211 = arith.constant 5 : i32
        %add3A_1212 = arith.addi %add3A_1210, %add3A_1211 : i32
        %get3A_1213 = arith.index_cast %add3A_1212 : i32 to index
        %get3A_1214 = arith.constant 0 : index
        %get3A_1215 = tpu.vector_load %arg14[%get3A_1213, %get3A_1214] {strides = array<i32>} : memref<768x16xi32, #tpu.memory_space<vmem>>, vector<1x16xi32>,
        %get3A_1216 = vector.shape_cast %get3A_1215 : vector<1x16xi32> to vector<16xi32>
        %shift_left3A_1217 = arith.constant 16 : i32
        %shift_left3A_1218 = vector.broadcast %shift_left3A_1217 : i32 to vector<16xi32>
        %shift_left3A_1219 = arith.shli %get3A_1216, %shift_left3A_1218 : vector<16xi32>
        %bitcast_convert_type3A_1220 = tpu.bitcast %shift_left3A_1219 : vector<16xi32> -> vector<16xf32>
        %and3A_1221 = arith.constant -65536 : i32
        %and3A_1222 = vector.broadcast %and3A_1221 : i32 to vector<16xi32>
        %and3A_1223 = arith.andi %get3A_1216, %and3A_1222 : vector<16xi32>
        %bitcast_convert_type3A_1224 = tpu.bitcast %and3A_1223 : vector<16xi32> -> vector<16xf32>
        %mul3A_1225 = arith.mulf %gather3A_1208, %bitcast_convert_type3A_1220 : vector<16xf32>
        %add3A_1226 = arith.addf %add3A_1202, %mul3A_1225 : vector<16xf32>
        %mul3A_1227 = arith.mulf %gather3A_1208, %bitcast_convert_type3A_1224 : vector<16xf32>
        %add3A_1228 = arith.addf %add3A_1204, %mul3A_1227 : vector<16xf32>
        %broadcast_in_dim3A_1229 = arith.constant 14 : i32
        %broadcast_in_dim3A_1230 = vector.broadcast %broadcast_in_dim3A_1229 : i32 to vector<16x1xi32>
        %gather3A_1231 = vector.shape_cast %broadcast_in_dim3A_1230 : vector<16x1xi32> to vector<16xi32>
        %gather3A_1232 = tpu.dynamic_gather %get3A_497[%gather3A_1231] in [0] : vector<16xf32>, vector<16xi32> -> vector<16xf32>
        %add3A_1233 = arith.constant 192 : i32
        %add3A_1234 = arith.addi %add3A_508, %add3A_1233 : i32
        %add3A_1235 = arith.constant 6 : i32
        %add3A_1236 = arith.addi %add3A_1234, %add3A_1235 : i32
        %get3A_1237 = arith.index_cast %add3A_1236 : i32 to index
        %get3A_1238 = arith.constant 0 : index
        %get3A_1239 = tpu.vector_load %arg14[%get3A_1237, %get3A_1238] {strides = array<i32>} : memref<768x16xi32, #tpu.memory_space<vmem>>, vector<1x16xi32>,
        %get3A_1240 = vector.shape_cast %get3A_1239 : vector<1x16xi32> to vector<16xi32>
        %shift_left3A_1241 = arith.constant 16 : i32
        %shift_left3A_1242 = vector.broadcast %shift_left3A_1241 : i32 to vector<16xi32>
        %shift_left3A_1243 = arith.shli %get3A_1240, %shift_left3A_1242 : vector<16xi32>
        %bitcast_convert_type3A_1244 = tpu.bitcast %shift_left3A_1243 : vector<16xi32> -> vector<16xf32>
        %and3A_1245 = arith.constant -65536 : i32
        %and3A_1246 = vector.broadcast %and3A_1245 : i32 to vector<16xi32>
        %and3A_1247 = arith.andi %get3A_1240, %and3A_1246 : vector<16xi32>
        %bitcast_convert_type3A_1248 = tpu.bitcast %and3A_1247 : vector<16xi32> -> vector<16xf32>
        %mul3A_1249 = arith.mulf %gather3A_1232, %bitcast_convert_type3A_1244 : vector<16xf32>
        %add3A_1250 = arith.addf %add3A_1226, %mul3A_1249 : vector<16xf32>
        %mul3A_1251 = arith.mulf %gather3A_1232, %bitcast_convert_type3A_1248 : vector<16xf32>
        %add3A_1252 = arith.addf %add3A_1228, %mul3A_1251 : vector<16xf32>
        %broadcast_in_dim3A_1253 = arith.constant 15 : i32
        %broadcast_in_dim3A_1254 = vector.broadcast %broadcast_in_dim3A_1253 : i32 to vector<16x1xi32>
        %gather3A_1255 = vector.shape_cast %broadcast_in_dim3A_1254 : vector<16x1xi32> to vector<16xi32>
        %gather3A_1256 = tpu.dynamic_gather %get3A_497[%gather3A_1255] in [0] : vector<16xf32>, vector<16xi32> -> vector<16xf32>
        %add3A_1257 = arith.constant 192 : i32
        %add3A_1258 = arith.addi %add3A_508, %add3A_1257 : i32
        %add3A_1259 = arith.constant 7 : i32
        %add3A_1260 = arith.addi %add3A_1258, %add3A_1259 : i32
        %get3A_1261 = arith.index_cast %add3A_1260 : i32 to index
        %get3A_1262 = arith.constant 0 : index
        %get3A_1263 = tpu.vector_load %arg14[%get3A_1261, %get3A_1262] {strides = array<i32>} : memref<768x16xi32, #tpu.memory_space<vmem>>, vector<1x16xi32>,
        %get3A_1264 = vector.shape_cast %get3A_1263 : vector<1x16xi32> to vector<16xi32>
        %shift_left3A_1265 = arith.constant 16 : i32
        %shift_left3A_1266 = vector.broadcast %shift_left3A_1265 : i32 to vector<16xi32>
        %shift_left3A_1267 = arith.shli %get3A_1264, %shift_left3A_1266 : vector<16xi32>
        %bitcast_convert_type3A_1268 = tpu.bitcast %shift_left3A_1267 : vector<16xi32> -> vector<16xf32>
        %and3A_1269 = arith.constant -65536 : i32
        %and3A_1270 = vector.broadcast %and3A_1269 : i32 to vector<16xi32>
        %and3A_1271 = arith.andi %get3A_1264, %and3A_1270 : vector<16xi32>
        %bitcast_convert_type3A_1272 = tpu.bitcast %and3A_1271 : vector<16xi32> -> vector<16xf32>
        %mul3A_1273 = arith.mulf %gather3A_1256, %bitcast_convert_type3A_1268 : vector<16xf32>
        %add3A_1274 = arith.addf %add3A_1250, %mul3A_1273 : vector<16xf32>
        %mul3A_1275 = arith.mulf %gather3A_1256, %bitcast_convert_type3A_1272 : vector<16xf32>
        %add3A_1276 = arith.addf %add3A_1252, %mul3A_1275 : vector<16xf32>
        %broadcast_in_dim3A_1277 = arith.constant 0 : i32
        %broadcast_in_dim3A_1278 = vector.broadcast %broadcast_in_dim3A_1277 : i32 to vector<16x1xi32>
        %gather3A_1279 = vector.shape_cast %broadcast_in_dim3A_1278 : vector<16x1xi32> to vector<16xi32>
        %gather3A_1280 = tpu.dynamic_gather %get3A_503[%gather3A_1279] in [0] : vector<16xf32>, vector<16xi32> -> vector<16xf32>
        %add3A_1281 = arith.constant 192 : i32
        %add3A_1282 = arith.addi %add3A_508, %add3A_1281 : i32
        %add3A_1283 = arith.constant 8 : i32
        %add3A_1284 = arith.addi %add3A_1282, %add3A_1283 : i32
        %get3A_1285 = arith.index_cast %add3A_1284 : i32 to index
        %get3A_1286 = arith.constant 0 : index
        %get3A_1287 = tpu.vector_load %arg14[%get3A_1285, %get3A_1286] {strides = array<i32>} : memref<768x16xi32, #tpu.memory_space<vmem>>, vector<1x16xi32>,
        %get3A_1288 = vector.shape_cast %get3A_1287 : vector<1x16xi32> to vector<16xi32>
        %shift_left3A_1289 = arith.constant 16 : i32
        %shift_left3A_1290 = vector.broadcast %shift_left3A_1289 : i32 to vector<16xi32>
        %shift_left3A_1291 = arith.shli %get3A_1288, %shift_left3A_1290 : vector<16xi32>
        %bitcast_convert_type3A_1292 = tpu.bitcast %shift_left3A_1291 : vector<16xi32> -> vector<16xf32>
        %and3A_1293 = arith.constant -65536 : i32
        %and3A_1294 = vector.broadcast %and3A_1293 : i32 to vector<16xi32>
        %and3A_1295 = arith.andi %get3A_1288, %and3A_1294 : vector<16xi32>
        %bitcast_convert_type3A_1296 = tpu.bitcast %and3A_1295 : vector<16xi32> -> vector<16xf32>
        %mul3A_1297 = arith.mulf %gather3A_1280, %bitcast_convert_type3A_1292 : vector<16xf32>
        %add3A_1298 = arith.addf %add3A_1274, %mul3A_1297 : vector<16xf32>
        %mul3A_1299 = arith.mulf %gather3A_1280, %bitcast_convert_type3A_1296 : vector<16xf32>
        %add3A_1300 = arith.addf %add3A_1276, %mul3A_1299 : vector<16xf32>
        %broadcast_in_dim3A_1301 = arith.constant 1 : i32
        %broadcast_in_dim3A_1302 = vector.broadcast %broadcast_in_dim3A_1301 : i32 to vector<16x1xi32>
        %gather3A_1303 = vector.shape_cast %broadcast_in_dim3A_1302 : vector<16x1xi32> to vector<16xi32>
        %gather3A_1304 = tpu.dynamic_gather %get3A_503[%gather3A_1303] in [0] : vector<16xf32>, vector<16xi32> -> vector<16xf32>
        %add3A_1305 = arith.constant 192 : i32
        %add3A_1306 = arith.addi %add3A_508, %add3A_1305 : i32
        %add3A_1307 = arith.constant 9 : i32
        %add3A_1308 = arith.addi %add3A_1306, %add3A_1307 : i32
        %get3A_1309 = arith.index_cast %add3A_1308 : i32 to index
        %get3A_1310 = arith.constant 0 : index
        %get3A_1311 = tpu.vector_load %arg14[%get3A_1309, %get3A_1310] {strides = array<i32>} : memref<768x16xi32, #tpu.memory_space<vmem>>, vector<1x16xi32>,
        %get3A_1312 = vector.shape_cast %get3A_1311 : vector<1x16xi32> to vector<16xi32>
        %shift_left3A_1313 = arith.constant 16 : i32
        %shift_left3A_1314 = vector.broadcast %shift_left3A_1313 : i32 to vector<16xi32>
        %shift_left3A_1315 = arith.shli %get3A_1312, %shift_left3A_1314 : vector<16xi32>
        %bitcast_convert_type3A_1316 = tpu.bitcast %shift_left3A_1315 : vector<16xi32> -> vector<16xf32>
        %and3A_1317 = arith.constant -65536 : i32
        %and3A_1318 = vector.broadcast %and3A_1317 : i32 to vector<16xi32>
        %and3A_1319 = arith.andi %get3A_1312, %and3A_1318 : vector<16xi32>
        %bitcast_convert_type3A_1320 = tpu.bitcast %and3A_1319 : vector<16xi32> -> vector<16xf32>
        %mul3A_1321 = arith.mulf %gather3A_1304, %bitcast_convert_type3A_1316 : vector<16xf32>
        %add3A_1322 = arith.addf %add3A_1298, %mul3A_1321 : vector<16xf32>
        %mul3A_1323 = arith.mulf %gather3A_1304, %bitcast_convert_type3A_1320 : vector<16xf32>
        %add3A_1324 = arith.addf %add3A_1300, %mul3A_1323 : vector<16xf32>
        %broadcast_in_dim3A_1325 = arith.constant 2 : i32
        %broadcast_in_dim3A_1326 = vector.broadcast %broadcast_in_dim3A_1325 : i32 to vector<16x1xi32>
        %gather3A_1327 = vector.shape_cast %broadcast_in_dim3A_1326 : vector<16x1xi32> to vector<16xi32>
        %gather3A_1328 = tpu.dynamic_gather %get3A_503[%gather3A_1327] in [0] : vector<16xf32>, vector<16xi32> -> vector<16xf32>
        %add3A_1329 = arith.constant 192 : i32
        %add3A_1330 = arith.addi %add3A_508, %add3A_1329 : i32
        %add3A_1331 = arith.constant 10 : i32
        %add3A_1332 = arith.addi %add3A_1330, %add3A_1331 : i32
        %get3A_1333 = arith.index_cast %add3A_1332 : i32 to index
        %get3A_1334 = arith.constant 0 : index
        %get3A_1335 = tpu.vector_load %arg14[%get3A_1333, %get3A_1334] {strides = array<i32>} : memref<768x16xi32, #tpu.memory_space<vmem>>, vector<1x16xi32>,
        %get3A_1336 = vector.shape_cast %get3A_1335 : vector<1x16xi32> to vector<16xi32>
        %shift_left3A_1337 = arith.constant 16 : i32
        %shift_left3A_1338 = vector.broadcast %shift_left3A_1337 : i32 to vector<16xi32>
        %shift_left3A_1339 = arith.shli %get3A_1336, %shift_left3A_1338 : vector<16xi32>
        %bitcast_convert_type3A_1340 = tpu.bitcast %shift_left3A_1339 : vector<16xi32> -> vector<16xf32>
        %and3A_1341 = arith.constant -65536 : i32
        %and3A_1342 = vector.broadcast %and3A_1341 : i32 to vector<16xi32>
        %and3A_1343 = arith.andi %get3A_1336, %and3A_1342 : vector<16xi32>
        %bitcast_convert_type3A_1344 = tpu.bitcast %and3A_1343 : vector<16xi32> -> vector<16xf32>
        %mul3A_1345 = arith.mulf %gather3A_1328, %bitcast_convert_type3A_1340 : vector<16xf32>
        %add3A_1346 = arith.addf %add3A_1322, %mul3A_1345 : vector<16xf32>
        %mul3A_1347 = arith.mulf %gather3A_1328, %bitcast_convert_type3A_1344 : vector<16xf32>
        %add3A_1348 = arith.addf %add3A_1324, %mul3A_1347 : vector<16xf32>
        %broadcast_in_dim3A_1349 = arith.constant 3 : i32
        %broadcast_in_dim3A_1350 = vector.broadcast %broadcast_in_dim3A_1349 : i32 to vector<16x1xi32>
        %gather3A_1351 = vector.shape_cast %broadcast_in_dim3A_1350 : vector<16x1xi32> to vector<16xi32>
        %gather3A_1352 = tpu.dynamic_gather %get3A_503[%gather3A_1351] in [0] : vector<16xf32>, vector<16xi32> -> vector<16xf32>
        %add3A_1353 = arith.constant 192 : i32
        %add3A_1354 = arith.addi %add3A_508, %add3A_1353 : i32
        %add3A_1355 = arith.constant 11 : i32
        %add3A_1356 = arith.addi %add3A_1354, %add3A_1355 : i32
        %get3A_1357 = arith.index_cast %add3A_1356 : i32 to index
        %get3A_1358 = arith.constant 0 : index
        %get3A_1359 = tpu.vector_load %arg14[%get3A_1357, %get3A_1358] {strides = array<i32>} : memref<768x16xi32, #tpu.memory_space<vmem>>, vector<1x16xi32>,
        %get3A_1360 = vector.shape_cast %get3A_1359 : vector<1x16xi32> to vector<16xi32>
        %shift_left3A_1361 = arith.constant 16 : i32
        %shift_left3A_1362 = vector.broadcast %shift_left3A_1361 : i32 to vector<16xi32>
        %shift_left3A_1363 = arith.shli %get3A_1360, %shift_left3A_1362 : vector<16xi32>
        %bitcast_convert_type3A_1364 = tpu.bitcast %shift_left3A_1363 : vector<16xi32> -> vector<16xf32>
        %and3A_1365 = arith.constant -65536 : i32
        %and3A_1366 = vector.broadcast %and3A_1365 : i32 to vector<16xi32>
        %and3A_1367 = arith.andi %get3A_1360, %and3A_1366 : vector<16xi32>
        %bitcast_convert_type3A_1368 = tpu.bitcast %and3A_1367 : vector<16xi32> -> vector<16xf32>
        %mul3A_1369 = arith.mulf %gather3A_1352, %bitcast_convert_type3A_1364 : vector<16xf32>
        %add3A_1370 = arith.addf %add3A_1346, %mul3A_1369 : vector<16xf32>
        %mul3A_1371 = arith.mulf %gather3A_1352, %bitcast_convert_type3A_1368 : vector<16xf32>
        %add3A_1372 = arith.addf %add3A_1348, %mul3A_1371 : vector<16xf32>
        %broadcast_in_dim3A_1373 = arith.constant 4 : i32
        %broadcast_in_dim3A_1374 = vector.broadcast %broadcast_in_dim3A_1373 : i32 to vector<16x1xi32>
        %gather3A_1375 = vector.shape_cast %broadcast_in_dim3A_1374 : vector<16x1xi32> to vector<16xi32>
        %gather3A_1376 = tpu.dynamic_gather %get3A_503[%gather3A_1375] in [0] : vector<16xf32>, vector<16xi32> -> vector<16xf32>
        %add3A_1377 = arith.constant 288 : i32
        %add3A_1378 = arith.addi %add3A_508, %add3A_1377 : i32
        %add3A_1379 = arith.constant 0 : i32
        %add3A_1380 = arith.addi %add3A_1378, %add3A_1379 : i32
        %get3A_1381 = arith.index_cast %add3A_1380 : i32 to index
        %get3A_1382 = arith.constant 0 : index
        %get3A_1383 = tpu.vector_load %arg14[%get3A_1381, %get3A_1382] {strides = array<i32>} : memref<768x16xi32, #tpu.memory_space<vmem>>, vector<1x16xi32>,
        %get3A_1384 = vector.shape_cast %get3A_1383 : vector<1x16xi32> to vector<16xi32>
        %shift_left3A_1385 = arith.constant 16 : i32
        %shift_left3A_1386 = vector.broadcast %shift_left3A_1385 : i32 to vector<16xi32>
        %shift_left3A_1387 = arith.shli %get3A_1384, %shift_left3A_1386 : vector<16xi32>
        %bitcast_convert_type3A_1388 = tpu.bitcast %shift_left3A_1387 : vector<16xi32> -> vector<16xf32>
        %and3A_1389 = arith.constant -65536 : i32
        %and3A_1390 = vector.broadcast %and3A_1389 : i32 to vector<16xi32>
        %and3A_1391 = arith.andi %get3A_1384, %and3A_1390 : vector<16xi32>
        %bitcast_convert_type3A_1392 = tpu.bitcast %and3A_1391 : vector<16xi32> -> vector<16xf32>
        %mul3A_1393 = arith.mulf %gather3A_1376, %bitcast_convert_type3A_1388 : vector<16xf32>
        %add3A_1394 = arith.addf %add3A_1370, %mul3A_1393 : vector<16xf32>
        %mul3A_1395 = arith.mulf %gather3A_1376, %bitcast_convert_type3A_1392 : vector<16xf32>
        %add3A_1396 = arith.addf %add3A_1372, %mul3A_1395 : vector<16xf32>
        %broadcast_in_dim3A_1397 = arith.constant 5 : i32
        %broadcast_in_dim3A_1398 = vector.broadcast %broadcast_in_dim3A_1397 : i32 to vector<16x1xi32>
        %gather3A_1399 = vector.shape_cast %broadcast_in_dim3A_1398 : vector<16x1xi32> to vector<16xi32>
        %gather3A_1400 = tpu.dynamic_gather %get3A_503[%gather3A_1399] in [0] : vector<16xf32>, vector<16xi32> -> vector<16xf32>
        %add3A_1401 = arith.constant 288 : i32
        %add3A_1402 = arith.addi %add3A_508, %add3A_1401 : i32
        %add3A_1403 = arith.constant 1 : i32
        %add3A_1404 = arith.addi %add3A_1402, %add3A_1403 : i32
        %get3A_1405 = arith.index_cast %add3A_1404 : i32 to index
        %get3A_1406 = arith.constant 0 : index
        %get3A_1407 = tpu.vector_load %arg14[%get3A_1405, %get3A_1406] {strides = array<i32>} : memref<768x16xi32, #tpu.memory_space<vmem>>, vector<1x16xi32>,
        %get3A_1408 = vector.shape_cast %get3A_1407 : vector<1x16xi32> to vector<16xi32>
        %shift_left3A_1409 = arith.constant 16 : i32
        %shift_left3A_1410 = vector.broadcast %shift_left3A_1409 : i32 to vector<16xi32>
        %shift_left3A_1411 = arith.shli %get3A_1408, %shift_left3A_1410 : vector<16xi32>
        %bitcast_convert_type3A_1412 = tpu.bitcast %shift_left3A_1411 : vector<16xi32> -> vector<16xf32>
        %and3A_1413 = arith.constant -65536 : i32
        %and3A_1414 = vector.broadcast %and3A_1413 : i32 to vector<16xi32>
        %and3A_1415 = arith.andi %get3A_1408, %and3A_1414 : vector<16xi32>
        %bitcast_convert_type3A_1416 = tpu.bitcast %and3A_1415 : vector<16xi32> -> vector<16xf32>
        %mul3A_1417 = arith.mulf %gather3A_1400, %bitcast_convert_type3A_1412 : vector<16xf32>
        %add3A_1418 = arith.addf %add3A_1394, %mul3A_1417 : vector<16xf32>
        %mul3A_1419 = arith.mulf %gather3A_1400, %bitcast_convert_type3A_1416 : vector<16xf32>
        %add3A_1420 = arith.addf %add3A_1396, %mul3A_1419 : vector<16xf32>
        %broadcast_in_dim3A_1421 = arith.constant 6 : i32
        %broadcast_in_dim3A_1422 = vector.broadcast %broadcast_in_dim3A_1421 : i32 to vector<16x1xi32>
        %gather3A_1423 = vector.shape_cast %broadcast_in_dim3A_1422 : vector<16x1xi32> to vector<16xi32>
        %gather3A_1424 = tpu.dynamic_gather %get3A_503[%gather3A_1423] in [0] : vector<16xf32>, vector<16xi32> -> vector<16xf32>
        %add3A_1425 = arith.constant 288 : i32
        %add3A_1426 = arith.addi %add3A_508, %add3A_1425 : i32
        %add3A_1427 = arith.constant 2 : i32
        %add3A_1428 = arith.addi %add3A_1426, %add3A_1427 : i32
        %get3A_1429 = arith.index_cast %add3A_1428 : i32 to index
        %get3A_1430 = arith.constant 0 : index
        %get3A_1431 = tpu.vector_load %arg14[%get3A_1429, %get3A_1430] {strides = array<i32>} : memref<768x16xi32, #tpu.memory_space<vmem>>, vector<1x16xi32>,
        %get3A_1432 = vector.shape_cast %get3A_1431 : vector<1x16xi32> to vector<16xi32>
        %shift_left3A_1433 = arith.constant 16 : i32
        %shift_left3A_1434 = vector.broadcast %shift_left3A_1433 : i32 to vector<16xi32>
        %shift_left3A_1435 = arith.shli %get3A_1432, %shift_left3A_1434 : vector<16xi32>
        %bitcast_convert_type3A_1436 = tpu.bitcast %shift_left3A_1435 : vector<16xi32> -> vector<16xf32>
        %and3A_1437 = arith.constant -65536 : i32
        %and3A_1438 = vector.broadcast %and3A_1437 : i32 to vector<16xi32>
        %and3A_1439 = arith.andi %get3A_1432, %and3A_1438 : vector<16xi32>
        %bitcast_convert_type3A_1440 = tpu.bitcast %and3A_1439 : vector<16xi32> -> vector<16xf32>
        %mul3A_1441 = arith.mulf %gather3A_1424, %bitcast_convert_type3A_1436 : vector<16xf32>
        %add3A_1442 = arith.addf %add3A_1418, %mul3A_1441 : vector<16xf32>
        %mul3A_1443 = arith.mulf %gather3A_1424, %bitcast_convert_type3A_1440 : vector<16xf32>
        %add3A_1444 = arith.addf %add3A_1420, %mul3A_1443 : vector<16xf32>
        %broadcast_in_dim3A_1445 = arith.constant 7 : i32
        %broadcast_in_dim3A_1446 = vector.broadcast %broadcast_in_dim3A_1445 : i32 to vector<16x1xi32>
        %gather3A_1447 = vector.shape_cast %broadcast_in_dim3A_1446 : vector<16x1xi32> to vector<16xi32>
        %gather3A_1448 = tpu.dynamic_gather %get3A_503[%gather3A_1447] in [0] : vector<16xf32>, vector<16xi32> -> vector<16xf32>
        %add3A_1449 = arith.constant 288 : i32
        %add3A_1450 = arith.addi %add3A_508, %add3A_1449 : i32
        %add3A_1451 = arith.constant 3 : i32
        %add3A_1452 = arith.addi %add3A_1450, %add3A_1451 : i32
        %get3A_1453 = arith.index_cast %add3A_1452 : i32 to index
        %get3A_1454 = arith.constant 0 : index
        %get3A_1455 = tpu.vector_load %arg14[%get3A_1453, %get3A_1454] {strides = array<i32>} : memref<768x16xi32, #tpu.memory_space<vmem>>, vector<1x16xi32>,
        %get3A_1456 = vector.shape_cast %get3A_1455 : vector<1x16xi32> to vector<16xi32>
        %shift_left3A_1457 = arith.constant 16 : i32
        %shift_left3A_1458 = vector.broadcast %shift_left3A_1457 : i32 to vector<16xi32>
        %shift_left3A_1459 = arith.shli %get3A_1456, %shift_left3A_1458 : vector<16xi32>
        %bitcast_convert_type3A_1460 = tpu.bitcast %shift_left3A_1459 : vector<16xi32> -> vector<16xf32>
        %and3A_1461 = arith.constant -65536 : i32
        %and3A_1462 = vector.broadcast %and3A_1461 : i32 to vector<16xi32>
        %and3A_1463 = arith.andi %get3A_1456, %and3A_1462 : vector<16xi32>
        %bitcast_convert_type3A_1464 = tpu.bitcast %and3A_1463 : vector<16xi32> -> vector<16xf32>
        %mul3A_1465 = arith.mulf %gather3A_1448, %bitcast_convert_type3A_1460 : vector<16xf32>
        %add3A_1466 = arith.addf %add3A_1442, %mul3A_1465 : vector<16xf32>
        %mul3A_1467 = arith.mulf %gather3A_1448, %bitcast_convert_type3A_1464 : vector<16xf32>
        %add3A_1468 = arith.addf %add3A_1444, %mul3A_1467 : vector<16xf32>
        %broadcast_in_dim3A_1469 = arith.constant 8 : i32
        %broadcast_in_dim3A_1470 = vector.broadcast %broadcast_in_dim3A_1469 : i32 to vector<16x1xi32>
        %gather3A_1471 = vector.shape_cast %broadcast_in_dim3A_1470 : vector<16x1xi32> to vector<16xi32>
        %gather3A_1472 = tpu.dynamic_gather %get3A_503[%gather3A_1471] in [0] : vector<16xf32>, vector<16xi32> -> vector<16xf32>
        %add3A_1473 = arith.constant 288 : i32
        %add3A_1474 = arith.addi %add3A_508, %add3A_1473 : i32
        %add3A_1475 = arith.constant 4 : i32
        %add3A_1476 = arith.addi %add3A_1474, %add3A_1475 : i32
        %get3A_1477 = arith.index_cast %add3A_1476 : i32 to index
        %get3A_1478 = arith.constant 0 : index
        %get3A_1479 = tpu.vector_load %arg14[%get3A_1477, %get3A_1478] {strides = array<i32>} : memref<768x16xi32, #tpu.memory_space<vmem>>, vector<1x16xi32>,
        %get3A_1480 = vector.shape_cast %get3A_1479 : vector<1x16xi32> to vector<16xi32>
        %shift_left3A_1481 = arith.constant 16 : i32
        %shift_left3A_1482 = vector.broadcast %shift_left3A_1481 : i32 to vector<16xi32>
        %shift_left3A_1483 = arith.shli %get3A_1480, %shift_left3A_1482 : vector<16xi32>
        %bitcast_convert_type3A_1484 = tpu.bitcast %shift_left3A_1483 : vector<16xi32> -> vector<16xf32>
        %and3A_1485 = arith.constant -65536 : i32
        %and3A_1486 = vector.broadcast %and3A_1485 : i32 to vector<16xi32>
        %and3A_1487 = arith.andi %get3A_1480, %and3A_1486 : vector<16xi32>
        %bitcast_convert_type3A_1488 = tpu.bitcast %and3A_1487 : vector<16xi32> -> vector<16xf32>
        %mul3A_1489 = arith.mulf %gather3A_1472, %bitcast_convert_type3A_1484 : vector<16xf32>
        %add3A_1490 = arith.addf %add3A_1466, %mul3A_1489 : vector<16xf32>
        %mul3A_1491 = arith.mulf %gather3A_1472, %bitcast_convert_type3A_1488 : vector<16xf32>
        %add3A_1492 = arith.addf %add3A_1468, %mul3A_1491 : vector<16xf32>
        %broadcast_in_dim3A_1493 = arith.constant 9 : i32
        %broadcast_in_dim3A_1494 = vector.broadcast %broadcast_in_dim3A_1493 : i32 to vector<16x1xi32>
        %gather3A_1495 = vector.shape_cast %broadcast_in_dim3A_1494 : vector<16x1xi32> to vector<16xi32>
        %gather3A_1496 = tpu.dynamic_gather %get3A_503[%gather3A_1495] in [0] : vector<16xf32>, vector<16xi32> -> vector<16xf32>
        %add3A_1497 = arith.constant 288 : i32
        %add3A_1498 = arith.addi %add3A_508, %add3A_1497 : i32
        %add3A_1499 = arith.constant 5 : i32
        %add3A_1500 = arith.addi %add3A_1498, %add3A_1499 : i32
        %get3A_1501 = arith.index_cast %add3A_1500 : i32 to index
        %get3A_1502 = arith.constant 0 : index
        %get3A_1503 = tpu.vector_load %arg14[%get3A_1501, %get3A_1502] {strides = array<i32>} : memref<768x16xi32, #tpu.memory_space<vmem>>, vector<1x16xi32>,
        %get3A_1504 = vector.shape_cast %get3A_1503 : vector<1x16xi32> to vector<16xi32>
        %shift_left3A_1505 = arith.constant 16 : i32
        %shift_left3A_1506 = vector.broadcast %shift_left3A_1505 : i32 to vector<16xi32>
        %shift_left3A_1507 = arith.shli %get3A_1504, %shift_left3A_1506 : vector<16xi32>
        %bitcast_convert_type3A_1508 = tpu.bitcast %shift_left3A_1507 : vector<16xi32> -> vector<16xf32>
        %and3A_1509 = arith.constant -65536 : i32
        %and3A_1510 = vector.broadcast %and3A_1509 : i32 to vector<16xi32>
        %and3A_1511 = arith.andi %get3A_1504, %and3A_1510 : vector<16xi32>
        %bitcast_convert_type3A_1512 = tpu.bitcast %and3A_1511 : vector<16xi32> -> vector<16xf32>
        %mul3A_1513 = arith.mulf %gather3A_1496, %bitcast_convert_type3A_1508 : vector<16xf32>
        %add3A_1514 = arith.addf %add3A_1490, %mul3A_1513 : vector<16xf32>
        %mul3A_1515 = arith.mulf %gather3A_1496, %bitcast_convert_type3A_1512 : vector<16xf32>
        %add3A_1516 = arith.addf %add3A_1492, %mul3A_1515 : vector<16xf32>
        %broadcast_in_dim3A_1517 = arith.constant 10 : i32
        %broadcast_in_dim3A_1518 = vector.broadcast %broadcast_in_dim3A_1517 : i32 to vector<16x1xi32>
        %gather3A_1519 = vector.shape_cast %broadcast_in_dim3A_1518 : vector<16x1xi32> to vector<16xi32>
        %gather3A_1520 = tpu.dynamic_gather %get3A_503[%gather3A_1519] in [0] : vector<16xf32>, vector<16xi32> -> vector<16xf32>
        %add3A_1521 = arith.constant 288 : i32
        %add3A_1522 = arith.addi %add3A_508, %add3A_1521 : i32
        %add3A_1523 = arith.constant 6 : i32
        %add3A_1524 = arith.addi %add3A_1522, %add3A_1523 : i32
        %get3A_1525 = arith.index_cast %add3A_1524 : i32 to index
        %get3A_1526 = arith.constant 0 : index
        %get3A_1527 = tpu.vector_load %arg14[%get3A_1525, %get3A_1526] {strides = array<i32>} : memref<768x16xi32, #tpu.memory_space<vmem>>, vector<1x16xi32>,
        %get3A_1528 = vector.shape_cast %get3A_1527 : vector<1x16xi32> to vector<16xi32>
        %shift_left3A_1529 = arith.constant 16 : i32
        %shift_left3A_1530 = vector.broadcast %shift_left3A_1529 : i32 to vector<16xi32>
        %shift_left3A_1531 = arith.shli %get3A_1528, %shift_left3A_1530 : vector<16xi32>
        %bitcast_convert_type3A_1532 = tpu.bitcast %shift_left3A_1531 : vector<16xi32> -> vector<16xf32>
        %and3A_1533 = arith.constant -65536 : i32
        %and3A_1534 = vector.broadcast %and3A_1533 : i32 to vector<16xi32>
        %and3A_1535 = arith.andi %get3A_1528, %and3A_1534 : vector<16xi32>
        %bitcast_convert_type3A_1536 = tpu.bitcast %and3A_1535 : vector<16xi32> -> vector<16xf32>
        %mul3A_1537 = arith.mulf %gather3A_1520, %bitcast_convert_type3A_1532 : vector<16xf32>
        %add3A_1538 = arith.addf %add3A_1514, %mul3A_1537 : vector<16xf32>
        %mul3A_1539 = arith.mulf %gather3A_1520, %bitcast_convert_type3A_1536 : vector<16xf32>
        %add3A_1540 = arith.addf %add3A_1516, %mul3A_1539 : vector<16xf32>
        %broadcast_in_dim3A_1541 = arith.constant 11 : i32
        %broadcast_in_dim3A_1542 = vector.broadcast %broadcast_in_dim3A_1541 : i32 to vector<16x1xi32>
        %gather3A_1543 = vector.shape_cast %broadcast_in_dim3A_1542 : vector<16x1xi32> to vector<16xi32>
        %gather3A_1544 = tpu.dynamic_gather %get3A_503[%gather3A_1543] in [0] : vector<16xf32>, vector<16xi32> -> vector<16xf32>
        %add3A_1545 = arith.constant 288 : i32
        %add3A_1546 = arith.addi %add3A_508, %add3A_1545 : i32
        %add3A_1547 = arith.constant 7 : i32
        %add3A_1548 = arith.addi %add3A_1546, %add3A_1547 : i32
        %get3A_1549 = arith.index_cast %add3A_1548 : i32 to index
        %get3A_1550 = arith.constant 0 : index
        %get3A_1551 = tpu.vector_load %arg14[%get3A_1549, %get3A_1550] {strides = array<i32>} : memref<768x16xi32, #tpu.memory_space<vmem>>, vector<1x16xi32>,
        %get3A_1552 = vector.shape_cast %get3A_1551 : vector<1x16xi32> to vector<16xi32>
        %shift_left3A_1553 = arith.constant 16 : i32
        %shift_left3A_1554 = vector.broadcast %shift_left3A_1553 : i32 to vector<16xi32>
        %shift_left3A_1555 = arith.shli %get3A_1552, %shift_left3A_1554 : vector<16xi32>
        %bitcast_convert_type3A_1556 = tpu.bitcast %shift_left3A_1555 : vector<16xi32> -> vector<16xf32>
        %and3A_1557 = arith.constant -65536 : i32
        %and3A_1558 = vector.broadcast %and3A_1557 : i32 to vector<16xi32>
        %and3A_1559 = arith.andi %get3A_1552, %and3A_1558 : vector<16xi32>
        %bitcast_convert_type3A_1560 = tpu.bitcast %and3A_1559 : vector<16xi32> -> vector<16xf32>
        %mul3A_1561 = arith.mulf %gather3A_1544, %bitcast_convert_type3A_1556 : vector<16xf32>
        %add3A_1562 = arith.addf %add3A_1538, %mul3A_1561 : vector<16xf32>
        %mul3A_1563 = arith.mulf %gather3A_1544, %bitcast_convert_type3A_1560 : vector<16xf32>
        %add3A_1564 = arith.addf %add3A_1540, %mul3A_1563 : vector<16xf32>
        %broadcast_in_dim3A_1565 = arith.constant 12 : i32
        %broadcast_in_dim3A_1566 = vector.broadcast %broadcast_in_dim3A_1565 : i32 to vector<16x1xi32>
        %gather3A_1567 = vector.shape_cast %broadcast_in_dim3A_1566 : vector<16x1xi32> to vector<16xi32>
        %gather3A_1568 = tpu.dynamic_gather %get3A_503[%gather3A_1567] in [0] : vector<16xf32>, vector<16xi32> -> vector<16xf32>
        %add3A_1569 = arith.constant 288 : i32
        %add3A_1570 = arith.addi %add3A_508, %add3A_1569 : i32
        %add3A_1571 = arith.constant 8 : i32
        %add3A_1572 = arith.addi %add3A_1570, %add3A_1571 : i32
        %get3A_1573 = arith.index_cast %add3A_1572 : i32 to index
        %get3A_1574 = arith.constant 0 : index
        %get3A_1575 = tpu.vector_load %arg14[%get3A_1573, %get3A_1574] {strides = array<i32>} : memref<768x16xi32, #tpu.memory_space<vmem>>, vector<1x16xi32>,
        %get3A_1576 = vector.shape_cast %get3A_1575 : vector<1x16xi32> to vector<16xi32>
        %shift_left3A_1577 = arith.constant 16 : i32
        %shift_left3A_1578 = vector.broadcast %shift_left3A_1577 : i32 to vector<16xi32>
        %shift_left3A_1579 = arith.shli %get3A_1576, %shift_left3A_1578 : vector<16xi32>
        %bitcast_convert_type3A_1580 = tpu.bitcast %shift_left3A_1579 : vector<16xi32> -> vector<16xf32>
        %and3A_1581 = arith.constant -65536 : i32
        %and3A_1582 = vector.broadcast %and3A_1581 : i32 to vector<16xi32>
        %and3A_1583 = arith.andi %get3A_1576, %and3A_1582 : vector<16xi32>
        %bitcast_convert_type3A_1584 = tpu.bitcast %and3A_1583 : vector<16xi32> -> vector<16xf32>
        %mul3A_1585 = arith.mulf %gather3A_1568, %bitcast_convert_type3A_1580 : vector<16xf32>
        %add3A_1586 = arith.addf %add3A_1562, %mul3A_1585 : vector<16xf32>
        %mul3A_1587 = arith.mulf %gather3A_1568, %bitcast_convert_type3A_1584 : vector<16xf32>
        %add3A_1588 = arith.addf %add3A_1564, %mul3A_1587 : vector<16xf32>
        %broadcast_in_dim3A_1589 = arith.constant 13 : i32
        %broadcast_in_dim3A_1590 = vector.broadcast %broadcast_in_dim3A_1589 : i32 to vector<16x1xi32>
        %gather3A_1591 = vector.shape_cast %broadcast_in_dim3A_1590 : vector<16x1xi32> to vector<16xi32>
        %gather3A_1592 = tpu.dynamic_gather %get3A_503[%gather3A_1591] in [0] : vector<16xf32>, vector<16xi32> -> vector<16xf32>
        %add3A_1593 = arith.constant 288 : i32
        %add3A_1594 = arith.addi %add3A_508, %add3A_1593 : i32
        %add3A_1595 = arith.constant 9 : i32
        %add3A_1596 = arith.addi %add3A_1594, %add3A_1595 : i32
        %get3A_1597 = arith.index_cast %add3A_1596 : i32 to index
        %get3A_1598 = arith.constant 0 : index
        %get3A_1599 = tpu.vector_load %arg14[%get3A_1597, %get3A_1598] {strides = array<i32>} : memref<768x16xi32, #tpu.memory_space<vmem>>, vector<1x16xi32>,
        %get3A_1600 = vector.shape_cast %get3A_1599 : vector<1x16xi32> to vector<16xi32>
        %shift_left3A_1601 = arith.constant 16 : i32
        %shift_left3A_1602 = vector.broadcast %shift_left3A_1601 : i32 to vector<16xi32>
        %shift_left3A_1603 = arith.shli %get3A_1600, %shift_left3A_1602 : vector<16xi32>
        %bitcast_convert_type3A_1604 = tpu.bitcast %shift_left3A_1603 : vector<16xi32> -> vector<16xf32>
        %and3A_1605 = arith.constant -65536 : i32
        %and3A_1606 = vector.broadcast %and3A_1605 : i32 to vector<16xi32>
        %and3A_1607 = arith.andi %get3A_1600, %and3A_1606 : vector<16xi32>
        %bitcast_convert_type3A_1608 = tpu.bitcast %and3A_1607 : vector<16xi32> -> vector<16xf32>
        %mul3A_1609 = arith.mulf %gather3A_1592, %bitcast_convert_type3A_1604 : vector<16xf32>
        %add3A_1610 = arith.addf %add3A_1586, %mul3A_1609 : vector<16xf32>
        %mul3A_1611 = arith.mulf %gather3A_1592, %bitcast_convert_type3A_1608 : vector<16xf32>
        %add3A_1612 = arith.addf %add3A_1588, %mul3A_1611 : vector<16xf32>
        %broadcast_in_dim3A_1613 = arith.constant 14 : i32
        %broadcast_in_dim3A_1614 = vector.broadcast %broadcast_in_dim3A_1613 : i32 to vector<16x1xi32>
        %gather3A_1615 = vector.shape_cast %broadcast_in_dim3A_1614 : vector<16x1xi32> to vector<16xi32>
        %gather3A_1616 = tpu.dynamic_gather %get3A_503[%gather3A_1615] in [0] : vector<16xf32>, vector<16xi32> -> vector<16xf32>
        %add3A_1617 = arith.constant 288 : i32
        %add3A_1618 = arith.addi %add3A_508, %add3A_1617 : i32
        %add3A_1619 = arith.constant 10 : i32
        %add3A_1620 = arith.addi %add3A_1618, %add3A_1619 : i32
        %get3A_1621 = arith.index_cast %add3A_1620 : i32 to index
        %get3A_1622 = arith.constant 0 : index
        %get3A_1623 = tpu.vector_load %arg14[%get3A_1621, %get3A_1622] {strides = array<i32>} : memref<768x16xi32, #tpu.memory_space<vmem>>, vector<1x16xi32>,
        %get3A_1624 = vector.shape_cast %get3A_1623 : vector<1x16xi32> to vector<16xi32>
        %shift_left3A_1625 = arith.constant 16 : i32
        %shift_left3A_1626 = vector.broadcast %shift_left3A_1625 : i32 to vector<16xi32>
        %shift_left3A_1627 = arith.shli %get3A_1624, %shift_left3A_1626 : vector<16xi32>
        %bitcast_convert_type3A_1628 = tpu.bitcast %shift_left3A_1627 : vector<16xi32> -> vector<16xf32>
        %and3A_1629 = arith.constant -65536 : i32
        %and3A_1630 = vector.broadcast %and3A_1629 : i32 to vector<16xi32>
        %and3A_1631 = arith.andi %get3A_1624, %and3A_1630 : vector<16xi32>
        %bitcast_convert_type3A_1632 = tpu.bitcast %and3A_1631 : vector<16xi32> -> vector<16xf32>
        %mul3A_1633 = arith.mulf %gather3A_1616, %bitcast_convert_type3A_1628 : vector<16xf32>
        %add3A_1634 = arith.addf %add3A_1610, %mul3A_1633 : vector<16xf32>
        %mul3A_1635 = arith.mulf %gather3A_1616, %bitcast_convert_type3A_1632 : vector<16xf32>
        %add3A_1636 = arith.addf %add3A_1612, %mul3A_1635 : vector<16xf32>
        %broadcast_in_dim3A_1637 = arith.constant 15 : i32
        %broadcast_in_dim3A_1638 = vector.broadcast %broadcast_in_dim3A_1637 : i32 to vector<16x1xi32>
        %gather3A_1639 = vector.shape_cast %broadcast_in_dim3A_1638 : vector<16x1xi32> to vector<16xi32>
        %gather3A_1640 = tpu.dynamic_gather %get3A_503[%gather3A_1639] in [0] : vector<16xf32>, vector<16xi32> -> vector<16xf32>
        %add3A_1641 = arith.constant 288 : i32
        %add3A_1642 = arith.addi %add3A_508, %add3A_1641 : i32
        %add3A_1643 = arith.constant 11 : i32
        %add3A_1644 = arith.addi %add3A_1642, %add3A_1643 : i32
        %get3A_1645 = arith.index_cast %add3A_1644 : i32 to index
        %get3A_1646 = arith.constant 0 : index
        %get3A_1647 = tpu.vector_load %arg14[%get3A_1645, %get3A_1646] {strides = array<i32>} : memref<768x16xi32, #tpu.memory_space<vmem>>, vector<1x16xi32>,
        %get3A_1648 = vector.shape_cast %get3A_1647 : vector<1x16xi32> to vector<16xi32>
        %shift_left3A_1649 = arith.constant 16 : i32
        %shift_left3A_1650 = vector.broadcast %shift_left3A_1649 : i32 to vector<16xi32>
        %shift_left3A_1651 = arith.shli %get3A_1648, %shift_left3A_1650 : vector<16xi32>
        %bitcast_convert_type3A_1652 = tpu.bitcast %shift_left3A_1651 : vector<16xi32> -> vector<16xf32>
        %and3A_1653 = arith.constant -65536 : i32
        %and3A_1654 = vector.broadcast %and3A_1653 : i32 to vector<16xi32>
        %and3A_1655 = arith.andi %get3A_1648, %and3A_1654 : vector<16xi32>
        %bitcast_convert_type3A_1656 = tpu.bitcast %and3A_1655 : vector<16xi32> -> vector<16xf32>
        %mul3A_1657 = arith.mulf %gather3A_1640, %bitcast_convert_type3A_1652 : vector<16xf32>
        %add3A_1658 = arith.addf %add3A_1634, %mul3A_1657 : vector<16xf32>
        %mul3A_1659 = arith.mulf %gather3A_1640, %bitcast_convert_type3A_1656 : vector<16xf32>
        %add3A_1660 = arith.addf %add3A_1636, %mul3A_1659 : vector<16xf32>
        %swap3A = arith.index_cast %scan3A_467 : i32 to index
        %swap3A_1661 = arith.constant 0 : index
        %swap3A_1662 = tpu.vector_load %arg17[%swap3A, %swap3A_1661] {strides = array<i32>} : memref<16x32xf32, #tpu.memory_space<vmem>>, vector<1x16xf32>,
        %swap3A_1663 = vector.shape_cast %swap3A_1662 : vector<1x16xf32> to vector<16xf32>
        %swap3A_1664 = vector.shape_cast %add3A_1658 : vector<16xf32> to vector<1x16xf32>
        tpu.vector_store %arg17[%swap3A, %swap3A_1661], %swap3A_1664 {strides = array<i32>} : memref<16x32xf32, #tpu.memory_space<vmem>>, vector<1x16xf32>,
        %swap3A_1665 = arith.index_cast %scan3A_467 : i32 to index
        %swap3A_1666 = arith.constant 16 : index
        %swap3A_1667 = tpu.vector_load %arg17[%swap3A_1665, %swap3A_1666] {strides = array<i32>} : memref<16x32xf32, #tpu.memory_space<vmem>>, vector<1x16xf32>,
        %swap3A_1668 = vector.shape_cast %swap3A_1667 : vector<1x16xf32> to vector<16xf32>
        %swap3A_1669 = vector.shape_cast %add3A_1660 : vector<16xf32> to vector<1x16xf32>
        tpu.vector_store %arg17[%swap3A_1665, %swap3A_1666], %swap3A_1669 {strides = array<i32>} : memref<16x32xf32, #tpu.memory_space<vmem>>, vector<1x16xf32>,
      }
      %scan3A_448 = arith.constant 16 : i32
      %add3A_449 = arith.addi %mul3A_2, %add3A_370 : i32
      %min3A_450 = arith.constant 1199 : i32
      %min3A_451 = arith.minsi %add3A_449, %min3A_450 : i32
      %dma_start3A_452 = arith.constant 0 : i32
      %dma_start3A_453 = arith.constant 0 : i32
      %dma_start3A_454 = tpu.memref_slice %arg5[%min3A_451, %dma_start3A_452, %dma_start3A_453] : memref<1200x16x32xf32, #tpu.memory_space<hbm>> -> memref<1x16x32xf32, #tpu.memory_space<hbm>>
      %dma_start3A_455 = tpu.memref_squeeze %dma_start3A_454 : memref<1x16x32xf32, #tpu.memory_space<hbm>> -> memref<16x32xf32, #tpu.memory_space<hbm>>
      %dma_start3A_456 = arith.constant 0 : i32
      %dma_start3A_457 = arith.constant 0 : i32
      %dma_start3A_458 = tpu.memref_slice %arg5[%min3A_451, %dma_start3A_456, %dma_start3A_457] : memref<1200x16x32xf32, #tpu.memory_space<hbm>> -> memref<1x16x32xf32, #tpu.memory_space<hbm>>
      %dma_start3A_459 = tpu.memref_squeeze %dma_start3A_458 : memref<1x16x32xf32, #tpu.memory_space<hbm>> -> memref<16x32xf32, #tpu.memory_space<hbm>>
      tpu.enqueue_dma source(%arg17 : memref<16x32xf32, #tpu.memory_space<vmem>>) target(%dma_start3A_459 : memref<16x32xf32, #tpu.memory_space<hbm>>) target_semaphore(%arg26 : memref<!tpu.dma_semaphore, #tpu.memory_space<semaphore_mem>>)
      %add3A_460 = arith.constant 3 : i32
      %add3A_461 = arith.addi %add3A_370, %add3A_460 : i32
      %lt3A_462 = arith.constant 39 : i32
      %lt3A_463 = arith.cmpi slt, %add3A_461, %lt3A_462 : i32
      %convert_element_type3A_464 = arith.extui %lt3A_463 : i1 to i32
      %cond3A_465 = arith.constant 0 : i32
      %cond3A_466 = arith.cmpi ne, %convert_element_type3A_464, %cond3A_465 : i32
      scf.if %cond3A_466 {
        %add3A_467 = arith.constant 3 : i32
        %add3A_468 = arith.addi %add3A_370, %add3A_467 : i32
        %add3A_469 = arith.addi %mul3A_2, %add3A_468 : i32
        %min3A_470 = arith.constant 1199 : i32
        %min3A_471 = arith.minsi %add3A_469, %min3A_470 : i32
        %dma_start3A_472 = arith.constant 0 : i32
        %dma_start3A_473 = arith.constant 0 : i32
        %dma_start3A_474 = tpu.memref_slice %arg3[%min3A_471, %dma_start3A_472, %dma_start3A_473] : memref<1200x2x384xi32, #tpu.memory_space<hbm>> -> memref<1x2x384xi32, #tpu.memory_space<hbm>>
        %dma_start3A_475 = tpu.memref_squeeze %dma_start3A_474 : memref<1x2x384xi32, #tpu.memory_space<hbm>> -> memref<2x384xi32, #tpu.memory_space<hbm>>
        %dma_start3A_476 = arith.constant 0 : i32
        %dma_start3A_477 = arith.constant 0 : i32
        %dma_start3A_478 = tpu.memref_slice %arg3[%min3A_471, %dma_start3A_476, %dma_start3A_477] : memref<1200x2x384xi32, #tpu.memory_space<hbm>> -> memref<1x2x384xi32, #tpu.memory_space<hbm>>
        %dma_start3A_479 = tpu.memref_squeeze %dma_start3A_478 : memref<1x2x384xi32, #tpu.memory_space<hbm>> -> memref<2x384xi32, #tpu.memory_space<hbm>>
        tpu.enqueue_dma source(%dma_start3A_479 : memref<2x384xi32, #tpu.memory_space<hbm>>) target(%arg8 : memref<2x384xi32, #tpu.memory_space<vmem>>) target_semaphore(%arg20 : memref<!tpu.dma_semaphore, #tpu.memory_space<semaphore_mem>>)
        %dma_start3A_480 = arith.constant 0 : i32
        %dma_start3A_481 = arith.constant 0 : i32
        %dma_start3A_482 = tpu.memref_slice %arg4[%min3A_471, %dma_start3A_480, %dma_start3A_481] : memref<1200x2x384xf32, #tpu.memory_space<hbm>> -> memref<1x2x384xf32, #tpu.memory_space<hbm>>
        %dma_start3A_483 = tpu.memref_squeeze %dma_start3A_482 : memref<1x2x384xf32, #tpu.memory_space<hbm>> -> memref<2x384xf32, #tpu.memory_space<hbm>>
        %dma_start3A_484 = arith.constant 0 : i32
        %dma_start3A_485 = arith.constant 0 : i32
        %dma_start3A_486 = tpu.memref_slice %arg4[%min3A_471, %dma_start3A_484, %dma_start3A_485] : memref<1200x2x384xf32, #tpu.memory_space<hbm>> -> memref<1x2x384xf32, #tpu.memory_space<hbm>>
        %dma_start3A_487 = tpu.memref_squeeze %dma_start3A_486 : memref<1x2x384xf32, #tpu.memory_space<hbm>> -> memref<2x384xf32, #tpu.memory_space<hbm>>
        tpu.enqueue_dma source(%dma_start3A_487 : memref<2x384xf32, #tpu.memory_space<hbm>>) target(%arg11 : memref<2x384xf32, #tpu.memory_space<vmem>>) target_semaphore(%arg20 : memref<!tpu.dma_semaphore, #tpu.memory_space<semaphore_mem>>)
      } else {
      }
    }
    %scan3A_142 = arith.constant 13 : i32
    %dma_wait3A_143 = arith.constant 0 : i32
    %dma_wait3A_144 = arith.constant 0 : i32
    %dma_wait3A_145 = arith.constant 0 : i32
    %dma_wait3A_146 = tpu.memref_slice %arg5[%dma_wait3A_143, %dma_wait3A_144, %dma_wait3A_145] : memref<1200x16x32xf32, #tpu.memory_space<hbm>> -> memref<1x16x32xf32, #tpu.memory_space<hbm>>
    %dma_wait3A_147 = tpu.memref_squeeze %dma_wait3A_146 : memref<1x16x32xf32, #tpu.memory_space<hbm>> -> memref<16x32xf32, #tpu.memory_space<hbm>>
    %dma_wait3A_148 = arith.constant 0 : i32
    %dma_wait3A_149 = arith.constant 0 : i32
    %dma_wait3A_150 = tpu.memref_slice %arg5[%dma_wait3A_143, %dma_wait3A_148, %dma_wait3A_149] : memref<1200x16x32xf32, #tpu.memory_space<hbm>> -> memref<1x16x32xf32, #tpu.memory_space<hbm>>
    %dma_wait3A_151 = tpu.memref_squeeze %dma_wait3A_150 : memref<1x16x32xf32, #tpu.memory_space<hbm>> -> memref<16x32xf32, #tpu.memory_space<hbm>>
    tpu.wait_dma2 semaphore(%arg24 : memref<!tpu.dma_semaphore, #tpu.memory_space<semaphore_mem>>) src(%arg15 : memref<16x32xf32, #tpu.memory_space<vmem>>) dst(%dma_wait3A_151 : memref<16x32xf32, #tpu.memory_space<hbm>>)
    %dma_wait3A_152 = arith.constant 0 : i32
    %dma_wait3A_153 = arith.constant 0 : i32
    %dma_wait3A_154 = arith.constant 0 : i32
    %dma_wait3A_155 = tpu.memref_slice %arg5[%dma_wait3A_152, %dma_wait3A_153, %dma_wait3A_154] : memref<1200x16x32xf32, #tpu.memory_space<hbm>> -> memref<1x16x32xf32, #tpu.memory_space<hbm>>
    %dma_wait3A_156 = tpu.memref_squeeze %dma_wait3A_155 : memref<1x16x32xf32, #tpu.memory_space<hbm>> -> memref<16x32xf32, #tpu.memory_space<hbm>>
    %dma_wait3A_157 = arith.constant 0 : i32
    %dma_wait3A_158 = arith.constant 0 : i32
    %dma_wait3A_159 = tpu.memref_slice %arg5[%dma_wait3A_152, %dma_wait3A_157, %dma_wait3A_158] : memref<1200x16x32xf32, #tpu.memory_space<hbm>> -> memref<1x16x32xf32, #tpu.memory_space<hbm>>
    %dma_wait3A_160 = tpu.memref_squeeze %dma_wait3A_159 : memref<1x16x32xf32, #tpu.memory_space<hbm>> -> memref<16x32xf32, #tpu.memory_space<hbm>>
    tpu.wait_dma2 semaphore(%arg25 : memref<!tpu.dma_semaphore, #tpu.memory_space<semaphore_mem>>) src(%arg16 : memref<16x32xf32, #tpu.memory_space<vmem>>) dst(%dma_wait3A_160 : memref<16x32xf32, #tpu.memory_space<hbm>>)
    %dma_wait3A_161 = arith.constant 0 : i32
    %dma_wait3A_162 = arith.constant 0 : i32
    %dma_wait3A_163 = arith.constant 0 : i32
    %dma_wait3A_164 = tpu.memref_slice %arg5[%dma_wait3A_161, %dma_wait3A_162, %dma_wait3A_163] : memref<1200x16x32xf32, #tpu.memory_space<hbm>> -> memref<1x16x32xf32, #tpu.memory_space<hbm>>
    %dma_wait3A_165 = tpu.memref_squeeze %dma_wait3A_164 : memref<1x16x32xf32, #tpu.memory_space<hbm>> -> memref<16x32xf32, #tpu.memory_space<hbm>>
    %dma_wait3A_166 = arith.constant 0 : i32
    %dma_wait3A_167 = arith.constant 0 : i32
    %dma_wait3A_168 = tpu.memref_slice %arg5[%dma_wait3A_161, %dma_wait3A_166, %dma_wait3A_167] : memref<1200x16x32xf32, #tpu.memory_space<hbm>> -> memref<1x16x32xf32, #tpu.memory_space<hbm>>
    %dma_wait3A_169 = tpu.memref_squeeze %dma_wait3A_168 : memref<1x16x32xf32, #tpu.memory_space<hbm>> -> memref<16x32xf32, #tpu.memory_space<hbm>>
    tpu.wait_dma2 semaphore(%arg26 : memref<!tpu.dma_semaphore, #tpu.memory_space<semaphore_mem>>) src(%arg17 : memref<16x32xf32, #tpu.memory_space<vmem>>) dst(%dma_wait3A_169 : memref<16x32xf32, #tpu.memory_space<hbm>>)
    return
  }
}

module attributes {stable_mosaic.version = 14 : i64} {
  func.func @_samp_kern(%arg0: i32, %arg1: memref<1x300x256xf32, #tpu.memory_space<vmem>>, %arg2: memref<1x300x96xf32, #tpu.memory_space<vmem>>, %arg3: memref<1x300x96xf32, #tpu.memory_space<vmem>>, %arg4: memref<256x96xf32, #tpu.memory_space<vmem>>, %arg5: memref<256x96xf32, #tpu.memory_space<vmem>>, %arg6: memref<256x96xf32, #tpu.memory_space<vmem>>, %arg7: memref<1x96xf32, #tpu.memory_space<vmem>>, %arg8: memref<1x96xf32, #tpu.memory_space<vmem>>, %arg9: memref<1x96xf32, #tpu.memory_space<vmem>>, %arg10: memref<96x96xf32, #tpu.memory_space<vmem>>, %arg11: memref<1x96xf32, #tpu.memory_space<vmem>>, %arg12: memref<1x96xf32, #tpu.memory_space<vmem>>, %arg13: memref<1x96xf32, #tpu.memory_space<vmem>>, %arg14: memref<1x300x384xi32, #tpu.memory_space<vmem>>, %arg15: memref<1x300x384xf32, #tpu.memory_space<vmem>>) attributes {dimension_semantics = [#tpu.dimension_semantics<arbitrary>], iteration_bounds = array<i64: 8>, scalar_prefetch = 0 : i64, scratch_operands = 0 : i64, tpu.core_type = #tpu.core_type<tc>, window_params = [{transform_indices = @transform_0, window_bounds = array<i64: 1, 300, 256>}, {transform_indices = @transform_1, window_bounds = array<i64: 1, 300, 96>}, {transform_indices = @transform_2, window_bounds = array<i64: 1, 300, 96>}, {pipeline_mode = #tpu.pipeline_mode<synchronous>, transform_indices = @transform_3, window_bounds = array<i64: 256, 96>}, {pipeline_mode = #tpu.pipeline_mode<synchronous>, transform_indices = @transform_4, window_bounds = array<i64: 256, 96>}, {pipeline_mode = #tpu.pipeline_mode<synchronous>, transform_indices = @transform_5, window_bounds = array<i64: 256, 96>}, {pipeline_mode = #tpu.pipeline_mode<synchronous>, transform_indices = @transform_6, window_bounds = array<i64: 1, 96>}, {pipeline_mode = #tpu.pipeline_mode<synchronous>, transform_indices = @transform_7, window_bounds = array<i64: 1, 96>}, {pipeline_mode = #tpu.pipeline_mode<synchronous>, transform_indices = @transform_8, window_bounds = array<i64: 1, 96>}, {pipeline_mode = #tpu.pipeline_mode<synchronous>, transform_indices = @transform_9, window_bounds = array<i64: 96, 96>}, {pipeline_mode = #tpu.pipeline_mode<synchronous>, transform_indices = @transform_10, window_bounds = array<i64: 1, 96>}, {pipeline_mode = #tpu.pipeline_mode<synchronous>, transform_indices = @transform_11, window_bounds = array<i64: 1, 96>}, {pipeline_mode = #tpu.pipeline_mode<synchronous>, transform_indices = @transform_12, window_bounds = array<i64: 1, 96>}, {transform_indices = @transform_13, window_bounds = array<i64: 1, 300, 384>}, {transform_indices = @transform_14, window_bounds = array<i64: 1, 300, 384>}]} {
    %get3A = arith.constant 0 : index
    %get3A_0 = arith.constant 0 : index
    %get3A_1 = arith.constant 0 : index
    %get3A_2 = vector.load %arg1[%get3A, %get3A_0, %get3A_1] : memref<1x300x256xf32, #tpu.memory_space<vmem>>, vector<1x300x256xf32>
    %get3A_3 = vector.shape_cast %get3A_2 : vector<1x300x256xf32> to vector<300x256xf32>
    %get3A_4 = arith.constant 0 : index
    %get3A_5 = arith.constant 0 : index
    %get3A_6 = arith.constant 0 : index
    %get3A_7 = vector.load %arg2[%get3A_4, %get3A_5, %get3A_6] : memref<1x300x96xf32, #tpu.memory_space<vmem>>, vector<1x300x96xf32>
    %get3A_8 = vector.shape_cast %get3A_7 : vector<1x300x96xf32> to vector<300x96xf32>
    %get3A_9 = arith.constant 0 : index
    %get3A_10 = arith.constant 0 : index
    %get3A_11 = arith.constant 0 : index
    %get3A_12 = vector.load %arg3[%get3A_9, %get3A_10, %get3A_11] : memref<1x300x96xf32, #tpu.memory_space<vmem>>, vector<1x300x96xf32>
    %get3A_13 = vector.shape_cast %get3A_12 : vector<1x300x96xf32> to vector<300x96xf32>
    %get3A_14 = arith.constant 0 : index
    %get3A_15 = arith.constant 0 : index
    %get3A_16 = vector.load %arg4[%get3A_14, %get3A_15] : memref<256x96xf32, #tpu.memory_space<vmem>>, vector<256x96xf32>
    %dot_general3A = arith.constant dense<0.000000e+00> : vector<300x96xf32>
    %dot_general3A_17 = tpu.matmul %get3A_3, %get3A_16, %dot_general3A {dimension_numbers = #tpu.dot_dimension_numbers<[1], [0], [0], [1], [0, 0, 1, 1], [], []>, transpose_lhs_hint = false} : vector<300x256xf32>, vector<256x96xf32>, vector<300x96xf32> -> vector<300x96xf32>
    %get3A_18 = arith.constant 0 : index
    %get3A_19 = arith.constant 0 : index
    %get3A_20 = vector.load %arg7[%get3A_18, %get3A_19] : memref<1x96xf32, #tpu.memory_space<vmem>>, vector<1x96xf32>
    %get3A_21 = vector.shape_cast %get3A_20 : vector<1x96xf32> to vector<96xf32>
    %broadcast_in_dim3A = vector.shape_cast %get3A_21 : vector<96xf32> to vector<1x96xf32>
    %add3A = vector.broadcast %broadcast_in_dim3A : vector<1x96xf32> to vector<300x96xf32>
    %add3A_22 = arith.addf %dot_general3A_17, %add3A : vector<300x96xf32>
    %get3A_23 = arith.constant 0 : index
    %get3A_24 = arith.constant 0 : index
    %get3A_25 = vector.load %arg5[%get3A_23, %get3A_24] : memref<256x96xf32, #tpu.memory_space<vmem>>, vector<256x96xf32>
    %dot_general3A_26 = arith.constant dense<0.000000e+00> : vector<300x96xf32>
    %dot_general3A_27 = tpu.matmul %get3A_3, %get3A_25, %dot_general3A_26 {dimension_numbers = #tpu.dot_dimension_numbers<[1], [0], [0], [1], [0, 0, 1, 1], [], []>, transpose_lhs_hint = false} : vector<300x256xf32>, vector<256x96xf32>, vector<300x96xf32> -> vector<300x96xf32>
    %get3A_28 = arith.constant 0 : index
    %get3A_29 = arith.constant 0 : index
    %get3A_30 = vector.load %arg8[%get3A_28, %get3A_29] : memref<1x96xf32, #tpu.memory_space<vmem>>, vector<1x96xf32>
    %get3A_31 = vector.shape_cast %get3A_30 : vector<1x96xf32> to vector<96xf32>
    %broadcast_in_dim3A_32 = vector.shape_cast %get3A_31 : vector<96xf32> to vector<1x96xf32>
    %add3A_33 = vector.broadcast %broadcast_in_dim3A_32 : vector<1x96xf32> to vector<300x96xf32>
    %add3A_34 = arith.addf %dot_general3A_27, %add3A_33 : vector<300x96xf32>
    %get3A_35 = arith.constant 0 : index
    %get3A_36 = arith.constant 0 : index
    %get3A_37 = vector.load %arg6[%get3A_35, %get3A_36] : memref<256x96xf32, #tpu.memory_space<vmem>>, vector<256x96xf32>
    %dot_general3A_38 = arith.constant dense<0.000000e+00> : vector<300x96xf32>
    %dot_general3A_39 = tpu.matmul %get3A_3, %get3A_37, %dot_general3A_38 {dimension_numbers = #tpu.dot_dimension_numbers<[1], [0], [0], [1], [0, 0, 1, 1], [], []>, transpose_lhs_hint = false} : vector<300x256xf32>, vector<256x96xf32>, vector<300x96xf32> -> vector<300x96xf32>
    %get3A_40 = arith.constant 0 : index
    %get3A_41 = arith.constant 0 : index
    %get3A_42 = vector.load %arg9[%get3A_40, %get3A_41] : memref<1x96xf32, #tpu.memory_space<vmem>>, vector<1x96xf32>
    %get3A_43 = vector.shape_cast %get3A_42 : vector<1x96xf32> to vector<96xf32>
    %broadcast_in_dim3A_44 = vector.shape_cast %get3A_43 : vector<96xf32> to vector<1x96xf32>
    %add3A_45 = vector.broadcast %broadcast_in_dim3A_44 : vector<1x96xf32> to vector<300x96xf32>
    %add3A_46 = arith.addf %dot_general3A_39, %add3A_45 : vector<300x96xf32>
    %reduce_max3A = arith.constant dense<0xFF800000> : vector<300xf32>
    %reduce_max3A_47 = vector.multi_reduction <maximumf>, %add3A_46, %reduce_max3A [1] : vector<300x96xf32> to vector<300xf32>
    %broadcast_in_dim3A_48 = vector.shape_cast %reduce_max3A_47 : vector<300xf32> to vector<300x1xf32>
    %sub3A = vector.broadcast %broadcast_in_dim3A_48 : vector<300x1xf32> to vector<300x96xf32>
    %sub3A_49 = arith.subf %add3A_46, %sub3A : vector<300x96xf32>
    %exp3A = math.exp %sub3A_49 : vector<300x96xf32>
    %get3A_50 = arith.constant 0 : index
    %get3A_51 = arith.constant 0 : index
    %get3A_52 = vector.load %arg10[%get3A_50, %get3A_51] : memref<96x96xf32, #tpu.memory_space<vmem>>, vector<96x96xf32>
    %dot_general3A_53 = arith.constant dense<0.000000e+00> : vector<300x96xf32>
    %dot_general3A_54 = tpu.matmul %exp3A, %get3A_52, %dot_general3A_53 {dimension_numbers = #tpu.dot_dimension_numbers<[1], [0], [0], [1], [0, 0, 1, 1], [], []>, transpose_lhs_hint = false} : vector<300x96xf32>, vector<96x96xf32>, vector<300x96xf32> -> vector<300x96xf32>
    %div3A = arith.divf %exp3A, %dot_general3A_54 : vector<300x96xf32>
    %get3A_55 = arith.constant 0 : index
    %get3A_56 = arith.constant 0 : index
    %get3A_57 = vector.load %arg11[%get3A_55, %get3A_56] : memref<1x96xf32, #tpu.memory_space<vmem>>, vector<1x96xf32>
    %get3A_58 = vector.shape_cast %get3A_57 : vector<1x96xf32> to vector<96xf32>
    %get3A_59 = arith.constant 0 : index
    %get3A_60 = arith.constant 0 : index
    %get3A_61 = vector.load %arg12[%get3A_59, %get3A_60] : memref<1x96xf32, #tpu.memory_space<vmem>>, vector<1x96xf32>
    %get3A_62 = vector.shape_cast %get3A_61 : vector<1x96xf32> to vector<96xf32>
    %get3A_63 = arith.constant 0 : index
    %get3A_64 = arith.constant 0 : index
    %get3A_65 = vector.load %arg13[%get3A_63, %get3A_64] : memref<1x96xf32, #tpu.memory_space<vmem>>, vector<1x96xf32>
    %get3A_66 = vector.shape_cast %get3A_65 : vector<1x96xf32> to vector<96xf32>
    %broadcast_in_dim3A_67 = vector.shape_cast %get3A_58 : vector<96xf32> to vector<1x96xf32>
    %mul3A = vector.broadcast %broadcast_in_dim3A_67 : vector<1x96xf32> to vector<300x96xf32>
    %mul3A_68 = arith.mulf %get3A_8, %mul3A : vector<300x96xf32>
    %add3A_69 = arith.addf %mul3A_68, %add3A_22 : vector<300x96xf32>
    %sub3A_70 = arith.constant 5.000000e-01 : f32
    %sub3A_71 = vector.broadcast %sub3A_70 : f32 to vector<300x96xf32>
    %sub3A_72 = arith.subf %add3A_69, %sub3A_71 : vector<300x96xf32>
    %jit3A = arith.constant -1.000000e+06 : f32
    %jit3A_73 = arith.constant 1.000000e+06 : f32
    %max3A = vector.broadcast %jit3A : f32 to vector<300x96xf32>
    %max3A_74 = arith.maximumf %max3A, %sub3A_72 : vector<300x96xf32>
    %min3A = vector.broadcast %jit3A_73 : f32 to vector<300x96xf32>
    %min3A_75 = arith.minimumf %min3A, %max3A_74 : vector<300x96xf32>
    %broadcast_in_dim3A_76 = vector.shape_cast %get3A_62 : vector<96xf32> to vector<1x96xf32>
    %mul3A_77 = vector.broadcast %broadcast_in_dim3A_76 : vector<1x96xf32> to vector<300x96xf32>
    %mul3A_78 = arith.mulf %get3A_13, %mul3A_77 : vector<300x96xf32>
    %add3A_79 = arith.addf %mul3A_78, %add3A_34 : vector<300x96xf32>
    %sub3A_80 = arith.constant 5.000000e-01 : f32
    %sub3A_81 = vector.broadcast %sub3A_80 : f32 to vector<300x96xf32>
    %sub3A_82 = arith.subf %add3A_79, %sub3A_81 : vector<300x96xf32>
    %jit3A_83 = arith.constant -1.000000e+06 : f32
    %jit3A_84 = arith.constant 1.000000e+06 : f32
    %max3A_85 = vector.broadcast %jit3A_83 : f32 to vector<300x96xf32>
    %max3A_86 = arith.maximumf %max3A_85, %sub3A_82 : vector<300x96xf32>
    %min3A_87 = vector.broadcast %jit3A_84 : f32 to vector<300x96xf32>
    %min3A_88 = arith.minimumf %min3A_87, %max3A_86 : vector<300x96xf32>
    %floor3A = math.floor %min3A_75 : vector<300x96xf32>
    %floor3A_89 = math.floor %min3A_88 : vector<300x96xf32>
    %sub3A_90 = arith.subf %min3A_75, %floor3A : vector<300x96xf32>
    %sub3A_91 = arith.subf %min3A_88, %floor3A_89 : vector<300x96xf32>
    %ge3A = arith.constant 0.000000e+00 : f32
    %ge3A_92 = vector.broadcast %ge3A : f32 to vector<300x96xf32>
    %ge3A_93 = arith.cmpf oge, %floor3A, %ge3A_92 : vector<300x96xf32>
    %broadcast_in_dim3A_94 = vector.shape_cast %get3A_58 : vector<96xf32> to vector<1x96xf32>
    %lt3A = vector.broadcast %broadcast_in_dim3A_94 : vector<1x96xf32> to vector<300x96xf32>
    %lt3A_95 = arith.cmpf olt, %floor3A, %lt3A : vector<300x96xf32>
    %and3A = arith.andi %ge3A_93, %lt3A_95 : vector<300x96xi1>
    %convert_element_type3A = arith.extui %and3A : vector<300x96xi1> to vector<300x96xi32>
    %convert_element_type3A_96 = arith.sitofp %convert_element_type3A : vector<300x96xi32> to vector<300x96xf32>
    %add3A_97 = arith.constant 1.000000e+00 : f32
    %add3A_98 = vector.broadcast %add3A_97 : f32 to vector<300x96xf32>
    %add3A_99 = arith.addf %floor3A, %add3A_98 : vector<300x96xf32>
    %ge3A_100 = arith.constant 0.000000e+00 : f32
    %ge3A_101 = vector.broadcast %ge3A_100 : f32 to vector<300x96xf32>
    %ge3A_102 = arith.cmpf oge, %add3A_99, %ge3A_101 : vector<300x96xf32>
    %add3A_103 = arith.constant 1.000000e+00 : f32
    %add3A_104 = vector.broadcast %add3A_103 : f32 to vector<300x96xf32>
    %add3A_105 = arith.addf %floor3A, %add3A_104 : vector<300x96xf32>
    %broadcast_in_dim3A_106 = vector.shape_cast %get3A_58 : vector<96xf32> to vector<1x96xf32>
    %lt3A_107 = vector.broadcast %broadcast_in_dim3A_106 : vector<1x96xf32> to vector<300x96xf32>
    %lt3A_108 = arith.cmpf olt, %add3A_105, %lt3A_107 : vector<300x96xf32>
    %and3A_109 = arith.andi %ge3A_102, %lt3A_108 : vector<300x96xi1>
    %convert_element_type3A_110 = arith.extui %and3A_109 : vector<300x96xi1> to vector<300x96xi32>
    %convert_element_type3A_111 = arith.sitofp %convert_element_type3A_110 : vector<300x96xi32> to vector<300x96xf32>
    %ge3A_112 = arith.constant 0.000000e+00 : f32
    %ge3A_113 = vector.broadcast %ge3A_112 : f32 to vector<300x96xf32>
    %ge3A_114 = arith.cmpf oge, %floor3A_89, %ge3A_113 : vector<300x96xf32>
    %broadcast_in_dim3A_115 = vector.shape_cast %get3A_62 : vector<96xf32> to vector<1x96xf32>
    %lt3A_116 = vector.broadcast %broadcast_in_dim3A_115 : vector<1x96xf32> to vector<300x96xf32>
    %lt3A_117 = arith.cmpf olt, %floor3A_89, %lt3A_116 : vector<300x96xf32>
    %and3A_118 = arith.andi %ge3A_114, %lt3A_117 : vector<300x96xi1>
    %convert_element_type3A_119 = arith.extui %and3A_118 : vector<300x96xi1> to vector<300x96xi32>
    %convert_element_type3A_120 = arith.sitofp %convert_element_type3A_119 : vector<300x96xi32> to vector<300x96xf32>
    %add3A_121 = arith.constant 1.000000e+00 : f32
    %add3A_122 = vector.broadcast %add3A_121 : f32 to vector<300x96xf32>
    %add3A_123 = arith.addf %floor3A_89, %add3A_122 : vector<300x96xf32>
    %ge3A_124 = arith.constant 0.000000e+00 : f32
    %ge3A_125 = vector.broadcast %ge3A_124 : f32 to vector<300x96xf32>
    %ge3A_126 = arith.cmpf oge, %add3A_123, %ge3A_125 : vector<300x96xf32>
    %add3A_127 = arith.constant 1.000000e+00 : f32
    %add3A_128 = vector.broadcast %add3A_127 : f32 to vector<300x96xf32>
    %add3A_129 = arith.addf %floor3A_89, %add3A_128 : vector<300x96xf32>
    %broadcast_in_dim3A_130 = vector.shape_cast %get3A_62 : vector<96xf32> to vector<1x96xf32>
    %lt3A_131 = vector.broadcast %broadcast_in_dim3A_130 : vector<1x96xf32> to vector<300x96xf32>
    %lt3A_132 = arith.cmpf olt, %add3A_129, %lt3A_131 : vector<300x96xf32>
    %and3A_133 = arith.andi %ge3A_126, %lt3A_132 : vector<300x96xi1>
    %convert_element_type3A_134 = arith.extui %and3A_133 : vector<300x96xi1> to vector<300x96xi32>
    %convert_element_type3A_135 = arith.sitofp %convert_element_type3A_134 : vector<300x96xi32> to vector<300x96xf32>
    %sub3A_136 = arith.constant 1.000000e+00 : f32
    %sub3A_137 = vector.broadcast %sub3A_136 : f32 to vector<96xf32>
    %sub3A_138 = arith.subf %get3A_58, %sub3A_137 : vector<96xf32>
    %jit3A_139 = arith.constant 0.000000e+00 : f32
    %max3A_140 = vector.broadcast %jit3A_139 : f32 to vector<300x96xf32>
    %max3A_141 = arith.maximumf %max3A_140, %floor3A : vector<300x96xf32>
    %broadcast_in_dim3A_142 = vector.shape_cast %sub3A_138 : vector<96xf32> to vector<1x96xf32>
    %min3A_143 = vector.broadcast %broadcast_in_dim3A_142 : vector<1x96xf32> to vector<300x96xf32>
    %min3A_144 = arith.minimumf %min3A_143, %max3A_141 : vector<300x96xf32>
    %add3A_145 = arith.constant 1.000000e+00 : f32
    %add3A_146 = vector.broadcast %add3A_145 : f32 to vector<300x96xf32>
    %add3A_147 = arith.addf %floor3A, %add3A_146 : vector<300x96xf32>
    %sub3A_148 = arith.constant 1.000000e+00 : f32
    %sub3A_149 = vector.broadcast %sub3A_148 : f32 to vector<96xf32>
    %sub3A_150 = arith.subf %get3A_58, %sub3A_149 : vector<96xf32>
    %jit3A_151 = arith.constant 0.000000e+00 : f32
    %max3A_152 = vector.broadcast %jit3A_151 : f32 to vector<300x96xf32>
    %max3A_153 = arith.maximumf %max3A_152, %add3A_147 : vector<300x96xf32>
    %broadcast_in_dim3A_154 = vector.shape_cast %sub3A_150 : vector<96xf32> to vector<1x96xf32>
    %min3A_155 = vector.broadcast %broadcast_in_dim3A_154 : vector<1x96xf32> to vector<300x96xf32>
    %min3A_156 = arith.minimumf %min3A_155, %max3A_153 : vector<300x96xf32>
    %sub3A_157 = arith.constant 1.000000e+00 : f32
    %sub3A_158 = vector.broadcast %sub3A_157 : f32 to vector<96xf32>
    %sub3A_159 = arith.subf %get3A_62, %sub3A_158 : vector<96xf32>
    %jit3A_160 = arith.constant 0.000000e+00 : f32
    %max3A_161 = vector.broadcast %jit3A_160 : f32 to vector<300x96xf32>
    %max3A_162 = arith.maximumf %max3A_161, %floor3A_89 : vector<300x96xf32>
    %broadcast_in_dim3A_163 = vector.shape_cast %sub3A_159 : vector<96xf32> to vector<1x96xf32>
    %min3A_164 = vector.broadcast %broadcast_in_dim3A_163 : vector<1x96xf32> to vector<300x96xf32>
    %min3A_165 = arith.minimumf %min3A_164, %max3A_162 : vector<300x96xf32>
    %add3A_166 = arith.constant 1.000000e+00 : f32
    %add3A_167 = vector.broadcast %add3A_166 : f32 to vector<300x96xf32>
    %add3A_168 = arith.addf %floor3A_89, %add3A_167 : vector<300x96xf32>
    %sub3A_169 = arith.constant 1.000000e+00 : f32
    %sub3A_170 = vector.broadcast %sub3A_169 : f32 to vector<96xf32>
    %sub3A_171 = arith.subf %get3A_62, %sub3A_170 : vector<96xf32>
    %jit3A_172 = arith.constant 0.000000e+00 : f32
    %max3A_173 = vector.broadcast %jit3A_172 : f32 to vector<300x96xf32>
    %max3A_174 = arith.maximumf %max3A_173, %add3A_168 : vector<300x96xf32>
    %broadcast_in_dim3A_175 = vector.shape_cast %sub3A_171 : vector<96xf32> to vector<1x96xf32>
    %min3A_176 = vector.broadcast %broadcast_in_dim3A_175 : vector<1x96xf32> to vector<300x96xf32>
    %min3A_177 = arith.minimumf %min3A_176, %max3A_174 : vector<300x96xf32>
    %sub3A_178 = arith.constant 1.000000e+00 : f32
    %sub3A_179 = vector.broadcast %sub3A_178 : f32 to vector<300x96xf32>
    %sub3A_180 = arith.subf %sub3A_179, %sub3A_90 : vector<300x96xf32>
    %mul3A_181 = arith.mulf %sub3A_180, %convert_element_type3A_96 : vector<300x96xf32>
    %mul3A_182 = arith.mulf %sub3A_90, %convert_element_type3A_111 : vector<300x96xf32>
    %sub3A_183 = arith.constant 1.000000e+00 : f32
    %sub3A_184 = vector.broadcast %sub3A_183 : f32 to vector<300x96xf32>
    %sub3A_185 = arith.subf %sub3A_184, %sub3A_91 : vector<300x96xf32>
    %mul3A_186 = arith.mulf %sub3A_185, %convert_element_type3A_120 : vector<300x96xf32>
    %mul3A_187 = arith.mulf %sub3A_91, %convert_element_type3A_135 : vector<300x96xf32>
    %convert_element_type3A_188 = arith.sitofp %arg0 : i32 to f32
    %mul3A_189 = arith.constant 6.720000e+04 : f32
    %mul3A_190 = arith.mulf %convert_element_type3A_188, %mul3A_189 : f32
    %add3A_191 = vector.broadcast %mul3A_190 : f32 to vector<96xf32>
    %add3A_192 = arith.addf %add3A_191, %get3A_66 : vector<96xf32>
    %broadcast_in_dim3A_193 = vector.shape_cast %get3A_58 : vector<96xf32> to vector<1x96xf32>
    %mul3A_194 = vector.broadcast %broadcast_in_dim3A_193 : vector<1x96xf32> to vector<300x96xf32>
    %mul3A_195 = arith.mulf %min3A_165, %mul3A_194 : vector<300x96xf32>
    %add3A_196 = arith.addf %mul3A_195, %min3A_144 : vector<300x96xf32>
    %mul3A_197 = arith.constant 8.000000e+00 : f32
    %mul3A_198 = vector.broadcast %mul3A_197 : f32 to vector<300x96xf32>
    %mul3A_199 = arith.mulf %add3A_196, %mul3A_198 : vector<300x96xf32>
    %broadcast_in_dim3A_200 = vector.shape_cast %add3A_192 : vector<96xf32> to vector<1x96xf32>
    %add3A_201 = vector.broadcast %broadcast_in_dim3A_200 : vector<1x96xf32> to vector<300x96xf32>
    %add3A_202 = arith.addf %add3A_201, %mul3A_199 : vector<300x96xf32>
    %broadcast_in_dim3A_203 = vector.shape_cast %get3A_58 : vector<96xf32> to vector<1x96xf32>
    %mul3A_204 = vector.broadcast %broadcast_in_dim3A_203 : vector<1x96xf32> to vector<300x96xf32>
    %mul3A_205 = arith.mulf %min3A_165, %mul3A_204 : vector<300x96xf32>
    %add3A_206 = arith.addf %mul3A_205, %min3A_156 : vector<300x96xf32>
    %mul3A_207 = arith.constant 8.000000e+00 : f32
    %mul3A_208 = vector.broadcast %mul3A_207 : f32 to vector<300x96xf32>
    %mul3A_209 = arith.mulf %add3A_206, %mul3A_208 : vector<300x96xf32>
    %broadcast_in_dim3A_210 = vector.shape_cast %add3A_192 : vector<96xf32> to vector<1x96xf32>
    %add3A_211 = vector.broadcast %broadcast_in_dim3A_210 : vector<1x96xf32> to vector<300x96xf32>
    %add3A_212 = arith.addf %add3A_211, %mul3A_209 : vector<300x96xf32>
    %broadcast_in_dim3A_213 = vector.shape_cast %get3A_58 : vector<96xf32> to vector<1x96xf32>
    %mul3A_214 = vector.broadcast %broadcast_in_dim3A_213 : vector<1x96xf32> to vector<300x96xf32>
    %mul3A_215 = arith.mulf %min3A_177, %mul3A_214 : vector<300x96xf32>
    %add3A_216 = arith.addf %mul3A_215, %min3A_144 : vector<300x96xf32>
    %mul3A_217 = arith.constant 8.000000e+00 : f32
    %mul3A_218 = vector.broadcast %mul3A_217 : f32 to vector<300x96xf32>
    %mul3A_219 = arith.mulf %add3A_216, %mul3A_218 : vector<300x96xf32>
    %broadcast_in_dim3A_220 = vector.shape_cast %add3A_192 : vector<96xf32> to vector<1x96xf32>
    %add3A_221 = vector.broadcast %broadcast_in_dim3A_220 : vector<1x96xf32> to vector<300x96xf32>
    %add3A_222 = arith.addf %add3A_221, %mul3A_219 : vector<300x96xf32>
    %broadcast_in_dim3A_223 = vector.shape_cast %get3A_58 : vector<96xf32> to vector<1x96xf32>
    %mul3A_224 = vector.broadcast %broadcast_in_dim3A_223 : vector<1x96xf32> to vector<300x96xf32>
    %mul3A_225 = arith.mulf %min3A_177, %mul3A_224 : vector<300x96xf32>
    %add3A_226 = arith.addf %mul3A_225, %min3A_156 : vector<300x96xf32>
    %mul3A_227 = arith.constant 8.000000e+00 : f32
    %mul3A_228 = vector.broadcast %mul3A_227 : f32 to vector<300x96xf32>
    %mul3A_229 = arith.mulf %add3A_226, %mul3A_228 : vector<300x96xf32>
    %broadcast_in_dim3A_230 = vector.shape_cast %add3A_192 : vector<96xf32> to vector<1x96xf32>
    %add3A_231 = vector.broadcast %broadcast_in_dim3A_230 : vector<1x96xf32> to vector<300x96xf32>
    %add3A_232 = arith.addf %add3A_231, %mul3A_229 : vector<300x96xf32>
    %mul3A_233 = arith.mulf %div3A, %mul3A_186 : vector<300x96xf32>
    %mul3A_234 = arith.mulf %mul3A_233, %mul3A_181 : vector<300x96xf32>
    %mul3A_235 = arith.mulf %div3A, %mul3A_186 : vector<300x96xf32>
    %mul3A_236 = arith.mulf %mul3A_235, %mul3A_182 : vector<300x96xf32>
    %mul3A_237 = arith.mulf %div3A, %mul3A_187 : vector<300x96xf32>
    %mul3A_238 = arith.mulf %mul3A_237, %mul3A_181 : vector<300x96xf32>
    %mul3A_239 = arith.mulf %div3A, %mul3A_187 : vector<300x96xf32>
    %mul3A_240 = arith.mulf %mul3A_239, %mul3A_182 : vector<300x96xf32>
    %convert_element_type3A_241 = arith.fptosi %add3A_202 : vector<300x96xf32> to vector<300x96xi32>
    %swap3A = arith.constant 0 : index
    %swap3A_242 = arith.constant 0 : index
    %swap3A_243 = arith.constant 0 : index
    %swap3A_244 = vector.load %arg14[%swap3A, %swap3A_242, %swap3A_243] : memref<1x300x384xi32, #tpu.memory_space<vmem>>, vector<1x300x96xi32>
    %swap3A_245 = vector.shape_cast %swap3A_244 : vector<1x300x96xi32> to vector<300x96xi32>
    %swap3A_246 = vector.shape_cast %convert_element_type3A_241 : vector<300x96xi32> to vector<1x300x96xi32>
    tpu.vector_store %arg14[%swap3A, %swap3A_242, %swap3A_243], %swap3A_246 {strides = array<i32>} : memref<1x300x384xi32, #tpu.memory_space<vmem>>, vector<1x300x96xi32>,
    %convert_element_type3A_247 = arith.fptosi %add3A_212 : vector<300x96xf32> to vector<300x96xi32>
    %swap3A_248 = arith.constant 0 : index
    %swap3A_249 = arith.constant 0 : index
    %swap3A_250 = arith.constant 96 : index
    %swap3A_251 = vector.load %arg14[%swap3A_248, %swap3A_249, %swap3A_250] : memref<1x300x384xi32, #tpu.memory_space<vmem>>, vector<1x300x96xi32>
    %swap3A_252 = vector.shape_cast %swap3A_251 : vector<1x300x96xi32> to vector<300x96xi32>
    %swap3A_253 = vector.shape_cast %convert_element_type3A_247 : vector<300x96xi32> to vector<1x300x96xi32>
    tpu.vector_store %arg14[%swap3A_248, %swap3A_249, %swap3A_250], %swap3A_253 {strides = array<i32>} : memref<1x300x384xi32, #tpu.memory_space<vmem>>, vector<1x300x96xi32>,
    %convert_element_type3A_254 = arith.fptosi %add3A_222 : vector<300x96xf32> to vector<300x96xi32>
    %swap3A_255 = arith.constant 0 : index
    %swap3A_256 = arith.constant 0 : index
    %swap3A_257 = arith.constant 192 : index
    %swap3A_258 = vector.load %arg14[%swap3A_255, %swap3A_256, %swap3A_257] : memref<1x300x384xi32, #tpu.memory_space<vmem>>, vector<1x300x96xi32>
    %swap3A_259 = vector.shape_cast %swap3A_258 : vector<1x300x96xi32> to vector<300x96xi32>
    %swap3A_260 = vector.shape_cast %convert_element_type3A_254 : vector<300x96xi32> to vector<1x300x96xi32>
    tpu.vector_store %arg14[%swap3A_255, %swap3A_256, %swap3A_257], %swap3A_260 {strides = array<i32>} : memref<1x300x384xi32, #tpu.memory_space<vmem>>, vector<1x300x96xi32>,
    %convert_element_type3A_261 = arith.fptosi %add3A_232 : vector<300x96xf32> to vector<300x96xi32>
    %swap3A_262 = arith.constant 0 : index
    %swap3A_263 = arith.constant 0 : index
    %swap3A_264 = arith.constant 288 : index
    %swap3A_265 = vector.load %arg14[%swap3A_262, %swap3A_263, %swap3A_264] : memref<1x300x384xi32, #tpu.memory_space<vmem>>, vector<1x300x96xi32>
    %swap3A_266 = vector.shape_cast %swap3A_265 : vector<1x300x96xi32> to vector<300x96xi32>
    %swap3A_267 = vector.shape_cast %convert_element_type3A_261 : vector<300x96xi32> to vector<1x300x96xi32>
    tpu.vector_store %arg14[%swap3A_262, %swap3A_263, %swap3A_264], %swap3A_267 {strides = array<i32>} : memref<1x300x384xi32, #tpu.memory_space<vmem>>, vector<1x300x96xi32>,
    %slice3A = vector.extract_strided_slice %mul3A_234 {offsets = [0, 0], sizes = [300, 12], strides = [1, 1]} : vector<300x96xf32> to vector<300x12xf32>
    %swap3A_268 = arith.constant 0 : index
    %swap3A_269 = arith.constant 0 : index
    %swap3A_270 = arith.constant 0 : index
    %swap3A_271 = vector.load %arg15[%swap3A_268, %swap3A_269, %swap3A_270] : memref<1x300x384xf32, #tpu.memory_space<vmem>>, vector<1x300x12xf32>
    %swap3A_272 = vector.shape_cast %swap3A_271 : vector<1x300x12xf32> to vector<300x12xf32>
    %swap3A_273 = vector.shape_cast %slice3A : vector<300x12xf32> to vector<1x300x12xf32>
    tpu.vector_store %arg15[%swap3A_268, %swap3A_269, %swap3A_270], %swap3A_273 {strides = array<i32>} : memref<1x300x384xf32, #tpu.memory_space<vmem>>, vector<1x300x12xf32>,
    %slice3A_274 = vector.extract_strided_slice %mul3A_234 {offsets = [0, 12], sizes = [300, 12], strides = [1, 1]} : vector<300x96xf32> to vector<300x12xf32>
    %swap3A_275 = arith.constant 0 : index
    %swap3A_276 = arith.constant 0 : index
    %swap3A_277 = arith.constant 48 : index
    %swap3A_278 = vector.load %arg15[%swap3A_275, %swap3A_276, %swap3A_277] : memref<1x300x384xf32, #tpu.memory_space<vmem>>, vector<1x300x12xf32>
    %swap3A_279 = vector.shape_cast %swap3A_278 : vector<1x300x12xf32> to vector<300x12xf32>
    %swap3A_280 = vector.shape_cast %slice3A_274 : vector<300x12xf32> to vector<1x300x12xf32>
    tpu.vector_store %arg15[%swap3A_275, %swap3A_276, %swap3A_277], %swap3A_280 {strides = array<i32>} : memref<1x300x384xf32, #tpu.memory_space<vmem>>, vector<1x300x12xf32>,
    %slice3A_281 = vector.extract_strided_slice %mul3A_234 {offsets = [0, 24], sizes = [300, 12], strides = [1, 1]} : vector<300x96xf32> to vector<300x12xf32>
    %swap3A_282 = arith.constant 0 : index
    %swap3A_283 = arith.constant 0 : index
    %swap3A_284 = arith.constant 96 : index
    %swap3A_285 = vector.load %arg15[%swap3A_282, %swap3A_283, %swap3A_284] : memref<1x300x384xf32, #tpu.memory_space<vmem>>, vector<1x300x12xf32>
    %swap3A_286 = vector.shape_cast %swap3A_285 : vector<1x300x12xf32> to vector<300x12xf32>
    %swap3A_287 = vector.shape_cast %slice3A_281 : vector<300x12xf32> to vector<1x300x12xf32>
    tpu.vector_store %arg15[%swap3A_282, %swap3A_283, %swap3A_284], %swap3A_287 {strides = array<i32>} : memref<1x300x384xf32, #tpu.memory_space<vmem>>, vector<1x300x12xf32>,
    %slice3A_288 = vector.extract_strided_slice %mul3A_234 {offsets = [0, 36], sizes = [300, 12], strides = [1, 1]} : vector<300x96xf32> to vector<300x12xf32>
    %swap3A_289 = arith.constant 0 : index
    %swap3A_290 = arith.constant 0 : index
    %swap3A_291 = arith.constant 144 : index
    %swap3A_292 = vector.load %arg15[%swap3A_289, %swap3A_290, %swap3A_291] : memref<1x300x384xf32, #tpu.memory_space<vmem>>, vector<1x300x12xf32>
    %swap3A_293 = vector.shape_cast %swap3A_292 : vector<1x300x12xf32> to vector<300x12xf32>
    %swap3A_294 = vector.shape_cast %slice3A_288 : vector<300x12xf32> to vector<1x300x12xf32>
    tpu.vector_store %arg15[%swap3A_289, %swap3A_290, %swap3A_291], %swap3A_294 {strides = array<i32>} : memref<1x300x384xf32, #tpu.memory_space<vmem>>, vector<1x300x12xf32>,
    %slice3A_295 = vector.extract_strided_slice %mul3A_234 {offsets = [0, 48], sizes = [300, 12], strides = [1, 1]} : vector<300x96xf32> to vector<300x12xf32>
    %swap3A_296 = arith.constant 0 : index
    %swap3A_297 = arith.constant 0 : index
    %swap3A_298 = arith.constant 192 : index
    %swap3A_299 = vector.load %arg15[%swap3A_296, %swap3A_297, %swap3A_298] : memref<1x300x384xf32, #tpu.memory_space<vmem>>, vector<1x300x12xf32>
    %swap3A_300 = vector.shape_cast %swap3A_299 : vector<1x300x12xf32> to vector<300x12xf32>
    %swap3A_301 = vector.shape_cast %slice3A_295 : vector<300x12xf32> to vector<1x300x12xf32>
    tpu.vector_store %arg15[%swap3A_296, %swap3A_297, %swap3A_298], %swap3A_301 {strides = array<i32>} : memref<1x300x384xf32, #tpu.memory_space<vmem>>, vector<1x300x12xf32>,
    %slice3A_302 = vector.extract_strided_slice %mul3A_234 {offsets = [0, 60], sizes = [300, 12], strides = [1, 1]} : vector<300x96xf32> to vector<300x12xf32>
    %swap3A_303 = arith.constant 0 : index
    %swap3A_304 = arith.constant 0 : index
    %swap3A_305 = arith.constant 240 : index
    %swap3A_306 = vector.load %arg15[%swap3A_303, %swap3A_304, %swap3A_305] : memref<1x300x384xf32, #tpu.memory_space<vmem>>, vector<1x300x12xf32>
    %swap3A_307 = vector.shape_cast %swap3A_306 : vector<1x300x12xf32> to vector<300x12xf32>
    %swap3A_308 = vector.shape_cast %slice3A_302 : vector<300x12xf32> to vector<1x300x12xf32>
    tpu.vector_store %arg15[%swap3A_303, %swap3A_304, %swap3A_305], %swap3A_308 {strides = array<i32>} : memref<1x300x384xf32, #tpu.memory_space<vmem>>, vector<1x300x12xf32>,
    %slice3A_309 = vector.extract_strided_slice %mul3A_234 {offsets = [0, 72], sizes = [300, 12], strides = [1, 1]} : vector<300x96xf32> to vector<300x12xf32>
    %swap3A_310 = arith.constant 0 : index
    %swap3A_311 = arith.constant 0 : index
    %swap3A_312 = arith.constant 288 : index
    %swap3A_313 = vector.load %arg15[%swap3A_310, %swap3A_311, %swap3A_312] : memref<1x300x384xf32, #tpu.memory_space<vmem>>, vector<1x300x12xf32>
    %swap3A_314 = vector.shape_cast %swap3A_313 : vector<1x300x12xf32> to vector<300x12xf32>
    %swap3A_315 = vector.shape_cast %slice3A_309 : vector<300x12xf32> to vector<1x300x12xf32>
    tpu.vector_store %arg15[%swap3A_310, %swap3A_311, %swap3A_312], %swap3A_315 {strides = array<i32>} : memref<1x300x384xf32, #tpu.memory_space<vmem>>, vector<1x300x12xf32>,
    %slice3A_316 = vector.extract_strided_slice %mul3A_234 {offsets = [0, 84], sizes = [300, 12], strides = [1, 1]} : vector<300x96xf32> to vector<300x12xf32>
    %swap3A_317 = arith.constant 0 : index
    %swap3A_318 = arith.constant 0 : index
    %swap3A_319 = arith.constant 336 : index
    %swap3A_320 = vector.load %arg15[%swap3A_317, %swap3A_318, %swap3A_319] : memref<1x300x384xf32, #tpu.memory_space<vmem>>, vector<1x300x12xf32>
    %swap3A_321 = vector.shape_cast %swap3A_320 : vector<1x300x12xf32> to vector<300x12xf32>
    %swap3A_322 = vector.shape_cast %slice3A_316 : vector<300x12xf32> to vector<1x300x12xf32>
    tpu.vector_store %arg15[%swap3A_317, %swap3A_318, %swap3A_319], %swap3A_322 {strides = array<i32>} : memref<1x300x384xf32, #tpu.memory_space<vmem>>, vector<1x300x12xf32>,
    %slice3A_323 = vector.extract_strided_slice %mul3A_236 {offsets = [0, 0], sizes = [300, 12], strides = [1, 1]} : vector<300x96xf32> to vector<300x12xf32>
    %swap3A_324 = arith.constant 0 : index
    %swap3A_325 = arith.constant 0 : index
    %swap3A_326 = arith.constant 12 : index
    %swap3A_327 = vector.load %arg15[%swap3A_324, %swap3A_325, %swap3A_326] : memref<1x300x384xf32, #tpu.memory_space<vmem>>, vector<1x300x12xf32>
    %swap3A_328 = vector.shape_cast %swap3A_327 : vector<1x300x12xf32> to vector<300x12xf32>
    %swap3A_329 = vector.shape_cast %slice3A_323 : vector<300x12xf32> to vector<1x300x12xf32>
    tpu.vector_store %arg15[%swap3A_324, %swap3A_325, %swap3A_326], %swap3A_329 {strides = array<i32>} : memref<1x300x384xf32, #tpu.memory_space<vmem>>, vector<1x300x12xf32>,
    %slice3A_330 = vector.extract_strided_slice %mul3A_236 {offsets = [0, 12], sizes = [300, 12], strides = [1, 1]} : vector<300x96xf32> to vector<300x12xf32>
    %swap3A_331 = arith.constant 0 : index
    %swap3A_332 = arith.constant 0 : index
    %swap3A_333 = arith.constant 60 : index
    %swap3A_334 = vector.load %arg15[%swap3A_331, %swap3A_332, %swap3A_333] : memref<1x300x384xf32, #tpu.memory_space<vmem>>, vector<1x300x12xf32>
    %swap3A_335 = vector.shape_cast %swap3A_334 : vector<1x300x12xf32> to vector<300x12xf32>
    %swap3A_336 = vector.shape_cast %slice3A_330 : vector<300x12xf32> to vector<1x300x12xf32>
    tpu.vector_store %arg15[%swap3A_331, %swap3A_332, %swap3A_333], %swap3A_336 {strides = array<i32>} : memref<1x300x384xf32, #tpu.memory_space<vmem>>, vector<1x300x12xf32>,
    %slice3A_337 = vector.extract_strided_slice %mul3A_236 {offsets = [0, 24], sizes = [300, 12], strides = [1, 1]} : vector<300x96xf32> to vector<300x12xf32>
    %swap3A_338 = arith.constant 0 : index
    %swap3A_339 = arith.constant 0 : index
    %swap3A_340 = arith.constant 108 : index
    %swap3A_341 = vector.load %arg15[%swap3A_338, %swap3A_339, %swap3A_340] : memref<1x300x384xf32, #tpu.memory_space<vmem>>, vector<1x300x12xf32>
    %swap3A_342 = vector.shape_cast %swap3A_341 : vector<1x300x12xf32> to vector<300x12xf32>
    %swap3A_343 = vector.shape_cast %slice3A_337 : vector<300x12xf32> to vector<1x300x12xf32>
    tpu.vector_store %arg15[%swap3A_338, %swap3A_339, %swap3A_340], %swap3A_343 {strides = array<i32>} : memref<1x300x384xf32, #tpu.memory_space<vmem>>, vector<1x300x12xf32>,
    %slice3A_344 = vector.extract_strided_slice %mul3A_236 {offsets = [0, 36], sizes = [300, 12], strides = [1, 1]} : vector<300x96xf32> to vector<300x12xf32>
    %swap3A_345 = arith.constant 0 : index
    %swap3A_346 = arith.constant 0 : index
    %swap3A_347 = arith.constant 156 : index
    %swap3A_348 = vector.load %arg15[%swap3A_345, %swap3A_346, %swap3A_347] : memref<1x300x384xf32, #tpu.memory_space<vmem>>, vector<1x300x12xf32>
    %swap3A_349 = vector.shape_cast %swap3A_348 : vector<1x300x12xf32> to vector<300x12xf32>
    %swap3A_350 = vector.shape_cast %slice3A_344 : vector<300x12xf32> to vector<1x300x12xf32>
    tpu.vector_store %arg15[%swap3A_345, %swap3A_346, %swap3A_347], %swap3A_350 {strides = array<i32>} : memref<1x300x384xf32, #tpu.memory_space<vmem>>, vector<1x300x12xf32>,
    %slice3A_351 = vector.extract_strided_slice %mul3A_236 {offsets = [0, 48], sizes = [300, 12], strides = [1, 1]} : vector<300x96xf32> to vector<300x12xf32>
    %swap3A_352 = arith.constant 0 : index
    %swap3A_353 = arith.constant 0 : index
    %swap3A_354 = arith.constant 204 : index
    %swap3A_355 = vector.load %arg15[%swap3A_352, %swap3A_353, %swap3A_354] : memref<1x300x384xf32, #tpu.memory_space<vmem>>, vector<1x300x12xf32>
    %swap3A_356 = vector.shape_cast %swap3A_355 : vector<1x300x12xf32> to vector<300x12xf32>
    %swap3A_357 = vector.shape_cast %slice3A_351 : vector<300x12xf32> to vector<1x300x12xf32>
    tpu.vector_store %arg15[%swap3A_352, %swap3A_353, %swap3A_354], %swap3A_357 {strides = array<i32>} : memref<1x300x384xf32, #tpu.memory_space<vmem>>, vector<1x300x12xf32>,
    %slice3A_358 = vector.extract_strided_slice %mul3A_236 {offsets = [0, 60], sizes = [300, 12], strides = [1, 1]} : vector<300x96xf32> to vector<300x12xf32>
    %swap3A_359 = arith.constant 0 : index
    %swap3A_360 = arith.constant 0 : index
    %swap3A_361 = arith.constant 252 : index
    %swap3A_362 = vector.load %arg15[%swap3A_359, %swap3A_360, %swap3A_361] : memref<1x300x384xf32, #tpu.memory_space<vmem>>, vector<1x300x12xf32>
    %swap3A_363 = vector.shape_cast %swap3A_362 : vector<1x300x12xf32> to vector<300x12xf32>
    %swap3A_364 = vector.shape_cast %slice3A_358 : vector<300x12xf32> to vector<1x300x12xf32>
    tpu.vector_store %arg15[%swap3A_359, %swap3A_360, %swap3A_361], %swap3A_364 {strides = array<i32>} : memref<1x300x384xf32, #tpu.memory_space<vmem>>, vector<1x300x12xf32>,
    %slice3A_365 = vector.extract_strided_slice %mul3A_236 {offsets = [0, 72], sizes = [300, 12], strides = [1, 1]} : vector<300x96xf32> to vector<300x12xf32>
    %swap3A_366 = arith.constant 0 : index
    %swap3A_367 = arith.constant 0 : index
    %swap3A_368 = arith.constant 300 : index
    %swap3A_369 = vector.load %arg15[%swap3A_366, %swap3A_367, %swap3A_368] : memref<1x300x384xf32, #tpu.memory_space<vmem>>, vector<1x300x12xf32>
    %swap3A_370 = vector.shape_cast %swap3A_369 : vector<1x300x12xf32> to vector<300x12xf32>
    %swap3A_371 = vector.shape_cast %slice3A_365 : vector<300x12xf32> to vector<1x300x12xf32>
    tpu.vector_store %arg15[%swap3A_366, %swap3A_367, %swap3A_368], %swap3A_371 {strides = array<i32>} : memref<1x300x384xf32, #tpu.memory_space<vmem>>, vector<1x300x12xf32>,
    %slice3A_372 = vector.extract_strided_slice %mul3A_236 {offsets = [0, 84], sizes = [300, 12], strides = [1, 1]} : vector<300x96xf32> to vector<300x12xf32>
    %swap3A_373 = arith.constant 0 : index
    %swap3A_374 = arith.constant 0 : index
    %swap3A_375 = arith.constant 348 : index
    %swap3A_376 = vector.load %arg15[%swap3A_373, %swap3A_374, %swap3A_375] : memref<1x300x384xf32, #tpu.memory_space<vmem>>, vector<1x300x12xf32>
    %swap3A_377 = vector.shape_cast %swap3A_376 : vector<1x300x12xf32> to vector<300x12xf32>
    %swap3A_378 = vector.shape_cast %slice3A_372 : vector<300x12xf32> to vector<1x300x12xf32>
    tpu.vector_store %arg15[%swap3A_373, %swap3A_374, %swap3A_375], %swap3A_378 {strides = array<i32>} : memref<1x300x384xf32, #tpu.memory_space<vmem>>, vector<1x300x12xf32>,
    %slice3A_379 = vector.extract_strided_slice %mul3A_238 {offsets = [0, 0], sizes = [300, 12], strides = [1, 1]} : vector<300x96xf32> to vector<300x12xf32>
    %swap3A_380 = arith.constant 0 : index
    %swap3A_381 = arith.constant 0 : index
    %swap3A_382 = arith.constant 24 : index
    %swap3A_383 = vector.load %arg15[%swap3A_380, %swap3A_381, %swap3A_382] : memref<1x300x384xf32, #tpu.memory_space<vmem>>, vector<1x300x12xf32>
    %swap3A_384 = vector.shape_cast %swap3A_383 : vector<1x300x12xf32> to vector<300x12xf32>
    %swap3A_385 = vector.shape_cast %slice3A_379 : vector<300x12xf32> to vector<1x300x12xf32>
    tpu.vector_store %arg15[%swap3A_380, %swap3A_381, %swap3A_382], %swap3A_385 {strides = array<i32>} : memref<1x300x384xf32, #tpu.memory_space<vmem>>, vector<1x300x12xf32>,
    %slice3A_386 = vector.extract_strided_slice %mul3A_238 {offsets = [0, 12], sizes = [300, 12], strides = [1, 1]} : vector<300x96xf32> to vector<300x12xf32>
    %swap3A_387 = arith.constant 0 : index
    %swap3A_388 = arith.constant 0 : index
    %swap3A_389 = arith.constant 72 : index
    %swap3A_390 = vector.load %arg15[%swap3A_387, %swap3A_388, %swap3A_389] : memref<1x300x384xf32, #tpu.memory_space<vmem>>, vector<1x300x12xf32>
    %swap3A_391 = vector.shape_cast %swap3A_390 : vector<1x300x12xf32> to vector<300x12xf32>
    %swap3A_392 = vector.shape_cast %slice3A_386 : vector<300x12xf32> to vector<1x300x12xf32>
    tpu.vector_store %arg15[%swap3A_387, %swap3A_388, %swap3A_389], %swap3A_392 {strides = array<i32>} : memref<1x300x384xf32, #tpu.memory_space<vmem>>, vector<1x300x12xf32>,
    %slice3A_393 = vector.extract_strided_slice %mul3A_238 {offsets = [0, 24], sizes = [300, 12], strides = [1, 1]} : vector<300x96xf32> to vector<300x12xf32>
    %swap3A_394 = arith.constant 0 : index
    %swap3A_395 = arith.constant 0 : index
    %swap3A_396 = arith.constant 120 : index
    %swap3A_397 = vector.load %arg15[%swap3A_394, %swap3A_395, %swap3A_396] : memref<1x300x384xf32, #tpu.memory_space<vmem>>, vector<1x300x12xf32>
    %swap3A_398 = vector.shape_cast %swap3A_397 : vector<1x300x12xf32> to vector<300x12xf32>
    %swap3A_399 = vector.shape_cast %slice3A_393 : vector<300x12xf32> to vector<1x300x12xf32>
    tpu.vector_store %arg15[%swap3A_394, %swap3A_395, %swap3A_396], %swap3A_399 {strides = array<i32>} : memref<1x300x384xf32, #tpu.memory_space<vmem>>, vector<1x300x12xf32>,
    %slice3A_400 = vector.extract_strided_slice %mul3A_238 {offsets = [0, 36], sizes = [300, 12], strides = [1, 1]} : vector<300x96xf32> to vector<300x12xf32>
    %swap3A_401 = arith.constant 0 : index
    %swap3A_402 = arith.constant 0 : index
    %swap3A_403 = arith.constant 168 : index
    %swap3A_404 = vector.load %arg15[%swap3A_401, %swap3A_402, %swap3A_403] : memref<1x300x384xf32, #tpu.memory_space<vmem>>, vector<1x300x12xf32>
    %swap3A_405 = vector.shape_cast %swap3A_404 : vector<1x300x12xf32> to vector<300x12xf32>
    %swap3A_406 = vector.shape_cast %slice3A_400 : vector<300x12xf32> to vector<1x300x12xf32>
    tpu.vector_store %arg15[%swap3A_401, %swap3A_402, %swap3A_403], %swap3A_406 {strides = array<i32>} : memref<1x300x384xf32, #tpu.memory_space<vmem>>, vector<1x300x12xf32>,
    %slice3A_407 = vector.extract_strided_slice %mul3A_238 {offsets = [0, 48], sizes = [300, 12], strides = [1, 1]} : vector<300x96xf32> to vector<300x12xf32>
    %swap3A_408 = arith.constant 0 : index
    %swap3A_409 = arith.constant 0 : index
    %swap3A_410 = arith.constant 216 : index
    %swap3A_411 = vector.load %arg15[%swap3A_408, %swap3A_409, %swap3A_410] : memref<1x300x384xf32, #tpu.memory_space<vmem>>, vector<1x300x12xf32>
    %swap3A_412 = vector.shape_cast %swap3A_411 : vector<1x300x12xf32> to vector<300x12xf32>
    %swap3A_413 = vector.shape_cast %slice3A_407 : vector<300x12xf32> to vector<1x300x12xf32>
    tpu.vector_store %arg15[%swap3A_408, %swap3A_409, %swap3A_410], %swap3A_413 {strides = array<i32>} : memref<1x300x384xf32, #tpu.memory_space<vmem>>, vector<1x300x12xf32>,
    %slice3A_414 = vector.extract_strided_slice %mul3A_238 {offsets = [0, 60], sizes = [300, 12], strides = [1, 1]} : vector<300x96xf32> to vector<300x12xf32>
    %swap3A_415 = arith.constant 0 : index
    %swap3A_416 = arith.constant 0 : index
    %swap3A_417 = arith.constant 264 : index
    %swap3A_418 = vector.load %arg15[%swap3A_415, %swap3A_416, %swap3A_417] : memref<1x300x384xf32, #tpu.memory_space<vmem>>, vector<1x300x12xf32>
    %swap3A_419 = vector.shape_cast %swap3A_418 : vector<1x300x12xf32> to vector<300x12xf32>
    %swap3A_420 = vector.shape_cast %slice3A_414 : vector<300x12xf32> to vector<1x300x12xf32>
    tpu.vector_store %arg15[%swap3A_415, %swap3A_416, %swap3A_417], %swap3A_420 {strides = array<i32>} : memref<1x300x384xf32, #tpu.memory_space<vmem>>, vector<1x300x12xf32>,
    %slice3A_421 = vector.extract_strided_slice %mul3A_238 {offsets = [0, 72], sizes = [300, 12], strides = [1, 1]} : vector<300x96xf32> to vector<300x12xf32>
    %swap3A_422 = arith.constant 0 : index
    %swap3A_423 = arith.constant 0 : index
    %swap3A_424 = arith.constant 312 : index
    %swap3A_425 = vector.load %arg15[%swap3A_422, %swap3A_423, %swap3A_424] : memref<1x300x384xf32, #tpu.memory_space<vmem>>, vector<1x300x12xf32>
    %swap3A_426 = vector.shape_cast %swap3A_425 : vector<1x300x12xf32> to vector<300x12xf32>
    %swap3A_427 = vector.shape_cast %slice3A_421 : vector<300x12xf32> to vector<1x300x12xf32>
    tpu.vector_store %arg15[%swap3A_422, %swap3A_423, %swap3A_424], %swap3A_427 {strides = array<i32>} : memref<1x300x384xf32, #tpu.memory_space<vmem>>, vector<1x300x12xf32>,
    %slice3A_428 = vector.extract_strided_slice %mul3A_238 {offsets = [0, 84], sizes = [300, 12], strides = [1, 1]} : vector<300x96xf32> to vector<300x12xf32>
    %swap3A_429 = arith.constant 0 : index
    %swap3A_430 = arith.constant 0 : index
    %swap3A_431 = arith.constant 360 : index
    %swap3A_432 = vector.load %arg15[%swap3A_429, %swap3A_430, %swap3A_431] : memref<1x300x384xf32, #tpu.memory_space<vmem>>, vector<1x300x12xf32>
    %swap3A_433 = vector.shape_cast %swap3A_432 : vector<1x300x12xf32> to vector<300x12xf32>
    %swap3A_434 = vector.shape_cast %slice3A_428 : vector<300x12xf32> to vector<1x300x12xf32>
    tpu.vector_store %arg15[%swap3A_429, %swap3A_430, %swap3A_431], %swap3A_434 {strides = array<i32>} : memref<1x300x384xf32, #tpu.memory_space<vmem>>, vector<1x300x12xf32>,
    %slice3A_435 = vector.extract_strided_slice %mul3A_240 {offsets = [0, 0], sizes = [300, 12], strides = [1, 1]} : vector<300x96xf32> to vector<300x12xf32>
    %swap3A_436 = arith.constant 0 : index
    %swap3A_437 = arith.constant 0 : index
    %swap3A_438 = arith.constant 36 : index
    %swap3A_439 = vector.load %arg15[%swap3A_436, %swap3A_437, %swap3A_438] : memref<1x300x384xf32, #tpu.memory_space<vmem>>, vector<1x300x12xf32>
    %swap3A_440 = vector.shape_cast %swap3A_439 : vector<1x300x12xf32> to vector<300x12xf32>
    %swap3A_441 = vector.shape_cast %slice3A_435 : vector<300x12xf32> to vector<1x300x12xf32>
    tpu.vector_store %arg15[%swap3A_436, %swap3A_437, %swap3A_438], %swap3A_441 {strides = array<i32>} : memref<1x300x384xf32, #tpu.memory_space<vmem>>, vector<1x300x12xf32>,
    %slice3A_442 = vector.extract_strided_slice %mul3A_240 {offsets = [0, 12], sizes = [300, 12], strides = [1, 1]} : vector<300x96xf32> to vector<300x12xf32>
    %swap3A_443 = arith.constant 0 : index
    %swap3A_444 = arith.constant 0 : index
    %swap3A_445 = arith.constant 84 : index
    %swap3A_446 = vector.load %arg15[%swap3A_443, %swap3A_444, %swap3A_445] : memref<1x300x384xf32, #tpu.memory_space<vmem>>, vector<1x300x12xf32>
    %swap3A_447 = vector.shape_cast %swap3A_446 : vector<1x300x12xf32> to vector<300x12xf32>
    %swap3A_448 = vector.shape_cast %slice3A_442 : vector<300x12xf32> to vector<1x300x12xf32>
    tpu.vector_store %arg15[%swap3A_443, %swap3A_444, %swap3A_445], %swap3A_448 {strides = array<i32>} : memref<1x300x384xf32, #tpu.memory_space<vmem>>, vector<1x300x12xf32>,
    %slice3A_449 = vector.extract_strided_slice %mul3A_240 {offsets = [0, 24], sizes = [300, 12], strides = [1, 1]} : vector<300x96xf32> to vector<300x12xf32>
    %swap3A_450 = arith.constant 0 : index
    %swap3A_451 = arith.constant 0 : index
    %swap3A_452 = arith.constant 132 : index
    %swap3A_453 = vector.load %arg15[%swap3A_450, %swap3A_451, %swap3A_452] : memref<1x300x384xf32, #tpu.memory_space<vmem>>, vector<1x300x12xf32>
    %swap3A_454 = vector.shape_cast %swap3A_453 : vector<1x300x12xf32> to vector<300x12xf32>
    %swap3A_455 = vector.shape_cast %slice3A_449 : vector<300x12xf32> to vector<1x300x12xf32>
    tpu.vector_store %arg15[%swap3A_450, %swap3A_451, %swap3A_452], %swap3A_455 {strides = array<i32>} : memref<1x300x384xf32, #tpu.memory_space<vmem>>, vector<1x300x12xf32>,
    %slice3A_456 = vector.extract_strided_slice %mul3A_240 {offsets = [0, 36], sizes = [300, 12], strides = [1, 1]} : vector<300x96xf32> to vector<300x12xf32>
    %swap3A_457 = arith.constant 0 : index
    %swap3A_458 = arith.constant 0 : index
    %swap3A_459 = arith.constant 180 : index
    %swap3A_460 = vector.load %arg15[%swap3A_457, %swap3A_458, %swap3A_459] : memref<1x300x384xf32, #tpu.memory_space<vmem>>, vector<1x300x12xf32>
    %swap3A_461 = vector.shape_cast %swap3A_460 : vector<1x300x12xf32> to vector<300x12xf32>
    %swap3A_462 = vector.shape_cast %slice3A_456 : vector<300x12xf32> to vector<1x300x12xf32>
    tpu.vector_store %arg15[%swap3A_457, %swap3A_458, %swap3A_459], %swap3A_462 {strides = array<i32>} : memref<1x300x384xf32, #tpu.memory_space<vmem>>, vector<1x300x12xf32>,
    %slice3A_463 = vector.extract_strided_slice %mul3A_240 {offsets = [0, 48], sizes = [300, 12], strides = [1, 1]} : vector<300x96xf32> to vector<300x12xf32>
    %swap3A_464 = arith.constant 0 : index
    %swap3A_465 = arith.constant 0 : index
    %swap3A_466 = arith.constant 228 : index
    %swap3A_467 = vector.load %arg15[%swap3A_464, %swap3A_465, %swap3A_466] : memref<1x300x384xf32, #tpu.memory_space<vmem>>, vector<1x300x12xf32>
    %swap3A_468 = vector.shape_cast %swap3A_467 : vector<1x300x12xf32> to vector<300x12xf32>
    %swap3A_469 = vector.shape_cast %slice3A_463 : vector<300x12xf32> to vector<1x300x12xf32>
    tpu.vector_store %arg15[%swap3A_464, %swap3A_465, %swap3A_466], %swap3A_469 {strides = array<i32>} : memref<1x300x384xf32, #tpu.memory_space<vmem>>, vector<1x300x12xf32>,
    %slice3A_470 = vector.extract_strided_slice %mul3A_240 {offsets = [0, 60], sizes = [300, 12], strides = [1, 1]} : vector<300x96xf32> to vector<300x12xf32>
    %swap3A_471 = arith.constant 0 : index
    %swap3A_472 = arith.constant 0 : index
    %swap3A_473 = arith.constant 276 : index
    %swap3A_474 = vector.load %arg15[%swap3A_471, %swap3A_472, %swap3A_473] : memref<1x300x384xf32, #tpu.memory_space<vmem>>, vector<1x300x12xf32>
    %swap3A_475 = vector.shape_cast %swap3A_474 : vector<1x300x12xf32> to vector<300x12xf32>
    %swap3A_476 = vector.shape_cast %slice3A_470 : vector<300x12xf32> to vector<1x300x12xf32>
    tpu.vector_store %arg15[%swap3A_471, %swap3A_472, %swap3A_473], %swap3A_476 {strides = array<i32>} : memref<1x300x384xf32, #tpu.memory_space<vmem>>, vector<1x300x12xf32>,
    %slice3A_477 = vector.extract_strided_slice %mul3A_240 {offsets = [0, 72], sizes = [300, 12], strides = [1, 1]} : vector<300x96xf32> to vector<300x12xf32>
    %swap3A_478 = arith.constant 0 : index
    %swap3A_479 = arith.constant 0 : index
    %swap3A_480 = arith.constant 324 : index
    %swap3A_481 = vector.load %arg15[%swap3A_478, %swap3A_479, %swap3A_480] : memref<1x300x384xf32, #tpu.memory_space<vmem>>, vector<1x300x12xf32>
    %swap3A_482 = vector.shape_cast %swap3A_481 : vector<1x300x12xf32> to vector<300x12xf32>
    %swap3A_483 = vector.shape_cast %slice3A_477 : vector<300x12xf32> to vector<1x300x12xf32>
    tpu.vector_store %arg15[%swap3A_478, %swap3A_479, %swap3A_480], %swap3A_483 {strides = array<i32>} : memref<1x300x384xf32, #tpu.memory_space<vmem>>, vector<1x300x12xf32>,
    %slice3A_484 = vector.extract_strided_slice %mul3A_240 {offsets = [0, 84], sizes = [300, 12], strides = [1, 1]} : vector<300x96xf32> to vector<300x12xf32>
    %swap3A_485 = arith.constant 0 : index
    %swap3A_486 = arith.constant 0 : index
    %swap3A_487 = arith.constant 372 : index
    %swap3A_488 = vector.load %arg15[%swap3A_485, %swap3A_486, %swap3A_487] : memref<1x300x384xf32, #tpu.memory_space<vmem>>, vector<1x300x12xf32>
    %swap3A_489 = vector.shape_cast %swap3A_488 : vector<1x300x12xf32> to vector<300x12xf32>
    %swap3A_490 = vector.shape_cast %slice3A_484 : vector<300x12xf32> to vector<1x300x12xf32>
    tpu.vector_store %arg15[%swap3A_485, %swap3A_486, %swap3A_487], %swap3A_490 {strides = array<i32>} : memref<1x300x384xf32, #tpu.memory_space<vmem>>, vector<1x300x12xf32>,
    return
  }
  func.func @transform_0(%arg0: i32) -> (i32, i32, i32) {
    %c0_i32 = arith.constant 0 : i32
    %c0_i32_0 = arith.constant 0 : i32
    %c0_i32_1 = arith.constant 0 : i32
    return %arg0, %c0_i32, %c0_i32_0 : i32, i32, i32
  }
  func.func @transform_1(%arg0: i32) -> (i32, i32, i32) {
    %c0_i32 = arith.constant 0 : i32
    %c0_i32_0 = arith.constant 0 : i32
    %c0_i32_1 = arith.constant 0 : i32
    return %arg0, %c0_i32, %c0_i32_0 : i32, i32, i32
  }
  func.func @transform_2(%arg0: i32) -> (i32, i32, i32) {
    %c0_i32 = arith.constant 0 : i32
    %c0_i32_0 = arith.constant 0 : i32
    %c0_i32_1 = arith.constant 0 : i32
    return %arg0, %c0_i32, %c0_i32_0 : i32, i32, i32
  }
  func.func @transform_3(%arg0: i32) -> (i32, i32) {
    %c0_i32 = arith.constant 0 : i32
    %c0_i32_0 = arith.constant 0 : i32
    %c0_i32_1 = arith.constant 0 : i32
    return %c0_i32, %c0_i32_0 : i32, i32
  }
  func.func @transform_4(%arg0: i32) -> (i32, i32) {
    %c0_i32 = arith.constant 0 : i32
    %c0_i32_0 = arith.constant 0 : i32
    %c0_i32_1 = arith.constant 0 : i32
    return %c0_i32, %c0_i32_0 : i32, i32
  }
  func.func @transform_5(%arg0: i32) -> (i32, i32) {
    %c0_i32 = arith.constant 0 : i32
    %c0_i32_0 = arith.constant 0 : i32
    %c0_i32_1 = arith.constant 0 : i32
    return %c0_i32, %c0_i32_0 : i32, i32
  }
  func.func @transform_6(%arg0: i32) -> (i32, i32) {
    %c0_i32 = arith.constant 0 : i32
    %c0_i32_0 = arith.constant 0 : i32
    %c0_i32_1 = arith.constant 0 : i32
    return %c0_i32, %c0_i32_0 : i32, i32
  }
  func.func @transform_7(%arg0: i32) -> (i32, i32) {
    %c0_i32 = arith.constant 0 : i32
    %c0_i32_0 = arith.constant 0 : i32
    %c0_i32_1 = arith.constant 0 : i32
    return %c0_i32, %c0_i32_0 : i32, i32
  }
  func.func @transform_8(%arg0: i32) -> (i32, i32) {
    %c0_i32 = arith.constant 0 : i32
    %c0_i32_0 = arith.constant 0 : i32
    %c0_i32_1 = arith.constant 0 : i32
    return %c0_i32, %c0_i32_0 : i32, i32
  }
  func.func @transform_9(%arg0: i32) -> (i32, i32) {
    %c0_i32 = arith.constant 0 : i32
    %c0_i32_0 = arith.constant 0 : i32
    %c0_i32_1 = arith.constant 0 : i32
    return %c0_i32, %c0_i32_0 : i32, i32
  }
  func.func @transform_10(%arg0: i32) -> (i32, i32) {
    %c0_i32 = arith.constant 0 : i32
    %c0_i32_0 = arith.constant 0 : i32
    %c0_i32_1 = arith.constant 0 : i32
    return %c0_i32, %c0_i32_0 : i32, i32
  }
  func.func @transform_11(%arg0: i32) -> (i32, i32) {
    %c0_i32 = arith.constant 0 : i32
    %c0_i32_0 = arith.constant 0 : i32
    %c0_i32_1 = arith.constant 0 : i32
    return %c0_i32, %c0_i32_0 : i32, i32
  }
  func.func @transform_12(%arg0: i32) -> (i32, i32) {
    %c0_i32 = arith.constant 0 : i32
    %c0_i32_0 = arith.constant 0 : i32
    %c0_i32_1 = arith.constant 0 : i32
    return %c0_i32, %c0_i32_0 : i32, i32
  }
  func.func @transform_13(%arg0: i32) -> (i32, i32, i32) {
    %c0_i32 = arith.constant 0 : i32
    %c0_i32_0 = arith.constant 0 : i32
    %c0_i32_1 = arith.constant 0 : i32
    return %arg0, %c0_i32, %c0_i32_0 : i32, i32, i32
  }
  func.func @transform_14(%arg0: i32) -> (i32, i32, i32) {
    %c0_i32 = arith.constant 0 : i32
    %c0_i32_0 = arith.constant 0 : i32
    %c0_i32_1 = arith.constant 0 : i32
    return %arg0, %c0_i32, %c0_i32_0 : i32, i32, i32
  }
}

module attributes {stable_mosaic.version = 14 : i64} {
  func.func @_matmul_pack_kern(%arg0: i32, %arg1: memref<2400x256xf32, #tpu.memory_space<vmem>>, %arg2: memref<256x256xf32, #tpu.memory_space<vmem>>, %arg3: memref<1x256xf32, #tpu.memory_space<vmem>>, %arg4: memref<2400x128xi32, #tpu.memory_space<vmem>>) attributes {dimension_semantics = [#tpu.dimension_semantics<arbitrary>], iteration_bounds = array<i64: 28>, scalar_prefetch = 0 : i64, scratch_operands = 0 : i64, tpu.core_type = #tpu.core_type<tc>, window_params = [{transform_indices = @transform_0, window_bounds = array<i64: 2400, 256>}, {pipeline_mode = #tpu.pipeline_mode<synchronous>, transform_indices = @transform_1, window_bounds = array<i64: 256, 256>}, {pipeline_mode = #tpu.pipeline_mode<synchronous>, transform_indices = @transform_2, window_bounds = array<i64: 1, 256>}, {transform_indices = @transform_3, window_bounds = array<i64: 2400, 128>}]} {
    %get3A = arith.constant 0 : index
    %get3A_0 = arith.constant 0 : index
    %get3A_1 = vector.load %arg1[%get3A, %get3A_0] : memref<2400x256xf32, #tpu.memory_space<vmem>>, vector<2400x256xf32>
    %get3A_2 = arith.constant 0 : index
    %get3A_3 = arith.constant 0 : index
    %get3A_4 = vector.load %arg2[%get3A_2, %get3A_3] : memref<256x256xf32, #tpu.memory_space<vmem>>, vector<256x256xf32>
    %dot_general3A = arith.constant dense<0.000000e+00> : vector<2400x256xf32>
    %dot_general3A_5 = tpu.matmul %get3A_1, %get3A_4, %dot_general3A {dimension_numbers = #tpu.dot_dimension_numbers<[1], [0], [0], [1], [0, 0, 1, 1], [], []>, transpose_lhs_hint = false} : vector<2400x256xf32>, vector<256x256xf32>, vector<2400x256xf32> -> vector<2400x256xf32>
    %get3A_6 = arith.constant 0 : index
    %get3A_7 = arith.constant 0 : index
    %get3A_8 = vector.load %arg3[%get3A_6, %get3A_7] : memref<1x256xf32, #tpu.memory_space<vmem>>, vector<1x256xf32>
    %get3A_9 = vector.shape_cast %get3A_8 : vector<1x256xf32> to vector<256xf32>
    %broadcast_in_dim3A = vector.shape_cast %get3A_9 : vector<256xf32> to vector<1x256xf32>
    %add3A = vector.broadcast %broadcast_in_dim3A : vector<1x256xf32> to vector<2400x256xf32>
    %add3A_10 = arith.addf %dot_general3A_5, %add3A : vector<2400x256xf32>
    %slice3A = vector.extract_strided_slice %add3A_10 {offsets = [0, 0], sizes = [2400, 128], strides = [1, 1]} : vector<2400x256xf32> to vector<2400x128xf32>
    %bitcast_convert_type3A = tpu.bitcast %slice3A : vector<2400x128xf32> -> vector<2400x128xi32>
    %slice3A_11 = vector.extract_strided_slice %add3A_10 {offsets = [0, 128], sizes = [2400, 128], strides = [1, 1]} : vector<2400x256xf32> to vector<2400x128xf32>
    %bitcast_convert_type3A_12 = tpu.bitcast %slice3A_11 : vector<2400x128xf32> -> vector<2400x128xi32>
    %add3A_13 = arith.constant 32767 : i32
    %add3A_14 = vector.broadcast %add3A_13 : i32 to vector<2400x128xi32>
    %add3A_15 = arith.addi %bitcast_convert_type3A, %add3A_14 : vector<2400x128xi32>
    %shift_right_arithmetic3A = arith.constant 16 : i32
    %shift_right_arithmetic3A_16 = vector.broadcast %shift_right_arithmetic3A : i32 to vector<2400x128xi32>
    %shift_right_arithmetic3A_17 = arith.shrsi %bitcast_convert_type3A, %shift_right_arithmetic3A_16 : vector<2400x128xi32>
    %and3A = arith.constant 1 : i32
    %and3A_18 = vector.broadcast %and3A : i32 to vector<2400x128xi32>
    %and3A_19 = arith.andi %shift_right_arithmetic3A_17, %and3A_18 : vector<2400x128xi32>
    %add3A_20 = arith.addi %add3A_15, %and3A_19 : vector<2400x128xi32>
    %add3A_21 = arith.constant 32767 : i32
    %add3A_22 = vector.broadcast %add3A_21 : i32 to vector<2400x128xi32>
    %add3A_23 = arith.addi %bitcast_convert_type3A_12, %add3A_22 : vector<2400x128xi32>
    %shift_right_arithmetic3A_24 = arith.constant 16 : i32
    %shift_right_arithmetic3A_25 = vector.broadcast %shift_right_arithmetic3A_24 : i32 to vector<2400x128xi32>
    %shift_right_arithmetic3A_26 = arith.shrsi %bitcast_convert_type3A_12, %shift_right_arithmetic3A_25 : vector<2400x128xi32>
    %and3A_27 = arith.constant 1 : i32
    %and3A_28 = vector.broadcast %and3A_27 : i32 to vector<2400x128xi32>
    %and3A_29 = arith.andi %shift_right_arithmetic3A_26, %and3A_28 : vector<2400x128xi32>
    %add3A_30 = arith.addi %add3A_23, %and3A_29 : vector<2400x128xi32>
    %shift_right_arithmetic3A_31 = arith.constant 16 : i32
    %shift_right_arithmetic3A_32 = vector.broadcast %shift_right_arithmetic3A_31 : i32 to vector<2400x128xi32>
    %shift_right_arithmetic3A_33 = arith.shrsi %add3A_20, %shift_right_arithmetic3A_32 : vector<2400x128xi32>
    %and3A_34 = arith.constant 65535 : i32
    %and3A_35 = vector.broadcast %and3A_34 : i32 to vector<2400x128xi32>
    %and3A_36 = arith.andi %shift_right_arithmetic3A_33, %and3A_35 : vector<2400x128xi32>
    %and3A_37 = arith.constant -65536 : i32
    %and3A_38 = vector.broadcast %and3A_37 : i32 to vector<2400x128xi32>
    %and3A_39 = arith.andi %add3A_30, %and3A_38 : vector<2400x128xi32>
    %or3A = arith.ori %and3A_36, %and3A_39 : vector<2400x128xi32>
    %swap3A = arith.constant 0 : index
    %swap3A_40 = arith.constant 0 : index
    %swap3A_41 = vector.load %arg4[%swap3A, %swap3A_40] : memref<2400x128xi32, #tpu.memory_space<vmem>>, vector<2400x128xi32>
    tpu.vector_store %arg4[%swap3A, %swap3A_40], %or3A {strides = array<i32>} : memref<2400x128xi32, #tpu.memory_space<vmem>>, vector<2400x128xi32>,
    return
  }
  func.func @transform_0(%arg0: i32) -> (i32, i32) {
    %c0_i32 = arith.constant 0 : i32
    %c0_i32_0 = arith.constant 0 : i32
    return %arg0, %c0_i32 : i32, i32
  }
  func.func @transform_1(%arg0: i32) -> (i32, i32) {
    %c0_i32 = arith.constant 0 : i32
    %c0_i32_0 = arith.constant 0 : i32
    %c0_i32_1 = arith.constant 0 : i32
    return %c0_i32, %c0_i32_0 : i32, i32
  }
  func.func @transform_2(%arg0: i32) -> (i32, i32) {
    %c0_i32 = arith.constant 0 : i32
    %c0_i32_0 = arith.constant 0 : i32
    %c0_i32_1 = arith.constant 0 : i32
    return %c0_i32, %c0_i32_0 : i32, i32
  }
  func.func @transform_3(%arg0: i32) -> (i32, i32) {
    %c0_i32 = arith.constant 0 : i32
    %c0_i32_0 = arith.constant 0 : i32
    return %arg0, %c0_i32 : i32, i32
  }
}

module attributes {stable_mosaic.version = 14 : i64} {
  func.func @_matmul_kern(%arg0: i32, %arg1: memref<1200x256xf32, #tpu.memory_space<vmem>>, %arg2: memref<256x256xf32, #tpu.memory_space<vmem>>, %arg3: memref<1x256xf32, #tpu.memory_space<vmem>>, %arg4: memref<1200x256xf32, #tpu.memory_space<vmem>>) attributes {dimension_semantics = [#tpu.dimension_semantics<arbitrary>], iteration_bounds = array<i64: 2>, scalar_prefetch = 0 : i64, scratch_operands = 0 : i64, tpu.core_type = #tpu.core_type<tc>, window_params = [{transform_indices = @transform_0, window_bounds = array<i64: 1200, 256>}, {pipeline_mode = #tpu.pipeline_mode<synchronous>, transform_indices = @transform_1, window_bounds = array<i64: 256, 256>}, {pipeline_mode = #tpu.pipeline_mode<synchronous>, transform_indices = @transform_2, window_bounds = array<i64: 1, 256>}, {transform_indices = @transform_3, window_bounds = array<i64: 1200, 256>}]} {
    %get3A = arith.constant 0 : index
    %get3A_0 = arith.constant 0 : index
    %get3A_1 = vector.load %arg1[%get3A, %get3A_0] : memref<1200x256xf32, #tpu.memory_space<vmem>>, vector<1200x256xf32>
    %get3A_2 = arith.constant 0 : index
    %get3A_3 = arith.constant 0 : index
    %get3A_4 = vector.load %arg2[%get3A_2, %get3A_3] : memref<256x256xf32, #tpu.memory_space<vmem>>, vector<256x256xf32>
    %dot_general3A = arith.constant dense<0.000000e+00> : vector<1200x256xf32>
    %dot_general3A_5 = tpu.matmul %get3A_1, %get3A_4, %dot_general3A {dimension_numbers = #tpu.dot_dimension_numbers<[1], [0], [0], [1], [0, 0, 1, 1], [], []>, transpose_lhs_hint = false} : vector<1200x256xf32>, vector<256x256xf32>, vector<1200x256xf32> -> vector<1200x256xf32>
    %get3A_6 = arith.constant 0 : index
    %get3A_7 = arith.constant 0 : index
    %get3A_8 = vector.load %arg3[%get3A_6, %get3A_7] : memref<1x256xf32, #tpu.memory_space<vmem>>, vector<1x256xf32>
    %get3A_9 = vector.shape_cast %get3A_8 : vector<1x256xf32> to vector<256xf32>
    %broadcast_in_dim3A = vector.shape_cast %get3A_9 : vector<256xf32> to vector<1x256xf32>
    %add3A = vector.broadcast %broadcast_in_dim3A : vector<1x256xf32> to vector<1200x256xf32>
    %add3A_10 = arith.addf %dot_general3A_5, %add3A : vector<1200x256xf32>
    %swap3A = arith.constant 0 : index
    %swap3A_11 = arith.constant 0 : index
    %swap3A_12 = vector.load %arg4[%swap3A, %swap3A_11] : memref<1200x256xf32, #tpu.memory_space<vmem>>, vector<1200x256xf32>
    tpu.vector_store %arg4[%swap3A, %swap3A_11], %add3A_10 {strides = array<i32>} : memref<1200x256xf32, #tpu.memory_space<vmem>>, vector<1200x256xf32>,
    return
  }
  func.func @transform_0(%arg0: i32) -> (i32, i32) {
    %c0_i32 = arith.constant 0 : i32
    %c0_i32_0 = arith.constant 0 : i32
    return %arg0, %c0_i32 : i32, i32
  }
  func.func @transform_1(%arg0: i32) -> (i32, i32) {
    %c0_i32 = arith.constant 0 : i32
    %c0_i32_0 = arith.constant 0 : i32
    %c0_i32_1 = arith.constant 0 : i32
    return %c0_i32, %c0_i32_0 : i32, i32
  }
  func.func @transform_2(%arg0: i32) -> (i32, i32) {
    %c0_i32 = arith.constant 0 : i32
    %c0_i32_0 = arith.constant 0 : i32
    %c0_i32_1 = arith.constant 0 : i32
    return %c0_i32, %c0_i32_0 : i32, i32
  }
  func.func @transform_3(%arg0: i32) -> (i32, i32) {
    %c0_i32 = arith.constant 0 : i32
    %c0_i32_0 = arith.constant 0 : i32
    return %arg0, %c0_i32 : i32, i32
  }
}

</mosaic_0001>

<sc_bundles>
// kernel: kernel.6.cloned.1.call-start
scs
__scs_entry_jumppad:
0x0: {  	(pc) =	sbr.rel $0x88, $3  }
0x1: {  	(tag) =	ssettag $0x0;
	lr =	simm.s32 $0x1  }
0x2: {  	[smem:$0x3F96] =	sst lr;
	_ =	strace $0xD0000000  }
0x3: {  	_ = 	snop  }
0x4: {  	_ = 	snop  }
0x5: {  	_ = 	snop  }
0x6: {  	_ = 	snop  }
0x7: {  	_ = 	snop  }
__scs_overlays_trampoline_lowered:
0x8: {  	[smem:$0x3FA5] =	sst s0  }
0x9: {  	[smem:$0x3FA6] =	sst s1  }
0xa: {  	[smem:$0x3FA7] =	sst s2  }
0xb: {  	[smem:$0x3FA8] =	sst s3  }
0xc: {  	[smem:$0x3FA9] =	sst s4  }
0xd: {  	[smem:$0x3FAA] =	sst s5  }
0xe: {  	[smem:$0x3FAB] =	sst s6  }
0xf: {  	[smem:$0x3FAC] =	sst s7  }
0x10: {  	[smem:$0x3FAD] =	sst s8  }
0x11: {  	[smem:$0x3FAE] =	sst s9;
	s0 =	simm.s32 @!p0 $0x0  }
0x12: {  	s1 =	sld [smem:$0x3F94];
	s0 =	simm.s32 @p0 $0x1  }
0x13: {  	[smem:$0x3FAF] =	sst s0;
	s0 =	simm.s32 @!p1 $0x0  }
0x14: {  	s2 =	sld [smem:$0x3F93];
	s0 =	simm.s32 @p1 $0x1  }
0x15: {  	[smem:$0x3FB0] =	sst s0;
	s0 =	simm.s32 @!p2 $0x0  }
0x16: {  	s3 =	sld [smem:$0x3FDB];
	s0 =	simm.s32 @p2 $0x1  }
0x17: {  	s4 =	simm.s32 $0x1BF5;
	[smem:$0x3FB2] =	sst s0  }
0x18: {  	s0 =	sld [smem:$0x3F95];
	_ =	swait.ge [sflag:s4], $0x0  }
0x19: {  	s7 =	sld [smem:$0x3F96]  }
0x1a: {  	s8 =	sadd.s32 $0xFFFFE003, lr  }
0x1b: {  	s9 =	sadd.s32 $0xFFFFFEF7, lr;
	s5 =	simm.s32 $0xFFFFFFFF;
	p2 =	slt.u32 s8, $0xFFFFF086  }
0x1c: {  	p1 =	slt.u32 s9, $0xF7A;
	s5 =	simm.s32 @!p2 $0x0  }
0x1d: {  	s5 =	simm.s32 @p1 $0x1;
	p0 =	seq.s32 s7, s2  }
0x1e: {  	s7 =	smul.u32 @!p0 $0xF7A, s2;
	p2 =	seq.s32 @!p0 s5, $0x0  }
0x1f: {  	s9 =	smul.u32 $0xF7A, s1;
	s8 =	simm.s32 @!p0 $0x1BF5;
	p2 =	por !p2, p0  }
0x20: {  	[sflag:s8] =	ssyncset.s32 @!p0 $0xFFFFF086;
	s6 =	sadd.s32 @!p0 s3, s7;
	s7 =	simm.s32 @!p0 $0x108  }
0x21: {  	s3 =	sadd.s32 s3, s9;
	s6 =	sadd.s32 @!p0 $0x88, s6;
	s7 =	simm.s32 @p2 $0x1082  }
0x22: {  	[simem:s7], [sflag:s8] =	dma.local @!p0 [hbm:s6], $0xF7A  }
0x23: {  	s9 =	sor.u32 $0xD0000000, s2;
	s6 =	simm.s32 $0x108;
	_ =	swait.ge @!p0 [sflag:s8], $0x0  }
0x24: {  	s3 =	sadd.s32 $0x88, s3;
	s6 =	simm.s32 @!p1 $0x1082;
	[sflag:s4] =	ssyncset.s32 $0xFFFFF086  }
0x25: {  	[simem:s6], [sflag:s4] =	dma.local [hbm:s3], $0xF7A  }
0x26: {  	[smem:$0x3F96] =	sst s1;
	(tag) =	ssettag s2;
	_ =	strace s9  }
0x27: {  	s1 =	sld [smem:$0x3FA6]  }
0x28: {  	s2 =	sld [smem:$0x3FA7]  }
0x29: {  	s4 =	sld [smem:$0x3FA9]  }
0x2a: {  	p0 =	seq.s32 s5, $0x0;
	s5 =	sld [smem:$0x3FAA]  }
0x2b: {  	s6 =	sld [smem:$0x3FAB]  }
0x2c: {  	s7 =	sld [smem:$0x3FAC]  }
0x2d: {  	s3 =	simm.s32 $0x108;
	s8 =	sld [smem:$0x3FAD]  }
0x2e: {  	s3 =	simm.s32 @!p0 $0x1082;
	s9 =	sld [smem:$0x3FAE]  }
0x2f: {  	lr =	sadd.s32 s0, s3;
	s0 =	sld [smem:$0x3FA5]  }
0x30: {  	s3 =	sld [smem:$0x3FA8]  }
0x31: {  	[smem:$0x3FB1] =	sst s10  }
0x32: {  	s10 =	sld [smem:$0x3FAF];
	_ =	sdelay $0x3  }
0x33: {  	p0 =	seq.s32 s10, $0x1;
	s10 =	sld [smem:$0x3FB1];
	_ =	sdelay $0x3  }
0x34: {  	[smem:$0x3FB1] =	sst s10  }
0x35: {  	s10 =	sld [smem:$0x3FB0];
	_ =	sdelay $0x3  }
0x36: {  	p1 =	seq.s32 s10, $0x1;
	s10 =	sld [smem:$0x3FB1];
	_ =	sdelay $0x3  }
0x37: {  	[smem:$0x3FB1] =	sst s10  }
0x38: {  	s10 =	sld [smem:$0x3FB2]  }
0x39: {  	_ = 	snop;
	(pc) =	sbr.ind lr, $3  }
0x3a: {  	_ = 	snop  }
0x3b: {  	_ = 	snop  }
0x3c: {  	p2 =	seq.s32 s10, $0x1;
	s10 =	sld [smem:$0x3FB1]  }
0x3d: {  	_ =	shalt  }
0x3e: {  	_ =	shalt  }
0x3f: {  	_ =	shalt  }
0x40: {  	_ =	shalt  }
0x41: {  	_ =	shalt  }
0x42: {  	_ =	shalt  }
0x43: {  	_ =	shalt  }
0x44: {  	_ =	shalt  }
0x45: {  	_ =	shalt  }
0x46: {  	_ =	shalt  }
0x47: {  	_ =	shalt  }
0x48: {  	_ =	shalt  }
0x49: {  	_ =	shalt  }
0x4a: {  	_ =	shalt  }
0x4b: {  	_ =	shalt  }
0x4c: {  	_ =	shalt  }
0x4d: {  	_ =	shalt  }
0x4e: {  	_ =	shalt  }
0x4f: {  	_ =	shalt  }
0x50: {  	_ =	shalt  }
0x51: {  	_ =	shalt  }
0x52: {  	_ =	shalt  }
0x53: {  	_ =	shalt  }
0x54: {  	_ =	shalt  }
0x55: {  	_ =	shalt  }
0x56: {  	_ =	shalt  }
0x57: {  	_ =	shalt  }
0x58: {  	_ =	shalt  }
0x59: {  	_ =	shalt  }
0x5a: {  	_ =	shalt  }
0x5b: {  	_ =	shalt  }
0x5c: {  	_ =	shalt  }
0x5d: {  	_ =	shalt  }
0x5e: {  	_ =	shalt  }
0x5f: {  	_ =	shalt  }
0x60: {  	_ =	shalt  }
0x61: {  	_ =	shalt  }
0x62: {  	_ =	shalt  }
0x63: {  	_ =	shalt  }
0x64: {  	_ =	shalt  }
0x65: {  	_ =	shalt  }
0x66: {  	_ =	shalt  }
0x67: {  	_ =	shalt  }
0x68: {  	_ =	shalt  }
0x69: {  	_ =	shalt  }
0x6a: {  	_ =	shalt  }
0x6b: {  	_ =	shalt  }
0x6c: {  	_ =	shalt  }
0x6d: {  	_ =	shalt  }
0x6e: {  	_ =	shalt  }
0x6f: {  	_ =	shalt  }
0x70: {  	_ =	shalt  }
0x71: {  	_ =	shalt  }
0x72: {  	_ =	shalt  }
0x73: {  	_ =	shalt  }
0x74: {  	_ =	shalt  }
0x75: {  	_ =	shalt  }
0x76: {  	_ =	shalt  }
0x77: {  	_ =	shalt  }
0x78: {  	_ =	shalt  }
0x79: {  	_ =	shalt  }
0x7a: {  	_ =	shalt  }
0x7b: {  	_ =	shalt  }
0x7c: {  	_ =	shalt  }
0x7d: {  	_ =	shalt  }
0x7e: {  	_ =	shalt  }
0x7f: {  	_ =	shalt  }
0x80: {  	_ =	shalt  }
0x81: {  	_ =	shalt  }
0x82: {  	_ =	shalt  }
0x83: {  	_ =	shalt  }
0x84: {  	_ =	shalt  }
0x85: {  	_ =	shalt  }
0x86: {  	_ =	shalt  }
0x87: {  	_ =	shalt  }
.Lfunc_end0:
.L_simem_size_0:
called_computation_lowered:
.L_overlay_start_0:
0x88: {  	s2 =	sld [smem:$0x3FD9]  }
0x89: {  	s3 =	sld [smem:$0x3FFE];
	_ =	sdelay $0x1  }
0x8a: {  	s1 =	srdreg.scid  }
0x8b: {  	s0 =	sand.u32 $0x1, s1  }
0x8c: {  	s17 =	sshll.u32 s0, $0xA;
	s2 =	sadd.s32 s3, s2  }
0x8d: {  	s2 =	sadd.s32 s2, s17  }
0x8e: {  	[smem:$0x3FBD] =	sst s2  }
0x8f: {  	_ = 	snop  }
0x90: {  	s2 =	sld [smem:$0x3FD0];
	(tm) =	ssettm $0x1  }
0x91: {  	s18 =	sld [smem:$0x3FFB];
	_ =	sdelay $0x3  }
0x92: {  	_ =	strace s18  }
0x93: {  	s3 =	sld [smem:$0x3FFC];
	_ =	sdelay $0x3  }
0x94: {  	_ =	strace s3  }
0x95: {  	s3 =	sld [smem:$0x3FFD];
	_ =	sdelay $0x3  }
0x96: {  	_ =	strace s3  }
0x97: {  	_ =	strace $0x8FFFFFFF  }
0x98: {  	s19 =	sld [smem:$0x3FDB];
	_ =	sdelay $0x1  }
0x99: {  	s4 =	simm.s32 $_scs_section_size  }
0x9a: {  	s5 =	simm.s32 $_size__tile_overlayer_lowered;
	s6 =	simm.s32 $_tile_overlayer_lowered  }
0x9b: {  	s22 =	simm.s32 $0x1BFF;
	s21 =	sshll.u32 s6, $0x1;
	s3 =	sadd.s32 s4, s19  }
0x9c: {  	s7 =	simm.s32 $0x0;
	s20 =	sshll.u32 s5, $0x1;
	s5 =	sadd.s32 s21, s3  }
0x9d: {  	[timem:s7], [sflag:s22] =	dma.local [hbm:s5], s20  }
0x9e: {  	_ =	swait.ge [sflag:s22], s20  }
0x9f: {  	s4 =	ssub.s32 $0x0, s20;
	[sflag:s22] =	ssyncset.done $0x0  }
0xa0: {  	[sflag:s22] =	ssyncadd.s32 s4;
	_ =	sdelay $0x1  }
0xa1: {  	s23 =	simm.s32 $0x1B8B  }
0xa2: {  	_ =	swait.ge [sflag:s23], $0x1  }
0xa3: {  	[sflag:s23] =	ssyncset.done $0x0  }
0xa4: {  	s25 =	simm.s32 $0x1B8E;
	s24 =	sld [smem:$0x3FFE];
	[sflag:s23] =	ssyncadd.s32 $0xFFFFFFFF  }
0xa5: {  	s26 =	simm.s32 $execute0_lowered;
	[smem:$0x3FD2] =	sst s25  }
0xa6: {  	s5 =	sshll.u32 s26, $0x1;
	_ =	strace $0x80000046;
	[dreg:$0x1] =	wrdreg $0xFFFFFFFF  }
0xa7: {  	s28 =	simm.s32 $_size_execute0_lowered;
	s3 =	sadd.s32 s3, s5;
	[dreg:$0x0] =	wrdreg $0x0  }
0xa8: {  	s5 =	sshll.u32 s28, $0x1;
	[dreg:$0x2] =	wrdreg s3  }
0xa9: {  	[dreg:$0x3] =	wrdreg s5  }
0xaa: {  	[dreg:$0x4] =	wrdreg $0xC0  }
0xab: {  	_ =	task [dreg:s7], $0x5FFFF  }
0xac: {  	[dreg:$0x1] =	wrdreg $0xFFFFFFFF  }
0xad: {  	[dreg:$0x0] =	wrdreg $0x60  }
0xae: {  	[dreg:$0x2] =	wrdreg s24  }
0xaf: {  	[dreg:$0x3] =	wrdreg s2  }
0xb0: {  	[dreg:$0x4] =	wrdreg $0x9  }
0xb1: {  	_ =	task.clear_ibuf [dreg:s7], $0x5FFFF;
	_ =	strace $0x90000046  }
0xb2: {  	s29 =	simm.s32 $0x9;
	_ =	strace $0x80000048  }
0xb3: {  	_ =	swait.ge [sflag:s29], $0x1  }
0xb4: {  	[sflag:s29] =	ssyncadd.s32 $0xFFFFFFFF  }
0xb5: {  	_ =	strace $0x90000048  }
0xb6: {  	_ =	sfence  }
0xb7: {  	s30 =	sld [smem:$0x0];
	_ =	sdelay $0x2  }
0xb8: {  	s31 =	sshll.u32 s1, $0xD;
	s1 =	sshrl.u32 s1, $0x2  }
0xb9: {  	s3 =	sand.u32 $0x4000, s31;
	s1 =	sadd.s32 s1, s30  }
0xba: {  	s0 =	sor.u32 s3, s0;
	s1 =	sshll.u32 s1, $0x11  }
0xbb: {  	s0 =	sor.u32 s1, s0  }
0xbc: {  	s0 =	sadd.s32 $0x8F2B, s0  }
0xbd: {  	[sflag:s0] =	ssyncadd.remote.s32 $0x1  }
0xbe: {  	_ =	sfence.sel $0xFFFF  }
0xbf: {  	[dreg:$0x0] =	wrdreg $0xFFFFFFFF;
	(pc) =	sbr.abs _section_cstart, $3  }
0xc0: {  	[dreg:$0x1] =	wrdreg $0xFFFFFFFF  }
0xc1: {  	_ =	task.clear_ibuf [dreg:s7], $0x2FFFF;
	_ =	strace $0x9FFFFFFF  }
0xc2: {  	(tm) =	ssettm $0x7FFFFFFF  }
0xc3: {  	_ =	shalt  }
tec
execute0_lowered:
.L_overlay_start_1:
0x0: {  	(tag) =	ssettag $0x1  }
0x1: {  	s0 =	srdreg.scid  }
0x2: {  	s2 =	stileid.u32;
	s1 =	rddreg [dreg:$0x0]  }
0x3: {  	s22 =	simm.s32 $0x80;
	s20 =	simm.s32 $0x300;
	s12 =	simm.s32 $0x4  }
0x4: {  	s19 =	simm.s32 $0x3;
	s13 =	simm.s32 $0x6;
	s21 =	simm.s32 $0xA600  }
0x5: {  	s0 =	sand.u32 $0x1, s0;
	s3 =	sshll.u32 s2, $0x1;
	s2 =	rddreg [dreg:$0x1]  }
0x6: {  	s4 =	sor.u32 s0, s3;
	s3 =	simm.s32 $0x0;
	s0 =	ssub.s32 $0x2, s0  }
0x7: {  	s4 =	smul.u32 $0x27, s4;
	[smem:$0x7FF] =	sst s3;
	s10 =	sshrl.u32 s0, $0x1  }
0x8: {  	s5 =	sadd.s32 $0x39000, s1;
	_ =	strace $0x80000047;
	s0 =	ssub.s32 s0, s10  }
0x9: {  	s10 =	simm.s32 $0x5;
	s6 =	smin.u32 s4, $0x4AF;
	s23 =	smin.u32 s4, $0x4AE  }
0xa: {  	s7 =	smin.u32 s4, $0x4AD;
	s14 =	sadd.s32 $0x3, s4;
	s15 =	sadd.s32 $0x1, s4  }
0xb: {  	s16 =	sadd.s32 $0x4, s4;
	s17 =	sadd.s32 $0x2, s4;
	s8 =	smul.u32 $0x60, s6  }
0xc: {  	s18 =	sadd.s32 $0x5, s4;
	s0 =	smax.u32 s0, $0x1;
	s9 =	smul.u32 $0x300, s23  }
0xd: {  	s6 =	sadd.s32 $0xC00, s1;
	s11 =	smul.u32 $0x300, s7;
	s7 =	sadd.s32 $0x1CE00, s1  }
0xe: {  	[dreg:$0x9] =	wrdreg s0;
	s23 =	simm.s32 $0x0;
	s24 =	sshrl.u32 s9, $0x3  }
0xf: {  	s25 =	sadd.s32 s6, s8;
	s26 =	sshrl.u32 s11, $0x3;
	s8 =	sadd.s32 s7, s8  }
0x10: {  	v0 =	vimm.s32 $0x0;
	s9 =	simm.s32 $0x9A00;
	[dreg:$0x3] =	wrdreg s25;
	s1 =	sadd.s32 $0x60, s24  }
.Ltmp0:
0x11: {  	v1 =	vimm.s32 $0x1;
	v2 =	vimm.s32 $0x2;
	v3 =	vimm.s32 $0x3;
	[dreg:$0x4] =	wrdreg s8;
	s28 =	sadd.s32 s6, s1;
	(pc) =	sbr.rel .LBB2_1-.Ltmp0, $4  }
0x12: {  	v4 =	vimm.s32 $0x4;
	v5 =	vimm.s32 $0x5;
	v6 =	vimm.s32 $0x6;
	s29 =	sadd.s32 $0xC0, s26;
	s1 =	sadd.s32 s7, s1;
	[dreg:$0x5] =	wrdreg s28  }
0x13: {  	v7 =	vimm.s32 $0x7;
	v8 =	vimm.s32 $0x8;
	v9 =	vimm.s32 $0x9;
	s11 =	simm.s32 $0xA400;
	s30 =	sadd.s32 s6, s29;
	[dreg:$0x6] =	wrdreg s1  }
0x14: {  	v10 =	vimm.s32 $0xA;
	v11 =	vimm.s32 $0xB;
	v12 =	vimm.s32 $0xC;
	s24 =	simm.s32 $0x600;
	s31 =	sadd.s32 s7, s29;
	[dreg:$0x7] =	wrdreg s30  }
0x15: {  	v13 =	vimm.s32 $0xD;
	v14 =	vimm.s32 $0xE;
	v15 =	vimm.s32 $0xF;
	s26 =	simm.s32 $0x2;
	s8 =	simm.s32 $0x880;
	[dreg:$0x8] =	wrdreg s31  }
.LBB2_10:
0x16: {  	s0 =	simm.s32 $0x7  }
0x17: {  	_ =	swait.ge [sflag:s0], $0x200  }
0x18: {  	[sflag:s0] =	ssyncset.done $0x0  }
0x19: {  	s30 =	simm.s32 $0x8;
	[sflag:s0] =	ssyncadd.s32 $0xFFFFFE00  }
0x1a: {  	_ =	swait.ge [sflag:s30], $0x200  }
0x1b: {  	[sflag:s30] =	ssyncset.done $0x0  }
0x1c: {  	s1 =	simm.s32 $0x9;
	[sflag:s30] =	ssyncadd.s32 $0xFFFFFE00  }
0x1d: {  	_ =	swait.ge [sflag:s1], $0x200  }
0x1e: {  	s23 =	rddreg [dreg:$0xa]  }
0x1f: {  	s31 =	rddreg [dreg:$0x9];
	s23 =	sadd.s32 $0x1, s23  }
0x20: {  	p0 =	sne.s32 s23, s31  }
.Ltmp1:
0x21: {  	_ = 	snop;
	(pc) =	sbr.rel @!p0 .LBB2_11-.Ltmp1, $3  }
0x22: {  	_ =	sdelay $0x1  }
0x23: {  	[sflag:s1] =	ssyncset.done $0x0  }
0x24: {  	[sflag:s1] =	ssyncadd.s32 $0xFFFFFE00  }
.LBB2_1:
0x25: {  	[dreg:$0xa] =	wrdreg s23  }
0x26: {  	s0 =	rddreg [dreg:$0x3]  }
0x27: {  	[tilespmem:s3], [sflag:$0x1] =	stream.linear.gather [hbm4b:s0+s3], $0x300, $0x38;
	[tilespmem:$0xA800] =	vst v63  }
0x28: {  	s23 =	rddreg [dreg:$0x4];
	s1 =	simm.s32 $0x900;
	s25 =	simm.s32 $0x1  }
0x29: {  	[tilespmem:s1], [sflag:$0x1] =	stream.linear.gather [hbm4b:s23+s3], $0x300, $0x38;
	[tilespmem:$0xA800] =	vst v63  }
0x2a: {  	_ =	swait.ge [sflag:s25], $0x300  }
0x2b: {  	[sflag:s25] =	ssyncset.done $0x0  }
0x2c: {  	[sflag:s25] =	ssyncadd.s32 $0xFFFFFD00  }
0x2d: {  	_ =	swait.ge [sflag:s25], $0x300  }
0x2e: {  	[sflag:s25] =	ssyncset.done $0x0  }
0x2f: {  	s28 =	simm.s32 $0x1200;
	[sflag:s25] =	ssyncadd.s32 $0xFFFFFD00  }
0x30: {  	[tilespmem:s28], [sflag:$0x4] =	stream.indirect.gather [hbm4b:s5+s22], $0x10, s3, s22, $0xb8;
	[tilespmem:$0xA800] =	vst v63  }
0x31: {  	s29 =	simm.s32 $0x1A00  }
0x32: {  	[tilespmem:s29], [sflag:$0x4] =	stream.indirect.gather [hbm4b:s5+s22], $0x10, s22, s22, $0xb8;
	[tilespmem:$0xA800] =	vst v63  }
0x33: {  	s30 =	simm.s32 $0x100;
	s31 =	simm.s32 $0x2200  }
0x34: {  	[tilespmem:s31], [sflag:$0x4] =	stream.indirect.gather [hbm4b:s5+s22], $0x10, s30, s22, $0xb8;
	[tilespmem:$0xA800] =	vst v63  }
0x35: {  	s23 =	simm.s32 $0x180;
	s25 =	simm.s32 $0x2A00  }
0x36: {  	[tilespmem:s25], [sflag:$0x4] =	stream.indirect.gather [hbm4b:s5+s22], $0x10, s23, s22, $0xb8;
	[tilespmem:$0xA800] =	vst v63  }
0x37: {  	s28 =	simm.s32 $0x200;
	s29 =	simm.s32 $0x3200  }
0x38: {  	[tilespmem:s29], [sflag:$0x4] =	stream.indirect.gather [hbm4b:s5+s22], $0x10, s28, s22, $0xb8;
	[tilespmem:$0xA800] =	vst v63  }
0x39: {  	s30 =	simm.s32 $0x280;
	s31 =	simm.s32 $0x3A00  }
0x3a: {  	[tilespmem:s31], [sflag:$0x4] =	stream.indirect.gather [hbm4b:s5+s22], $0x10, s30, s22, $0xb8;
	[tilespmem:$0xA800] =	vst v63  }
0x3b: {  	s23 =	rddreg [dreg:$0x5]  }
0x3c: {  	[tilespmem:s20], [sflag:$0x2] =	stream.linear.gather [hbm4b:s23+s3], $0x300, $0x38;
	[tilespmem:$0xA800] =	vst v63  }
0x3d: {  	s25 =	rddreg [dreg:$0x6];
	s28 =	simm.s32 $0xC00  }
0x3e: {  	[tilespmem:s28], [sflag:$0x2] =	stream.linear.gather [hbm4b:s25+s3], $0x300, $0x38;
	[tilespmem:$0xA800] =	vst v63  }
0x3f: {  	s29 =	rddreg [dreg:$0x7]  }
0x40: {  	[tilespmem:s24], [sflag:$0x3] =	stream.linear.gather [hbm4b:s29+s3], $0x300, $0x38;
	[tilespmem:$0xA800] =	vst v63  }
0x41: {  	s30 =	rddreg [dreg:$0x8];
	s31 =	simm.s32 $0xF00;
	s25 =	simm.s32 $0x0  }
0x42: {  	[tilespmem:s31], [sflag:$0x3] =	stream.linear.gather [hbm4b:s30+s3], $0x300, $0x38;
	[tilespmem:$0xA800] =	vst v63  }
.LBB2_2:
0x43: {  	_ =	swait.ge [sflag:s26], $0x300  }
0x44: {  	[sflag:s26] =	ssyncset.done $0x0  }
0x45: {  	[sflag:s26] =	ssyncadd.s32 $0xFFFFFD00  }
0x46: {  	_ =	swait.ge [sflag:s26], $0x300  }
0x47: {  	[sflag:s26] =	ssyncset.done $0x0  }
0x48: {  	s0 =	simm.s32 $0x4200;
	[sflag:s26] =	ssyncadd.s32 $0xFFFFFD00  }
0x49: {  	[tilespmem:s0], [sflag:$0x5] =	stream.indirect.gather [hbm4b:s5+s22], $0x10, s20, s22, $0xb8;
	[tilespmem:$0xA800] =	vst v63  }
0x4a: {  	s31 =	simm.s32 $0x380;
	s1 =	simm.s32 $0x4A00  }
0x4b: {  	[tilespmem:s1], [sflag:$0x5] =	stream.indirect.gather [hbm4b:s5+s22], $0x10, s31, s22, $0xb8;
	[tilespmem:$0xA800] =	vst v63  }
0x4c: {  	s23 =	simm.s32 $0x400;
	s31 =	simm.s32 $0x5200  }
0x4d: {  	[tilespmem:s31], [sflag:$0x5] =	stream.indirect.gather [hbm4b:s5+s22], $0x10, s23, s22, $0xb8;
	[tilespmem:$0xA800] =	vst v63  }
0x4e: {  	s23 =	simm.s32 $0x480;
	s31 =	simm.s32 $0x5A00  }
0x4f: {  	[tilespmem:s31], [sflag:$0x5] =	stream.indirect.gather [hbm4b:s5+s22], $0x10, s23, s22, $0xb8;
	[tilespmem:$0xA800] =	vst v63  }
0x50: {  	s23 =	simm.s32 $0x500;
	s31 =	simm.s32 $0x6200  }
0x51: {  	[tilespmem:s31], [sflag:$0x5] =	stream.indirect.gather [hbm4b:s5+s22], $0x10, s23, s22, $0xb8;
	[tilespmem:$0xA800] =	vst v63  }
0x52: {  	s23 =	simm.s32 $0x580;
	s31 =	simm.s32 $0x6A00  }
0x53: {  	[tilespmem:s31], [sflag:$0x5] =	stream.indirect.gather [hbm4b:s5+s22], $0x10, s23, s22, $0xb8;
	[tilespmem:$0xA800] =	vst v63  }
0x54: {  	_ =	swait.ge [sflag:s12], $0x800  }
0x55: {  	[sflag:s12] =	ssyncset.done $0x0  }
0x56: {  	[sflag:s12] =	ssyncadd.s32 $0xFFFFF800  }
0x57: {  	_ =	swait.ge [sflag:s12], $0x800  }
0x58: {  	[sflag:s12] =	ssyncset.done $0x0  }
0x59: {  	[sflag:s12] =	ssyncadd.s32 $0xFFFFF800  }
0x5a: {  	_ =	swait.ge [sflag:s12], $0x800  }
0x5b: {  	[sflag:s12] =	ssyncset.done $0x0  }
0x5c: {  	[sflag:s12] =	ssyncadd.s32 $0xFFFFF800  }
0x5d: {  	_ =	swait.ge [sflag:s12], $0x800  }
0x5e: {  	[sflag:s12] =	ssyncset.done $0x0  }
0x5f: {  	[sflag:s12] =	ssyncadd.s32 $0xFFFFF800  }
0x60: {  	_ =	swait.ge [sflag:s12], $0x800  }
0x61: {  	[sflag:s12] =	ssyncset.done $0x0  }
0x62: {  	[sflag:s12] =	ssyncadd.s32 $0xFFFFF800  }
0x63: {  	_ =	swait.ge [sflag:s12], $0x800  }
0x64: {  	p0 =	seq.s32 s25, $0x0;
	[sflag:s12] =	ssyncset.done $0x0  }
0x65: {  	s1 =	simm.s32 @!p0 $0x7;
	[sflag:s12] =	ssyncadd.s32 $0xFFFFF800  }
0x66: {  	_ =	swait.ge @!p0 [sflag:s1], $0x200  }
0x67: {  	s28 =	smul.u32 $0x3, s25;
	[sflag:s1] =	ssyncset.done @!p0 $0x0  }
0x68: {  	s29 =	simm.s32 $0x0;
	s30 =	simm.s32 $0xA210;
	[sflag:s1] =	ssyncadd.s32 @!p0 $0xFFFFFE00  }
.LBB2_3:
0x69: {  	s1 =	sshrl.u32 s29, $0x3  }
0x6a: {  	s31 =	sand.u32 $0x7, s29;
	s1 =	smul.u32 $0x180, s1  }
0x6b: {  	s0 =	smul.u32 $0xC0, s31  }
0x6c: {  	s31 =	smul.u32 $0xC, s31  }
0x6d: {  	s0 =	sshrl.u32 s0, $0x2  }
0x6e: {  	s31 =	sor.u32 s31, s1;
	s1 =	sadd.s32 s0, s1  }
0x6f: {  	v17 =	vld [tilespmem:s1+$0x900]  }
0x70: {  	s31 =	sshll.u32 s31, $0x4  }
0x71: {  	s31 =	sand.u32 $0x3FFFFFC0, s31  }
0x72: {  	v16 =	vld [tilespmem:s31+$0x1200]  }
0x73: {  	v18 =	vld [tilespmem:s31+$0x1210]  }
0x74: {  	v21 =	vld [tilespmem:s31+$0x1220];
	v19 =	vperm.xlane v17, v0  }
0x75: {  	v23 =	vld [tilespmem:s31+$0x1230];
	v22 =	vperm.xlane v17, v1;
	v24 =	vperm.xlane v17, v2  }
0x76: {  	v47 =	vld [tilespmem:s31+$0x1240];
	v25 =	vperm.xlane v17, v3;
	v53 =	vperm.xlane v17, v4  }
0x77: {  	v50 =	vld [tilespmem:s31+$0x1250];
	v56 =	vperm.xlane v17, v5;
	v62 =	vperm.xlane v17, v6  }
0x78: {  	v55 =	vld [tilespmem:s31+$0x1260];
	v29 =	vperm.xlane v17, v7;
	v35 =	vperm.xlane v17, v8  }
0x79: {  	v59 =	vld [tilespmem:s31+$0x1270];
	v38 =	vperm.xlane v17, v9;
	v44 =	vperm.xlane v17, v10  }
0x7a: {  	v28 =	vld [tilespmem:s31+$0x1280];
	v20 =	vshll.u32 v16, $0x10;
	v16 =	vand.u32 $0xFFFF0000, v16;
	v45 =	vshll.u32 v18, $0x10  }
0x7b: {  	v32 =	vld [tilespmem:s31+$0x1290];
	v18 =	vand.u32 $0xFFFF0000, v18;
	v46 =	vshll.u32 v21, $0x10;
	v21 =	vand.u32 $0xFFFF0000, v21  }
0x7c: {  	v49 =	vshll.u32 v23, $0x10;
	v52 =	vand.u32 $0xFFFF0000, v23;
	v54 =	vshll.u32 v47, $0x10  }
0x7d: {  	v58 =	vshll.u32 v50, $0x10;
	v61 =	vand.u32 $0xFFFF0000, v50;
	v63 =	vshll.u32 v55, $0x10  }
0x7e: {  	v23 =	vand.u32 $0xFFFF0000, v55;
	v31 =	vshll.u32 v59, $0x10;
	v34 =	vand.u32 $0xFFFF0000, v59  }
0x7f: {  	v37 =	vld [tilespmem:s31+$0x12A0];
	v36 =	vshll.u32 v28, $0x10;
	v20 =	vmul.f32 v20, v19;
	v16 =	vmul.f32 v16, v19  }
0x80: {  	v40 =	vshll.u32 v32, $0x10;
	v19 =	vmul.f32 v45, v22;
	v18 =	vmul.f32 v18, v22  }
0x81: {  	v41 =	vld [tilespmem:s31+$0x12B0];
	v43 =	vand.u32 $0xFFFF0000, v32;
	v48 =	vmul.f32 v21, v24;
	v51 =	vmul.f32 v49, v25  }
0x82: {  	v22 =	vand.u32 $0xFFFF0000, v47;
	v60 =	vmul.f32 v58, v56;
	v16 =	vadd.f32 $0.0e+00, v16  }
0x83: {  	v30 =	vmul.f32 v23, v62;
	v33 =	vmul.f32 v31, v29;
	v20 =	vadd.f32 $0.0e+00, v20  }
0x84: {  	v50 =	vld [tilespmem:s31+$0x1810];
	v42 =	vmul.f32 v40, v38;
	v45 =	vshll.u32 v37, $0x10;
	v16 =	vadd.f32 v18, v16  }
0x85: {  	v47 =	vperm.xlane v17, v11;
	v19 =	vadd.f32 v19, v20;
	v20 =	vmul.f32 v46, v24  }
0x86: {  	v55 =	vld [tilespmem:s31+$0x1820];
	v49 =	vshll.u32 v41, $0x10;
	v18 =	vmul.f32 v52, v25;
	v16 =	vadd.f32 v48, v16  }
0x87: {  	v57 =	vmul.f32 v22, v53;
	v22 =	vand.u32 $0xFFFF0000, v37;
	v19 =	vadd.f32 v20, v19  }
0x88: {  	v24 =	vand.u32 $0xFFFF0000, v28;
	v52 =	vand.u32 $0xFFFF0000, v41;
	v16 =	vadd.f32 v18, v16  }
0x89: {  	v46 =	vld [tilespmem:s31+$0x1800];
	v59 =	vand.u32 $0xFFFF0000, v50;
	v20 =	vmul.f32 v54, v53;
	v19 =	vadd.f32 v51, v19  }
0x8a: {  	v39 =	vmul.f32 v24, v35;
	v18 =	vmul.f32 v61, v56;
	v16 =	vadd.f32 v57, v16  }
0x8b: {  	v24 =	vand.u32 $0xFFFF0000, v55;
	v48 =	vmul.f32 v22, v44;
	v19 =	vadd.f32 v20, v19  }
0x8c: {  	v53 =	vperm.xlane v17, v12;
	v51 =	vmul.f32 v49, v47;
	v16 =	vadd.f32 v18, v16  }
0x8d: {  	v56 =	vperm.xlane v17, v13;
	v20 =	vmul.f32 v63, v62;
	v19 =	vadd.f32 v60, v19  }
0x8e: {  	v23 =	vand.u32 $0xFFFF0000, v46;
	v57 =	vld [tilespmem:s31+$0x1830];
	v18 =	vmul.f32 v34, v29;
	v16 =	vadd.f32 v30, v16  }
0x8f: {  	v54 =	vshll.u32 v46, $0x10;
	v21 =	vmul.f32 v23, v53;
	v63 =	vld [tilespmem:s31+$0x1840];
	v19 =	vadd.f32 v20, v19  }
0x90: {  	v61 =	vmul.f32 v59, v56;
	v62 =	vshll.u32 v55, $0x10;
	v16 =	vadd.f32 v18, v16  }
0x91: {  	v49 =	vld [tilespmem:s31+$0x1890];
	v60 =	vperm.xlane v17, v14;
	v20 =	vmul.f32 v36, v35;
	v19 =	vadd.f32 v33, v19  }
0x92: {  	v40 =	vld [tilespmem:s31+$0x1870];
	v17 =	vperm.xlane v17, v15;
	v18 =	vmul.f32 v43, v38;
	v16 =	vadd.f32 v39, v16  }
0x93: {  	v28 =	vmul.f32 v24, v60;
	v30 =	vld [tilespmem:s31+$0x1850];
	v29 =	vshll.u32 v57, $0x10;
	v19 =	vadd.f32 v20, v19  }
0x94: {  	v35 =	vld [tilespmem:s31+$0x1860];
	v32 =	vand.u32 $0xFFFF0000, v57;
	v34 =	vshll.u32 v63, $0x10;
	v16 =	vadd.f32 v18, v16  }
0x95: {  	v36 =	vand.u32 $0xFFFF0000, v63;
	v63 =	vld [tilespmem:s31+$0x1E00];
	v20 =	vmul.f32 v45, v44;
	v19 =	vadd.f32 v42, v19  }
0x96: {  	v57 =	vshll.u32 v49, $0x10;
	v45 =	vld [tilespmem:s31+$0x1880];
	v18 =	vmul.f32 v52, v47;
	v16 =	vadd.f32 v48, v16  }
0x97: {  	v31 =	vmul.f32 v29, v17;
	v17 =	vmul.f32 v32, v17;
	v19 =	vadd.f32 v20, v19  }
0x98: {  	v20 =	vmul.f32 v54, v53;
	v54 =	vld [tilespmem:s31+$0x18A0];
	v18 =	vadd.f32 v18, v16;
	v16 =	vshll.u32 v50, $0x10  }
0x99: {  	v39 =	vshll.u32 v30, $0x10;
	v44 =	vshll.u32 v35, $0x10;
	v58 =	vmul.f32 v16, v56;
	v16 =	vld [tilespmem:s1+$0x910]  }
0x9a: {  	v42 =	vand.u32 $0xFFFF0000, v30;
	v22 =	vand.u32 $0xFFFF0000, v63;
	v19 =	vadd.f32 v51, v19  }
0x9b: {  	v48 =	vshll.u32 v40, $0x10;
	v53 =	vshll.u32 v45, $0x10;
	v24 =	vand.u32 $0xFFFF0000, v45  }
0x9c: {  	v51 =	vand.u32 $0xFFFF0000, v40;
	v19 =	vadd.f32 v20, v19;
	v18 =	vadd.f32 v21, v18  }
0x9d: {  	v21 =	vmul.f32 v62, v60;
	v60 =	vand.u32 $0xFFFF0000, v49;
	v62 =	vshll.u32 v54, $0x10  }
0x9e: {  	v19 =	vadd.f32 v58, v19;
	v33 =	vperm.xlane v16, v0;
	v37 =	vperm.xlane v16, v1  }
0x9f: {  	v18 =	vadd.f32 v61, v18;
	v43 =	vperm.xlane v16, v2;
	v46 =	vperm.xlane v16, v3  }
0xa0: {  	v19 =	vadd.f32 v21, v19;
	v52 =	vperm.xlane v16, v4;
	v55 =	vperm.xlane v16, v5  }
0xa1: {  	v45 =	vld [tilespmem:s31+$0x1E40];
	v18 =	vadd.f32 v28, v18;
	v61 =	vperm.xlane v16, v6;
	v28 =	vperm.xlane v16, v7  }
0xa2: {  	v40 =	vld [tilespmem:s31+$0x1E30];
	v21 =	vand.u32 $0xFFFF0000, v35;
	v20 =	vmul.f32 v34, v33;
	v38 =	vmul.f32 v36, v33  }
0xa3: {  	v58 =	vld [tilespmem:s31+$0x18B0];
	v17 =	vadd.f32 v17, v18;
	v41 =	vmul.f32 v39, v37;
	v18 =	vmul.f32 v42, v37  }
0xa4: {  	v49 =	vld [tilespmem:s31+$0x1E50];
	v23 =	vand.u32 $0xFFFF0000, v54;
	v47 =	vmul.f32 v21, v43;
	v50 =	vmul.f32 v48, v46  }
0xa5: {  	v35 =	vshll.u32 v63, $0x10;
	v56 =	vmul.f32 v24, v52;
	v59 =	vmul.f32 v57, v55  }
0xa6: {  	v54 =	vld [tilespmem:s31+$0x1E60];
	v19 =	vadd.f32 v31, v19;
	v29 =	vmul.f32 v23, v61;
	v34 =	vperm.xlane v16, v8  }
0xa7: {  	v31 =	vld [tilespmem:s31+$0x1E10];
	v37 =	vperm.xlane v16, v9;
	v48 =	vshll.u32 v40, $0x10;
	v23 =	vand.u32 $0xFFFF0000, v45  }
0xa8: {  	v36 =	vld [tilespmem:s31+$0x1E20];
	v30 =	vshll.u32 v58, $0x10;
	v19 =	vadd.f32 v20, v19;
	v17 =	vadd.f32 v38, v17  }
0xa9: {  	v33 =	vand.u32 $0xFFFF0000, v58;
	v58 =	vand.u32 $0xFFFF0000, v49;
	v20 =	vmul.f32 v44, v43  }
0xaa: {  	v32 =	vmul.f32 v30, v28;
	v19 =	vadd.f32 v41, v19;
	v17 =	vadd.f32 v18, v17  }
0xab: {  	v38 =	vmul.f32 v22, v34;
	v43 =	vperm.xlane v16, v10;
	v22 =	vand.u32 $0xFFFF0000, v54  }
0xac: {  	v18 =	vmul.f32 v51, v46;
	v19 =	vadd.f32 v20, v19;
	v17 =	vadd.f32 v47, v17  }
0xad: {  	v46 =	vperm.xlane v16, v11;
	v39 =	vshll.u32 v31, $0x10;
	v24 =	vand.u32 $0xFFFF0000, v36  }
0xae: {  	v20 =	vmul.f32 v53, v52;
	v19 =	vadd.f32 v50, v19;
	v17 =	vadd.f32 v18, v17  }
0xaf: {  	v51 =	vand.u32 $0xFFFF0000, v40;
	v41 =	vmul.f32 v39, v37;
	v47 =	vmul.f32 v24, v43  }
0xb0: {  	v18 =	vmul.f32 v60, v55;
	v19 =	vadd.f32 v20, v19;
	v17 =	vadd.f32 v56, v17  }
0xb1: {  	v42 =	vand.u32 $0xFFFF0000, v31;
	v52 =	vperm.xlane v16, v12;
	v50 =	vmul.f32 v48, v46  }
0xb2: {  	v20 =	vmul.f32 v62, v61;
	v19 =	vadd.f32 v59, v19;
	v17 =	vadd.f32 v18, v17  }
0xb3: {  	v44 =	vshll.u32 v36, $0x10;
	v55 =	vperm.xlane v16, v13;
	v21 =	vmul.f32 v23, v52;
	v56 =	vld [tilespmem:s31+$0x1E70]  }
0xb4: {  	v62 =	vld [tilespmem:s31+$0x1E80];
	v18 =	vmul.f32 v33, v28;
	v19 =	vadd.f32 v20, v19;
	v17 =	vadd.f32 v29, v17  }
0xb5: {  	v53 =	vshll.u32 v45, $0x10;
	v60 =	vmul.f32 v58, v55;
	v59 =	vperm.xlane v16, v14  }
0xb6: {  	v48 =	vld [tilespmem:s31+$0x2410];
	v20 =	vmul.f32 v35, v34;
	v19 =	vadd.f32 v32, v19;
	v17 =	vadd.f32 v18, v17  }
0xb7: {  	v61 =	vshll.u32 v54, $0x10;
	v16 =	vperm.xlane v16, v15;
	v63 =	vmul.f32 v22, v59  }
0xb8: {  	v29 =	vld [tilespmem:s31+$0x1E90];
	v18 =	vmul.f32 v42, v37;
	v19 =	vadd.f32 v20, v19;
	v17 =	vadd.f32 v38, v17  }
0xb9: {  	v39 =	vld [tilespmem:s31+$0x1EB0];
	v28 =	vshll.u32 v56, $0x10;
	v31 =	vand.u32 $0xFFFF0000, v56;
	v33 =	vshll.u32 v62, $0x10  }
0xba: {  	v34 =	vld [tilespmem:s31+$0x1EA0];
	v20 =	vmul.f32 v44, v43;
	v19 =	vadd.f32 v41, v19;
	v17 =	vadd.f32 v18, v17  }
0xbb: {  	v35 =	vand.u32 $0xFFFF0000, v62;
	v56 =	vshll.u32 v48, $0x10;
	v62 =	vld [tilespmem:s31+$0x2440];
	v30 =	vmul.f32 v28, v16  }
0xbc: {  	v44 =	vld [tilespmem:s31+$0x2400];
	v18 =	vmul.f32 v51, v46;
	v19 =	vadd.f32 v20, v19;
	v17 =	vadd.f32 v47, v17  }
0xbd: {  	v16 =	vmul.f32 v31, v16;
	v28 =	vld [tilespmem:s31+$0x2450];
	v38 =	vshll.u32 v29, $0x10;
	v20 =	vmul.f32 v53, v52  }
0xbe: {  	v53 =	vld [tilespmem:s31+$0x2420];
	v19 =	vadd.f32 v50, v19;
	v18 =	vadd.f32 v18, v17;
	v17 =	vshll.u32 v49, $0x10  }
0xbf: {  	v43 =	vshll.u32 v34, $0x10;
	v41 =	vand.u32 $0xFFFF0000, v29;
	v57 =	vmul.f32 v17, v55;
	v17 =	vld [tilespmem:s1+$0x920]  }
0xc0: {  	v22 =	vand.u32 $0xFFFF0000, v62;
	v47 =	vshll.u32 v39, $0x10;
	v19 =	vadd.f32 v20, v19  }
0xc1: {  	v52 =	vshll.u32 v44, $0x10;
	v24 =	vand.u32 $0xFFFF0000, v44;
	v18 =	vadd.f32 v21, v18  }
0xc2: {  	v50 =	vand.u32 $0xFFFF0000, v39;
	v21 =	vmul.f32 v61, v59;
	v19 =	vadd.f32 v57, v19  }
0xc3: {  	v39 =	vand.u32 $0xFFFF0000, v28;
	v59 =	vand.u32 $0xFFFF0000, v48;
	v18 =	vadd.f32 v60, v18  }
0xc4: {  	v61 =	vshll.u32 v53, $0x10;
	v19 =	vadd.f32 v21, v19;
	v32 =	vperm.xlane v17, v0  }
0xc5: {  	v23 =	vand.u32 $0xFFFF0000, v53;
	v18 =	vadd.f32 v63, v18;
	v36 =	vperm.xlane v17, v1  }
0xc6: {  	v42 =	vperm.xlane v17, v2;
	v19 =	vadd.f32 v30, v19;
	v20 =	vmul.f32 v33, v32  }
0xc7: {  	v21 =	vand.u32 $0xFFFF0000, v34;
	v16 =	vadd.f32 v16, v18;
	v37 =	vmul.f32 v35, v32  }
0xc8: {  	v45 =	vperm.xlane v17, v3;
	v40 =	vmul.f32 v38, v36;
	v19 =	vadd.f32 v20, v19  }
0xc9: {  	v51 =	vperm.xlane v17, v4;
	v18 =	vmul.f32 v41, v36;
	v16 =	vadd.f32 v37, v16  }
0xca: {  	v54 =	vperm.xlane v17, v5;
	v20 =	vmul.f32 v43, v42;
	v19 =	vadd.f32 v40, v19  }
0xcb: {  	v60 =	vperm.xlane v17, v6;
	v46 =	vmul.f32 v21, v42;
	v16 =	vadd.f32 v18, v16  }
0xcc: {  	v63 =	vperm.xlane v17, v7;
	v49 =	vmul.f32 v47, v45;
	v19 =	vadd.f32 v20, v19  }
0xcd: {  	v31 =	vperm.xlane v17, v8;
	v18 =	vmul.f32 v50, v45;
	v16 =	vadd.f32 v46, v16  }
0xce: {  	v57 =	vld [tilespmem:s31+$0x2430];
	v34 =	vperm.xlane v17, v9;
	v20 =	vmul.f32 v52, v51;
	v19 =	vadd.f32 v49, v19  }
0xcf: {  	v55 =	vmul.f32 v24, v51;
	v58 =	vmul.f32 v56, v54;
	v16 =	vadd.f32 v18, v16  }
0xd0: {  	v26 =	vmul.f32 v23, v60;
	v32 =	vshll.u32 v62, $0x10;
	v19 =	vadd.f32 v20, v19  }
0xd1: {  	v35 =	vmul.f32 v22, v31;
	v18 =	vmul.f32 v59, v54;
	v16 =	vadd.f32 v55, v16  }
0xd2: {  	v33 =	vld [tilespmem:s31+$0x2460];
	v36 =	vshll.u32 v28, $0x10;
	v20 =	vmul.f32 v61, v60;
	v19 =	vadd.f32 v58, v19  }
0xd3: {  	v27 =	vshll.u32 v57, $0x10;
	v30 =	vand.u32 $0xFFFF0000, v57;
	v16 =	vadd.f32 v18, v16  }
0xd4: {  	v38 =	vmul.f32 v36, v34;
	v29 =	vmul.f32 v27, v63;
	v37 =	vld [tilespmem:s31+$0x2470];
	v19 =	vadd.f32 v20, v19  }
0xd5: {  	v43 =	vperm.xlane v17, v11;
	v18 =	vmul.f32 v30, v63;
	v16 =	vadd.f32 v26, v16  }
0xd6: {  	v42 =	vld [tilespmem:s31+$0x2480];
	v40 =	vperm.xlane v17, v10;
	v20 =	vmul.f32 v32, v31;
	v19 =	vadd.f32 v29, v19  }
0xd7: {  	v41 =	vshll.u32 v33, $0x10;
	v24 =	vand.u32 $0xFFFF0000, v33;
	v16 =	vadd.f32 v18, v16  }
0xd8: {  	v44 =	vmul.f32 v24, v40;
	v52 =	vperm.xlane v17, v13;
	v19 =	vadd.f32 v20, v19  }
0xd9: {  	v46 =	vld [tilespmem:s31+$0x2490];
	v45 =	vshll.u32 v37, $0x10;
	v18 =	vmul.f32 v39, v34;
	v16 =	vadd.f32 v35, v16  }
0xda: {  	v51 =	vld [tilespmem:s31+$0x24A0];
	v48 =	vand.u32 $0xFFFF0000, v37;
	v20 =	vmul.f32 v41, v40;
	v19 =	vadd.f32 v38, v19  }
0xdb: {  	v50 =	vshll.u32 v42, $0x10;
	v49 =	vperm.xlane v17, v12;
	v16 =	vadd.f32 v18, v16  }
0xdc: {  	v23 =	vand.u32 $0xFFFF0000, v42;
	v47 =	vmul.f32 v45, v43;
	v19 =	vadd.f32 v20, v19  }
0xdd: {  	v53 =	vmul.f32 v23, v49;
	v18 =	vmul.f32 v48, v43;
	v16 =	vadd.f32 v44, v16  }
0xde: {  	v55 =	vld [tilespmem:s31+$0x24B0];
	v54 =	vshll.u32 v46, $0x10;
	v20 =	vmul.f32 v50, v49;
	v19 =	vadd.f32 v47, v19  }
0xdf: {  	v57 =	vand.u32 $0xFFFF0000, v46;
	v59 =	vshll.u32 v51, $0x10;
	v16 =	vadd.f32 v18, v16  }
0xe0: {  	v56 =	vmul.f32 v54, v52;
	v58 =	vperm.xlane v17, v14;
	v19 =	vadd.f32 v20, v19  }
0xe1: {  	v22 =	vand.u32 $0xFFFF0000, v51;
	v18 =	vmul.f32 v57, v52;
	v16 =	vadd.f32 v53, v16  }
0xe2: {  	v17 =	vperm.xlane v17, v15;
	v20 =	vmul.f32 v59, v58;
	v19 =	vadd.f32 v56, v19  }
0xe3: {  	v60 =	vmul.f32 v22, v58;
	v61 =	vshll.u32 v55, $0x10;
	v16 =	vadd.f32 v18, v16  }
0xe4: {  	p1 =	sne.s32 s29, $0xF;
	v62 =	vand.u32 $0xFFFF0000, v55;
	v21 =	vmul.f32 v61, v17;
	v19 =	vadd.f32 v20, v19  }
.Ltmp2:
0xe5: {  	v17 =	vmul.f32 v62, v17;
	v16 =	vadd.f32 v60, v16;
	(pc) =	sbr.rel @p1 .LBB2_3-.Ltmp2, $4  }
0xe6: {  	v63 =	vadd.f32 v21, v19  }
0xe7: {  	v16 =	vadd.f32 v17, v16  }
0xe8: {  	[tilespmem:s30+$0xFFFFFFF0] =	vst v63  }
0xe9: {  	s29 =	sadd.s32 $0x1, s29;
	[tilespmem:s30+$0x0] =	vst v16;
	s30 =	sadd.s32 $0x20, s30  }
0xea: {  	p1 =	seq.s32 s25, $0xC  }
0xeb: {  	s0 =	sadd.s32 s4, s28;
	s1 =	sadd.s32 @!p1 s28, s14  }
0xec: {  	p2 =	slt.s32 s0, $0x4AF;
	p3 =	slt.s32 @!p1 s1, $0x4AF  }
0xed: {  	s0 =	simm.s32 @!p2 $0x4AF;
	p2 =	por !p3, p1  }
0xee: {  	s0 =	sshll.u32 s0, $0x6;
	s1 =	simm.s32 @p2 $0x4AF  }
0xef: {  	s23 =	simm.s32 $0xA200;
	s0 =	sadd.s32 s2, s0;
	s1 =	smul.u32 @!p1 $0x60, s1  }
0xf0: {  	[hbm4b:s0+s3] =	stream.linear.scatter [tilespmem:s23], [sflag:$0x7], $0x200, $0x38;
	[tilespmem:$0xA800] =	vst v63  }
0xf1: {  	s29 =	simm.s32 @!p1 $0x0;
	s0 =	sadd.s32 @!p1 s6, s1  }
0xf2: {  	[tilespmem:s29], [sflag:$0x1] =	stream.linear.gather @!p1 [hbm4b:s0+s29], $0x300, $0x38;
	[tilespmem:$0xA800] =	vst v63  }
0xf3: {  	s0 =	sadd.s32 @!p1 s7, s1;
	s1 =	simm.s32 @!p1 $0x900  }
0xf4: {  	[tilespmem:s1], [sflag:$0x1] =	stream.linear.gather @!p1 [hbm4b:s0+s29], $0x300, $0x38;
	[tilespmem:$0xA800] =	vst v63  }
0xf5: {  	_ =	swait.ge [sflag:s19], $0x300  }
0xf6: {  	[sflag:s19] =	ssyncset.done $0x0  }
0xf7: {  	[sflag:s19] =	ssyncadd.s32 $0xFFFFFD00  }
0xf8: {  	_ =	swait.ge [sflag:s19], $0x300  }
0xf9: {  	[sflag:s19] =	ssyncset.done $0x0  }
0xfa: {  	s1 =	simm.s32 $0x7200;
	[sflag:s19] =	ssyncadd.s32 $0xFFFFFD00  }
0xfb: {  	[tilespmem:s1], [sflag:$0x6] =	stream.indirect.gather [hbm4b:s5+s22], $0x10, s24, s22, $0xb8;
	[tilespmem:$0xA800] =	vst v63  }
0xfc: {  	s31 =	simm.s32 $0x7A00;
	s23 =	simm.s32 $0x680  }
0xfd: {  	[tilespmem:s31], [sflag:$0x6] =	stream.indirect.gather [hbm4b:s5+s22], $0x10, s23, s22, $0xb8;
	[tilespmem:$0xA800] =	vst v63  }
0xfe: {  	s23 =	simm.s32 $0x700;
	s31 =	simm.s32 $0x8200  }
0xff: {  	[tilespmem:s31], [sflag:$0x6] =	stream.indirect.gather [hbm4b:s5+s22], $0x10, s23, s22, $0xb8;
	[tilespmem:$0xA800] =	vst v63  }
0x100: {  	s23 =	simm.s32 $0x780;
	s31 =	simm.s32 $0x8A00  }
0x101: {  	[tilespmem:s31], [sflag:$0x6] =	stream.indirect.gather [hbm4b:s5+s22], $0x10, s23, s22, $0xb8;
	[tilespmem:$0xA800] =	vst v63  }
0x102: {  	s23 =	simm.s32 $0x800;
	s31 =	simm.s32 $0x9200  }
0x103: {  	[tilespmem:s31], [sflag:$0x6] =	stream.indirect.gather [hbm4b:s5+s22], $0x10, s23, s22, $0xb8;
	[tilespmem:$0xA800] =	vst v63  }
0x104: {  	_ = 	snop  }
0x105: {  	[tilespmem:s9], [sflag:$0x6] =	stream.indirect.gather [hbm4b:s5+s22], $0x10, s8, s22, $0xb8;
	[tilespmem:$0xA800] =	vst v63  }
0x106: {  	_ =	swait.ge [sflag:s10], $0x800  }
0x107: {  	[sflag:s10] =	ssyncset.done $0x0  }
0x108: {  	[sflag:s10] =	ssyncadd.s32 $0xFFFFF800  }
0x109: {  	_ =	swait.ge [sflag:s10], $0x800  }
0x10a: {  	[sflag:s10] =	ssyncset.done $0x0  }
0x10b: {  	[sflag:s10] =	ssyncadd.s32 $0xFFFFF800  }
0x10c: {  	_ =	swait.ge [sflag:s10], $0x800  }
0x10d: {  	[sflag:s10] =	ssyncset.done $0x0  }
0x10e: {  	[sflag:s10] =	ssyncadd.s32 $0xFFFFF800  }
0x10f: {  	_ =	swait.ge [sflag:s10], $0x800  }
0x110: {  	[sflag:s10] =	ssyncset.done $0x0  }
0x111: {  	[sflag:s10] =	ssyncadd.s32 $0xFFFFF800  }
0x112: {  	_ =	swait.ge [sflag:s10], $0x800  }
0x113: {  	[sflag:s10] =	ssyncset.done $0x0  }
0x114: {  	[sflag:s10] =	ssyncadd.s32 $0xFFFFF800  }
0x115: {  	_ =	swait.ge [sflag:s10], $0x800  }
0x116: {  	[sflag:s10] =	ssyncset.done $0x0  }
0x117: {  	s0 =	simm.s32 @!p0 $0x8;
	[sflag:s10] =	ssyncadd.s32 $0xFFFFF800  }
0x118: {  	_ =	swait.ge @!p0 [sflag:s0], $0x200  }
0x119: {  	[sflag:s0] =	ssyncset.done @!p0 $0x0  }
0x11a: {  	s30 =	simm.s32 $0xA410;
	s29 =	simm.s32 $0x0;
	[sflag:s0] =	ssyncadd.s32 @!p0 $0xFFFFFE00  }
.LBB2_5:
0x11b: {  	s0 =	sshrl.u32 s29, $0x3  }
0x11c: {  	s1 =	sand.u32 $0x7, s29;
	s0 =	smul.u32 $0x180, s0  }
0x11d: {  	s31 =	smul.u32 $0xC0, s1  }
0x11e: {  	s1 =	smul.u32 $0xC, s1  }
0x11f: {  	s31 =	sshrl.u32 s31, $0x2  }
0x120: {  	s23 =	sor.u32 s1, s0;
	s1 =	sadd.s32 s31, s0  }
0x121: {  	v17 =	vld [tilespmem:s1+$0xC00]  }
0x122: {  	s31 =	sshll.u32 s23, $0x4  }
0x123: {  	s23 =	sand.u32 $0x3FFFFFC0, s31  }
0x124: {  	v16 =	vld [tilespmem:s23+$0x4200]  }
0x125: {  	v18 =	vld [tilespmem:s23+$0x4210]  }
0x126: {  	v21 =	vld [tilespmem:s23+$0x4220];
	v19 =	vperm.xlane v17, v0  }
0x127: {  	v23 =	vld [tilespmem:s23+$0x4230];
	v22 =	vperm.xlane v17, v1;
	v24 =	vperm.xlane v17, v2  }
0x128: {  	v47 =	vld [tilespmem:s23+$0x4240];
	v25 =	vperm.xlane v17, v3;
	v53 =	vperm.xlane v17, v4  }
0x129: {  	v50 =	vld [tilespmem:s23+$0x4250];
	v56 =	vperm.xlane v17, v5;
	v62 =	vperm.xlane v17, v6  }
0x12a: {  	v55 =	vld [tilespmem:s23+$0x4260];
	v29 =	vperm.xlane v17, v7;
	v35 =	vperm.xlane v17, v8  }
0x12b: {  	v59 =	vld [tilespmem:s23+$0x4270];
	v38 =	vperm.xlane v17, v9;
	v44 =	vperm.xlane v17, v10  }
0x12c: {  	v28 =	vld [tilespmem:s23+$0x4280];
	v20 =	vshll.u32 v16, $0x10;
	v16 =	vand.u32 $0xFFFF0000, v16;
	v45 =	vshll.u32 v18, $0x10  }
0x12d: {  	v32 =	vld [tilespmem:s23+$0x4290];
	v18 =	vand.u32 $0xFFFF0000, v18;
	v46 =	vshll.u32 v21, $0x10;
	v21 =	vand.u32 $0xFFFF0000, v21  }
0x12e: {  	v49 =	vshll.u32 v23, $0x10;
	v52 =	vand.u32 $0xFFFF0000, v23;
	v54 =	vshll.u32 v47, $0x10  }
0x12f: {  	v58 =	vshll.u32 v50, $0x10;
	v61 =	vand.u32 $0xFFFF0000, v50;
	v63 =	vshll.u32 v55, $0x10  }
0x130: {  	v23 =	vand.u32 $0xFFFF0000, v55;
	v31 =	vshll.u32 v59, $0x10;
	v34 =	vand.u32 $0xFFFF0000, v59  }
0x131: {  	v37 =	vld [tilespmem:s23+$0x42A0];
	v36 =	vshll.u32 v28, $0x10;
	v20 =	vmul.f32 v20, v19;
	v16 =	vmul.f32 v16, v19  }
0x132: {  	v40 =	vshll.u32 v32, $0x10;
	v19 =	vmul.f32 v45, v22;
	v18 =	vmul.f32 v18, v22  }
0x133: {  	v41 =	vld [tilespmem:s23+$0x42B0];
	v43 =	vand.u32 $0xFFFF0000, v32;
	v48 =	vmul.f32 v21, v24;
	v51 =	vmul.f32 v49, v25  }
0x134: {  	v22 =	vand.u32 $0xFFFF0000, v47;
	v60 =	vmul.f32 v58, v56;
	v16 =	vadd.f32 $0.0e+00, v16  }
0x135: {  	v30 =	vmul.f32 v23, v62;
	v33 =	vmul.f32 v31, v29;
	v20 =	vadd.f32 $0.0e+00, v20  }
0x136: {  	v50 =	vld [tilespmem:s23+$0x4810];
	v42 =	vmul.f32 v40, v38;
	v45 =	vshll.u32 v37, $0x10;
	v16 =	vadd.f32 v18, v16  }
0x137: {  	v47 =	vperm.xlane v17, v11;
	v19 =	vadd.f32 v19, v20;
	v20 =	vmul.f32 v46, v24  }
0x138: {  	v55 =	vld [tilespmem:s23+$0x4820];
	v49 =	vshll.u32 v41, $0x10;
	v18 =	vmul.f32 v52, v25;
	v16 =	vadd.f32 v48, v16  }
0x139: {  	v57 =	vmul.f32 v22, v53;
	v22 =	vand.u32 $0xFFFF0000, v37;
	v19 =	vadd.f32 v20, v19  }
0x13a: {  	v24 =	vand.u32 $0xFFFF0000, v28;
	v52 =	vand.u32 $0xFFFF0000, v41;
	v16 =	vadd.f32 v18, v16  }
0x13b: {  	v46 =	vld [tilespmem:s23+$0x4800];
	v59 =	vand.u32 $0xFFFF0000, v50;
	v20 =	vmul.f32 v54, v53;
	v19 =	vadd.f32 v51, v19  }
0x13c: {  	v39 =	vmul.f32 v24, v35;
	v18 =	vmul.f32 v61, v56;
	v16 =	vadd.f32 v57, v16  }
0x13d: {  	v24 =	vand.u32 $0xFFFF0000, v55;
	v48 =	vmul.f32 v22, v44;
	v19 =	vadd.f32 v20, v19  }
0x13e: {  	v53 =	vperm.xlane v17, v12;
	v51 =	vmul.f32 v49, v47;
	v16 =	vadd.f32 v18, v16  }
0x13f: {  	v56 =	vperm.xlane v17, v13;
	v20 =	vmul.f32 v63, v62;
	v19 =	vadd.f32 v60, v19  }
0x140: {  	v23 =	vand.u32 $0xFFFF0000, v46;
	v57 =	vld [tilespmem:s23+$0x4830];
	v18 =	vmul.f32 v34, v29;
	v16 =	vadd.f32 v30, v16  }
0x141: {  	v54 =	vshll.u32 v46, $0x10;
	v21 =	vmul.f32 v23, v53;
	v63 =	vld [tilespmem:s23+$0x4840];
	v19 =	vadd.f32 v20, v19  }
0x142: {  	v61 =	vmul.f32 v59, v56;
	v62 =	vshll.u32 v55, $0x10;
	v16 =	vadd.f32 v18, v16  }
0x143: {  	v49 =	vld [tilespmem:s23+$0x4890];
	v60 =	vperm.xlane v17, v14;
	v20 =	vmul.f32 v36, v35;
	v19 =	vadd.f32 v33, v19  }
0x144: {  	v40 =	vld [tilespmem:s23+$0x4870];
	v17 =	vperm.xlane v17, v15;
	v18 =	vmul.f32 v43, v38;
	v16 =	vadd.f32 v39, v16  }
0x145: {  	v28 =	vmul.f32 v24, v60;
	v30 =	vld [tilespmem:s23+$0x4850];
	v29 =	vshll.u32 v57, $0x10;
	v19 =	vadd.f32 v20, v19  }
0x146: {  	v35 =	vld [tilespmem:s23+$0x4860];
	v32 =	vand.u32 $0xFFFF0000, v57;
	v34 =	vshll.u32 v63, $0x10;
	v16 =	vadd.f32 v18, v16  }
0x147: {  	v36 =	vand.u32 $0xFFFF0000, v63;
	v63 =	vld [tilespmem:s23+$0x4E00];
	v20 =	vmul.f32 v45, v44;
	v19 =	vadd.f32 v42, v19  }
0x148: {  	v57 =	vshll.u32 v49, $0x10;
	v45 =	vld [tilespmem:s23+$0x4880];
	v18 =	vmul.f32 v52, v47;
	v16 =	vadd.f32 v48, v16  }
0x149: {  	v31 =	vmul.f32 v29, v17;
	v17 =	vmul.f32 v32, v17;
	v19 =	vadd.f32 v20, v19  }
0x14a: {  	v20 =	vmul.f32 v54, v53;
	v54 =	vld [tilespmem:s23+$0x48A0];
	v18 =	vadd.f32 v18, v16;
	v16 =	vshll.u32 v50, $0x10  }
0x14b: {  	v39 =	vshll.u32 v30, $0x10;
	v44 =	vshll.u32 v35, $0x10;
	v58 =	vmul.f32 v16, v56;
	v16 =	vld [tilespmem:s1+$0xC10]  }
0x14c: {  	v42 =	vand.u32 $0xFFFF0000, v30;
	v22 =	vand.u32 $0xFFFF0000, v63;
	v19 =	vadd.f32 v51, v19  }
0x14d: {  	v48 =	vshll.u32 v40, $0x10;
	v53 =	vshll.u32 v45, $0x10;
	v24 =	vand.u32 $0xFFFF0000, v45  }
0x14e: {  	v51 =	vand.u32 $0xFFFF0000, v40;
	v19 =	vadd.f32 v20, v19;
	v18 =	vadd.f32 v21, v18  }
0x14f: {  	v21 =	vmul.f32 v62, v60;
	v60 =	vand.u32 $0xFFFF0000, v49;
	v62 =	vshll.u32 v54, $0x10  }
0x150: {  	v19 =	vadd.f32 v58, v19;
	v33 =	vperm.xlane v16, v0;
	v37 =	vperm.xlane v16, v1  }
0x151: {  	v18 =	vadd.f32 v61, v18;
	v43 =	vperm.xlane v16, v2;
	v46 =	vperm.xlane v16, v3  }
0x152: {  	v19 =	vadd.f32 v21, v19;
	v52 =	vperm.xlane v16, v4;
	v55 =	vperm.xlane v16, v5  }
0x153: {  	v45 =	vld [tilespmem:s23+$0x4E40];
	v18 =	vadd.f32 v28, v18;
	v61 =	vperm.xlane v16, v6;
	v28 =	vperm.xlane v16, v7  }
0x154: {  	v40 =	vld [tilespmem:s23+$0x4E30];
	v21 =	vand.u32 $0xFFFF0000, v35;
	v20 =	vmul.f32 v34, v33;
	v38 =	vmul.f32 v36, v33  }
0x155: {  	v58 =	vld [tilespmem:s23+$0x48B0];
	v17 =	vadd.f32 v17, v18;
	v41 =	vmul.f32 v39, v37;
	v18 =	vmul.f32 v42, v37  }
0x156: {  	v49 =	vld [tilespmem:s23+$0x4E50];
	v23 =	vand.u32 $0xFFFF0000, v54;
	v47 =	vmul.f32 v21, v43;
	v50 =	vmul.f32 v48, v46  }
0x157: {  	v35 =	vshll.u32 v63, $0x10;
	v56 =	vmul.f32 v24, v52;
	v59 =	vmul.f32 v57, v55  }
0x158: {  	v54 =	vld [tilespmem:s23+$0x4E60];
	v19 =	vadd.f32 v31, v19;
	v29 =	vmul.f32 v23, v61;
	v34 =	vperm.xlane v16, v8  }
0x159: {  	v31 =	vld [tilespmem:s23+$0x4E10];
	v37 =	vperm.xlane v16, v9;
	v48 =	vshll.u32 v40, $0x10;
	v23 =	vand.u32 $0xFFFF0000, v45  }
0x15a: {  	v36 =	vld [tilespmem:s23+$0x4E20];
	v30 =	vshll.u32 v58, $0x10;
	v19 =	vadd.f32 v20, v19;
	v17 =	vadd.f32 v38, v17  }
0x15b: {  	v33 =	vand.u32 $0xFFFF0000, v58;
	v58 =	vand.u32 $0xFFFF0000, v49;
	v20 =	vmul.f32 v44, v43  }
0x15c: {  	v32 =	vmul.f32 v30, v28;
	v19 =	vadd.f32 v41, v19;
	v17 =	vadd.f32 v18, v17  }
0x15d: {  	v38 =	vmul.f32 v22, v34;
	v43 =	vperm.xlane v16, v10;
	v22 =	vand.u32 $0xFFFF0000, v54  }
0x15e: {  	v18 =	vmul.f32 v51, v46;
	v19 =	vadd.f32 v20, v19;
	v17 =	vadd.f32 v47, v17  }
0x15f: {  	v46 =	vperm.xlane v16, v11;
	v39 =	vshll.u32 v31, $0x10;
	v24 =	vand.u32 $0xFFFF0000, v36  }
0x160: {  	v20 =	vmul.f32 v53, v52;
	v19 =	vadd.f32 v50, v19;
	v17 =	vadd.f32 v18, v17  }
0x161: {  	v51 =	vand.u32 $0xFFFF0000, v40;
	v41 =	vmul.f32 v39, v37;
	v47 =	vmul.f32 v24, v43  }
0x162: {  	v18 =	vmul.f32 v60, v55;
	v19 =	vadd.f32 v20, v19;
	v17 =	vadd.f32 v56, v17  }
0x163: {  	v42 =	vand.u32 $0xFFFF0000, v31;
	v52 =	vperm.xlane v16, v12;
	v50 =	vmul.f32 v48, v46  }
0x164: {  	v20 =	vmul.f32 v62, v61;
	v19 =	vadd.f32 v59, v19;
	v17 =	vadd.f32 v18, v17  }
0x165: {  	v44 =	vshll.u32 v36, $0x10;
	v55 =	vperm.xlane v16, v13;
	v21 =	vmul.f32 v23, v52;
	v56 =	vld [tilespmem:s23+$0x4E70]  }
0x166: {  	v62 =	vld [tilespmem:s23+$0x4E80];
	v18 =	vmul.f32 v33, v28;
	v19 =	vadd.f32 v20, v19;
	v17 =	vadd.f32 v29, v17  }
0x167: {  	v53 =	vshll.u32 v45, $0x10;
	v60 =	vmul.f32 v58, v55;
	v59 =	vperm.xlane v16, v14  }
0x168: {  	v48 =	vld [tilespmem:s23+$0x5410];
	v20 =	vmul.f32 v35, v34;
	v19 =	vadd.f32 v32, v19;
	v17 =	vadd.f32 v18, v17  }
0x169: {  	v61 =	vshll.u32 v54, $0x10;
	v16 =	vperm.xlane v16, v15;
	v63 =	vmul.f32 v22, v59  }
0x16a: {  	v29 =	vld [tilespmem:s23+$0x4E90];
	v18 =	vmul.f32 v42, v37;
	v19 =	vadd.f32 v20, v19;
	v17 =	vadd.f32 v38, v17  }
0x16b: {  	v39 =	vld [tilespmem:s23+$0x4EB0];
	v28 =	vshll.u32 v56, $0x10;
	v31 =	vand.u32 $0xFFFF0000, v56;
	v33 =	vshll.u32 v62, $0x10  }
0x16c: {  	v34 =	vld [tilespmem:s23+$0x4EA0];
	v20 =	vmul.f32 v44, v43;
	v19 =	vadd.f32 v41, v19;
	v17 =	vadd.f32 v18, v17  }
0x16d: {  	v35 =	vand.u32 $0xFFFF0000, v62;
	v56 =	vshll.u32 v48, $0x10;
	v62 =	vld [tilespmem:s23+$0x5440];
	v30 =	vmul.f32 v28, v16  }
0x16e: {  	v44 =	vld [tilespmem:s23+$0x5400];
	v18 =	vmul.f32 v51, v46;
	v19 =	vadd.f32 v20, v19;
	v17 =	vadd.f32 v47, v17  }
0x16f: {  	v16 =	vmul.f32 v31, v16;
	v28 =	vld [tilespmem:s23+$0x5450];
	v38 =	vshll.u32 v29, $0x10;
	v20 =	vmul.f32 v53, v52  }
0x170: {  	v53 =	vld [tilespmem:s23+$0x5420];
	v19 =	vadd.f32 v50, v19;
	v18 =	vadd.f32 v18, v17;
	v17 =	vshll.u32 v49, $0x10  }
0x171: {  	v43 =	vshll.u32 v34, $0x10;
	v41 =	vand.u32 $0xFFFF0000, v29;
	v57 =	vmul.f32 v17, v55;
	v17 =	vld [tilespmem:s1+$0xC20]  }
0x172: {  	v22 =	vand.u32 $0xFFFF0000, v62;
	v47 =	vshll.u32 v39, $0x10;
	v19 =	vadd.f32 v20, v19  }
0x173: {  	v52 =	vshll.u32 v44, $0x10;
	v24 =	vand.u32 $0xFFFF0000, v44;
	v18 =	vadd.f32 v21, v18  }
0x174: {  	v50 =	vand.u32 $0xFFFF0000, v39;
	v21 =	vmul.f32 v61, v59;
	v19 =	vadd.f32 v57, v19  }
0x175: {  	v39 =	vand.u32 $0xFFFF0000, v28;
	v59 =	vand.u32 $0xFFFF0000, v48;
	v18 =	vadd.f32 v60, v18  }
0x176: {  	v61 =	vshll.u32 v53, $0x10;
	v19 =	vadd.f32 v21, v19;
	v32 =	vperm.xlane v17, v0  }
0x177: {  	v23 =	vand.u32 $0xFFFF0000, v53;
	v18 =	vadd.f32 v63, v18;
	v36 =	vperm.xlane v17, v1  }
0x178: {  	v42 =	vperm.xlane v17, v2;
	v19 =	vadd.f32 v30, v19;
	v20 =	vmul.f32 v33, v32  }
0x179: {  	v21 =	vand.u32 $0xFFFF0000, v34;
	v16 =	vadd.f32 v16, v18;
	v37 =	vmul.f32 v35, v32  }
0x17a: {  	v45 =	vperm.xlane v17, v3;
	v40 =	vmul.f32 v38, v36;
	v19 =	vadd.f32 v20, v19  }
0x17b: {  	v51 =	vperm.xlane v17, v4;
	v18 =	vmul.f32 v41, v36;
	v16 =	vadd.f32 v37, v16  }
0x17c: {  	v54 =	vperm.xlane v17, v5;
	v20 =	vmul.f32 v43, v42;
	v19 =	vadd.f32 v40, v19  }
0x17d: {  	v60 =	vperm.xlane v17, v6;
	v46 =	vmul.f32 v21, v42;
	v16 =	vadd.f32 v18, v16  }
0x17e: {  	v63 =	vperm.xlane v17, v7;
	v49 =	vmul.f32 v47, v45;
	v19 =	vadd.f32 v20, v19  }
0x17f: {  	v31 =	vperm.xlane v17, v8;
	v18 =	vmul.f32 v50, v45;
	v16 =	vadd.f32 v46, v16  }
0x180: {  	v57 =	vld [tilespmem:s23+$0x5430];
	v34 =	vperm.xlane v17, v9;
	v20 =	vmul.f32 v52, v51;
	v19 =	vadd.f32 v49, v19  }
0x181: {  	v55 =	vmul.f32 v24, v51;
	v58 =	vmul.f32 v56, v54;
	v16 =	vadd.f32 v18, v16  }
0x182: {  	v26 =	vmul.f32 v23, v60;
	v32 =	vshll.u32 v62, $0x10;
	v19 =	vadd.f32 v20, v19  }
0x183: {  	v35 =	vmul.f32 v22, v31;
	v18 =	vmul.f32 v59, v54;
	v16 =	vadd.f32 v55, v16  }
0x184: {  	v33 =	vld [tilespmem:s23+$0x5460];
	v36 =	vshll.u32 v28, $0x10;
	v20 =	vmul.f32 v61, v60;
	v19 =	vadd.f32 v58, v19  }
0x185: {  	v27 =	vshll.u32 v57, $0x10;
	v30 =	vand.u32 $0xFFFF0000, v57;
	v16 =	vadd.f32 v18, v16  }
0x186: {  	v38 =	vmul.f32 v36, v34;
	v29 =	vmul.f32 v27, v63;
	v37 =	vld [tilespmem:s23+$0x5470];
	v19 =	vadd.f32 v20, v19  }
0x187: {  	v43 =	vperm.xlane v17, v11;
	v18 =	vmul.f32 v30, v63;
	v16 =	vadd.f32 v26, v16  }
0x188: {  	v42 =	vld [tilespmem:s23+$0x5480];
	v40 =	vperm.xlane v17, v10;
	v20 =	vmul.f32 v32, v31;
	v19 =	vadd.f32 v29, v19  }
0x189: {  	v41 =	vshll.u32 v33, $0x10;
	v24 =	vand.u32 $0xFFFF0000, v33;
	v16 =	vadd.f32 v18, v16  }
0x18a: {  	v44 =	vmul.f32 v24, v40;
	v52 =	vperm.xlane v17, v13;
	v19 =	vadd.f32 v20, v19  }
0x18b: {  	v46 =	vld [tilespmem:s23+$0x5490];
	v45 =	vshll.u32 v37, $0x10;
	v18 =	vmul.f32 v39, v34;
	v16 =	vadd.f32 v35, v16  }
0x18c: {  	v51 =	vld [tilespmem:s23+$0x54A0];
	v48 =	vand.u32 $0xFFFF0000, v37;
	v20 =	vmul.f32 v41, v40;
	v19 =	vadd.f32 v38, v19  }
0x18d: {  	v50 =	vshll.u32 v42, $0x10;
	v49 =	vperm.xlane v17, v12;
	v16 =	vadd.f32 v18, v16  }
0x18e: {  	v23 =	vand.u32 $0xFFFF0000, v42;
	v47 =	vmul.f32 v45, v43;
	v19 =	vadd.f32 v20, v19  }
0x18f: {  	v53 =	vmul.f32 v23, v49;
	v18 =	vmul.f32 v48, v43;
	v16 =	vadd.f32 v44, v16  }
0x190: {  	v55 =	vld [tilespmem:s23+$0x54B0];
	v54 =	vshll.u32 v46, $0x10;
	v20 =	vmul.f32 v50, v49;
	v19 =	vadd.f32 v47, v19  }
0x191: {  	v57 =	vand.u32 $0xFFFF0000, v46;
	v59 =	vshll.u32 v51, $0x10;
	v16 =	vadd.f32 v18, v16  }
0x192: {  	v56 =	vmul.f32 v54, v52;
	v58 =	vperm.xlane v17, v14;
	v19 =	vadd.f32 v20, v19  }
0x193: {  	v22 =	vand.u32 $0xFFFF0000, v51;
	v18 =	vmul.f32 v57, v52;
	v16 =	vadd.f32 v53, v16  }
0x194: {  	v17 =	vperm.xlane v17, v15;
	v20 =	vmul.f32 v59, v58;
	v19 =	vadd.f32 v56, v19  }
0x195: {  	v60 =	vmul.f32 v22, v58;
	v61 =	vshll.u32 v55, $0x10;
	v16 =	vadd.f32 v18, v16  }
0x196: {  	p2 =	sne.s32 s29, $0xF;
	v62 =	vand.u32 $0xFFFF0000, v55;
	v21 =	vmul.f32 v61, v17;
	v19 =	vadd.f32 v20, v19  }
.Ltmp3:
0x197: {  	v17 =	vmul.f32 v62, v17;
	v16 =	vadd.f32 v60, v16;
	(pc) =	sbr.rel @p2 .LBB2_5-.Ltmp3, $4  }
0x198: {  	v63 =	vadd.f32 v21, v19  }
0x199: {  	v16 =	vadd.f32 v17, v16  }
0x19a: {  	[tilespmem:s30+$0xFFFFFFF0] =	vst v63  }
0x19b: {  	s29 =	sadd.s32 $0x1, s29;
	[tilespmem:s30+$0x0] =	vst v16;
	s30 =	sadd.s32 $0x20, s30  }
0x19c: {  	s0 =	sadd.s32 s28, s15;
	s1 =	sadd.s32 @!p1 s28, s16  }
0x19d: {  	p2 =	slt.s32 s0, $0x4AF;
	p3 =	slt.s32 @!p1 s1, $0x4AF  }
0x19e: {  	s0 =	simm.s32 @!p2 $0x4AF;
	p2 =	por !p3, p1  }
0x19f: {  	s0 =	sshll.u32 s0, $0x6;
	s1 =	simm.s32 @p2 $0x4AF  }
0x1a0: {  	s0 =	sadd.s32 s2, s0;
	s1 =	smul.u32 @!p1 $0x60, s1  }
0x1a1: {  	[hbm4b:s0+s3] =	stream.linear.scatter [tilespmem:s11], [sflag:$0x8], $0x200, $0x38;
	[tilespmem:$0xA800] =	vst v63  }
0x1a2: {  	s23 =	simm.s32 @!p1 $0x0;
	s29 =	simm.s32 @!p1 $0x300;
	s0 =	sadd.s32 @!p1 s6, s1  }
0x1a3: {  	[tilespmem:s29], [sflag:$0x2] =	stream.linear.gather @!p1 [hbm4b:s0+s23], $0x300, $0x38;
	[tilespmem:$0xA800] =	vst v63  }
0x1a4: {  	s0 =	sadd.s32 @!p1 s7, s1;
	s1 =	simm.s32 @!p1 $0xC00  }
0x1a5: {  	[tilespmem:s1], [sflag:$0x2] =	stream.linear.gather @!p1 [hbm4b:s0+s23], $0x300, $0x38;
	[tilespmem:$0xA800] =	vst v63  }
0x1a6: {  	s0 =	simm.s32 @!p1 $0x1  }
0x1a7: {  	_ =	swait.ge @!p1 [sflag:s0], $0x300  }
0x1a8: {  	[sflag:s0] =	ssyncset.done @!p1 $0x0  }
0x1a9: {  	[sflag:s0] =	ssyncadd.s32 @!p1 $0xFFFFFD00  }
0x1aa: {  	_ =	swait.ge @!p1 [sflag:s0], $0x300  }
0x1ab: {  	[sflag:s0] =	ssyncset.done @!p1 $0x0  }
0x1ac: {  	s1 =	simm.s32 @!p1 $0x1200;
	[sflag:s0] =	ssyncadd.s32 @!p1 $0xFFFFFD00;
	s0 =	simm.s32 @!p1 $0x80  }
0x1ad: {  	[tilespmem:s1], [sflag:$0x4] =	stream.indirect.gather @!p1 [hbm4b:s5+s0], $0x10, s23, s0, $0xb8;
	[tilespmem:$0xA800] =	vst v63  }
0x1ae: {  	s1 =	simm.s32 @!p1 $0x1A00  }
0x1af: {  	[tilespmem:s1], [sflag:$0x4] =	stream.indirect.gather @!p1 [hbm4b:s5+s0], $0x10, s0, s0, $0xb8;
	[tilespmem:$0xA800] =	vst v63  }
0x1b0: {  	s23 =	simm.s32 @!p1 $0x2200;
	s1 =	simm.s32 @!p1 $0x100  }
0x1b1: {  	[tilespmem:s23], [sflag:$0x4] =	stream.indirect.gather @!p1 [hbm4b:s5+s0], $0x10, s1, s0, $0xb8;
	[tilespmem:$0xA800] =	vst v63  }
0x1b2: {  	s1 =	simm.s32 @!p1 $0x180;
	s23 =	simm.s32 @!p1 $0x2A00  }
0x1b3: {  	[tilespmem:s23], [sflag:$0x4] =	stream.indirect.gather @!p1 [hbm4b:s5+s0], $0x10, s1, s0, $0xb8;
	[tilespmem:$0xA800] =	vst v63  }
0x1b4: {  	s1 =	simm.s32 @!p1 $0x200;
	s23 =	simm.s32 @!p1 $0x3200  }
0x1b5: {  	[tilespmem:s23], [sflag:$0x4] =	stream.indirect.gather @!p1 [hbm4b:s5+s0], $0x10, s1, s0, $0xb8;
	[tilespmem:$0xA800] =	vst v63  }
0x1b6: {  	s1 =	simm.s32 @!p1 $0x280;
	s23 =	simm.s32 @!p1 $0x3A00  }
0x1b7: {  	[tilespmem:s23], [sflag:$0x4] =	stream.indirect.gather @!p1 [hbm4b:s5+s0], $0x10, s1, s0, $0xb8;
	[tilespmem:$0xA800] =	vst v63  }
0x1b8: {  	_ =	swait.ge [sflag:s13], $0x800  }
0x1b9: {  	[sflag:s13] =	ssyncset.done $0x0  }
0x1ba: {  	[sflag:s13] =	ssyncadd.s32 $0xFFFFF800  }
0x1bb: {  	_ =	swait.ge [sflag:s13], $0x800  }
0x1bc: {  	[sflag:s13] =	ssyncset.done $0x0  }
0x1bd: {  	[sflag:s13] =	ssyncadd.s32 $0xFFFFF800  }
0x1be: {  	_ =	swait.ge [sflag:s13], $0x800  }
0x1bf: {  	[sflag:s13] =	ssyncset.done $0x0  }
0x1c0: {  	[sflag:s13] =	ssyncadd.s32 $0xFFFFF800  }
0x1c1: {  	_ =	swait.ge [sflag:s13], $0x800  }
0x1c2: {  	[sflag:s13] =	ssyncset.done $0x0  }
0x1c3: {  	[sflag:s13] =	ssyncadd.s32 $0xFFFFF800  }
0x1c4: {  	_ =	swait.ge [sflag:s13], $0x800  }
0x1c5: {  	[sflag:s13] =	ssyncset.done $0x0  }
0x1c6: {  	[sflag:s13] =	ssyncadd.s32 $0xFFFFF800  }
0x1c7: {  	_ =	swait.ge [sflag:s13], $0x800  }
0x1c8: {  	[sflag:s13] =	ssyncset.done $0x0  }
0x1c9: {  	s0 =	simm.s32 @!p0 $0x9;
	[sflag:s13] =	ssyncadd.s32 $0xFFFFF800  }
0x1ca: {  	_ =	swait.ge @!p0 [sflag:s0], $0x200  }
0x1cb: {  	[sflag:s0] =	ssyncset.done @!p0 $0x0  }
0x1cc: {  	s30 =	simm.s32 $0xA610;
	s29 =	simm.s32 $0x0;
	[sflag:s0] =	ssyncadd.s32 @!p0 $0xFFFFFE00  }
.LBB2_7:
0x1cd: {  	s1 =	sand.u32 $0x7, s29  }
0x1ce: {  	s0 =	sshrl.u32 s29, $0x3;
	s23 =	smul.u32 $0xC0, s1  }
0x1cf: {  	s0 =	smul.u32 $0x180, s0  }
0x1d0: {  	s1 =	smul.u32 $0xC, s1;
	s23 =	sshrl.u32 s23, $0x2  }
0x1d1: {  	s23 =	sadd.s32 s23, s0  }
0x1d2: {  	s31 =	sor.u32 s1, s0;
	v17 =	vld [tilespmem:s23+$0xF00]  }
0x1d3: {  	s31 =	sshll.u32 s31, $0x4  }
0x1d4: {  	s31 =	sand.u32 $0x3FFFFFC0, s31  }
0x1d5: {  	v16 =	vld [tilespmem:s31+$0x7200]  }
0x1d6: {  	v18 =	vld [tilespmem:s31+$0x7210]  }
0x1d7: {  	v21 =	vld [tilespmem:s31+$0x7220];
	v19 =	vperm.xlane v17, v0  }
0x1d8: {  	v23 =	vld [tilespmem:s31+$0x7230];
	v22 =	vperm.xlane v17, v1;
	v24 =	vperm.xlane v17, v2  }
0x1d9: {  	v47 =	vld [tilespmem:s31+$0x7240];
	v25 =	vperm.xlane v17, v3;
	v53 =	vperm.xlane v17, v4  }
0x1da: {  	v50 =	vld [tilespmem:s31+$0x7250];
	v56 =	vperm.xlane v17, v5;
	v62 =	vperm.xlane v17, v6  }
0x1db: {  	v55 =	vld [tilespmem:s31+$0x7260];
	v29 =	vperm.xlane v17, v7;
	v35 =	vperm.xlane v17, v8  }
0x1dc: {  	v59 =	vld [tilespmem:s31+$0x7270];
	v38 =	vperm.xlane v17, v9;
	v44 =	vperm.xlane v17, v10  }
0x1dd: {  	v28 =	vld [tilespmem:s31+$0x7280];
	v20 =	vshll.u32 v16, $0x10;
	v16 =	vand.u32 $0xFFFF0000, v16;
	v45 =	vshll.u32 v18, $0x10  }
0x1de: {  	v32 =	vld [tilespmem:s31+$0x7290];
	v18 =	vand.u32 $0xFFFF0000, v18;
	v46 =	vshll.u32 v21, $0x10;
	v21 =	vand.u32 $0xFFFF0000, v21  }
0x1df: {  	v49 =	vshll.u32 v23, $0x10;
	v52 =	vand.u32 $0xFFFF0000, v23;
	v54 =	vshll.u32 v47, $0x10  }
0x1e0: {  	v58 =	vshll.u32 v50, $0x10;
	v61 =	vand.u32 $0xFFFF0000, v50;
	v63 =	vshll.u32 v55, $0x10  }
0x1e1: {  	v23 =	vand.u32 $0xFFFF0000, v55;
	v31 =	vshll.u32 v59, $0x10;
	v34 =	vand.u32 $0xFFFF0000, v59  }
0x1e2: {  	v37 =	vld [tilespmem:s31+$0x72A0];
	v36 =	vshll.u32 v28, $0x10;
	v20 =	vmul.f32 v20, v19;
	v16 =	vmul.f32 v16, v19  }
0x1e3: {  	v40 =	vshll.u32 v32, $0x10;
	v19 =	vmul.f32 v45, v22;
	v18 =	vmul.f32 v18, v22  }
0x1e4: {  	v41 =	vld [tilespmem:s31+$0x72B0];
	v43 =	vand.u32 $0xFFFF0000, v32;
	v48 =	vmul.f32 v21, v24;
	v51 =	vmul.f32 v49, v25  }
0x1e5: {  	v22 =	vand.u32 $0xFFFF0000, v47;
	v60 =	vmul.f32 v58, v56;
	v16 =	vadd.f32 $0.0e+00, v16  }
0x1e6: {  	v30 =	vmul.f32 v23, v62;
	v33 =	vmul.f32 v31, v29;
	v20 =	vadd.f32 $0.0e+00, v20  }
0x1e7: {  	v50 =	vld [tilespmem:s31+$0x7810];
	v42 =	vmul.f32 v40, v38;
	v45 =	vshll.u32 v37, $0x10;
	v16 =	vadd.f32 v18, v16  }
0x1e8: {  	v47 =	vperm.xlane v17, v11;
	v19 =	vadd.f32 v19, v20;
	v20 =	vmul.f32 v46, v24  }
0x1e9: {  	v55 =	vld [tilespmem:s31+$0x7820];
	v49 =	vshll.u32 v41, $0x10;
	v18 =	vmul.f32 v52, v25;
	v16 =	vadd.f32 v48, v16  }
0x1ea: {  	v57 =	vmul.f32 v22, v53;
	v22 =	vand.u32 $0xFFFF0000, v37;
	v19 =	vadd.f32 v20, v19  }
0x1eb: {  	v24 =	vand.u32 $0xFFFF0000, v28;
	v52 =	vand.u32 $0xFFFF0000, v41;
	v16 =	vadd.f32 v18, v16  }
0x1ec: {  	v46 =	vld [tilespmem:s31+$0x7800];
	v59 =	vand.u32 $0xFFFF0000, v50;
	v20 =	vmul.f32 v54, v53;
	v19 =	vadd.f32 v51, v19  }
0x1ed: {  	v39 =	vmul.f32 v24, v35;
	v18 =	vmul.f32 v61, v56;
	v16 =	vadd.f32 v57, v16  }
0x1ee: {  	v24 =	vand.u32 $0xFFFF0000, v55;
	v48 =	vmul.f32 v22, v44;
	v19 =	vadd.f32 v20, v19  }
0x1ef: {  	v53 =	vperm.xlane v17, v12;
	v51 =	vmul.f32 v49, v47;
	v16 =	vadd.f32 v18, v16  }
0x1f0: {  	v56 =	vperm.xlane v17, v13;
	v20 =	vmul.f32 v63, v62;
	v19 =	vadd.f32 v60, v19  }
0x1f1: {  	v23 =	vand.u32 $0xFFFF0000, v46;
	v57 =	vld [tilespmem:s31+$0x7830];
	v18 =	vmul.f32 v34, v29;
	v16 =	vadd.f32 v30, v16  }
0x1f2: {  	v54 =	vshll.u32 v46, $0x10;
	v21 =	vmul.f32 v23, v53;
	v63 =	vld [tilespmem:s31+$0x7840];
	v19 =	vadd.f32 v20, v19  }
0x1f3: {  	v61 =	vmul.f32 v59, v56;
	v62 =	vshll.u32 v55, $0x10;
	v16 =	vadd.f32 v18, v16  }
0x1f4: {  	v49 =	vld [tilespmem:s31+$0x7890];
	v60 =	vperm.xlane v17, v14;
	v20 =	vmul.f32 v36, v35;
	v19 =	vadd.f32 v33, v19  }
0x1f5: {  	v40 =	vld [tilespmem:s31+$0x7870];
	v17 =	vperm.xlane v17, v15;
	v18 =	vmul.f32 v43, v38;
	v16 =	vadd.f32 v39, v16  }
0x1f6: {  	v28 =	vmul.f32 v24, v60;
	v30 =	vld [tilespmem:s31+$0x7850];
	v29 =	vshll.u32 v57, $0x10;
	v19 =	vadd.f32 v20, v19  }
0x1f7: {  	v35 =	vld [tilespmem:s31+$0x7860];
	v32 =	vand.u32 $0xFFFF0000, v57;
	v34 =	vshll.u32 v63, $0x10;
	v16 =	vadd.f32 v18, v16  }
0x1f8: {  	v36 =	vand.u32 $0xFFFF0000, v63;
	v63 =	vld [tilespmem:s31+$0x7E00];
	v20 =	vmul.f32 v45, v44;
	v19 =	vadd.f32 v42, v19  }
0x1f9: {  	v57 =	vshll.u32 v49, $0x10;
	v45 =	vld [tilespmem:s31+$0x7880];
	v18 =	vmul.f32 v52, v47;
	v16 =	vadd.f32 v48, v16  }
0x1fa: {  	v31 =	vmul.f32 v29, v17;
	v17 =	vmul.f32 v32, v17;
	v19 =	vadd.f32 v20, v19  }
0x1fb: {  	v20 =	vmul.f32 v54, v53;
	v54 =	vld [tilespmem:s31+$0x78A0];
	v18 =	vadd.f32 v18, v16;
	v16 =	vshll.u32 v50, $0x10  }
0x1fc: {  	v39 =	vshll.u32 v30, $0x10;
	v44 =	vshll.u32 v35, $0x10;
	v58 =	vmul.f32 v16, v56;
	v16 =	vld [tilespmem:s23+$0xF10]  }
0x1fd: {  	v42 =	vand.u32 $0xFFFF0000, v30;
	v22 =	vand.u32 $0xFFFF0000, v63;
	v19 =	vadd.f32 v51, v19  }
0x1fe: {  	v48 =	vshll.u32 v40, $0x10;
	v53 =	vshll.u32 v45, $0x10;
	v24 =	vand.u32 $0xFFFF0000, v45  }
0x1ff: {  	v51 =	vand.u32 $0xFFFF0000, v40;
	v19 =	vadd.f32 v20, v19;
	v18 =	vadd.f32 v21, v18  }
0x200: {  	v21 =	vmul.f32 v62, v60;
	v60 =	vand.u32 $0xFFFF0000, v49;
	v62 =	vshll.u32 v54, $0x10  }
0x201: {  	v19 =	vadd.f32 v58, v19;
	v33 =	vperm.xlane v16, v0;
	v37 =	vperm.xlane v16, v1  }
0x202: {  	v18 =	vadd.f32 v61, v18;
	v43 =	vperm.xlane v16, v2;
	v46 =	vperm.xlane v16, v3  }
0x203: {  	v19 =	vadd.f32 v21, v19;
	v52 =	vperm.xlane v16, v4;
	v55 =	vperm.xlane v16, v5  }
0x204: {  	v45 =	vld [tilespmem:s31+$0x7E40];
	v18 =	vadd.f32 v28, v18;
	v61 =	vperm.xlane v16, v6;
	v28 =	vperm.xlane v16, v7  }
0x205: {  	v40 =	vld [tilespmem:s31+$0x7E30];
	v21 =	vand.u32 $0xFFFF0000, v35;
	v20 =	vmul.f32 v34, v33;
	v38 =	vmul.f32 v36, v33  }
0x206: {  	v58 =	vld [tilespmem:s31+$0x78B0];
	v17 =	vadd.f32 v17, v18;
	v41 =	vmul.f32 v39, v37;
	v18 =	vmul.f32 v42, v37  }
0x207: {  	v49 =	vld [tilespmem:s31+$0x7E50];
	v23 =	vand.u32 $0xFFFF0000, v54;
	v47 =	vmul.f32 v21, v43;
	v50 =	vmul.f32 v48, v46  }
0x208: {  	v35 =	vshll.u32 v63, $0x10;
	v56 =	vmul.f32 v24, v52;
	v59 =	vmul.f32 v57, v55  }
0x209: {  	v54 =	vld [tilespmem:s31+$0x7E60];
	v19 =	vadd.f32 v31, v19;
	v29 =	vmul.f32 v23, v61;
	v34 =	vperm.xlane v16, v8  }
0x20a: {  	v31 =	vld [tilespmem:s31+$0x7E10];
	v37 =	vperm.xlane v16, v9;
	v48 =	vshll.u32 v40, $0x10;
	v23 =	vand.u32 $0xFFFF0000, v45  }
0x20b: {  	v36 =	vld [tilespmem:s31+$0x7E20];
	v30 =	vshll.u32 v58, $0x10;
	v19 =	vadd.f32 v20, v19;
	v17 =	vadd.f32 v38, v17  }
0x20c: {  	v33 =	vand.u32 $0xFFFF0000, v58;
	v58 =	vand.u32 $0xFFFF0000, v49;
	v20 =	vmul.f32 v44, v43  }
0x20d: {  	v32 =	vmul.f32 v30, v28;
	v19 =	vadd.f32 v41, v19;
	v17 =	vadd.f32 v18, v17  }
0x20e: {  	v38 =	vmul.f32 v22, v34;
	v43 =	vperm.xlane v16, v10;
	v22 =	vand.u32 $0xFFFF0000, v54  }
0x20f: {  	v18 =	vmul.f32 v51, v46;
	v19 =	vadd.f32 v20, v19;
	v17 =	vadd.f32 v47, v17  }
0x210: {  	v46 =	vperm.xlane v16, v11;
	v39 =	vshll.u32 v31, $0x10;
	v24 =	vand.u32 $0xFFFF0000, v36  }
0x211: {  	v20 =	vmul.f32 v53, v52;
	v19 =	vadd.f32 v50, v19;
	v17 =	vadd.f32 v18, v17  }
0x212: {  	v51 =	vand.u32 $0xFFFF0000, v40;
	v41 =	vmul.f32 v39, v37;
	v47 =	vmul.f32 v24, v43  }
0x213: {  	v18 =	vmul.f32 v60, v55;
	v19 =	vadd.f32 v20, v19;
	v17 =	vadd.f32 v56, v17  }
0x214: {  	v42 =	vand.u32 $0xFFFF0000, v31;
	v52 =	vperm.xlane v16, v12;
	v50 =	vmul.f32 v48, v46  }
0x215: {  	v20 =	vmul.f32 v62, v61;
	v19 =	vadd.f32 v59, v19;
	v17 =	vadd.f32 v18, v17  }
0x216: {  	v44 =	vshll.u32 v36, $0x10;
	v55 =	vperm.xlane v16, v13;
	v21 =	vmul.f32 v23, v52;
	v56 =	vld [tilespmem:s31+$0x7E70]  }
0x217: {  	v62 =	vld [tilespmem:s31+$0x7E80];
	v18 =	vmul.f32 v33, v28;
	v19 =	vadd.f32 v20, v19;
	v17 =	vadd.f32 v29, v17  }
0x218: {  	v53 =	vshll.u32 v45, $0x10;
	v60 =	vmul.f32 v58, v55;
	v59 =	vperm.xlane v16, v14  }
0x219: {  	v48 =	vld [tilespmem:s31+$0x8410];
	v20 =	vmul.f32 v35, v34;
	v19 =	vadd.f32 v32, v19;
	v17 =	vadd.f32 v18, v17  }
0x21a: {  	v61 =	vshll.u32 v54, $0x10;
	v16 =	vperm.xlane v16, v15;
	v63 =	vmul.f32 v22, v59  }
0x21b: {  	v29 =	vld [tilespmem:s31+$0x7E90];
	v18 =	vmul.f32 v42, v37;
	v19 =	vadd.f32 v20, v19;
	v17 =	vadd.f32 v38, v17  }
0x21c: {  	v39 =	vld [tilespmem:s31+$0x7EB0];
	v28 =	vshll.u32 v56, $0x10;
	v31 =	vand.u32 $0xFFFF0000, v56;
	v33 =	vshll.u32 v62, $0x10  }
0x21d: {  	v34 =	vld [tilespmem:s31+$0x7EA0];
	v20 =	vmul.f32 v44, v43;
	v19 =	vadd.f32 v41, v19;
	v17 =	vadd.f32 v18, v17  }
0x21e: {  	v35 =	vand.u32 $0xFFFF0000, v62;
	v56 =	vshll.u32 v48, $0x10;
	v62 =	vld [tilespmem:s31+$0x8440];
	v30 =	vmul.f32 v28, v16  }
0x21f: {  	v44 =	vld [tilespmem:s31+$0x8400];
	v18 =	vmul.f32 v51, v46;
	v19 =	vadd.f32 v20, v19;
	v17 =	vadd.f32 v47, v17  }
0x220: {  	v16 =	vmul.f32 v31, v16;
	v28 =	vld [tilespmem:s31+$0x8450];
	v38 =	vshll.u32 v29, $0x10;
	v20 =	vmul.f32 v53, v52  }
0x221: {  	v53 =	vld [tilespmem:s31+$0x8420];
	v19 =	vadd.f32 v50, v19;
	v18 =	vadd.f32 v18, v17;
	v17 =	vshll.u32 v49, $0x10  }
0x222: {  	v43 =	vshll.u32 v34, $0x10;
	v41 =	vand.u32 $0xFFFF0000, v29;
	v57 =	vmul.f32 v17, v55;
	v17 =	vld [tilespmem:s23+$0xF20]  }
0x223: {  	v22 =	vand.u32 $0xFFFF0000, v62;
	v47 =	vshll.u32 v39, $0x10;
	v19 =	vadd.f32 v20, v19  }
0x224: {  	v52 =	vshll.u32 v44, $0x10;
	v24 =	vand.u32 $0xFFFF0000, v44;
	v18 =	vadd.f32 v21, v18  }
0x225: {  	v50 =	vand.u32 $0xFFFF0000, v39;
	v21 =	vmul.f32 v61, v59;
	v19 =	vadd.f32 v57, v19  }
0x226: {  	v39 =	vand.u32 $0xFFFF0000, v28;
	v59 =	vand.u32 $0xFFFF0000, v48;
	v18 =	vadd.f32 v60, v18  }
0x227: {  	v61 =	vshll.u32 v53, $0x10;
	v19 =	vadd.f32 v21, v19;
	v32 =	vperm.xlane v17, v0  }
0x228: {  	v23 =	vand.u32 $0xFFFF0000, v53;
	v18 =	vadd.f32 v63, v18;
	v36 =	vperm.xlane v17, v1  }
0x229: {  	v42 =	vperm.xlane v17, v2;
	v19 =	vadd.f32 v30, v19;
	v20 =	vmul.f32 v33, v32  }
0x22a: {  	v21 =	vand.u32 $0xFFFF0000, v34;
	v16 =	vadd.f32 v16, v18;
	v37 =	vmul.f32 v35, v32  }
0x22b: {  	v45 =	vperm.xlane v17, v3;
	v40 =	vmul.f32 v38, v36;
	v19 =	vadd.f32 v20, v19  }
0x22c: {  	v51 =	vperm.xlane v17, v4;
	v18 =	vmul.f32 v41, v36;
	v16 =	vadd.f32 v37, v16  }
0x22d: {  	v54 =	vperm.xlane v17, v5;
	v20 =	vmul.f32 v43, v42;
	v19 =	vadd.f32 v40, v19  }
0x22e: {  	v60 =	vperm.xlane v17, v6;
	v46 =	vmul.f32 v21, v42;
	v16 =	vadd.f32 v18, v16  }
0x22f: {  	v63 =	vperm.xlane v17, v7;
	v49 =	vmul.f32 v47, v45;
	v19 =	vadd.f32 v20, v19  }
0x230: {  	v31 =	vperm.xlane v17, v8;
	v18 =	vmul.f32 v50, v45;
	v16 =	vadd.f32 v46, v16  }
0x231: {  	v57 =	vld [tilespmem:s31+$0x8430];
	v34 =	vperm.xlane v17, v9;
	v20 =	vmul.f32 v52, v51;
	v19 =	vadd.f32 v49, v19  }
0x232: {  	v55 =	vmul.f32 v24, v51;
	v58 =	vmul.f32 v56, v54;
	v16 =	vadd.f32 v18, v16  }
0x233: {  	v26 =	vmul.f32 v23, v60;
	v32 =	vshll.u32 v62, $0x10;
	v19 =	vadd.f32 v20, v19  }
0x234: {  	v35 =	vmul.f32 v22, v31;
	v18 =	vmul.f32 v59, v54;
	v16 =	vadd.f32 v55, v16  }
0x235: {  	v33 =	vld [tilespmem:s31+$0x8460];
	v36 =	vshll.u32 v28, $0x10;
	v20 =	vmul.f32 v61, v60;
	v19 =	vadd.f32 v58, v19  }
0x236: {  	v27 =	vshll.u32 v57, $0x10;
	v30 =	vand.u32 $0xFFFF0000, v57;
	v16 =	vadd.f32 v18, v16  }
0x237: {  	v38 =	vmul.f32 v36, v34;
	v29 =	vmul.f32 v27, v63;
	v37 =	vld [tilespmem:s31+$0x8470];
	v19 =	vadd.f32 v20, v19  }
0x238: {  	v43 =	vperm.xlane v17, v11;
	v18 =	vmul.f32 v30, v63;
	v16 =	vadd.f32 v26, v16  }
0x239: {  	v42 =	vld [tilespmem:s31+$0x8480];
	v40 =	vperm.xlane v17, v10;
	v20 =	vmul.f32 v32, v31;
	v19 =	vadd.f32 v29, v19  }
0x23a: {  	v41 =	vshll.u32 v33, $0x10;
	v24 =	vand.u32 $0xFFFF0000, v33;
	v16 =	vadd.f32 v18, v16  }
0x23b: {  	v44 =	vmul.f32 v24, v40;
	v52 =	vperm.xlane v17, v13;
	v19 =	vadd.f32 v20, v19  }
0x23c: {  	v46 =	vld [tilespmem:s31+$0x8490];
	v45 =	vshll.u32 v37, $0x10;
	v18 =	vmul.f32 v39, v34;
	v16 =	vadd.f32 v35, v16  }
0x23d: {  	v51 =	vld [tilespmem:s31+$0x84A0];
	v48 =	vand.u32 $0xFFFF0000, v37;
	v20 =	vmul.f32 v41, v40;
	v19 =	vadd.f32 v38, v19  }
0x23e: {  	v50 =	vshll.u32 v42, $0x10;
	v49 =	vperm.xlane v17, v12;
	v16 =	vadd.f32 v18, v16  }
0x23f: {  	v23 =	vand.u32 $0xFFFF0000, v42;
	v47 =	vmul.f32 v45, v43;
	v19 =	vadd.f32 v20, v19  }
0x240: {  	v53 =	vmul.f32 v23, v49;
	v18 =	vmul.f32 v48, v43;
	v16 =	vadd.f32 v44, v16  }
0x241: {  	v55 =	vld [tilespmem:s31+$0x84B0];
	v54 =	vshll.u32 v46, $0x10;
	v20 =	vmul.f32 v50, v49;
	v19 =	vadd.f32 v47, v19  }
0x242: {  	v57 =	vand.u32 $0xFFFF0000, v46;
	v59 =	vshll.u32 v51, $0x10;
	v16 =	vadd.f32 v18, v16  }
0x243: {  	v56 =	vmul.f32 v54, v52;
	v58 =	vperm.xlane v17, v14;
	v19 =	vadd.f32 v20, v19  }
0x244: {  	v22 =	vand.u32 $0xFFFF0000, v51;
	v18 =	vmul.f32 v57, v52;
	v16 =	vadd.f32 v53, v16  }
0x245: {  	v17 =	vperm.xlane v17, v15;
	v20 =	vmul.f32 v59, v58;
	v19 =	vadd.f32 v56, v19  }
0x246: {  	v60 =	vmul.f32 v22, v58;
	v61 =	vshll.u32 v55, $0x10;
	v16 =	vadd.f32 v18, v16  }
0x247: {  	p0 =	sne.s32 s29, $0xF;
	v62 =	vand.u32 $0xFFFF0000, v55;
	v21 =	vmul.f32 v61, v17;
	v19 =	vadd.f32 v20, v19  }
.Ltmp4:
0x248: {  	v17 =	vmul.f32 v62, v17;
	v16 =	vadd.f32 v60, v16;
	(pc) =	sbr.rel @p0 .LBB2_7-.Ltmp4, $4  }
0x249: {  	v63 =	vadd.f32 v21, v19  }
0x24a: {  	v16 =	vadd.f32 v17, v16  }
0x24b: {  	[tilespmem:s30+$0xFFFFFFF0] =	vst v63  }
0x24c: {  	s29 =	sadd.s32 $0x1, s29;
	[tilespmem:s30+$0x0] =	vst v16;
	s30 =	sadd.s32 $0x20, s30  }
0x24d: {  	s0 =	sadd.s32 s28, s17  }
.Ltmp5:
0x24e: {  	p0 =	slt.s32 s0, $0x4AF;
	(pc) =	sbr.rel @p1 .LBB2_10-.Ltmp5, $4  }
0x24f: {  	s0 =	simm.s32 @!p0 $0x4AF  }
0x250: {  	s0 =	sshll.u32 s0, $0x6  }
0x251: {  	s0 =	sadd.s32 s2, s0  }
0x252: {  	[hbm4b:s0+s3] =	stream.linear.scatter [tilespmem:s21], [sflag:$0x9], $0x200, $0x38;
	[tilespmem:$0xA800] =	vst v63  }
0x253: {  	s0 =	sadd.s32 s28, s18  }
0x254: {  	p0 =	slt.s32 s0, $0x4AF  }
0x255: {  	s0 =	simm.s32 @!p0 $0x4AF  }
0x256: {  	s0 =	smul.u32 $0x60, s0  }
.Ltmp6:
0x257: {  	_ = 	snop;
	(pc) =	sbr.rel .LBB2_2-.Ltmp6, $4  }
0x258: {  	s1 =	sadd.s32 s6, s0  }
0x259: {  	[tilespmem:s24], [sflag:$0x3] =	stream.linear.gather [hbm4b:s1+s3], $0x300, $0x38;
	[tilespmem:$0xA800] =	vst v63  }
0x25a: {  	s31 =	simm.s32 $0xF00;
	s25 =	sadd.s32 $0x1, s25;
	s0 =	sadd.s32 s7, s0  }
0x25b: {  	[tilespmem:s31], [sflag:$0x3] =	stream.linear.gather [hbm4b:s0+s3], $0x300, $0x38;
	[tilespmem:$0xA800] =	vst v63  }
.LBB2_11:
0x25c: {  	_ =	sfence.sel $0x180000  }
0x25d: {  	[bflag:$0x0] =	sbarrier.arrive $0xFFFF  }
0x25e: {  	_ =	strace $0x90000047  }
0x25f: {  	s0 =	stileid.u32;
	[bflag:$0x2] =	sbarrier.arrive $0xFFFF  }
0x260: {  	p0 =	sne.s32 s0, $0x0;
	s0 =	rddreg [dreg:$0x2]  }
0x261: {  	s0 =	sadd.s32 @!p0 $0x100000, s0  }
0x262: {  	[sflag:s0] =	ssyncadd.tile.s32 @!p0 $0x1;
	_ =	shalt  }
.Lfunc_end2:
_tile_overlayer_lowered:
.L_overlay_start_2:
0x263: {  	(tag) =	ssettag $0x2  }
0x264: {  	s0 =	rddreg [dreg:$0x0];
	s2 =	stileid.u32  }
0x265: {  	s1 =	rddreg [dreg:$0x1];
	p0 =	sne.s32 s2, $0x0  }
0x266: {  	s3 =	rddreg [dreg:$0x2];
	[bflag:$0x3] =	sbarrier.arrive $0xFFFF;
	s2 =	simm.s32 @!p0 $0x1C0A  }
0x267: {  	[timem:s3], [sflag:s2] =	dma.local @!p0 [hbm:s0], s1  }
0x268: {  	s0 =	simm.s32 @!p0 $0xA  }
0x269: {  	_ =	swait.ge @!p0 [sflag:s0], s1  }
0x26a: {  	s1 =	ssub.s32 @!p0 $0x0, s1;
	[sflag:s0] =	ssyncset.done @!p0 $0x0  }
0x26b: {  	[sflag:s0] =	ssyncadd.s32 @!p0 s1  }
0x26c: {  	[bflag:$0x3] =	sbarrier.arrive $0xFFFF  }
0x26d: {  	_ =	shalt  }

</sc_bundles>
